<compile_context>
chip_gen: v7x
topology: tpu7x:2x2x1
jax: 0.10.2.dev20260603
libtpu: 0.0.44.dev20260713+nightly
codegen_flags: <defaults>
</compile_context>

<pallas_src>
import functools

import jax
import jax.numpy as jnp
from jax import lax
from jax.experimental import pallas as pl
from jax.experimental.pallas import tpu as pltpu
from jax.experimental.pallas import tpu_sc as plsc

T = 4096
D_MODEL = 1024
D_FF = 4096
E = 8
TOPK = 2
R = 64

TILE_T = 512

SC_NC = 2
SC_NS = 16
SC_LANES = 16
SC_WORKERS = SC_NC * SC_NS
TOK_PER_WORKER = T // SC_WORKERS
CHUNKS = TOK_PER_WORKER // SC_LANES


PREP_GRID = 8
PREP_TILE = T // PREP_GRID


def _logits_kernel(x_ref, wr_ref, out_ref):
    l = jnp.dot(x_ref[...], wr_ref[...], preferred_element_type=jnp.float32)
    out_ref[...] = l.T


def _router_sc_kernel(logits_hbm, w_hbm, l_v, w_v):
    wid = lax.axis_index("s") * SC_NC + lax.axis_index("c")
    base = wid * TOK_PER_WORKER
    pltpu.sync_copy(logits_hbm.at[:, pl.ds(base, TOK_PER_WORKER)], l_v)
    for c in range(CHUNKS):
        sl = pl.ds(c * SC_LANES, SC_LANES)
        l = [l_v[e, sl] for e in range(E)]
        m = functools.reduce(jnp.maximum, l)
        ee = [jnp.exp(le - m) for le in l]
        z = functools.reduce(lambda a, b: a + b, ee)
        v1 = l[0]
        p1 = ee[0]
        i1 = jnp.zeros((SC_LANES,), jnp.int32)
        for e in range(1, E):
            gt = l[e] > v1
            v1 = jnp.where(gt, l[e], v1)
            p1 = jnp.where(gt, ee[e], p1)
            i1 = jnp.where(gt, e, i1)
        v2 = jnp.full((SC_LANES,), -jnp.inf, jnp.float32)
        p2 = jnp.zeros((SC_LANES,), jnp.float32)
        i2 = jnp.full((SC_LANES,), E, jnp.int32)
        for e in range(E):
            gt = (l[e] > v2) & (i1 != e)
            v2 = jnp.where(gt, l[e], v2)
            p2 = jnp.where(gt, ee[e], p2)
            i2 = jnp.where(gt, e, i2)
        q1 = p1 / z
        q2 = p2 / z
        den = q1 + q2 + 1e-9
        g1 = q1 / den
        g2 = q2 / den
        for e in range(E):
            w_v[e, sl] = jnp.where(i1 == e, g1, 0.0) + jnp.where(i2 == e, g2, 0.0)
    pltpu.sync_copy(w_v, w_hbm.at[:, pl.ds(base, TOK_PER_WORKER)])


_router_sc = functools.partial(
    pl.kernel,
    mesh=plsc.VectorSubcoreMesh(core_axis_name="c", subcore_axis_name="s"),
    out_type=jax.ShapeDtypeStruct((E, T), jnp.float32),
    scratch_types=[
        pltpu.VMEM((E, TOK_PER_WORKER), jnp.float32),
        pltpu.VMEM((E, TOK_PER_WORKER), jnp.float32),
    ],
)(_router_sc_kernel)


def _moe_kernel(x_ref, w1_ref, b1_ref, w2_ref, b2_ref, wt_ref, a_ref,
                b_lora_ref, scale_ref, out_ref):
    x = x_ref[...]
    h = jax.nn.gelu(
        jnp.dot(x, w1_ref[...], preferred_element_type=jnp.float32) + b1_ref[...]
    )
    base = jnp.dot(h, w2_ref[...], preferred_element_type=jnp.float32) + b2_ref[...]

    wscale = wt_ref[...].T * scale_ref[...]

    low = jnp.dot(h, a_ref[...], preferred_element_type=jnp.float32)
    col_e = jax.lax.broadcasted_iota(jnp.int32, low.shape, 1) // R
    gm = jnp.zeros_like(low)
    for e in range(E):
        gm = jnp.where(col_e == e, wscale[:, e:e + 1], gm)
    moe = jnp.dot(low * gm, b_lora_ref[...], preferred_element_type=jnp.float32)

    out_ref[...] = base + moe


@jax.jit
def kernel(x, W1, b1, W2, b2, Wr, A, B, scale):
    b2d = B.reshape(E * R, D_MODEL)

    logits_t = pl.pallas_call(
        _logits_kernel,
        grid=(PREP_GRID,),
        in_specs=[
            pl.BlockSpec((PREP_TILE, D_MODEL), lambda i: (i, 0)),
            pl.BlockSpec((D_MODEL, E), lambda i: (0, 0)),
        ],
        out_specs=pl.BlockSpec((E, PREP_TILE), lambda i: (0, i)),
        out_shape=jax.ShapeDtypeStruct((E, T), jnp.float32),
    )(x, Wr)

    a2d = jnp.transpose(A, (1, 0, 2)).reshape(D_FF, E * R)

    w_t = _router_sc(logits_t)

    grid = (T // TILE_T,)
    full = lambda i: (0, 0)
    out = pl.pallas_call(
        _moe_kernel,
        grid=grid,
        in_specs=[
            pl.BlockSpec((TILE_T, D_MODEL), lambda i: (i, 0)),
            pl.BlockSpec((D_MODEL, D_FF), full),
            pl.BlockSpec((1, D_FF), full),
            pl.BlockSpec((D_FF, D_MODEL), full),
            pl.BlockSpec((1, D_MODEL), full),
            pl.BlockSpec((E, TILE_T), lambda i: (0, i)),
            pl.BlockSpec((D_FF, E * R), full),
            pl.BlockSpec((E * R, D_MODEL), full),
            pl.BlockSpec((1, E), full),
        ],
        out_specs=pl.BlockSpec((TILE_T, D_MODEL), lambda i: (i, 0)),
        out_shape=jax.ShapeDtypeStruct((T, D_MODEL), jnp.float32),
        compiler_params=pltpu.CompilerParams(
            vmem_limit_bytes=100 * 1024 * 1024,
        ),
    )(x, W1, b1.reshape(1, D_FF), W2, b2.reshape(1, D_MODEL), w_t,
      a2d, b2d, scale.reshape(1, E))
    return out

# --- scband reference (transcript-rebuilt; emitter-appended) ---
"""Pipeline reference for scband-dino-vision-transformer-sparse-mo-efc2-lt-25701084299304 (READ-ONLY COPY).

The authoritative reference and input builder live on the scoring server;
editing this copy changes nothing except your own understanding.
"""

import jax, jax.numpy as jnp
import numpy as np

T = 4096
D_MODEL = 1024
D_FF = 4096
E = 8
TOPK = 2
R = 64

def setup_inputs(seed: int = 0) -> dict:
    key = jax.random.key(seed)
    ks = jax.random.split(key, 9)
    s = 0.02
    return {
        "x": jax.random.normal(ks[0], (T, D_MODEL), dtype=jnp.float32),
        "W1": jax.random.normal(ks[1], (D_MODEL, D_FF), dtype=jnp.float32) * s,
        "b1": jnp.zeros((D_FF,), dtype=jnp.float32),
        "W2": jax.random.normal(ks[2], (D_FF, D_MODEL), dtype=jnp.float32) * s,
        "b2": jnp.zeros((D_MODEL,), dtype=jnp.float32),
        "Wr": jax.random.normal(ks[3], (D_MODEL, E), dtype=jnp.float32) * s,
        "A": jax.random.normal(ks[4], (E, D_FF, R), dtype=jnp.float32) * s,
        "B": jax.random.normal(ks[5], (E, R, D_MODEL), dtype=jnp.float32) * s,
        "scale": jnp.ones((E,), dtype=jnp.float32),
    }

def reference(x, W1, b1, W2, b2, Wr, A, B, scale):
    # SparseMoE-FC2 block: shared fc1 -> gelu -> shared fc2 plus
    # top-k routed shared-pool LoRA experts applied on the fc2 path.
    h = jax.nn.gelu(x @ W1 + b1)
    base = h @ W2 + b2
    # router over input tokens
    logits = x @ Wr
    probs = jax.nn.softmax(logits, axis=-1)
    top_vals, top_idx = jax.lax.top_k(probs, TOPK)
    gates = top_vals / (jnp.sum(top_vals, axis=-1, keepdims=True) + 1e-9)
    # dense dispatch/combine weights [T, E], zero except selected experts
    w = jnp.zeros((x.shape[0], E), dtype=x.dtype)
    w = w.at[jnp.arange(x.shape[0])[:, None], top_idx].set(gates)
    moe = jnp.zeros_like(base)
    for e in range(E):
        low = h @ A[e]          # [T, R]
        up = low @ B[e]         # [T, D_MODEL]
        moe = moe + w[:, e:e + 1] * (scale[e] * up)
    return base + moe

if __name__ == "__main__":
    import jax
    _d = setup_inputs()
    print(jax.jit(kernel)(*tuple(_d.values())))

</pallas_src>

<mosaic_0001>
#map = affine_map<(d0, d1) -> (0, 0)>
module attributes {stable_mosaic.version = 14 : i64} {
  func.func @_router_sc_kernel(%arg0: i32, %arg1: i32, %arg2: memref<8x4096xf32, #tpu.memory_space<hbm>>, %arg3: memref<8x4096xf32, #tpu.memory_space<hbm>>, %arg4: memref<8x128xf32, #tpu.memory_space<vmem>>, %arg5: memref<8x128xf32, #tpu.memory_space<vmem>>) attributes {dimension_semantics = [#tpu.dimension_semantics<core_parallel>, #tpu.dimension_semantics<subcore_parallel>], iteration_bounds = array<i64: 2, 16>, scalar_prefetch = 0 : i64, scratch_operands = 2 : i64, tpu.core_type = #tpu.core_type<sc_vector_subcore>, window_params = [{transform_indices = #map}, {transform_indices = #map}]} {
    %mul3A = arith.constant 2 : i32
    %mul3A_0 = arith.muli %arg1, %mul3A : i32
    %add3A = arith.addi %mul3A_0, %arg0 : i32
    %mul3A_1 = arith.constant 128 : i32
    %mul3A_2 = arith.muli %add3A, %mul3A_1 : i32
    "tpu.region"() ({
      %run_scoped3A = tpu.sem_alloc : memref<!tpu.dma_semaphore, #tpu.memory_space<semaphore_mem>>
      %dma_start3A = arith.constant 0 : i32
      %dma_start3A_2870 = tpu.memref_slice %arg2[%dma_start3A, %mul3A_2] : memref<8x4096xf32, #tpu.memory_space<hbm>> -> memref<8x128xf32, #tpu.memory_space<hbm>>
      %dma_start3A_2871 = arith.constant 0 : i32
      %dma_start3A_2872 = tpu.memref_slice %arg2[%dma_start3A_2871, %mul3A_2] : memref<8x4096xf32, #tpu.memory_space<hbm>> -> memref<8x128xf32, #tpu.memory_space<hbm>>
      tpu.enqueue_dma source(%dma_start3A_2872 : memref<8x128xf32, #tpu.memory_space<hbm>>) target(%arg4 : memref<8x128xf32, #tpu.memory_space<vmem>>) target_semaphore(%run_scoped3A : memref<!tpu.dma_semaphore, #tpu.memory_space<semaphore_mem>>)
      %dma_wait3A = arith.constant 0 : i32
      %dma_wait3A_2873 = tpu.memref_slice %arg2[%dma_wait3A, %mul3A_2] : memref<8x4096xf32, #tpu.memory_space<hbm>> -> memref<8x128xf32, #tpu.memory_space<hbm>>
      %dma_wait3A_2874 = arith.constant 0 : i32
      %dma_wait3A_2875 = tpu.memref_slice %arg2[%dma_wait3A_2874, %mul3A_2] : memref<8x4096xf32, #tpu.memory_space<hbm>> -> memref<8x128xf32, #tpu.memory_space<hbm>>
      tpu.wait_dma2 semaphore(%run_scoped3A : memref<!tpu.dma_semaphore, #tpu.memory_space<semaphore_mem>>) src(%dma_wait3A_2875 : memref<8x128xf32, #tpu.memory_space<hbm>>) dst(%arg4 : memref<8x128xf32, #tpu.memory_space<vmem>>)
      tpu.yield
    }) : () -> ()
    %get3A = arith.constant 0 : i32
    %get3A_3 = arith.index_cast %get3A : i32 to index
    %get3A_4 = arith.constant 0 : index
    %get3A_5 = tpu.vector_load %arg4[%get3A_3, %get3A_4] {strides = array<i32>} : memref<8x128xf32, #tpu.memory_space<vmem>>, vector<1x16xf32>,
    %get3A_6 = vector.shape_cast %get3A_5 : vector<1x16xf32> to vector<16xf32>
    %get3A_7 = arith.constant 1 : i32
    %get3A_8 = arith.index_cast %get3A_7 : i32 to index
    %get3A_9 = arith.constant 0 : index
    %get3A_10 = tpu.vector_load %arg4[%get3A_8, %get3A_9] {strides = array<i32>} : memref<8x128xf32, #tpu.memory_space<vmem>>, vector<1x16xf32>,
    %get3A_11 = vector.shape_cast %get3A_10 : vector<1x16xf32> to vector<16xf32>
    %get3A_12 = arith.constant 2 : i32
    %get3A_13 = arith.index_cast %get3A_12 : i32 to index
    %get3A_14 = arith.constant 0 : index
    %get3A_15 = tpu.vector_load %arg4[%get3A_13, %get3A_14] {strides = array<i32>} : memref<8x128xf32, #tpu.memory_space<vmem>>, vector<1x16xf32>,
    %get3A_16 = vector.shape_cast %get3A_15 : vector<1x16xf32> to vector<16xf32>
    %get3A_17 = arith.constant 3 : i32
    %get3A_18 = arith.index_cast %get3A_17 : i32 to index
    %get3A_19 = arith.constant 0 : index
    %get3A_20 = tpu.vector_load %arg4[%get3A_18, %get3A_19] {strides = array<i32>} : memref<8x128xf32, #tpu.memory_space<vmem>>, vector<1x16xf32>,
    %get3A_21 = vector.shape_cast %get3A_20 : vector<1x16xf32> to vector<16xf32>
    %get3A_22 = arith.constant 4 : i32
    %get3A_23 = arith.index_cast %get3A_22 : i32 to index
    %get3A_24 = arith.constant 0 : index
    %get3A_25 = tpu.vector_load %arg4[%get3A_23, %get3A_24] {strides = array<i32>} : memref<8x128xf32, #tpu.memory_space<vmem>>, vector<1x16xf32>,
    %get3A_26 = vector.shape_cast %get3A_25 : vector<1x16xf32> to vector<16xf32>
    %get3A_27 = arith.constant 5 : i32
    %get3A_28 = arith.index_cast %get3A_27 : i32 to index
    %get3A_29 = arith.constant 0 : index
    %get3A_30 = tpu.vector_load %arg4[%get3A_28, %get3A_29] {strides = array<i32>} : memref<8x128xf32, #tpu.memory_space<vmem>>, vector<1x16xf32>,
    %get3A_31 = vector.shape_cast %get3A_30 : vector<1x16xf32> to vector<16xf32>
    %get3A_32 = arith.constant 6 : i32
    %get3A_33 = arith.index_cast %get3A_32 : i32 to index
    %get3A_34 = arith.constant 0 : index
    %get3A_35 = tpu.vector_load %arg4[%get3A_33, %get3A_34] {strides = array<i32>} : memref<8x128xf32, #tpu.memory_space<vmem>>, vector<1x16xf32>,
    %get3A_36 = vector.shape_cast %get3A_35 : vector<1x16xf32> to vector<16xf32>
    %get3A_37 = arith.constant 7 : i32
    %get3A_38 = arith.index_cast %get3A_37 : i32 to index
    %get3A_39 = arith.constant 0 : index
    %get3A_40 = tpu.vector_load %arg4[%get3A_38, %get3A_39] {strides = array<i32>} : memref<8x128xf32, #tpu.memory_space<vmem>>, vector<1x16xf32>,
    %get3A_41 = vector.shape_cast %get3A_40 : vector<1x16xf32> to vector<16xf32>
    %max3A = arith.maximumf %get3A_6, %get3A_11 : vector<16xf32>
    %max3A_42 = arith.maximumf %max3A, %get3A_16 : vector<16xf32>
    %max3A_43 = arith.maximumf %max3A_42, %get3A_21 : vector<16xf32>
    %max3A_44 = arith.maximumf %max3A_43, %get3A_26 : vector<16xf32>
    %max3A_45 = arith.maximumf %max3A_44, %get3A_31 : vector<16xf32>
    %max3A_46 = arith.maximumf %max3A_45, %get3A_36 : vector<16xf32>
    %max3A_47 = arith.maximumf %max3A_46, %get3A_41 : vector<16xf32>
    %sub3A = arith.subf %get3A_6, %max3A_47 : vector<16xf32>
    %exp3A = math.exp %sub3A : vector<16xf32>
    %sub3A_48 = arith.subf %get3A_11, %max3A_47 : vector<16xf32>
    %exp3A_49 = math.exp %sub3A_48 : vector<16xf32>
    %sub3A_50 = arith.subf %get3A_16, %max3A_47 : vector<16xf32>
    %exp3A_51 = math.exp %sub3A_50 : vector<16xf32>
    %sub3A_52 = arith.subf %get3A_21, %max3A_47 : vector<16xf32>
    %exp3A_53 = math.exp %sub3A_52 : vector<16xf32>
    %sub3A_54 = arith.subf %get3A_26, %max3A_47 : vector<16xf32>
    %exp3A_55 = math.exp %sub3A_54 : vector<16xf32>
    %sub3A_56 = arith.subf %get3A_31, %max3A_47 : vector<16xf32>
    %exp3A_57 = math.exp %sub3A_56 : vector<16xf32>
    %sub3A_58 = arith.subf %get3A_36, %max3A_47 : vector<16xf32>
    %exp3A_59 = math.exp %sub3A_58 : vector<16xf32>
    %sub3A_60 = arith.subf %get3A_41, %max3A_47 : vector<16xf32>
    %exp3A_61 = math.exp %sub3A_60 : vector<16xf32>
    %add3A_62 = arith.addf %exp3A, %exp3A_49 : vector<16xf32>
    %add3A_63 = arith.addf %add3A_62, %exp3A_51 : vector<16xf32>
    %add3A_64 = arith.addf %add3A_63, %exp3A_53 : vector<16xf32>
    %add3A_65 = arith.addf %add3A_64, %exp3A_55 : vector<16xf32>
    %add3A_66 = arith.addf %add3A_65, %exp3A_57 : vector<16xf32>
    %add3A_67 = arith.addf %add3A_66, %exp3A_59 : vector<16xf32>
    %add3A_68 = arith.addf %add3A_67, %exp3A_61 : vector<16xf32>
    %broadcast_in_dim3A = arith.constant 0 : i32
    %broadcast_in_dim3A_69 = vector.broadcast %broadcast_in_dim3A : i32 to vector<16xi32>
    %gt3A = arith.cmpf ogt, %get3A_11, %get3A_6 : vector<16xf32>
    %select_n3A = arith.select %gt3A, %get3A_11, %get3A_6 : vector<16xi1>, vector<16xf32>
    %select_n3A_70 = arith.select %gt3A, %exp3A_49, %exp3A : vector<16xi1>, vector<16xf32>
    %jit3A = arith.constant 1 : i32
    %broadcast_in_dim3A_71 = vector.broadcast %jit3A : i32 to vector<16xi32>
    %select_n3A_72 = arith.select %gt3A, %broadcast_in_dim3A_71, %broadcast_in_dim3A_69 : vector<16xi1>, vector<16xi32>
    %gt3A_73 = arith.cmpf ogt, %get3A_16, %select_n3A : vector<16xf32>
    %select_n3A_74 = arith.select %gt3A_73, %get3A_16, %select_n3A : vector<16xi1>, vector<16xf32>
    %select_n3A_75 = arith.select %gt3A_73, %exp3A_51, %select_n3A_70 : vector<16xi1>, vector<16xf32>
    %jit3A_76 = arith.constant 2 : i32
    %broadcast_in_dim3A_77 = vector.broadcast %jit3A_76 : i32 to vector<16xi32>
    %select_n3A_78 = arith.select %gt3A_73, %broadcast_in_dim3A_77, %select_n3A_72 : vector<16xi1>, vector<16xi32>
    %gt3A_79 = arith.cmpf ogt, %get3A_21, %select_n3A_74 : vector<16xf32>
    %select_n3A_80 = arith.select %gt3A_79, %get3A_21, %select_n3A_74 : vector<16xi1>, vector<16xf32>
    %select_n3A_81 = arith.select %gt3A_79, %exp3A_53, %select_n3A_75 : vector<16xi1>, vector<16xf32>
    %jit3A_82 = arith.constant 3 : i32
    %broadcast_in_dim3A_83 = vector.broadcast %jit3A_82 : i32 to vector<16xi32>
    %select_n3A_84 = arith.select %gt3A_79, %broadcast_in_dim3A_83, %select_n3A_78 : vector<16xi1>, vector<16xi32>
    %gt3A_85 = arith.cmpf ogt, %get3A_26, %select_n3A_80 : vector<16xf32>
    %select_n3A_86 = arith.select %gt3A_85, %get3A_26, %select_n3A_80 : vector<16xi1>, vector<16xf32>
    %select_n3A_87 = arith.select %gt3A_85, %exp3A_55, %select_n3A_81 : vector<16xi1>, vector<16xf32>
    %jit3A_88 = arith.constant 4 : i32
    %broadcast_in_dim3A_89 = vector.broadcast %jit3A_88 : i32 to vector<16xi32>
    %select_n3A_90 = arith.select %gt3A_85, %broadcast_in_dim3A_89, %select_n3A_84 : vector<16xi1>, vector<16xi32>
    %gt3A_91 = arith.cmpf ogt, %get3A_31, %select_n3A_86 : vector<16xf32>
    %select_n3A_92 = arith.select %gt3A_91, %get3A_31, %select_n3A_86 : vector<16xi1>, vector<16xf32>
    %select_n3A_93 = arith.select %gt3A_91, %exp3A_57, %select_n3A_87 : vector<16xi1>, vector<16xf32>
    %jit3A_94 = arith.constant 5 : i32
    %broadcast_in_dim3A_95 = vector.broadcast %jit3A_94 : i32 to vector<16xi32>
    %select_n3A_96 = arith.select %gt3A_91, %broadcast_in_dim3A_95, %select_n3A_90 : vector<16xi1>, vector<16xi32>
    %gt3A_97 = arith.cmpf ogt, %get3A_36, %select_n3A_92 : vector<16xf32>
    %select_n3A_98 = arith.select %gt3A_97, %get3A_36, %select_n3A_92 : vector<16xi1>, vector<16xf32>
    %select_n3A_99 = arith.select %gt3A_97, %exp3A_59, %select_n3A_93 : vector<16xi1>, vector<16xf32>
    %jit3A_100 = arith.constant 6 : i32
    %broadcast_in_dim3A_101 = vector.broadcast %jit3A_100 : i32 to vector<16xi32>
    %select_n3A_102 = arith.select %gt3A_97, %broadcast_in_dim3A_101, %select_n3A_96 : vector<16xi1>, vector<16xi32>
    %gt3A_103 = arith.cmpf ogt, %get3A_41, %select_n3A_98 : vector<16xf32>
    %select_n3A_104 = arith.select %gt3A_103, %get3A_41, %select_n3A_98 : vector<16xi1>, vector<16xf32>
    %select_n3A_105 = arith.select %gt3A_103, %exp3A_61, %select_n3A_99 : vector<16xi1>, vector<16xf32>
    %jit3A_106 = arith.constant 7 : i32
    %broadcast_in_dim3A_107 = vector.broadcast %jit3A_106 : i32 to vector<16xi32>
    %select_n3A_108 = arith.select %gt3A_103, %broadcast_in_dim3A_107, %select_n3A_102 : vector<16xi1>, vector<16xi32>
    %broadcast_in_dim3A_109 = arith.constant 0xFF800000 : f32
    %broadcast_in_dim3A_110 = vector.broadcast %broadcast_in_dim3A_109 : f32 to vector<16xf32>
    %broadcast_in_dim3A_111 = arith.constant 0.000000e+00 : f32
    %broadcast_in_dim3A_112 = vector.broadcast %broadcast_in_dim3A_111 : f32 to vector<16xf32>
    %broadcast_in_dim3A_113 = arith.constant 8 : i32
    %broadcast_in_dim3A_114 = vector.broadcast %broadcast_in_dim3A_113 : i32 to vector<16xi32>
    %gt3A_115 = arith.cmpf ogt, %get3A_6, %broadcast_in_dim3A_110 : vector<16xf32>
    %ne3A = arith.constant 0 : i32
    %ne3A_116 = vector.broadcast %ne3A : i32 to vector<16xi32>
    %ne3A_117 = arith.cmpi ne, %select_n3A_108, %ne3A_116 : vector<16xi32>
    %and3A = arith.andi %gt3A_115, %ne3A_117 : vector<16xi1>
    %select_n3A_118 = arith.select %and3A, %get3A_6, %broadcast_in_dim3A_110 : vector<16xi1>, vector<16xf32>
    %select_n3A_119 = arith.select %and3A, %exp3A, %broadcast_in_dim3A_112 : vector<16xi1>, vector<16xf32>
    %jit3A_120 = arith.constant 0 : i32
    %broadcast_in_dim3A_121 = vector.broadcast %jit3A_120 : i32 to vector<16xi32>
    %select_n3A_122 = arith.select %and3A, %broadcast_in_dim3A_121, %broadcast_in_dim3A_114 : vector<16xi1>, vector<16xi32>
    %gt3A_123 = arith.cmpf ogt, %get3A_11, %select_n3A_118 : vector<16xf32>
    %ne3A_124 = arith.constant 1 : i32
    %ne3A_125 = vector.broadcast %ne3A_124 : i32 to vector<16xi32>
    %ne3A_126 = arith.cmpi ne, %select_n3A_108, %ne3A_125 : vector<16xi32>
    %and3A_127 = arith.andi %gt3A_123, %ne3A_126 : vector<16xi1>
    %select_n3A_128 = arith.select %and3A_127, %get3A_11, %select_n3A_118 : vector<16xi1>, vector<16xf32>
    %select_n3A_129 = arith.select %and3A_127, %exp3A_49, %select_n3A_119 : vector<16xi1>, vector<16xf32>
    %jit3A_130 = arith.constant 1 : i32
    %broadcast_in_dim3A_131 = vector.broadcast %jit3A_130 : i32 to vector<16xi32>
    %select_n3A_132 = arith.select %and3A_127, %broadcast_in_dim3A_131, %select_n3A_122 : vector<16xi1>, vector<16xi32>
    %gt3A_133 = arith.cmpf ogt, %get3A_16, %select_n3A_128 : vector<16xf32>
    %ne3A_134 = arith.constant 2 : i32
    %ne3A_135 = vector.broadcast %ne3A_134 : i32 to vector<16xi32>
    %ne3A_136 = arith.cmpi ne, %select_n3A_108, %ne3A_135 : vector<16xi32>
    %and3A_137 = arith.andi %gt3A_133, %ne3A_136 : vector<16xi1>
    %select_n3A_138 = arith.select %and3A_137, %get3A_16, %select_n3A_128 : vector<16xi1>, vector<16xf32>
    %select_n3A_139 = arith.select %and3A_137, %exp3A_51, %select_n3A_129 : vector<16xi1>, vector<16xf32>
    %jit3A_140 = arith.constant 2 : i32
    %broadcast_in_dim3A_141 = vector.broadcast %jit3A_140 : i32 to vector<16xi32>
    %select_n3A_142 = arith.select %and3A_137, %broadcast_in_dim3A_141, %select_n3A_132 : vector<16xi1>, vector<16xi32>
    %gt3A_143 = arith.cmpf ogt, %get3A_21, %select_n3A_138 : vector<16xf32>
    %ne3A_144 = arith.constant 3 : i32
    %ne3A_145 = vector.broadcast %ne3A_144 : i32 to vector<16xi32>
    %ne3A_146 = arith.cmpi ne, %select_n3A_108, %ne3A_145 : vector<16xi32>
    %and3A_147 = arith.andi %gt3A_143, %ne3A_146 : vector<16xi1>
    %select_n3A_148 = arith.select %and3A_147, %get3A_21, %select_n3A_138 : vector<16xi1>, vector<16xf32>
    %select_n3A_149 = arith.select %and3A_147, %exp3A_53, %select_n3A_139 : vector<16xi1>, vector<16xf32>
    %jit3A_150 = arith.constant 3 : i32
    %broadcast_in_dim3A_151 = vector.broadcast %jit3A_150 : i32 to vector<16xi32>
    %select_n3A_152 = arith.select %and3A_147, %broadcast_in_dim3A_151, %select_n3A_142 : vector<16xi1>, vector<16xi32>
    %gt3A_153 = arith.cmpf ogt, %get3A_26, %select_n3A_148 : vector<16xf32>
    %ne3A_154 = arith.constant 4 : i32
    %ne3A_155 = vector.broadcast %ne3A_154 : i32 to vector<16xi32>
    %ne3A_156 = arith.cmpi ne, %select_n3A_108, %ne3A_155 : vector<16xi32>
    %and3A_157 = arith.andi %gt3A_153, %ne3A_156 : vector<16xi1>
    %select_n3A_158 = arith.select %and3A_157, %get3A_26, %select_n3A_148 : vector<16xi1>, vector<16xf32>
    %select_n3A_159 = arith.select %and3A_157, %exp3A_55, %select_n3A_149 : vector<16xi1>, vector<16xf32>
    %jit3A_160 = arith.constant 4 : i32
    %broadcast_in_dim3A_161 = vector.broadcast %jit3A_160 : i32 to vector<16xi32>
    %select_n3A_162 = arith.select %and3A_157, %broadcast_in_dim3A_161, %select_n3A_152 : vector<16xi1>, vector<16xi32>
    %gt3A_163 = arith.cmpf ogt, %get3A_31, %select_n3A_158 : vector<16xf32>
    %ne3A_164 = arith.constant 5 : i32
    %ne3A_165 = vector.broadcast %ne3A_164 : i32 to vector<16xi32>
    %ne3A_166 = arith.cmpi ne, %select_n3A_108, %ne3A_165 : vector<16xi32>
    %and3A_167 = arith.andi %gt3A_163, %ne3A_166 : vector<16xi1>
    %select_n3A_168 = arith.select %and3A_167, %get3A_31, %select_n3A_158 : vector<16xi1>, vector<16xf32>
    %select_n3A_169 = arith.select %and3A_167, %exp3A_57, %select_n3A_159 : vector<16xi1>, vector<16xf32>
    %jit3A_170 = arith.constant 5 : i32
    %broadcast_in_dim3A_171 = vector.broadcast %jit3A_170 : i32 to vector<16xi32>
    %select_n3A_172 = arith.select %and3A_167, %broadcast_in_dim3A_171, %select_n3A_162 : vector<16xi1>, vector<16xi32>
    %gt3A_173 = arith.cmpf ogt, %get3A_36, %select_n3A_168 : vector<16xf32>
    %ne3A_174 = arith.constant 6 : i32
    %ne3A_175 = vector.broadcast %ne3A_174 : i32 to vector<16xi32>
    %ne3A_176 = arith.cmpi ne, %select_n3A_108, %ne3A_175 : vector<16xi32>
    %and3A_177 = arith.andi %gt3A_173, %ne3A_176 : vector<16xi1>
    %select_n3A_178 = arith.select %and3A_177, %get3A_36, %select_n3A_168 : vector<16xi1>, vector<16xf32>
    %select_n3A_179 = arith.select %and3A_177, %exp3A_59, %select_n3A_169 : vector<16xi1>, vector<16xf32>
    %jit3A_180 = arith.constant 6 : i32
    %broadcast_in_dim3A_181 = vector.broadcast %jit3A_180 : i32 to vector<16xi32>
    %select_n3A_182 = arith.select %and3A_177, %broadcast_in_dim3A_181, %select_n3A_172 : vector<16xi1>, vector<16xi32>
    %gt3A_183 = arith.cmpf ogt, %get3A_41, %select_n3A_178 : vector<16xf32>
    %ne3A_184 = arith.constant 7 : i32
    %ne3A_185 = vector.broadcast %ne3A_184 : i32 to vector<16xi32>
    %ne3A_186 = arith.cmpi ne, %select_n3A_108, %ne3A_185 : vector<16xi32>
    %and3A_187 = arith.andi %gt3A_183, %ne3A_186 : vector<16xi1>
    %select_n3A_188 = arith.select %and3A_187, %get3A_41, %select_n3A_178 : vector<16xi1>, vector<16xf32>
    %select_n3A_189 = arith.select %and3A_187, %exp3A_61, %select_n3A_179 : vector<16xi1>, vector<16xf32>
    %jit3A_190 = arith.constant 7 : i32
    %broadcast_in_dim3A_191 = vector.broadcast %jit3A_190 : i32 to vector<16xi32>
    %select_n3A_192 = arith.select %and3A_187, %broadcast_in_dim3A_191, %select_n3A_182 : vector<16xi1>, vector<16xi32>
    %div3A = arith.divf %select_n3A_105, %add3A_68 : vector<16xf32>
    %div3A_193 = arith.divf %select_n3A_189, %add3A_68 : vector<16xf32>
    %add3A_194 = arith.addf %div3A, %div3A_193 : vector<16xf32>
    %add3A_195 = arith.constant 9.99999971E-10 : f32
    %add3A_196 = vector.broadcast %add3A_195 : f32 to vector<16xf32>
    %add3A_197 = arith.addf %add3A_194, %add3A_196 : vector<16xf32>
    %div3A_198 = arith.divf %div3A, %add3A_197 : vector<16xf32>
    %div3A_199 = arith.divf %div3A_193, %add3A_197 : vector<16xf32>
    %eq3A = arith.constant 0 : i32
    %eq3A_200 = vector.broadcast %eq3A : i32 to vector<16xi32>
    %eq3A_201 = arith.cmpi eq, %select_n3A_108, %eq3A_200 : vector<16xi32>
    %jit3A_202 = arith.constant 0.000000e+00 : f32
    %broadcast_in_dim3A_203 = vector.broadcast %jit3A_202 : f32 to vector<16xf32>
    %select_n3A_204 = arith.select %eq3A_201, %div3A_198, %broadcast_in_dim3A_203 : vector<16xi1>, vector<16xf32>
    %eq3A_205 = arith.constant 0 : i32
    %eq3A_206 = vector.broadcast %eq3A_205 : i32 to vector<16xi32>
    %eq3A_207 = arith.cmpi eq, %select_n3A_192, %eq3A_206 : vector<16xi32>
    %jit3A_208 = arith.constant 0.000000e+00 : f32
    %broadcast_in_dim3A_209 = vector.broadcast %jit3A_208 : f32 to vector<16xf32>
    %select_n3A_210 = arith.select %eq3A_207, %div3A_199, %broadcast_in_dim3A_209 : vector<16xi1>, vector<16xf32>
    %add3A_211 = arith.addf %select_n3A_204, %select_n3A_210 : vector<16xf32>
    %swap3A = arith.constant 0 : i32
    %swap3A_212 = arith.index_cast %swap3A : i32 to index
    %swap3A_213 = arith.constant 0 : index
    %swap3A_214 = tpu.vector_load %arg5[%swap3A_212, %swap3A_213] {strides = array<i32>} : memref<8x128xf32, #tpu.memory_space<vmem>>, vector<1x16xf32>,
    %swap3A_215 = vector.shape_cast %swap3A_214 : vector<1x16xf32> to vector<16xf32>
    %swap3A_216 = vector.shape_cast %add3A_211 : vector<16xf32> to vector<1x16xf32>
    tpu.vector_store %arg5[%swap3A_212, %swap3A_213], %swap3A_216 {strides = array<i32>} : memref<8x128xf32, #tpu.memory_space<vmem>>, vector<1x16xf32>,
    %eq3A_217 = arith.constant 1 : i32
    %eq3A_218 = vector.broadcast %eq3A_217 : i32 to vector<16xi32>
    %eq3A_219 = arith.cmpi eq, %select_n3A_108, %eq3A_218 : vector<16xi32>
    %jit3A_220 = arith.constant 0.000000e+00 : f32
    %broadcast_in_dim3A_221 = vector.broadcast %jit3A_220 : f32 to vector<16xf32>
    %select_n3A_222 = arith.select %eq3A_219, %div3A_198, %broadcast_in_dim3A_221 : vector<16xi1>, vector<16xf32>
    %eq3A_223 = arith.constant 1 : i32
    %eq3A_224 = vector.broadcast %eq3A_223 : i32 to vector<16xi32>
    %eq3A_225 = arith.cmpi eq, %select_n3A_192, %eq3A_224 : vector<16xi32>
    %jit3A_226 = arith.constant 0.000000e+00 : f32
    %broadcast_in_dim3A_227 = vector.broadcast %jit3A_226 : f32 to vector<16xf32>
    %select_n3A_228 = arith.select %eq3A_225, %div3A_199, %broadcast_in_dim3A_227 : vector<16xi1>, vector<16xf32>
    %add3A_229 = arith.addf %select_n3A_222, %select_n3A_228 : vector<16xf32>
    %swap3A_230 = arith.constant 1 : i32
    %swap3A_231 = arith.index_cast %swap3A_230 : i32 to index
    %swap3A_232 = arith.constant 0 : index
    %swap3A_233 = tpu.vector_load %arg5[%swap3A_231, %swap3A_232] {strides = array<i32>} : memref<8x128xf32, #tpu.memory_space<vmem>>, vector<1x16xf32>,
    %swap3A_234 = vector.shape_cast %swap3A_233 : vector<1x16xf32> to vector<16xf32>
    %swap3A_235 = vector.shape_cast %add3A_229 : vector<16xf32> to vector<1x16xf32>
    tpu.vector_store %arg5[%swap3A_231, %swap3A_232], %swap3A_235 {strides = array<i32>} : memref<8x128xf32, #tpu.memory_space<vmem>>, vector<1x16xf32>,
    %eq3A_236 = arith.constant 2 : i32
    %eq3A_237 = vector.broadcast %eq3A_236 : i32 to vector<16xi32>
    %eq3A_238 = arith.cmpi eq, %select_n3A_108, %eq3A_237 : vector<16xi32>
    %jit3A_239 = arith.constant 0.000000e+00 : f32
    %broadcast_in_dim3A_240 = vector.broadcast %jit3A_239 : f32 to vector<16xf32>
    %select_n3A_241 = arith.select %eq3A_238, %div3A_198, %broadcast_in_dim3A_240 : vector<16xi1>, vector<16xf32>
    %eq3A_242 = arith.constant 2 : i32
    %eq3A_243 = vector.broadcast %eq3A_242 : i32 to vector<16xi32>
    %eq3A_244 = arith.cmpi eq, %select_n3A_192, %eq3A_243 : vector<16xi32>
    %jit3A_245 = arith.constant 0.000000e+00 : f32
    %broadcast_in_dim3A_246 = vector.broadcast %jit3A_245 : f32 to vector<16xf32>
    %select_n3A_247 = arith.select %eq3A_244, %div3A_199, %broadcast_in_dim3A_246 : vector<16xi1>, vector<16xf32>
    %add3A_248 = arith.addf %select_n3A_241, %select_n3A_247 : vector<16xf32>
    %swap3A_249 = arith.constant 2 : i32
    %swap3A_250 = arith.index_cast %swap3A_249 : i32 to index
    %swap3A_251 = arith.constant 0 : index
    %swap3A_252 = tpu.vector_load %arg5[%swap3A_250, %swap3A_251] {strides = array<i32>} : memref<8x128xf32, #tpu.memory_space<vmem>>, vector<1x16xf32>,
    %swap3A_253 = vector.shape_cast %swap3A_252 : vector<1x16xf32> to vector<16xf32>
    %swap3A_254 = vector.shape_cast %add3A_248 : vector<16xf32> to vector<1x16xf32>
    tpu.vector_store %arg5[%swap3A_250, %swap3A_251], %swap3A_254 {strides = array<i32>} : memref<8x128xf32, #tpu.memory_space<vmem>>, vector<1x16xf32>,
    %eq3A_255 = arith.constant 3 : i32
    %eq3A_256 = vector.broadcast %eq3A_255 : i32 to vector<16xi32>
    %eq3A_257 = arith.cmpi eq, %select_n3A_108, %eq3A_256 : vector<16xi32>
    %jit3A_258 = arith.constant 0.000000e+00 : f32
    %broadcast_in_dim3A_259 = vector.broadcast %jit3A_258 : f32 to vector<16xf32>
    %select_n3A_260 = arith.select %eq3A_257, %div3A_198, %broadcast_in_dim3A_259 : vector<16xi1>, vector<16xf32>
    %eq3A_261 = arith.constant 3 : i32
    %eq3A_262 = vector.broadcast %eq3A_261 : i32 to vector<16xi32>
    %eq3A_263 = arith.cmpi eq, %select_n3A_192, %eq3A_262 : vector<16xi32>
    %jit3A_264 = arith.constant 0.000000e+00 : f32
    %broadcast_in_dim3A_265 = vector.broadcast %jit3A_264 : f32 to vector<16xf32>
    %select_n3A_266 = arith.select %eq3A_263, %div3A_199, %broadcast_in_dim3A_265 : vector<16xi1>, vector<16xf32>
    %add3A_267 = arith.addf %select_n3A_260, %select_n3A_266 : vector<16xf32>
    %swap3A_268 = arith.constant 3 : i32
    %swap3A_269 = arith.index_cast %swap3A_268 : i32 to index
    %swap3A_270 = arith.constant 0 : index
    %swap3A_271 = tpu.vector_load %arg5[%swap3A_269, %swap3A_270] {strides = array<i32>} : memref<8x128xf32, #tpu.memory_space<vmem>>, vector<1x16xf32>,
    %swap3A_272 = vector.shape_cast %swap3A_271 : vector<1x16xf32> to vector<16xf32>
    %swap3A_273 = vector.shape_cast %add3A_267 : vector<16xf32> to vector<1x16xf32>
    tpu.vector_store %arg5[%swap3A_269, %swap3A_270], %swap3A_273 {strides = array<i32>} : memref<8x128xf32, #tpu.memory_space<vmem>>, vector<1x16xf32>,
    %eq3A_274 = arith.constant 4 : i32
    %eq3A_275 = vector.broadcast %eq3A_274 : i32 to vector<16xi32>
    %eq3A_276 = arith.cmpi eq, %select_n3A_108, %eq3A_275 : vector<16xi32>
    %jit3A_277 = arith.constant 0.000000e+00 : f32
    %broadcast_in_dim3A_278 = vector.broadcast %jit3A_277 : f32 to vector<16xf32>
    %select_n3A_279 = arith.select %eq3A_276, %div3A_198, %broadcast_in_dim3A_278 : vector<16xi1>, vector<16xf32>
    %eq3A_280 = arith.constant 4 : i32
    %eq3A_281 = vector.broadcast %eq3A_280 : i32 to vector<16xi32>
    %eq3A_282 = arith.cmpi eq, %select_n3A_192, %eq3A_281 : vector<16xi32>
    %jit3A_283 = arith.constant 0.000000e+00 : f32
    %broadcast_in_dim3A_284 = vector.broadcast %jit3A_283 : f32 to vector<16xf32>
    %select_n3A_285 = arith.select %eq3A_282, %div3A_199, %broadcast_in_dim3A_284 : vector<16xi1>, vector<16xf32>
    %add3A_286 = arith.addf %select_n3A_279, %select_n3A_285 : vector<16xf32>
    %swap3A_287 = arith.constant 4 : i32
    %swap3A_288 = arith.index_cast %swap3A_287 : i32 to index
    %swap3A_289 = arith.constant 0 : index
    %swap3A_290 = tpu.vector_load %arg5[%swap3A_288, %swap3A_289] {strides = array<i32>} : memref<8x128xf32, #tpu.memory_space<vmem>>, vector<1x16xf32>,
    %swap3A_291 = vector.shape_cast %swap3A_290 : vector<1x16xf32> to vector<16xf32>
    %swap3A_292 = vector.shape_cast %add3A_286 : vector<16xf32> to vector<1x16xf32>
    tpu.vector_store %arg5[%swap3A_288, %swap3A_289], %swap3A_292 {strides = array<i32>} : memref<8x128xf32, #tpu.memory_space<vmem>>, vector<1x16xf32>,
    %eq3A_293 = arith.constant 5 : i32
    %eq3A_294 = vector.broadcast %eq3A_293 : i32 to vector<16xi32>
    %eq3A_295 = arith.cmpi eq, %select_n3A_108, %eq3A_294 : vector<16xi32>
    %jit3A_296 = arith.constant 0.000000e+00 : f32
    %broadcast_in_dim3A_297 = vector.broadcast %jit3A_296 : f32 to vector<16xf32>
    %select_n3A_298 = arith.select %eq3A_295, %div3A_198, %broadcast_in_dim3A_297 : vector<16xi1>, vector<16xf32>
    %eq3A_299 = arith.constant 5 : i32
    %eq3A_300 = vector.broadcast %eq3A_299 : i32 to vector<16xi32>
    %eq3A_301 = arith.cmpi eq, %select_n3A_192, %eq3A_300 : vector<16xi32>
    %jit3A_302 = arith.constant 0.000000e+00 : f32
    %broadcast_in_dim3A_303 = vector.broadcast %jit3A_302 : f32 to vector<16xf32>
    %select_n3A_304 = arith.select %eq3A_301, %div3A_199, %broadcast_in_dim3A_303 : vector<16xi1>, vector<16xf32>
    %add3A_305 = arith.addf %select_n3A_298, %select_n3A_304 : vector<16xf32>
    %swap3A_306 = arith.constant 5 : i32
    %swap3A_307 = arith.index_cast %swap3A_306 : i32 to index
    %swap3A_308 = arith.constant 0 : index
    %swap3A_309 = tpu.vector_load %arg5[%swap3A_307, %swap3A_308] {strides = array<i32>} : memref<8x128xf32, #tpu.memory_space<vmem>>, vector<1x16xf32>,
    %swap3A_310 = vector.shape_cast %swap3A_309 : vector<1x16xf32> to vector<16xf32>
    %swap3A_311 = vector.shape_cast %add3A_305 : vector<16xf32> to vector<1x16xf32>
    tpu.vector_store %arg5[%swap3A_307, %swap3A_308], %swap3A_311 {strides = array<i32>} : memref<8x128xf32, #tpu.memory_space<vmem>>, vector<1x16xf32>,
    %eq3A_312 = arith.constant 6 : i32
    %eq3A_313 = vector.broadcast %eq3A_312 : i32 to vector<16xi32>
    %eq3A_314 = arith.cmpi eq, %select_n3A_108, %eq3A_313 : vector<16xi32>
    %jit3A_315 = arith.constant 0.000000e+00 : f32
    %broadcast_in_dim3A_316 = vector.broadcast %jit3A_315 : f32 to vector<16xf32>
    %select_n3A_317 = arith.select %eq3A_314, %div3A_198, %broadcast_in_dim3A_316 : vector<16xi1>, vector<16xf32>
    %eq3A_318 = arith.constant 6 : i32
    %eq3A_319 = vector.broadcast %eq3A_318 : i32 to vector<16xi32>
    %eq3A_320 = arith.cmpi eq, %select_n3A_192, %eq3A_319 : vector<16xi32>
    %jit3A_321 = arith.constant 0.000000e+00 : f32
    %broadcast_in_dim3A_322 = vector.broadcast %jit3A_321 : f32 to vector<16xf32>
    %select_n3A_323 = arith.select %eq3A_320, %div3A_199, %broadcast_in_dim3A_322 : vector<16xi1>, vector<16xf32>
    %add3A_324 = arith.addf %select_n3A_317, %select_n3A_323 : vector<16xf32>
    %swap3A_325 = arith.constant 6 : i32
    %swap3A_326 = arith.index_cast %swap3A_325 : i32 to index
    %swap3A_327 = arith.constant 0 : index
    %swap3A_328 = tpu.vector_load %arg5[%swap3A_326, %swap3A_327] {strides = array<i32>} : memref<8x128xf32, #tpu.memory_space<vmem>>, vector<1x16xf32>,
    %swap3A_329 = vector.shape_cast %swap3A_328 : vector<1x16xf32> to vector<16xf32>
    %swap3A_330 = vector.shape_cast %add3A_324 : vector<16xf32> to vector<1x16xf32>
    tpu.vector_store %arg5[%swap3A_326, %swap3A_327], %swap3A_330 {strides = array<i32>} : memref<8x128xf32, #tpu.memory_space<vmem>>, vector<1x16xf32>,
    %eq3A_331 = arith.constant 7 : i32
    %eq3A_332 = vector.broadcast %eq3A_331 : i32 to vector<16xi32>
    %eq3A_333 = arith.cmpi eq, %select_n3A_108, %eq3A_332 : vector<16xi32>
    %jit3A_334 = arith.constant 0.000000e+00 : f32
    %broadcast_in_dim3A_335 = vector.broadcast %jit3A_334 : f32 to vector<16xf32>
    %select_n3A_336 = arith.select %eq3A_333, %div3A_198, %broadcast_in_dim3A_335 : vector<16xi1>, vector<16xf32>
    %eq3A_337 = arith.constant 7 : i32
    %eq3A_338 = vector.broadcast %eq3A_337 : i32 to vector<16xi32>
    %eq3A_339 = arith.cmpi eq, %select_n3A_192, %eq3A_338 : vector<16xi32>
    %jit3A_340 = arith.constant 0.000000e+00 : f32
    %broadcast_in_dim3A_341 = vector.broadcast %jit3A_340 : f32 to vector<16xf32>
    %select_n3A_342 = arith.select %eq3A_339, %div3A_199, %broadcast_in_dim3A_341 : vector<16xi1>, vector<16xf32>
    %add3A_343 = arith.addf %select_n3A_336, %select_n3A_342 : vector<16xf32>
    %swap3A_344 = arith.constant 7 : i32
    %swap3A_345 = arith.index_cast %swap3A_344 : i32 to index
    %swap3A_346 = arith.constant 0 : index
    %swap3A_347 = tpu.vector_load %arg5[%swap3A_345, %swap3A_346] {strides = array<i32>} : memref<8x128xf32, #tpu.memory_space<vmem>>, vector<1x16xf32>,
    %swap3A_348 = vector.shape_cast %swap3A_347 : vector<1x16xf32> to vector<16xf32>
    %swap3A_349 = vector.shape_cast %add3A_343 : vector<16xf32> to vector<1x16xf32>
    tpu.vector_store %arg5[%swap3A_345, %swap3A_346], %swap3A_349 {strides = array<i32>} : memref<8x128xf32, #tpu.memory_space<vmem>>, vector<1x16xf32>,
    %get3A_350 = arith.constant 0 : i32
    %get3A_351 = arith.index_cast %get3A_350 : i32 to index
    %get3A_352 = arith.constant 16 : index
    %get3A_353 = tpu.vector_load %arg4[%get3A_351, %get3A_352] {strides = array<i32>} : memref<8x128xf32, #tpu.memory_space<vmem>>, vector<1x16xf32>,
    %get3A_354 = vector.shape_cast %get3A_353 : vector<1x16xf32> to vector<16xf32>
    %get3A_355 = arith.constant 1 : i32
    %get3A_356 = arith.index_cast %get3A_355 : i32 to index
    %get3A_357 = arith.constant 16 : index
    %get3A_358 = tpu.vector_load %arg4[%get3A_356, %get3A_357] {strides = array<i32>} : memref<8x128xf32, #tpu.memory_space<vmem>>, vector<1x16xf32>,
    %get3A_359 = vector.shape_cast %get3A_358 : vector<1x16xf32> to vector<16xf32>
    %get3A_360 = arith.constant 2 : i32
    %get3A_361 = arith.index_cast %get3A_360 : i32 to index
    %get3A_362 = arith.constant 16 : index
    %get3A_363 = tpu.vector_load %arg4[%get3A_361, %get3A_362] {strides = array<i32>} : memref<8x128xf32, #tpu.memory_space<vmem>>, vector<1x16xf32>,
    %get3A_364 = vector.shape_cast %get3A_363 : vector<1x16xf32> to vector<16xf32>
    %get3A_365 = arith.constant 3 : i32
    %get3A_366 = arith.index_cast %get3A_365 : i32 to index
    %get3A_367 = arith.constant 16 : index
    %get3A_368 = tpu.vector_load %arg4[%get3A_366, %get3A_367] {strides = array<i32>} : memref<8x128xf32, #tpu.memory_space<vmem>>, vector<1x16xf32>,
    %get3A_369 = vector.shape_cast %get3A_368 : vector<1x16xf32> to vector<16xf32>
    %get3A_370 = arith.constant 4 : i32
    %get3A_371 = arith.index_cast %get3A_370 : i32 to index
    %get3A_372 = arith.constant 16 : index
    %get3A_373 = tpu.vector_load %arg4[%get3A_371, %get3A_372] {strides = array<i32>} : memref<8x128xf32, #tpu.memory_space<vmem>>, vector<1x16xf32>,
    %get3A_374 = vector.shape_cast %get3A_373 : vector<1x16xf32> to vector<16xf32>
    %get3A_375 = arith.constant 5 : i32
    %get3A_376 = arith.index_cast %get3A_375 : i32 to index
    %get3A_377 = arith.constant 16 : index
    %get3A_378 = tpu.vector_load %arg4[%get3A_376, %get3A_377] {strides = array<i32>} : memref<8x128xf32, #tpu.memory_space<vmem>>, vector<1x16xf32>,
    %get3A_379 = vector.shape_cast %get3A_378 : vector<1x16xf32> to vector<16xf32>
    %get3A_380 = arith.constant 6 : i32
    %get3A_381 = arith.index_cast %get3A_380 : i32 to index
    %get3A_382 = arith.constant 16 : index
    %get3A_383 = tpu.vector_load %arg4[%get3A_381, %get3A_382] {strides = array<i32>} : memref<8x128xf32, #tpu.memory_space<vmem>>, vector<1x16xf32>,
    %get3A_384 = vector.shape_cast %get3A_383 : vector<1x16xf32> to vector<16xf32>
    %get3A_385 = arith.constant 7 : i32
    %get3A_386 = arith.index_cast %get3A_385 : i32 to index
    %get3A_387 = arith.constant 16 : index
    %get3A_388 = tpu.vector_load %arg4[%get3A_386, %get3A_387] {strides = array<i32>} : memref<8x128xf32, #tpu.memory_space<vmem>>, vector<1x16xf32>,
    %get3A_389 = vector.shape_cast %get3A_388 : vector<1x16xf32> to vector<16xf32>
    %max3A_390 = arith.maximumf %get3A_354, %get3A_359 : vector<16xf32>
    %max3A_391 = arith.maximumf %max3A_390, %get3A_364 : vector<16xf32>
    %max3A_392 = arith.maximumf %max3A_391, %get3A_369 : vector<16xf32>
    %max3A_393 = arith.maximumf %max3A_392, %get3A_374 : vector<16xf32>
    %max3A_394 = arith.maximumf %max3A_393, %get3A_379 : vector<16xf32>
    %max3A_395 = arith.maximumf %max3A_394, %get3A_384 : vector<16xf32>
    %max3A_396 = arith.maximumf %max3A_395, %get3A_389 : vector<16xf32>
    %sub3A_397 = arith.subf %get3A_354, %max3A_396 : vector<16xf32>
    %exp3A_398 = math.exp %sub3A_397 : vector<16xf32>
    %sub3A_399 = arith.subf %get3A_359, %max3A_396 : vector<16xf32>
    %exp3A_400 = math.exp %sub3A_399 : vector<16xf32>
    %sub3A_401 = arith.subf %get3A_364, %max3A_396 : vector<16xf32>
    %exp3A_402 = math.exp %sub3A_401 : vector<16xf32>
    %sub3A_403 = arith.subf %get3A_369, %max3A_396 : vector<16xf32>
    %exp3A_404 = math.exp %sub3A_403 : vector<16xf32>
    %sub3A_405 = arith.subf %get3A_374, %max3A_396 : vector<16xf32>
    %exp3A_406 = math.exp %sub3A_405 : vector<16xf32>
    %sub3A_407 = arith.subf %get3A_379, %max3A_396 : vector<16xf32>
    %exp3A_408 = math.exp %sub3A_407 : vector<16xf32>
    %sub3A_409 = arith.subf %get3A_384, %max3A_396 : vector<16xf32>
    %exp3A_410 = math.exp %sub3A_409 : vector<16xf32>
    %sub3A_411 = arith.subf %get3A_389, %max3A_396 : vector<16xf32>
    %exp3A_412 = math.exp %sub3A_411 : vector<16xf32>
    %add3A_413 = arith.addf %exp3A_398, %exp3A_400 : vector<16xf32>
    %add3A_414 = arith.addf %add3A_413, %exp3A_402 : vector<16xf32>
    %add3A_415 = arith.addf %add3A_414, %exp3A_404 : vector<16xf32>
    %add3A_416 = arith.addf %add3A_415, %exp3A_406 : vector<16xf32>
    %add3A_417 = arith.addf %add3A_416, %exp3A_408 : vector<16xf32>
    %add3A_418 = arith.addf %add3A_417, %exp3A_410 : vector<16xf32>
    %add3A_419 = arith.addf %add3A_418, %exp3A_412 : vector<16xf32>
    %broadcast_in_dim3A_420 = arith.constant 0 : i32
    %broadcast_in_dim3A_421 = vector.broadcast %broadcast_in_dim3A_420 : i32 to vector<16xi32>
    %gt3A_422 = arith.cmpf ogt, %get3A_359, %get3A_354 : vector<16xf32>
    %select_n3A_423 = arith.select %gt3A_422, %get3A_359, %get3A_354 : vector<16xi1>, vector<16xf32>
    %select_n3A_424 = arith.select %gt3A_422, %exp3A_400, %exp3A_398 : vector<16xi1>, vector<16xf32>
    %jit3A_425 = arith.constant 1 : i32
    %broadcast_in_dim3A_426 = vector.broadcast %jit3A_425 : i32 to vector<16xi32>
    %select_n3A_427 = arith.select %gt3A_422, %broadcast_in_dim3A_426, %broadcast_in_dim3A_421 : vector<16xi1>, vector<16xi32>
    %gt3A_428 = arith.cmpf ogt, %get3A_364, %select_n3A_423 : vector<16xf32>
    %select_n3A_429 = arith.select %gt3A_428, %get3A_364, %select_n3A_423 : vector<16xi1>, vector<16xf32>
    %select_n3A_430 = arith.select %gt3A_428, %exp3A_402, %select_n3A_424 : vector<16xi1>, vector<16xf32>
    %jit3A_431 = arith.constant 2 : i32
    %broadcast_in_dim3A_432 = vector.broadcast %jit3A_431 : i32 to vector<16xi32>
    %select_n3A_433 = arith.select %gt3A_428, %broadcast_in_dim3A_432, %select_n3A_427 : vector<16xi1>, vector<16xi32>
    %gt3A_434 = arith.cmpf ogt, %get3A_369, %select_n3A_429 : vector<16xf32>
    %select_n3A_435 = arith.select %gt3A_434, %get3A_369, %select_n3A_429 : vector<16xi1>, vector<16xf32>
    %select_n3A_436 = arith.select %gt3A_434, %exp3A_404, %select_n3A_430 : vector<16xi1>, vector<16xf32>
    %jit3A_437 = arith.constant 3 : i32
    %broadcast_in_dim3A_438 = vector.broadcast %jit3A_437 : i32 to vector<16xi32>
    %select_n3A_439 = arith.select %gt3A_434, %broadcast_in_dim3A_438, %select_n3A_433 : vector<16xi1>, vector<16xi32>
    %gt3A_440 = arith.cmpf ogt, %get3A_374, %select_n3A_435 : vector<16xf32>
    %select_n3A_441 = arith.select %gt3A_440, %get3A_374, %select_n3A_435 : vector<16xi1>, vector<16xf32>
    %select_n3A_442 = arith.select %gt3A_440, %exp3A_406, %select_n3A_436 : vector<16xi1>, vector<16xf32>
    %jit3A_443 = arith.constant 4 : i32
    %broadcast_in_dim3A_444 = vector.broadcast %jit3A_443 : i32 to vector<16xi32>
    %select_n3A_445 = arith.select %gt3A_440, %broadcast_in_dim3A_444, %select_n3A_439 : vector<16xi1>, vector<16xi32>
    %gt3A_446 = arith.cmpf ogt, %get3A_379, %select_n3A_441 : vector<16xf32>
    %select_n3A_447 = arith.select %gt3A_446, %get3A_379, %select_n3A_441 : vector<16xi1>, vector<16xf32>
    %select_n3A_448 = arith.select %gt3A_446, %exp3A_408, %select_n3A_442 : vector<16xi1>, vector<16xf32>
    %jit3A_449 = arith.constant 5 : i32
    %broadcast_in_dim3A_450 = vector.broadcast %jit3A_449 : i32 to vector<16xi32>
    %select_n3A_451 = arith.select %gt3A_446, %broadcast_in_dim3A_450, %select_n3A_445 : vector<16xi1>, vector<16xi32>
    %gt3A_452 = arith.cmpf ogt, %get3A_384, %select_n3A_447 : vector<16xf32>
    %select_n3A_453 = arith.select %gt3A_452, %get3A_384, %select_n3A_447 : vector<16xi1>, vector<16xf32>
    %select_n3A_454 = arith.select %gt3A_452, %exp3A_410, %select_n3A_448 : vector<16xi1>, vector<16xf32>
    %jit3A_455 = arith.constant 6 : i32
    %broadcast_in_dim3A_456 = vector.broadcast %jit3A_455 : i32 to vector<16xi32>
    %select_n3A_457 = arith.select %gt3A_452, %broadcast_in_dim3A_456, %select_n3A_451 : vector<16xi1>, vector<16xi32>
    %gt3A_458 = arith.cmpf ogt, %get3A_389, %select_n3A_453 : vector<16xf32>
    %select_n3A_459 = arith.select %gt3A_458, %get3A_389, %select_n3A_453 : vector<16xi1>, vector<16xf32>
    %select_n3A_460 = arith.select %gt3A_458, %exp3A_412, %select_n3A_454 : vector<16xi1>, vector<16xf32>
    %jit3A_461 = arith.constant 7 : i32
    %broadcast_in_dim3A_462 = vector.broadcast %jit3A_461 : i32 to vector<16xi32>
    %select_n3A_463 = arith.select %gt3A_458, %broadcast_in_dim3A_462, %select_n3A_457 : vector<16xi1>, vector<16xi32>
    %broadcast_in_dim3A_464 = arith.constant 0xFF800000 : f32
    %broadcast_in_dim3A_465 = vector.broadcast %broadcast_in_dim3A_464 : f32 to vector<16xf32>
    %broadcast_in_dim3A_466 = arith.constant 0.000000e+00 : f32
    %broadcast_in_dim3A_467 = vector.broadcast %broadcast_in_dim3A_466 : f32 to vector<16xf32>
    %broadcast_in_dim3A_468 = arith.constant 8 : i32
    %broadcast_in_dim3A_469 = vector.broadcast %broadcast_in_dim3A_468 : i32 to vector<16xi32>
    %gt3A_470 = arith.cmpf ogt, %get3A_354, %broadcast_in_dim3A_465 : vector<16xf32>
    %ne3A_471 = arith.constant 0 : i32
    %ne3A_472 = vector.broadcast %ne3A_471 : i32 to vector<16xi32>
    %ne3A_473 = arith.cmpi ne, %select_n3A_463, %ne3A_472 : vector<16xi32>
    %and3A_474 = arith.andi %gt3A_470, %ne3A_473 : vector<16xi1>
    %select_n3A_475 = arith.select %and3A_474, %get3A_354, %broadcast_in_dim3A_465 : vector<16xi1>, vector<16xf32>
    %select_n3A_476 = arith.select %and3A_474, %exp3A_398, %broadcast_in_dim3A_467 : vector<16xi1>, vector<16xf32>
    %jit3A_477 = arith.constant 0 : i32
    %broadcast_in_dim3A_478 = vector.broadcast %jit3A_477 : i32 to vector<16xi32>
    %select_n3A_479 = arith.select %and3A_474, %broadcast_in_dim3A_478, %broadcast_in_dim3A_469 : vector<16xi1>, vector<16xi32>
    %gt3A_480 = arith.cmpf ogt, %get3A_359, %select_n3A_475 : vector<16xf32>
    %ne3A_481 = arith.constant 1 : i32
    %ne3A_482 = vector.broadcast %ne3A_481 : i32 to vector<16xi32>
    %ne3A_483 = arith.cmpi ne, %select_n3A_463, %ne3A_482 : vector<16xi32>
    %and3A_484 = arith.andi %gt3A_480, %ne3A_483 : vector<16xi1>
    %select_n3A_485 = arith.select %and3A_484, %get3A_359, %select_n3A_475 : vector<16xi1>, vector<16xf32>
    %select_n3A_486 = arith.select %and3A_484, %exp3A_400, %select_n3A_476 : vector<16xi1>, vector<16xf32>
    %jit3A_487 = arith.constant 1 : i32
    %broadcast_in_dim3A_488 = vector.broadcast %jit3A_487 : i32 to vector<16xi32>
    %select_n3A_489 = arith.select %and3A_484, %broadcast_in_dim3A_488, %select_n3A_479 : vector<16xi1>, vector<16xi32>
    %gt3A_490 = arith.cmpf ogt, %get3A_364, %select_n3A_485 : vector<16xf32>
    %ne3A_491 = arith.constant 2 : i32
    %ne3A_492 = vector.broadcast %ne3A_491 : i32 to vector<16xi32>
    %ne3A_493 = arith.cmpi ne, %select_n3A_463, %ne3A_492 : vector<16xi32>
    %and3A_494 = arith.andi %gt3A_490, %ne3A_493 : vector<16xi1>
    %select_n3A_495 = arith.select %and3A_494, %get3A_364, %select_n3A_485 : vector<16xi1>, vector<16xf32>
    %select_n3A_496 = arith.select %and3A_494, %exp3A_402, %select_n3A_486 : vector<16xi1>, vector<16xf32>
    %jit3A_497 = arith.constant 2 : i32
    %broadcast_in_dim3A_498 = vector.broadcast %jit3A_497 : i32 to vector<16xi32>
    %select_n3A_499 = arith.select %and3A_494, %broadcast_in_dim3A_498, %select_n3A_489 : vector<16xi1>, vector<16xi32>
    %gt3A_500 = arith.cmpf ogt, %get3A_369, %select_n3A_495 : vector<16xf32>
    %ne3A_501 = arith.constant 3 : i32
    %ne3A_502 = vector.broadcast %ne3A_501 : i32 to vector<16xi32>
    %ne3A_503 = arith.cmpi ne, %select_n3A_463, %ne3A_502 : vector<16xi32>
    %and3A_504 = arith.andi %gt3A_500, %ne3A_503 : vector<16xi1>
    %select_n3A_505 = arith.select %and3A_504, %get3A_369, %select_n3A_495 : vector<16xi1>, vector<16xf32>
    %select_n3A_506 = arith.select %and3A_504, %exp3A_404, %select_n3A_496 : vector<16xi1>, vector<16xf32>
    %jit3A_507 = arith.constant 3 : i32
    %broadcast_in_dim3A_508 = vector.broadcast %jit3A_507 : i32 to vector<16xi32>
    %select_n3A_509 = arith.select %and3A_504, %broadcast_in_dim3A_508, %select_n3A_499 : vector<16xi1>, vector<16xi32>
    %gt3A_510 = arith.cmpf ogt, %get3A_374, %select_n3A_505 : vector<16xf32>
    %ne3A_511 = arith.constant 4 : i32
    %ne3A_512 = vector.broadcast %ne3A_511 : i32 to vector<16xi32>
    %ne3A_513 = arith.cmpi ne, %select_n3A_463, %ne3A_512 : vector<16xi32>
    %and3A_514 = arith.andi %gt3A_510, %ne3A_513 : vector<16xi1>
    %select_n3A_515 = arith.select %and3A_514, %get3A_374, %select_n3A_505 : vector<16xi1>, vector<16xf32>
    %select_n3A_516 = arith.select %and3A_514, %exp3A_406, %select_n3A_506 : vector<16xi1>, vector<16xf32>
    %jit3A_517 = arith.constant 4 : i32
    %broadcast_in_dim3A_518 = vector.broadcast %jit3A_517 : i32 to vector<16xi32>
    %select_n3A_519 = arith.select %and3A_514, %broadcast_in_dim3A_518, %select_n3A_509 : vector<16xi1>, vector<16xi32>
    %gt3A_520 = arith.cmpf ogt, %get3A_379, %select_n3A_515 : vector<16xf32>
    %ne3A_521 = arith.constant 5 : i32
    %ne3A_522 = vector.broadcast %ne3A_521 : i32 to vector<16xi32>
    %ne3A_523 = arith.cmpi ne, %select_n3A_463, %ne3A_522 : vector<16xi32>
    %and3A_524 = arith.andi %gt3A_520, %ne3A_523 : vector<16xi1>
    %select_n3A_525 = arith.select %and3A_524, %get3A_379, %select_n3A_515 : vector<16xi1>, vector<16xf32>
    %select_n3A_526 = arith.select %and3A_524, %exp3A_408, %select_n3A_516 : vector<16xi1>, vector<16xf32>
    %jit3A_527 = arith.constant 5 : i32
    %broadcast_in_dim3A_528 = vector.broadcast %jit3A_527 : i32 to vector<16xi32>
    %select_n3A_529 = arith.select %and3A_524, %broadcast_in_dim3A_528, %select_n3A_519 : vector<16xi1>, vector<16xi32>
    %gt3A_530 = arith.cmpf ogt, %get3A_384, %select_n3A_525 : vector<16xf32>
    %ne3A_531 = arith.constant 6 : i32
    %ne3A_532 = vector.broadcast %ne3A_531 : i32 to vector<16xi32>
    %ne3A_533 = arith.cmpi ne, %select_n3A_463, %ne3A_532 : vector<16xi32>
    %and3A_534 = arith.andi %gt3A_530, %ne3A_533 : vector<16xi1>
    %select_n3A_535 = arith.select %and3A_534, %get3A_384, %select_n3A_525 : vector<16xi1>, vector<16xf32>
    %select_n3A_536 = arith.select %and3A_534, %exp3A_410, %select_n3A_526 : vector<16xi1>, vector<16xf32>
    %jit3A_537 = arith.constant 6 : i32
    %broadcast_in_dim3A_538 = vector.broadcast %jit3A_537 : i32 to vector<16xi32>
    %select_n3A_539 = arith.select %and3A_534, %broadcast_in_dim3A_538, %select_n3A_529 : vector<16xi1>, vector<16xi32>
    %gt3A_540 = arith.cmpf ogt, %get3A_389, %select_n3A_535 : vector<16xf32>
    %ne3A_541 = arith.constant 7 : i32
    %ne3A_542 = vector.broadcast %ne3A_541 : i32 to vector<16xi32>
    %ne3A_543 = arith.cmpi ne, %select_n3A_463, %ne3A_542 : vector<16xi32>
    %and3A_544 = arith.andi %gt3A_540, %ne3A_543 : vector<16xi1>
    %select_n3A_545 = arith.select %and3A_544, %get3A_389, %select_n3A_535 : vector<16xi1>, vector<16xf32>
    %select_n3A_546 = arith.select %and3A_544, %exp3A_412, %select_n3A_536 : vector<16xi1>, vector<16xf32>
    %jit3A_547 = arith.constant 7 : i32
    %broadcast_in_dim3A_548 = vector.broadcast %jit3A_547 : i32 to vector<16xi32>
    %select_n3A_549 = arith.select %and3A_544, %broadcast_in_dim3A_548, %select_n3A_539 : vector<16xi1>, vector<16xi32>
    %div3A_550 = arith.divf %select_n3A_460, %add3A_419 : vector<16xf32>
    %div3A_551 = arith.divf %select_n3A_546, %add3A_419 : vector<16xf32>
    %add3A_552 = arith.addf %div3A_550, %div3A_551 : vector<16xf32>
    %add3A_553 = arith.constant 9.99999971E-10 : f32
    %add3A_554 = vector.broadcast %add3A_553 : f32 to vector<16xf32>
    %add3A_555 = arith.addf %add3A_552, %add3A_554 : vector<16xf32>
    %div3A_556 = arith.divf %div3A_550, %add3A_555 : vector<16xf32>
    %div3A_557 = arith.divf %div3A_551, %add3A_555 : vector<16xf32>
    %eq3A_558 = arith.constant 0 : i32
    %eq3A_559 = vector.broadcast %eq3A_558 : i32 to vector<16xi32>
    %eq3A_560 = arith.cmpi eq, %select_n3A_463, %eq3A_559 : vector<16xi32>
    %jit3A_561 = arith.constant 0.000000e+00 : f32
    %broadcast_in_dim3A_562 = vector.broadcast %jit3A_561 : f32 to vector<16xf32>
    %select_n3A_563 = arith.select %eq3A_560, %div3A_556, %broadcast_in_dim3A_562 : vector<16xi1>, vector<16xf32>
    %eq3A_564 = arith.constant 0 : i32
    %eq3A_565 = vector.broadcast %eq3A_564 : i32 to vector<16xi32>
    %eq3A_566 = arith.cmpi eq, %select_n3A_549, %eq3A_565 : vector<16xi32>
    %jit3A_567 = arith.constant 0.000000e+00 : f32
    %broadcast_in_dim3A_568 = vector.broadcast %jit3A_567 : f32 to vector<16xf32>
    %select_n3A_569 = arith.select %eq3A_566, %div3A_557, %broadcast_in_dim3A_568 : vector<16xi1>, vector<16xf32>
    %add3A_570 = arith.addf %select_n3A_563, %select_n3A_569 : vector<16xf32>
    %swap3A_571 = arith.constant 0 : i32
    %swap3A_572 = arith.index_cast %swap3A_571 : i32 to index
    %swap3A_573 = arith.constant 16 : index
    %swap3A_574 = tpu.vector_load %arg5[%swap3A_572, %swap3A_573] {strides = array<i32>} : memref<8x128xf32, #tpu.memory_space<vmem>>, vector<1x16xf32>,
    %swap3A_575 = vector.shape_cast %swap3A_574 : vector<1x16xf32> to vector<16xf32>
    %swap3A_576 = vector.shape_cast %add3A_570 : vector<16xf32> to vector<1x16xf32>
    tpu.vector_store %arg5[%swap3A_572, %swap3A_573], %swap3A_576 {strides = array<i32>} : memref<8x128xf32, #tpu.memory_space<vmem>>, vector<1x16xf32>,
    %eq3A_577 = arith.constant 1 : i32
    %eq3A_578 = vector.broadcast %eq3A_577 : i32 to vector<16xi32>
    %eq3A_579 = arith.cmpi eq, %select_n3A_463, %eq3A_578 : vector<16xi32>
    %jit3A_580 = arith.constant 0.000000e+00 : f32
    %broadcast_in_dim3A_581 = vector.broadcast %jit3A_580 : f32 to vector<16xf32>
    %select_n3A_582 = arith.select %eq3A_579, %div3A_556, %broadcast_in_dim3A_581 : vector<16xi1>, vector<16xf32>
    %eq3A_583 = arith.constant 1 : i32
    %eq3A_584 = vector.broadcast %eq3A_583 : i32 to vector<16xi32>
    %eq3A_585 = arith.cmpi eq, %select_n3A_549, %eq3A_584 : vector<16xi32>
    %jit3A_586 = arith.constant 0.000000e+00 : f32
    %broadcast_in_dim3A_587 = vector.broadcast %jit3A_586 : f32 to vector<16xf32>
    %select_n3A_588 = arith.select %eq3A_585, %div3A_557, %broadcast_in_dim3A_587 : vector<16xi1>, vector<16xf32>
    %add3A_589 = arith.addf %select_n3A_582, %select_n3A_588 : vector<16xf32>
    %swap3A_590 = arith.constant 1 : i32
    %swap3A_591 = arith.index_cast %swap3A_590 : i32 to index
    %swap3A_592 = arith.constant 16 : index
    %swap3A_593 = tpu.vector_load %arg5[%swap3A_591, %swap3A_592] {strides = array<i32>} : memref<8x128xf32, #tpu.memory_space<vmem>>, vector<1x16xf32>,
    %swap3A_594 = vector.shape_cast %swap3A_593 : vector<1x16xf32> to vector<16xf32>
    %swap3A_595 = vector.shape_cast %add3A_589 : vector<16xf32> to vector<1x16xf32>
    tpu.vector_store %arg5[%swap3A_591, %swap3A_592], %swap3A_595 {strides = array<i32>} : memref<8x128xf32, #tpu.memory_space<vmem>>, vector<1x16xf32>,
    %eq3A_596 = arith.constant 2 : i32
    %eq3A_597 = vector.broadcast %eq3A_596 : i32 to vector<16xi32>
    %eq3A_598 = arith.cmpi eq, %select_n3A_463, %eq3A_597 : vector<16xi32>
    %jit3A_599 = arith.constant 0.000000e+00 : f32
    %broadcast_in_dim3A_600 = vector.broadcast %jit3A_599 : f32 to vector<16xf32>
    %select_n3A_601 = arith.select %eq3A_598, %div3A_556, %broadcast_in_dim3A_600 : vector<16xi1>, vector<16xf32>
    %eq3A_602 = arith.constant 2 : i32
    %eq3A_603 = vector.broadcast %eq3A_602 : i32 to vector<16xi32>
    %eq3A_604 = arith.cmpi eq, %select_n3A_549, %eq3A_603 : vector<16xi32>
    %jit3A_605 = arith.constant 0.000000e+00 : f32
    %broadcast_in_dim3A_606 = vector.broadcast %jit3A_605 : f32 to vector<16xf32>
    %select_n3A_607 = arith.select %eq3A_604, %div3A_557, %broadcast_in_dim3A_606 : vector<16xi1>, vector<16xf32>
    %add3A_608 = arith.addf %select_n3A_601, %select_n3A_607 : vector<16xf32>
    %swap3A_609 = arith.constant 2 : i32
    %swap3A_610 = arith.index_cast %swap3A_609 : i32 to index
    %swap3A_611 = arith.constant 16 : index
    %swap3A_612 = tpu.vector_load %arg5[%swap3A_610, %swap3A_611] {strides = array<i32>} : memref<8x128xf32, #tpu.memory_space<vmem>>, vector<1x16xf32>,
    %swap3A_613 = vector.shape_cast %swap3A_612 : vector<1x16xf32> to vector<16xf32>
    %swap3A_614 = vector.shape_cast %add3A_608 : vector<16xf32> to vector<1x16xf32>
    tpu.vector_store %arg5[%swap3A_610, %swap3A_611], %swap3A_614 {strides = array<i32>} : memref<8x128xf32, #tpu.memory_space<vmem>>, vector<1x16xf32>,
    %eq3A_615 = arith.constant 3 : i32
    %eq3A_616 = vector.broadcast %eq3A_615 : i32 to vector<16xi32>
    %eq3A_617 = arith.cmpi eq, %select_n3A_463, %eq3A_616 : vector<16xi32>
    %jit3A_618 = arith.constant 0.000000e+00 : f32
    %broadcast_in_dim3A_619 = vector.broadcast %jit3A_618 : f32 to vector<16xf32>
    %select_n3A_620 = arith.select %eq3A_617, %div3A_556, %broadcast_in_dim3A_619 : vector<16xi1>, vector<16xf32>
    %eq3A_621 = arith.constant 3 : i32
    %eq3A_622 = vector.broadcast %eq3A_621 : i32 to vector<16xi32>
    %eq3A_623 = arith.cmpi eq, %select_n3A_549, %eq3A_622 : vector<16xi32>
    %jit3A_624 = arith.constant 0.000000e+00 : f32
    %broadcast_in_dim3A_625 = vector.broadcast %jit3A_624 : f32 to vector<16xf32>
    %select_n3A_626 = arith.select %eq3A_623, %div3A_557, %broadcast_in_dim3A_625 : vector<16xi1>, vector<16xf32>
    %add3A_627 = arith.addf %select_n3A_620, %select_n3A_626 : vector<16xf32>
    %swap3A_628 = arith.constant 3 : i32
    %swap3A_629 = arith.index_cast %swap3A_628 : i32 to index
    %swap3A_630 = arith.constant 16 : index
    %swap3A_631 = tpu.vector_load %arg5[%swap3A_629, %swap3A_630] {strides = array<i32>} : memref<8x128xf32, #tpu.memory_space<vmem>>, vector<1x16xf32>,
    %swap3A_632 = vector.shape_cast %swap3A_631 : vector<1x16xf32> to vector<16xf32>
    %swap3A_633 = vector.shape_cast %add3A_627 : vector<16xf32> to vector<1x16xf32>
    tpu.vector_store %arg5[%swap3A_629, %swap3A_630], %swap3A_633 {strides = array<i32>} : memref<8x128xf32, #tpu.memory_space<vmem>>, vector<1x16xf32>,
    %eq3A_634 = arith.constant 4 : i32
    %eq3A_635 = vector.broadcast %eq3A_634 : i32 to vector<16xi32>
    %eq3A_636 = arith.cmpi eq, %select_n3A_463, %eq3A_635 : vector<16xi32>
    %jit3A_637 = arith.constant 0.000000e+00 : f32
    %broadcast_in_dim3A_638 = vector.broadcast %jit3A_637 : f32 to vector<16xf32>
    %select_n3A_639 = arith.select %eq3A_636, %div3A_556, %broadcast_in_dim3A_638 : vector<16xi1>, vector<16xf32>
    %eq3A_640 = arith.constant 4 : i32
    %eq3A_641 = vector.broadcast %eq3A_640 : i32 to vector<16xi32>
    %eq3A_642 = arith.cmpi eq, %select_n3A_549, %eq3A_641 : vector<16xi32>
    %jit3A_643 = arith.constant 0.000000e+00 : f32
    %broadcast_in_dim3A_644 = vector.broadcast %jit3A_643 : f32 to vector<16xf32>
    %select_n3A_645 = arith.select %eq3A_642, %div3A_557, %broadcast_in_dim3A_644 : vector<16xi1>, vector<16xf32>
    %add3A_646 = arith.addf %select_n3A_639, %select_n3A_645 : vector<16xf32>
    %swap3A_647 = arith.constant 4 : i32
    %swap3A_648 = arith.index_cast %swap3A_647 : i32 to index
    %swap3A_649 = arith.constant 16 : index
    %swap3A_650 = tpu.vector_load %arg5[%swap3A_648, %swap3A_649] {strides = array<i32>} : memref<8x128xf32, #tpu.memory_space<vmem>>, vector<1x16xf32>,
    %swap3A_651 = vector.shape_cast %swap3A_650 : vector<1x16xf32> to vector<16xf32>
    %swap3A_652 = vector.shape_cast %add3A_646 : vector<16xf32> to vector<1x16xf32>
    tpu.vector_store %arg5[%swap3A_648, %swap3A_649], %swap3A_652 {strides = array<i32>} : memref<8x128xf32, #tpu.memory_space<vmem>>, vector<1x16xf32>,
    %eq3A_653 = arith.constant 5 : i32
    %eq3A_654 = vector.broadcast %eq3A_653 : i32 to vector<16xi32>
    %eq3A_655 = arith.cmpi eq, %select_n3A_463, %eq3A_654 : vector<16xi32>
    %jit3A_656 = arith.constant 0.000000e+00 : f32
    %broadcast_in_dim3A_657 = vector.broadcast %jit3A_656 : f32 to vector<16xf32>
    %select_n3A_658 = arith.select %eq3A_655, %div3A_556, %broadcast_in_dim3A_657 : vector<16xi1>, vector<16xf32>
    %eq3A_659 = arith.constant 5 : i32
    %eq3A_660 = vector.broadcast %eq3A_659 : i32 to vector<16xi32>
    %eq3A_661 = arith.cmpi eq, %select_n3A_549, %eq3A_660 : vector<16xi32>
    %jit3A_662 = arith.constant 0.000000e+00 : f32
    %broadcast_in_dim3A_663 = vector.broadcast %jit3A_662 : f32 to vector<16xf32>
    %select_n3A_664 = arith.select %eq3A_661, %div3A_557, %broadcast_in_dim3A_663 : vector<16xi1>, vector<16xf32>
    %add3A_665 = arith.addf %select_n3A_658, %select_n3A_664 : vector<16xf32>
    %swap3A_666 = arith.constant 5 : i32
    %swap3A_667 = arith.index_cast %swap3A_666 : i32 to index
    %swap3A_668 = arith.constant 16 : index
    %swap3A_669 = tpu.vector_load %arg5[%swap3A_667, %swap3A_668] {strides = array<i32>} : memref<8x128xf32, #tpu.memory_space<vmem>>, vector<1x16xf32>,
    %swap3A_670 = vector.shape_cast %swap3A_669 : vector<1x16xf32> to vector<16xf32>
    %swap3A_671 = vector.shape_cast %add3A_665 : vector<16xf32> to vector<1x16xf32>
    tpu.vector_store %arg5[%swap3A_667, %swap3A_668], %swap3A_671 {strides = array<i32>} : memref<8x128xf32, #tpu.memory_space<vmem>>, vector<1x16xf32>,
    %eq3A_672 = arith.constant 6 : i32
    %eq3A_673 = vector.broadcast %eq3A_672 : i32 to vector<16xi32>
    %eq3A_674 = arith.cmpi eq, %select_n3A_463, %eq3A_673 : vector<16xi32>
    %jit3A_675 = arith.constant 0.000000e+00 : f32
    %broadcast_in_dim3A_676 = vector.broadcast %jit3A_675 : f32 to vector<16xf32>
    %select_n3A_677 = arith.select %eq3A_674, %div3A_556, %broadcast_in_dim3A_676 : vector<16xi1>, vector<16xf32>
    %eq3A_678 = arith.constant 6 : i32
    %eq3A_679 = vector.broadcast %eq3A_678 : i32 to vector<16xi32>
    %eq3A_680 = arith.cmpi eq, %select_n3A_549, %eq3A_679 : vector<16xi32>
    %jit3A_681 = arith.constant 0.000000e+00 : f32
    %broadcast_in_dim3A_682 = vector.broadcast %jit3A_681 : f32 to vector<16xf32>
    %select_n3A_683 = arith.select %eq3A_680, %div3A_557, %broadcast_in_dim3A_682 : vector<16xi1>, vector<16xf32>
    %add3A_684 = arith.addf %select_n3A_677, %select_n3A_683 : vector<16xf32>
    %swap3A_685 = arith.constant 6 : i32
    %swap3A_686 = arith.index_cast %swap3A_685 : i32 to index
    %swap3A_687 = arith.constant 16 : index
    %swap3A_688 = tpu.vector_load %arg5[%swap3A_686, %swap3A_687] {strides = array<i32>} : memref<8x128xf32, #tpu.memory_space<vmem>>, vector<1x16xf32>,
    %swap3A_689 = vector.shape_cast %swap3A_688 : vector<1x16xf32> to vector<16xf32>
    %swap3A_690 = vector.shape_cast %add3A_684 : vector<16xf32> to vector<1x16xf32>
    tpu.vector_store %arg5[%swap3A_686, %swap3A_687], %swap3A_690 {strides = array<i32>} : memref<8x128xf32, #tpu.memory_space<vmem>>, vector<1x16xf32>,
    %eq3A_691 = arith.constant 7 : i32
    %eq3A_692 = vector.broadcast %eq3A_691 : i32 to vector<16xi32>
    %eq3A_693 = arith.cmpi eq, %select_n3A_463, %eq3A_692 : vector<16xi32>
    %jit3A_694 = arith.constant 0.000000e+00 : f32
    %broadcast_in_dim3A_695 = vector.broadcast %jit3A_694 : f32 to vector<16xf32>
    %select_n3A_696 = arith.select %eq3A_693, %div3A_556, %broadcast_in_dim3A_695 : vector<16xi1>, vector<16xf32>
    %eq3A_697 = arith.constant 7 : i32
    %eq3A_698 = vector.broadcast %eq3A_697 : i32 to vector<16xi32>
    %eq3A_699 = arith.cmpi eq, %select_n3A_549, %eq3A_698 : vector<16xi32>
    %jit3A_700 = arith.constant 0.000000e+00 : f32
    %broadcast_in_dim3A_701 = vector.broadcast %jit3A_700 : f32 to vector<16xf32>
    %select_n3A_702 = arith.select %eq3A_699, %div3A_557, %broadcast_in_dim3A_701 : vector<16xi1>, vector<16xf32>
    %add3A_703 = arith.addf %select_n3A_696, %select_n3A_702 : vector<16xf32>
    %swap3A_704 = arith.constant 7 : i32
    %swap3A_705 = arith.index_cast %swap3A_704 : i32 to index
    %swap3A_706 = arith.constant 16 : index
    %swap3A_707 = tpu.vector_load %arg5[%swap3A_705, %swap3A_706] {strides = array<i32>} : memref<8x128xf32, #tpu.memory_space<vmem>>, vector<1x16xf32>,
    %swap3A_708 = vector.shape_cast %swap3A_707 : vector<1x16xf32> to vector<16xf32>
    %swap3A_709 = vector.shape_cast %add3A_703 : vector<16xf32> to vector<1x16xf32>
    tpu.vector_store %arg5[%swap3A_705, %swap3A_706], %swap3A_709 {strides = array<i32>} : memref<8x128xf32, #tpu.memory_space<vmem>>, vector<1x16xf32>,
    %get3A_710 = arith.constant 0 : i32
    %get3A_711 = arith.index_cast %get3A_710 : i32 to index
    %get3A_712 = arith.constant 32 : index
    %get3A_713 = tpu.vector_load %arg4[%get3A_711, %get3A_712] {strides = array<i32>} : memref<8x128xf32, #tpu.memory_space<vmem>>, vector<1x16xf32>,
    %get3A_714 = vector.shape_cast %get3A_713 : vector<1x16xf32> to vector<16xf32>
    %get3A_715 = arith.constant 1 : i32
    %get3A_716 = arith.index_cast %get3A_715 : i32 to index
    %get3A_717 = arith.constant 32 : index
    %get3A_718 = tpu.vector_load %arg4[%get3A_716, %get3A_717] {strides = array<i32>} : memref<8x128xf32, #tpu.memory_space<vmem>>, vector<1x16xf32>,
    %get3A_719 = vector.shape_cast %get3A_718 : vector<1x16xf32> to vector<16xf32>
    %get3A_720 = arith.constant 2 : i32
    %get3A_721 = arith.index_cast %get3A_720 : i32 to index
    %get3A_722 = arith.constant 32 : index
    %get3A_723 = tpu.vector_load %arg4[%get3A_721, %get3A_722] {strides = array<i32>} : memref<8x128xf32, #tpu.memory_space<vmem>>, vector<1x16xf32>,
    %get3A_724 = vector.shape_cast %get3A_723 : vector<1x16xf32> to vector<16xf32>
    %get3A_725 = arith.constant 3 : i32
    %get3A_726 = arith.index_cast %get3A_725 : i32 to index
    %get3A_727 = arith.constant 32 : index
    %get3A_728 = tpu.vector_load %arg4[%get3A_726, %get3A_727] {strides = array<i32>} : memref<8x128xf32, #tpu.memory_space<vmem>>, vector<1x16xf32>,
    %get3A_729 = vector.shape_cast %get3A_728 : vector<1x16xf32> to vector<16xf32>
    %get3A_730 = arith.constant 4 : i32
    %get3A_731 = arith.index_cast %get3A_730 : i32 to index
    %get3A_732 = arith.constant 32 : index
    %get3A_733 = tpu.vector_load %arg4[%get3A_731, %get3A_732] {strides = array<i32>} : memref<8x128xf32, #tpu.memory_space<vmem>>, vector<1x16xf32>,
    %get3A_734 = vector.shape_cast %get3A_733 : vector<1x16xf32> to vector<16xf32>
    %get3A_735 = arith.constant 5 : i32
    %get3A_736 = arith.index_cast %get3A_735 : i32 to index
    %get3A_737 = arith.constant 32 : index
    %get3A_738 = tpu.vector_load %arg4[%get3A_736, %get3A_737] {strides = array<i32>} : memref<8x128xf32, #tpu.memory_space<vmem>>, vector<1x16xf32>,
    %get3A_739 = vector.shape_cast %get3A_738 : vector<1x16xf32> to vector<16xf32>
    %get3A_740 = arith.constant 6 : i32
    %get3A_741 = arith.index_cast %get3A_740 : i32 to index
    %get3A_742 = arith.constant 32 : index
    %get3A_743 = tpu.vector_load %arg4[%get3A_741, %get3A_742] {strides = array<i32>} : memref<8x128xf32, #tpu.memory_space<vmem>>, vector<1x16xf32>,
    %get3A_744 = vector.shape_cast %get3A_743 : vector<1x16xf32> to vector<16xf32>
    %get3A_745 = arith.constant 7 : i32
    %get3A_746 = arith.index_cast %get3A_745 : i32 to index
    %get3A_747 = arith.constant 32 : index
    %get3A_748 = tpu.vector_load %arg4[%get3A_746, %get3A_747] {strides = array<i32>} : memref<8x128xf32, #tpu.memory_space<vmem>>, vector<1x16xf32>,
    %get3A_749 = vector.shape_cast %get3A_748 : vector<1x16xf32> to vector<16xf32>
    %max3A_750 = arith.maximumf %get3A_714, %get3A_719 : vector<16xf32>
    %max3A_751 = arith.maximumf %max3A_750, %get3A_724 : vector<16xf32>
    %max3A_752 = arith.maximumf %max3A_751, %get3A_729 : vector<16xf32>
    %max3A_753 = arith.maximumf %max3A_752, %get3A_734 : vector<16xf32>
    %max3A_754 = arith.maximumf %max3A_753, %get3A_739 : vector<16xf32>
    %max3A_755 = arith.maximumf %max3A_754, %get3A_744 : vector<16xf32>
    %max3A_756 = arith.maximumf %max3A_755, %get3A_749 : vector<16xf32>
    %sub3A_757 = arith.subf %get3A_714, %max3A_756 : vector<16xf32>
    %exp3A_758 = math.exp %sub3A_757 : vector<16xf32>
    %sub3A_759 = arith.subf %get3A_719, %max3A_756 : vector<16xf32>
    %exp3A_760 = math.exp %sub3A_759 : vector<16xf32>
    %sub3A_761 = arith.subf %get3A_724, %max3A_756 : vector<16xf32>
    %exp3A_762 = math.exp %sub3A_761 : vector<16xf32>
    %sub3A_763 = arith.subf %get3A_729, %max3A_756 : vector<16xf32>
    %exp3A_764 = math.exp %sub3A_763 : vector<16xf32>
    %sub3A_765 = arith.subf %get3A_734, %max3A_756 : vector<16xf32>
    %exp3A_766 = math.exp %sub3A_765 : vector<16xf32>
    %sub3A_767 = arith.subf %get3A_739, %max3A_756 : vector<16xf32>
    %exp3A_768 = math.exp %sub3A_767 : vector<16xf32>
    %sub3A_769 = arith.subf %get3A_744, %max3A_756 : vector<16xf32>
    %exp3A_770 = math.exp %sub3A_769 : vector<16xf32>
    %sub3A_771 = arith.subf %get3A_749, %max3A_756 : vector<16xf32>
    %exp3A_772 = math.exp %sub3A_771 : vector<16xf32>
    %add3A_773 = arith.addf %exp3A_758, %exp3A_760 : vector<16xf32>
    %add3A_774 = arith.addf %add3A_773, %exp3A_762 : vector<16xf32>
    %add3A_775 = arith.addf %add3A_774, %exp3A_764 : vector<16xf32>
    %add3A_776 = arith.addf %add3A_775, %exp3A_766 : vector<16xf32>
    %add3A_777 = arith.addf %add3A_776, %exp3A_768 : vector<16xf32>
    %add3A_778 = arith.addf %add3A_777, %exp3A_770 : vector<16xf32>
    %add3A_779 = arith.addf %add3A_778, %exp3A_772 : vector<16xf32>
    %broadcast_in_dim3A_780 = arith.constant 0 : i32
    %broadcast_in_dim3A_781 = vector.broadcast %broadcast_in_dim3A_780 : i32 to vector<16xi32>
    %gt3A_782 = arith.cmpf ogt, %get3A_719, %get3A_714 : vector<16xf32>
    %select_n3A_783 = arith.select %gt3A_782, %get3A_719, %get3A_714 : vector<16xi1>, vector<16xf32>
    %select_n3A_784 = arith.select %gt3A_782, %exp3A_760, %exp3A_758 : vector<16xi1>, vector<16xf32>
    %jit3A_785 = arith.constant 1 : i32
    %broadcast_in_dim3A_786 = vector.broadcast %jit3A_785 : i32 to vector<16xi32>
    %select_n3A_787 = arith.select %gt3A_782, %broadcast_in_dim3A_786, %broadcast_in_dim3A_781 : vector<16xi1>, vector<16xi32>
    %gt3A_788 = arith.cmpf ogt, %get3A_724, %select_n3A_783 : vector<16xf32>
    %select_n3A_789 = arith.select %gt3A_788, %get3A_724, %select_n3A_783 : vector<16xi1>, vector<16xf32>
    %select_n3A_790 = arith.select %gt3A_788, %exp3A_762, %select_n3A_784 : vector<16xi1>, vector<16xf32>
    %jit3A_791 = arith.constant 2 : i32
    %broadcast_in_dim3A_792 = vector.broadcast %jit3A_791 : i32 to vector<16xi32>
    %select_n3A_793 = arith.select %gt3A_788, %broadcast_in_dim3A_792, %select_n3A_787 : vector<16xi1>, vector<16xi32>
    %gt3A_794 = arith.cmpf ogt, %get3A_729, %select_n3A_789 : vector<16xf32>
    %select_n3A_795 = arith.select %gt3A_794, %get3A_729, %select_n3A_789 : vector<16xi1>, vector<16xf32>
    %select_n3A_796 = arith.select %gt3A_794, %exp3A_764, %select_n3A_790 : vector<16xi1>, vector<16xf32>
    %jit3A_797 = arith.constant 3 : i32
    %broadcast_in_dim3A_798 = vector.broadcast %jit3A_797 : i32 to vector<16xi32>
    %select_n3A_799 = arith.select %gt3A_794, %broadcast_in_dim3A_798, %select_n3A_793 : vector<16xi1>, vector<16xi32>
    %gt3A_800 = arith.cmpf ogt, %get3A_734, %select_n3A_795 : vector<16xf32>
    %select_n3A_801 = arith.select %gt3A_800, %get3A_734, %select_n3A_795 : vector<16xi1>, vector<16xf32>
    %select_n3A_802 = arith.select %gt3A_800, %exp3A_766, %select_n3A_796 : vector<16xi1>, vector<16xf32>
    %jit3A_803 = arith.constant 4 : i32
    %broadcast_in_dim3A_804 = vector.broadcast %jit3A_803 : i32 to vector<16xi32>
    %select_n3A_805 = arith.select %gt3A_800, %broadcast_in_dim3A_804, %select_n3A_799 : vector<16xi1>, vector<16xi32>
    %gt3A_806 = arith.cmpf ogt, %get3A_739, %select_n3A_801 : vector<16xf32>
    %select_n3A_807 = arith.select %gt3A_806, %get3A_739, %select_n3A_801 : vector<16xi1>, vector<16xf32>
    %select_n3A_808 = arith.select %gt3A_806, %exp3A_768, %select_n3A_802 : vector<16xi1>, vector<16xf32>
    %jit3A_809 = arith.constant 5 : i32
    %broadcast_in_dim3A_810 = vector.broadcast %jit3A_809 : i32 to vector<16xi32>
    %select_n3A_811 = arith.select %gt3A_806, %broadcast_in_dim3A_810, %select_n3A_805 : vector<16xi1>, vector<16xi32>
    %gt3A_812 = arith.cmpf ogt, %get3A_744, %select_n3A_807 : vector<16xf32>
    %select_n3A_813 = arith.select %gt3A_812, %get3A_744, %select_n3A_807 : vector<16xi1>, vector<16xf32>
    %select_n3A_814 = arith.select %gt3A_812, %exp3A_770, %select_n3A_808 : vector<16xi1>, vector<16xf32>
    %jit3A_815 = arith.constant 6 : i32
    %broadcast_in_dim3A_816 = vector.broadcast %jit3A_815 : i32 to vector<16xi32>
    %select_n3A_817 = arith.select %gt3A_812, %broadcast_in_dim3A_816, %select_n3A_811 : vector<16xi1>, vector<16xi32>
    %gt3A_818 = arith.cmpf ogt, %get3A_749, %select_n3A_813 : vector<16xf32>
    %select_n3A_819 = arith.select %gt3A_818, %get3A_749, %select_n3A_813 : vector<16xi1>, vector<16xf32>
    %select_n3A_820 = arith.select %gt3A_818, %exp3A_772, %select_n3A_814 : vector<16xi1>, vector<16xf32>
    %jit3A_821 = arith.constant 7 : i32
    %broadcast_in_dim3A_822 = vector.broadcast %jit3A_821 : i32 to vector<16xi32>
    %select_n3A_823 = arith.select %gt3A_818, %broadcast_in_dim3A_822, %select_n3A_817 : vector<16xi1>, vector<16xi32>
    %broadcast_in_dim3A_824 = arith.constant 0xFF800000 : f32
    %broadcast_in_dim3A_825 = vector.broadcast %broadcast_in_dim3A_824 : f32 to vector<16xf32>
    %broadcast_in_dim3A_826 = arith.constant 0.000000e+00 : f32
    %broadcast_in_dim3A_827 = vector.broadcast %broadcast_in_dim3A_826 : f32 to vector<16xf32>
    %broadcast_in_dim3A_828 = arith.constant 8 : i32
    %broadcast_in_dim3A_829 = vector.broadcast %broadcast_in_dim3A_828 : i32 to vector<16xi32>
    %gt3A_830 = arith.cmpf ogt, %get3A_714, %broadcast_in_dim3A_825 : vector<16xf32>
    %ne3A_831 = arith.constant 0 : i32
    %ne3A_832 = vector.broadcast %ne3A_831 : i32 to vector<16xi32>
    %ne3A_833 = arith.cmpi ne, %select_n3A_823, %ne3A_832 : vector<16xi32>
    %and3A_834 = arith.andi %gt3A_830, %ne3A_833 : vector<16xi1>
    %select_n3A_835 = arith.select %and3A_834, %get3A_714, %broadcast_in_dim3A_825 : vector<16xi1>, vector<16xf32>
    %select_n3A_836 = arith.select %and3A_834, %exp3A_758, %broadcast_in_dim3A_827 : vector<16xi1>, vector<16xf32>
    %jit3A_837 = arith.constant 0 : i32
    %broadcast_in_dim3A_838 = vector.broadcast %jit3A_837 : i32 to vector<16xi32>
    %select_n3A_839 = arith.select %and3A_834, %broadcast_in_dim3A_838, %broadcast_in_dim3A_829 : vector<16xi1>, vector<16xi32>
    %gt3A_840 = arith.cmpf ogt, %get3A_719, %select_n3A_835 : vector<16xf32>
    %ne3A_841 = arith.constant 1 : i32
    %ne3A_842 = vector.broadcast %ne3A_841 : i32 to vector<16xi32>
    %ne3A_843 = arith.cmpi ne, %select_n3A_823, %ne3A_842 : vector<16xi32>
    %and3A_844 = arith.andi %gt3A_840, %ne3A_843 : vector<16xi1>
    %select_n3A_845 = arith.select %and3A_844, %get3A_719, %select_n3A_835 : vector<16xi1>, vector<16xf32>
    %select_n3A_846 = arith.select %and3A_844, %exp3A_760, %select_n3A_836 : vector<16xi1>, vector<16xf32>
    %jit3A_847 = arith.constant 1 : i32
    %broadcast_in_dim3A_848 = vector.broadcast %jit3A_847 : i32 to vector<16xi32>
    %select_n3A_849 = arith.select %and3A_844, %broadcast_in_dim3A_848, %select_n3A_839 : vector<16xi1>, vector<16xi32>
    %gt3A_850 = arith.cmpf ogt, %get3A_724, %select_n3A_845 : vector<16xf32>
    %ne3A_851 = arith.constant 2 : i32
    %ne3A_852 = vector.broadcast %ne3A_851 : i32 to vector<16xi32>
    %ne3A_853 = arith.cmpi ne, %select_n3A_823, %ne3A_852 : vector<16xi32>
    %and3A_854 = arith.andi %gt3A_850, %ne3A_853 : vector<16xi1>
    %select_n3A_855 = arith.select %and3A_854, %get3A_724, %select_n3A_845 : vector<16xi1>, vector<16xf32>
    %select_n3A_856 = arith.select %and3A_854, %exp3A_762, %select_n3A_846 : vector<16xi1>, vector<16xf32>
    %jit3A_857 = arith.constant 2 : i32
    %broadcast_in_dim3A_858 = vector.broadcast %jit3A_857 : i32 to vector<16xi32>
    %select_n3A_859 = arith.select %and3A_854, %broadcast_in_dim3A_858, %select_n3A_849 : vector<16xi1>, vector<16xi32>
    %gt3A_860 = arith.cmpf ogt, %get3A_729, %select_n3A_855 : vector<16xf32>
    %ne3A_861 = arith.constant 3 : i32
    %ne3A_862 = vector.broadcast %ne3A_861 : i32 to vector<16xi32>
    %ne3A_863 = arith.cmpi ne, %select_n3A_823, %ne3A_862 : vector<16xi32>
    %and3A_864 = arith.andi %gt3A_860, %ne3A_863 : vector<16xi1>
    %select_n3A_865 = arith.select %and3A_864, %get3A_729, %select_n3A_855 : vector<16xi1>, vector<16xf32>
    %select_n3A_866 = arith.select %and3A_864, %exp3A_764, %select_n3A_856 : vector<16xi1>, vector<16xf32>
    %jit3A_867 = arith.constant 3 : i32
    %broadcast_in_dim3A_868 = vector.broadcast %jit3A_867 : i32 to vector<16xi32>
    %select_n3A_869 = arith.select %and3A_864, %broadcast_in_dim3A_868, %select_n3A_859 : vector<16xi1>, vector<16xi32>
    %gt3A_870 = arith.cmpf ogt, %get3A_734, %select_n3A_865 : vector<16xf32>
    %ne3A_871 = arith.constant 4 : i32
    %ne3A_872 = vector.broadcast %ne3A_871 : i32 to vector<16xi32>
    %ne3A_873 = arith.cmpi ne, %select_n3A_823, %ne3A_872 : vector<16xi32>
    %and3A_874 = arith.andi %gt3A_870, %ne3A_873 : vector<16xi1>
    %select_n3A_875 = arith.select %and3A_874, %get3A_734, %select_n3A_865 : vector<16xi1>, vector<16xf32>
    %select_n3A_876 = arith.select %and3A_874, %exp3A_766, %select_n3A_866 : vector<16xi1>, vector<16xf32>
    %jit3A_877 = arith.constant 4 : i32
    %broadcast_in_dim3A_878 = vector.broadcast %jit3A_877 : i32 to vector<16xi32>
    %select_n3A_879 = arith.select %and3A_874, %broadcast_in_dim3A_878, %select_n3A_869 : vector<16xi1>, vector<16xi32>
    %gt3A_880 = arith.cmpf ogt, %get3A_739, %select_n3A_875 : vector<16xf32>
    %ne3A_881 = arith.constant 5 : i32
    %ne3A_882 = vector.broadcast %ne3A_881 : i32 to vector<16xi32>
    %ne3A_883 = arith.cmpi ne, %select_n3A_823, %ne3A_882 : vector<16xi32>
    %and3A_884 = arith.andi %gt3A_880, %ne3A_883 : vector<16xi1>
    %select_n3A_885 = arith.select %and3A_884, %get3A_739, %select_n3A_875 : vector<16xi1>, vector<16xf32>
    %select_n3A_886 = arith.select %and3A_884, %exp3A_768, %select_n3A_876 : vector<16xi1>, vector<16xf32>
    %jit3A_887 = arith.constant 5 : i32
    %broadcast_in_dim3A_888 = vector.broadcast %jit3A_887 : i32 to vector<16xi32>
    %select_n3A_889 = arith.select %and3A_884, %broadcast_in_dim3A_888, %select_n3A_879 : vector<16xi1>, vector<16xi32>
    %gt3A_890 = arith.cmpf ogt, %get3A_744, %select_n3A_885 : vector<16xf32>
    %ne3A_891 = arith.constant 6 : i32
    %ne3A_892 = vector.broadcast %ne3A_891 : i32 to vector<16xi32>
    %ne3A_893 = arith.cmpi ne, %select_n3A_823, %ne3A_892 : vector<16xi32>
    %and3A_894 = arith.andi %gt3A_890, %ne3A_893 : vector<16xi1>
    %select_n3A_895 = arith.select %and3A_894, %get3A_744, %select_n3A_885 : vector<16xi1>, vector<16xf32>
    %select_n3A_896 = arith.select %and3A_894, %exp3A_770, %select_n3A_886 : vector<16xi1>, vector<16xf32>
    %jit3A_897 = arith.constant 6 : i32
    %broadcast_in_dim3A_898 = vector.broadcast %jit3A_897 : i32 to vector<16xi32>
    %select_n3A_899 = arith.select %and3A_894, %broadcast_in_dim3A_898, %select_n3A_889 : vector<16xi1>, vector<16xi32>
    %gt3A_900 = arith.cmpf ogt, %get3A_749, %select_n3A_895 : vector<16xf32>
    %ne3A_901 = arith.constant 7 : i32
    %ne3A_902 = vector.broadcast %ne3A_901 : i32 to vector<16xi32>
    %ne3A_903 = arith.cmpi ne, %select_n3A_823, %ne3A_902 : vector<16xi32>
    %and3A_904 = arith.andi %gt3A_900, %ne3A_903 : vector<16xi1>
    %select_n3A_905 = arith.select %and3A_904, %get3A_749, %select_n3A_895 : vector<16xi1>, vector<16xf32>
    %select_n3A_906 = arith.select %and3A_904, %exp3A_772, %select_n3A_896 : vector<16xi1>, vector<16xf32>
    %jit3A_907 = arith.constant 7 : i32
    %broadcast_in_dim3A_908 = vector.broadcast %jit3A_907 : i32 to vector<16xi32>
    %select_n3A_909 = arith.select %and3A_904, %broadcast_in_dim3A_908, %select_n3A_899 : vector<16xi1>, vector<16xi32>
    %div3A_910 = arith.divf %select_n3A_820, %add3A_779 : vector<16xf32>
    %div3A_911 = arith.divf %select_n3A_906, %add3A_779 : vector<16xf32>
    %add3A_912 = arith.addf %div3A_910, %div3A_911 : vector<16xf32>
    %add3A_913 = arith.constant 9.99999971E-10 : f32
    %add3A_914 = vector.broadcast %add3A_913 : f32 to vector<16xf32>
    %add3A_915 = arith.addf %add3A_912, %add3A_914 : vector<16xf32>
    %div3A_916 = arith.divf %div3A_910, %add3A_915 : vector<16xf32>
    %div3A_917 = arith.divf %div3A_911, %add3A_915 : vector<16xf32>
    %eq3A_918 = arith.constant 0 : i32
    %eq3A_919 = vector.broadcast %eq3A_918 : i32 to vector<16xi32>
    %eq3A_920 = arith.cmpi eq, %select_n3A_823, %eq3A_919 : vector<16xi32>
    %jit3A_921 = arith.constant 0.000000e+00 : f32
    %broadcast_in_dim3A_922 = vector.broadcast %jit3A_921 : f32 to vector<16xf32>
    %select_n3A_923 = arith.select %eq3A_920, %div3A_916, %broadcast_in_dim3A_922 : vector<16xi1>, vector<16xf32>
    %eq3A_924 = arith.constant 0 : i32
    %eq3A_925 = vector.broadcast %eq3A_924 : i32 to vector<16xi32>
    %eq3A_926 = arith.cmpi eq, %select_n3A_909, %eq3A_925 : vector<16xi32>
    %jit3A_927 = arith.constant 0.000000e+00 : f32
    %broadcast_in_dim3A_928 = vector.broadcast %jit3A_927 : f32 to vector<16xf32>
    %select_n3A_929 = arith.select %eq3A_926, %div3A_917, %broadcast_in_dim3A_928 : vector<16xi1>, vector<16xf32>
    %add3A_930 = arith.addf %select_n3A_923, %select_n3A_929 : vector<16xf32>
    %swap3A_931 = arith.constant 0 : i32
    %swap3A_932 = arith.index_cast %swap3A_931 : i32 to index
    %swap3A_933 = arith.constant 32 : index
    %swap3A_934 = tpu.vector_load %arg5[%swap3A_932, %swap3A_933] {strides = array<i32>} : memref<8x128xf32, #tpu.memory_space<vmem>>, vector<1x16xf32>,
    %swap3A_935 = vector.shape_cast %swap3A_934 : vector<1x16xf32> to vector<16xf32>
    %swap3A_936 = vector.shape_cast %add3A_930 : vector<16xf32> to vector<1x16xf32>
    tpu.vector_store %arg5[%swap3A_932, %swap3A_933], %swap3A_936 {strides = array<i32>} : memref<8x128xf32, #tpu.memory_space<vmem>>, vector<1x16xf32>,
    %eq3A_937 = arith.constant 1 : i32
    %eq3A_938 = vector.broadcast %eq3A_937 : i32 to vector<16xi32>
    %eq3A_939 = arith.cmpi eq, %select_n3A_823, %eq3A_938 : vector<16xi32>
    %jit3A_940 = arith.constant 0.000000e+00 : f32
    %broadcast_in_dim3A_941 = vector.broadcast %jit3A_940 : f32 to vector<16xf32>
    %select_n3A_942 = arith.select %eq3A_939, %div3A_916, %broadcast_in_dim3A_941 : vector<16xi1>, vector<16xf32>
    %eq3A_943 = arith.constant 1 : i32
    %eq3A_944 = vector.broadcast %eq3A_943 : i32 to vector<16xi32>
    %eq3A_945 = arith.cmpi eq, %select_n3A_909, %eq3A_944 : vector<16xi32>
    %jit3A_946 = arith.constant 0.000000e+00 : f32
    %broadcast_in_dim3A_947 = vector.broadcast %jit3A_946 : f32 to vector<16xf32>
    %select_n3A_948 = arith.select %eq3A_945, %div3A_917, %broadcast_in_dim3A_947 : vector<16xi1>, vector<16xf32>
    %add3A_949 = arith.addf %select_n3A_942, %select_n3A_948 : vector<16xf32>
    %swap3A_950 = arith.constant 1 : i32
    %swap3A_951 = arith.index_cast %swap3A_950 : i32 to index
    %swap3A_952 = arith.constant 32 : index
    %swap3A_953 = tpu.vector_load %arg5[%swap3A_951, %swap3A_952] {strides = array<i32>} : memref<8x128xf32, #tpu.memory_space<vmem>>, vector<1x16xf32>,
    %swap3A_954 = vector.shape_cast %swap3A_953 : vector<1x16xf32> to vector<16xf32>
    %swap3A_955 = vector.shape_cast %add3A_949 : vector<16xf32> to vector<1x16xf32>
    tpu.vector_store %arg5[%swap3A_951, %swap3A_952], %swap3A_955 {strides = array<i32>} : memref<8x128xf32, #tpu.memory_space<vmem>>, vector<1x16xf32>,
    %eq3A_956 = arith.constant 2 : i32
    %eq3A_957 = vector.broadcast %eq3A_956 : i32 to vector<16xi32>
    %eq3A_958 = arith.cmpi eq, %select_n3A_823, %eq3A_957 : vector<16xi32>
    %jit3A_959 = arith.constant 0.000000e+00 : f32
    %broadcast_in_dim3A_960 = vector.broadcast %jit3A_959 : f32 to vector<16xf32>
    %select_n3A_961 = arith.select %eq3A_958, %div3A_916, %broadcast_in_dim3A_960 : vector<16xi1>, vector<16xf32>
    %eq3A_962 = arith.constant 2 : i32
    %eq3A_963 = vector.broadcast %eq3A_962 : i32 to vector<16xi32>
    %eq3A_964 = arith.cmpi eq, %select_n3A_909, %eq3A_963 : vector<16xi32>
    %jit3A_965 = arith.constant 0.000000e+00 : f32
    %broadcast_in_dim3A_966 = vector.broadcast %jit3A_965 : f32 to vector<16xf32>
    %select_n3A_967 = arith.select %eq3A_964, %div3A_917, %broadcast_in_dim3A_966 : vector<16xi1>, vector<16xf32>
    %add3A_968 = arith.addf %select_n3A_961, %select_n3A_967 : vector<16xf32>
    %swap3A_969 = arith.constant 2 : i32
    %swap3A_970 = arith.index_cast %swap3A_969 : i32 to index
    %swap3A_971 = arith.constant 32 : index
    %swap3A_972 = tpu.vector_load %arg5[%swap3A_970, %swap3A_971] {strides = array<i32>} : memref<8x128xf32, #tpu.memory_space<vmem>>, vector<1x16xf32>,
    %swap3A_973 = vector.shape_cast %swap3A_972 : vector<1x16xf32> to vector<16xf32>
    %swap3A_974 = vector.shape_cast %add3A_968 : vector<16xf32> to vector<1x16xf32>
    tpu.vector_store %arg5[%swap3A_970, %swap3A_971], %swap3A_974 {strides = array<i32>} : memref<8x128xf32, #tpu.memory_space<vmem>>, vector<1x16xf32>,
    %eq3A_975 = arith.constant 3 : i32
    %eq3A_976 = vector.broadcast %eq3A_975 : i32 to vector<16xi32>
    %eq3A_977 = arith.cmpi eq, %select_n3A_823, %eq3A_976 : vector<16xi32>
    %jit3A_978 = arith.constant 0.000000e+00 : f32
    %broadcast_in_dim3A_979 = vector.broadcast %jit3A_978 : f32 to vector<16xf32>
    %select_n3A_980 = arith.select %eq3A_977, %div3A_916, %broadcast_in_dim3A_979 : vector<16xi1>, vector<16xf32>
    %eq3A_981 = arith.constant 3 : i32
    %eq3A_982 = vector.broadcast %eq3A_981 : i32 to vector<16xi32>
    %eq3A_983 = arith.cmpi eq, %select_n3A_909, %eq3A_982 : vector<16xi32>
    %jit3A_984 = arith.constant 0.000000e+00 : f32
    %broadcast_in_dim3A_985 = vector.broadcast %jit3A_984 : f32 to vector<16xf32>
    %select_n3A_986 = arith.select %eq3A_983, %div3A_917, %broadcast_in_dim3A_985 : vector<16xi1>, vector<16xf32>
    %add3A_987 = arith.addf %select_n3A_980, %select_n3A_986 : vector<16xf32>
    %swap3A_988 = arith.constant 3 : i32
    %swap3A_989 = arith.index_cast %swap3A_988 : i32 to index
    %swap3A_990 = arith.constant 32 : index
    %swap3A_991 = tpu.vector_load %arg5[%swap3A_989, %swap3A_990] {strides = array<i32>} : memref<8x128xf32, #tpu.memory_space<vmem>>, vector<1x16xf32>,
    %swap3A_992 = vector.shape_cast %swap3A_991 : vector<1x16xf32> to vector<16xf32>
    %swap3A_993 = vector.shape_cast %add3A_987 : vector<16xf32> to vector<1x16xf32>
    tpu.vector_store %arg5[%swap3A_989, %swap3A_990], %swap3A_993 {strides = array<i32>} : memref<8x128xf32, #tpu.memory_space<vmem>>, vector<1x16xf32>,
    %eq3A_994 = arith.constant 4 : i32
    %eq3A_995 = vector.broadcast %eq3A_994 : i32 to vector<16xi32>
    %eq3A_996 = arith.cmpi eq, %select_n3A_823, %eq3A_995 : vector<16xi32>
    %jit3A_997 = arith.constant 0.000000e+00 : f32
    %broadcast_in_dim3A_998 = vector.broadcast %jit3A_997 : f32 to vector<16xf32>
    %select_n3A_999 = arith.select %eq3A_996, %div3A_916, %broadcast_in_dim3A_998 : vector<16xi1>, vector<16xf32>
    %eq3A_1000 = arith.constant 4 : i32
    %eq3A_1001 = vector.broadcast %eq3A_1000 : i32 to vector<16xi32>
    %eq3A_1002 = arith.cmpi eq, %select_n3A_909, %eq3A_1001 : vector<16xi32>
    %jit3A_1003 = arith.constant 0.000000e+00 : f32
    %broadcast_in_dim3A_1004 = vector.broadcast %jit3A_1003 : f32 to vector<16xf32>
    %select_n3A_1005 = arith.select %eq3A_1002, %div3A_917, %broadcast_in_dim3A_1004 : vector<16xi1>, vector<16xf32>
    %add3A_1006 = arith.addf %select_n3A_999, %select_n3A_1005 : vector<16xf32>
    %swap3A_1007 = arith.constant 4 : i32
    %swap3A_1008 = arith.index_cast %swap3A_1007 : i32 to index
    %swap3A_1009 = arith.constant 32 : index
    %swap3A_1010 = tpu.vector_load %arg5[%swap3A_1008, %swap3A_1009] {strides = array<i32>} : memref<8x128xf32, #tpu.memory_space<vmem>>, vector<1x16xf32>,
    %swap3A_1011 = vector.shape_cast %swap3A_1010 : vector<1x16xf32> to vector<16xf32>
    %swap3A_1012 = vector.shape_cast %add3A_1006 : vector<16xf32> to vector<1x16xf32>
    tpu.vector_store %arg5[%swap3A_1008, %swap3A_1009], %swap3A_1012 {strides = array<i32>} : memref<8x128xf32, #tpu.memory_space<vmem>>, vector<1x16xf32>,
    %eq3A_1013 = arith.constant 5 : i32
    %eq3A_1014 = vector.broadcast %eq3A_1013 : i32 to vector<16xi32>
    %eq3A_1015 = arith.cmpi eq, %select_n3A_823, %eq3A_1014 : vector<16xi32>
    %jit3A_1016 = arith.constant 0.000000e+00 : f32
    %broadcast_in_dim3A_1017 = vector.broadcast %jit3A_1016 : f32 to vector<16xf32>
    %select_n3A_1018 = arith.select %eq3A_1015, %div3A_916, %broadcast_in_dim3A_1017 : vector<16xi1>, vector<16xf32>
    %eq3A_1019 = arith.constant 5 : i32
    %eq3A_1020 = vector.broadcast %eq3A_1019 : i32 to vector<16xi32>
    %eq3A_1021 = arith.cmpi eq, %select_n3A_909, %eq3A_1020 : vector<16xi32>
    %jit3A_1022 = arith.constant 0.000000e+00 : f32
    %broadcast_in_dim3A_1023 = vector.broadcast %jit3A_1022 : f32 to vector<16xf32>
    %select_n3A_1024 = arith.select %eq3A_1021, %div3A_917, %broadcast_in_dim3A_1023 : vector<16xi1>, vector<16xf32>
    %add3A_1025 = arith.addf %select_n3A_1018, %select_n3A_1024 : vector<16xf32>
    %swap3A_1026 = arith.constant 5 : i32
    %swap3A_1027 = arith.index_cast %swap3A_1026 : i32 to index
    %swap3A_1028 = arith.constant 32 : index
    %swap3A_1029 = tpu.vector_load %arg5[%swap3A_1027, %swap3A_1028] {strides = array<i32>} : memref<8x128xf32, #tpu.memory_space<vmem>>, vector<1x16xf32>,
    %swap3A_1030 = vector.shape_cast %swap3A_1029 : vector<1x16xf32> to vector<16xf32>
    %swap3A_1031 = vector.shape_cast %add3A_1025 : vector<16xf32> to vector<1x16xf32>
    tpu.vector_store %arg5[%swap3A_1027, %swap3A_1028], %swap3A_1031 {strides = array<i32>} : memref<8x128xf32, #tpu.memory_space<vmem>>, vector<1x16xf32>,
    %eq3A_1032 = arith.constant 6 : i32
    %eq3A_1033 = vector.broadcast %eq3A_1032 : i32 to vector<16xi32>
    %eq3A_1034 = arith.cmpi eq, %select_n3A_823, %eq3A_1033 : vector<16xi32>
    %jit3A_1035 = arith.constant 0.000000e+00 : f32
    %broadcast_in_dim3A_1036 = vector.broadcast %jit3A_1035 : f32 to vector<16xf32>
    %select_n3A_1037 = arith.select %eq3A_1034, %div3A_916, %broadcast_in_dim3A_1036 : vector<16xi1>, vector<16xf32>
    %eq3A_1038 = arith.constant 6 : i32
    %eq3A_1039 = vector.broadcast %eq3A_1038 : i32 to vector<16xi32>
    %eq3A_1040 = arith.cmpi eq, %select_n3A_909, %eq3A_1039 : vector<16xi32>
    %jit3A_1041 = arith.constant 0.000000e+00 : f32
    %broadcast_in_dim3A_1042 = vector.broadcast %jit3A_1041 : f32 to vector<16xf32>
    %select_n3A_1043 = arith.select %eq3A_1040, %div3A_917, %broadcast_in_dim3A_1042 : vector<16xi1>, vector<16xf32>
    %add3A_1044 = arith.addf %select_n3A_1037, %select_n3A_1043 : vector<16xf32>
    %swap3A_1045 = arith.constant 6 : i32
    %swap3A_1046 = arith.index_cast %swap3A_1045 : i32 to index
    %swap3A_1047 = arith.constant 32 : index
    %swap3A_1048 = tpu.vector_load %arg5[%swap3A_1046, %swap3A_1047] {strides = array<i32>} : memref<8x128xf32, #tpu.memory_space<vmem>>, vector<1x16xf32>,
    %swap3A_1049 = vector.shape_cast %swap3A_1048 : vector<1x16xf32> to vector<16xf32>
    %swap3A_1050 = vector.shape_cast %add3A_1044 : vector<16xf32> to vector<1x16xf32>
    tpu.vector_store %arg5[%swap3A_1046, %swap3A_1047], %swap3A_1050 {strides = array<i32>} : memref<8x128xf32, #tpu.memory_space<vmem>>, vector<1x16xf32>,
    %eq3A_1051 = arith.constant 7 : i32
    %eq3A_1052 = vector.broadcast %eq3A_1051 : i32 to vector<16xi32>
    %eq3A_1053 = arith.cmpi eq, %select_n3A_823, %eq3A_1052 : vector<16xi32>
    %jit3A_1054 = arith.constant 0.000000e+00 : f32
    %broadcast_in_dim3A_1055 = vector.broadcast %jit3A_1054 : f32 to vector<16xf32>
    %select_n3A_1056 = arith.select %eq3A_1053, %div3A_916, %broadcast_in_dim3A_1055 : vector<16xi1>, vector<16xf32>
    %eq3A_1057 = arith.constant 7 : i32
    %eq3A_1058 = vector.broadcast %eq3A_1057 : i32 to vector<16xi32>
    %eq3A_1059 = arith.cmpi eq, %select_n3A_909, %eq3A_1058 : vector<16xi32>
    %jit3A_1060 = arith.constant 0.000000e+00 : f32
    %broadcast_in_dim3A_1061 = vector.broadcast %jit3A_1060 : f32 to vector<16xf32>
    %select_n3A_1062 = arith.select %eq3A_1059, %div3A_917, %broadcast_in_dim3A_1061 : vector<16xi1>, vector<16xf32>
    %add3A_1063 = arith.addf %select_n3A_1056, %select_n3A_1062 : vector<16xf32>
    %swap3A_1064 = arith.constant 7 : i32
    %swap3A_1065 = arith.index_cast %swap3A_1064 : i32 to index
    %swap3A_1066 = arith.constant 32 : index
    %swap3A_1067 = tpu.vector_load %arg5[%swap3A_1065, %swap3A_1066] {strides = array<i32>} : memref<8x128xf32, #tpu.memory_space<vmem>>, vector<1x16xf32>,
    %swap3A_1068 = vector.shape_cast %swap3A_1067 : vector<1x16xf32> to vector<16xf32>
    %swap3A_1069 = vector.shape_cast %add3A_1063 : vector<16xf32> to vector<1x16xf32>
    tpu.vector_store %arg5[%swap3A_1065, %swap3A_1066], %swap3A_1069 {strides = array<i32>} : memref<8x128xf32, #tpu.memory_space<vmem>>, vector<1x16xf32>,
    %get3A_1070 = arith.constant 0 : i32
    %get3A_1071 = arith.index_cast %get3A_1070 : i32 to index
    %get3A_1072 = arith.constant 48 : index
    %get3A_1073 = tpu.vector_load %arg4[%get3A_1071, %get3A_1072] {strides = array<i32>} : memref<8x128xf32, #tpu.memory_space<vmem>>, vector<1x16xf32>,
    %get3A_1074 = vector.shape_cast %get3A_1073 : vector<1x16xf32> to vector<16xf32>
    %get3A_1075 = arith.constant 1 : i32
    %get3A_1076 = arith.index_cast %get3A_1075 : i32 to index
    %get3A_1077 = arith.constant 48 : index
    %get3A_1078 = tpu.vector_load %arg4[%get3A_1076, %get3A_1077] {strides = array<i32>} : memref<8x128xf32, #tpu.memory_space<vmem>>, vector<1x16xf32>,
    %get3A_1079 = vector.shape_cast %get3A_1078 : vector<1x16xf32> to vector<16xf32>
    %get3A_1080 = arith.constant 2 : i32
    %get3A_1081 = arith.index_cast %get3A_1080 : i32 to index
    %get3A_1082 = arith.constant 48 : index
    %get3A_1083 = tpu.vector_load %arg4[%get3A_1081, %get3A_1082] {strides = array<i32>} : memref<8x128xf32, #tpu.memory_space<vmem>>, vector<1x16xf32>,
    %get3A_1084 = vector.shape_cast %get3A_1083 : vector<1x16xf32> to vector<16xf32>
    %get3A_1085 = arith.constant 3 : i32
    %get3A_1086 = arith.index_cast %get3A_1085 : i32 to index
    %get3A_1087 = arith.constant 48 : index
    %get3A_1088 = tpu.vector_load %arg4[%get3A_1086, %get3A_1087] {strides = array<i32>} : memref<8x128xf32, #tpu.memory_space<vmem>>, vector<1x16xf32>,
    %get3A_1089 = vector.shape_cast %get3A_1088 : vector<1x16xf32> to vector<16xf32>
    %get3A_1090 = arith.constant 4 : i32
    %get3A_1091 = arith.index_cast %get3A_1090 : i32 to index
    %get3A_1092 = arith.constant 48 : index
    %get3A_1093 = tpu.vector_load %arg4[%get3A_1091, %get3A_1092] {strides = array<i32>} : memref<8x128xf32, #tpu.memory_space<vmem>>, vector<1x16xf32>,
    %get3A_1094 = vector.shape_cast %get3A_1093 : vector<1x16xf32> to vector<16xf32>
    %get3A_1095 = arith.constant 5 : i32
    %get3A_1096 = arith.index_cast %get3A_1095 : i32 to index
    %get3A_1097 = arith.constant 48 : index
    %get3A_1098 = tpu.vector_load %arg4[%get3A_1096, %get3A_1097] {strides = array<i32>} : memref<8x128xf32, #tpu.memory_space<vmem>>, vector<1x16xf32>,
    %get3A_1099 = vector.shape_cast %get3A_1098 : vector<1x16xf32> to vector<16xf32>
    %get3A_1100 = arith.constant 6 : i32
    %get3A_1101 = arith.index_cast %get3A_1100 : i32 to index
    %get3A_1102 = arith.constant 48 : index
    %get3A_1103 = tpu.vector_load %arg4[%get3A_1101, %get3A_1102] {strides = array<i32>} : memref<8x128xf32, #tpu.memory_space<vmem>>, vector<1x16xf32>,
    %get3A_1104 = vector.shape_cast %get3A_1103 : vector<1x16xf32> to vector<16xf32>
    %get3A_1105 = arith.constant 7 : i32
    %get3A_1106 = arith.index_cast %get3A_1105 : i32 to index
    %get3A_1107 = arith.constant 48 : index
    %get3A_1108 = tpu.vector_load %arg4[%get3A_1106, %get3A_1107] {strides = array<i32>} : memref<8x128xf32, #tpu.memory_space<vmem>>, vector<1x16xf32>,
    %get3A_1109 = vector.shape_cast %get3A_1108 : vector<1x16xf32> to vector<16xf32>
    %max3A_1110 = arith.maximumf %get3A_1074, %get3A_1079 : vector<16xf32>
    %max3A_1111 = arith.maximumf %max3A_1110, %get3A_1084 : vector<16xf32>
    %max3A_1112 = arith.maximumf %max3A_1111, %get3A_1089 : vector<16xf32>
    %max3A_1113 = arith.maximumf %max3A_1112, %get3A_1094 : vector<16xf32>
    %max3A_1114 = arith.maximumf %max3A_1113, %get3A_1099 : vector<16xf32>
    %max3A_1115 = arith.maximumf %max3A_1114, %get3A_1104 : vector<16xf32>
    %max3A_1116 = arith.maximumf %max3A_1115, %get3A_1109 : vector<16xf32>
    %sub3A_1117 = arith.subf %get3A_1074, %max3A_1116 : vector<16xf32>
    %exp3A_1118 = math.exp %sub3A_1117 : vector<16xf32>
    %sub3A_1119 = arith.subf %get3A_1079, %max3A_1116 : vector<16xf32>
    %exp3A_1120 = math.exp %sub3A_1119 : vector<16xf32>
    %sub3A_1121 = arith.subf %get3A_1084, %max3A_1116 : vector<16xf32>
    %exp3A_1122 = math.exp %sub3A_1121 : vector<16xf32>
    %sub3A_1123 = arith.subf %get3A_1089, %max3A_1116 : vector<16xf32>
    %exp3A_1124 = math.exp %sub3A_1123 : vector<16xf32>
    %sub3A_1125 = arith.subf %get3A_1094, %max3A_1116 : vector<16xf32>
    %exp3A_1126 = math.exp %sub3A_1125 : vector<16xf32>
    %sub3A_1127 = arith.subf %get3A_1099, %max3A_1116 : vector<16xf32>
    %exp3A_1128 = math.exp %sub3A_1127 : vector<16xf32>
    %sub3A_1129 = arith.subf %get3A_1104, %max3A_1116 : vector<16xf32>
    %exp3A_1130 = math.exp %sub3A_1129 : vector<16xf32>
    %sub3A_1131 = arith.subf %get3A_1109, %max3A_1116 : vector<16xf32>
    %exp3A_1132 = math.exp %sub3A_1131 : vector<16xf32>
    %add3A_1133 = arith.addf %exp3A_1118, %exp3A_1120 : vector<16xf32>
    %add3A_1134 = arith.addf %add3A_1133, %exp3A_1122 : vector<16xf32>
    %add3A_1135 = arith.addf %add3A_1134, %exp3A_1124 : vector<16xf32>
    %add3A_1136 = arith.addf %add3A_1135, %exp3A_1126 : vector<16xf32>
    %add3A_1137 = arith.addf %add3A_1136, %exp3A_1128 : vector<16xf32>
    %add3A_1138 = arith.addf %add3A_1137, %exp3A_1130 : vector<16xf32>
    %add3A_1139 = arith.addf %add3A_1138, %exp3A_1132 : vector<16xf32>
    %broadcast_in_dim3A_1140 = arith.constant 0 : i32
    %broadcast_in_dim3A_1141 = vector.broadcast %broadcast_in_dim3A_1140 : i32 to vector<16xi32>
    %gt3A_1142 = arith.cmpf ogt, %get3A_1079, %get3A_1074 : vector<16xf32>
    %select_n3A_1143 = arith.select %gt3A_1142, %get3A_1079, %get3A_1074 : vector<16xi1>, vector<16xf32>
    %select_n3A_1144 = arith.select %gt3A_1142, %exp3A_1120, %exp3A_1118 : vector<16xi1>, vector<16xf32>
    %jit3A_1145 = arith.constant 1 : i32
    %broadcast_in_dim3A_1146 = vector.broadcast %jit3A_1145 : i32 to vector<16xi32>
    %select_n3A_1147 = arith.select %gt3A_1142, %broadcast_in_dim3A_1146, %broadcast_in_dim3A_1141 : vector<16xi1>, vector<16xi32>
    %gt3A_1148 = arith.cmpf ogt, %get3A_1084, %select_n3A_1143 : vector<16xf32>
    %select_n3A_1149 = arith.select %gt3A_1148, %get3A_1084, %select_n3A_1143 : vector<16xi1>, vector<16xf32>
    %select_n3A_1150 = arith.select %gt3A_1148, %exp3A_1122, %select_n3A_1144 : vector<16xi1>, vector<16xf32>
    %jit3A_1151 = arith.constant 2 : i32
    %broadcast_in_dim3A_1152 = vector.broadcast %jit3A_1151 : i32 to vector<16xi32>
    %select_n3A_1153 = arith.select %gt3A_1148, %broadcast_in_dim3A_1152, %select_n3A_1147 : vector<16xi1>, vector<16xi32>
    %gt3A_1154 = arith.cmpf ogt, %get3A_1089, %select_n3A_1149 : vector<16xf32>
    %select_n3A_1155 = arith.select %gt3A_1154, %get3A_1089, %select_n3A_1149 : vector<16xi1>, vector<16xf32>
    %select_n3A_1156 = arith.select %gt3A_1154, %exp3A_1124, %select_n3A_1150 : vector<16xi1>, vector<16xf32>
    %jit3A_1157 = arith.constant 3 : i32
    %broadcast_in_dim3A_1158 = vector.broadcast %jit3A_1157 : i32 to vector<16xi32>
    %select_n3A_1159 = arith.select %gt3A_1154, %broadcast_in_dim3A_1158, %select_n3A_1153 : vector<16xi1>, vector<16xi32>
    %gt3A_1160 = arith.cmpf ogt, %get3A_1094, %select_n3A_1155 : vector<16xf32>
    %select_n3A_1161 = arith.select %gt3A_1160, %get3A_1094, %select_n3A_1155 : vector<16xi1>, vector<16xf32>
    %select_n3A_1162 = arith.select %gt3A_1160, %exp3A_1126, %select_n3A_1156 : vector<16xi1>, vector<16xf32>
    %jit3A_1163 = arith.constant 4 : i32
    %broadcast_in_dim3A_1164 = vector.broadcast %jit3A_1163 : i32 to vector<16xi32>
    %select_n3A_1165 = arith.select %gt3A_1160, %broadcast_in_dim3A_1164, %select_n3A_1159 : vector<16xi1>, vector<16xi32>
    %gt3A_1166 = arith.cmpf ogt, %get3A_1099, %select_n3A_1161 : vector<16xf32>
    %select_n3A_1167 = arith.select %gt3A_1166, %get3A_1099, %select_n3A_1161 : vector<16xi1>, vector<16xf32>
    %select_n3A_1168 = arith.select %gt3A_1166, %exp3A_1128, %select_n3A_1162 : vector<16xi1>, vector<16xf32>
    %jit3A_1169 = arith.constant 5 : i32
    %broadcast_in_dim3A_1170 = vector.broadcast %jit3A_1169 : i32 to vector<16xi32>
    %select_n3A_1171 = arith.select %gt3A_1166, %broadcast_in_dim3A_1170, %select_n3A_1165 : vector<16xi1>, vector<16xi32>
    %gt3A_1172 = arith.cmpf ogt, %get3A_1104, %select_n3A_1167 : vector<16xf32>
    %select_n3A_1173 = arith.select %gt3A_1172, %get3A_1104, %select_n3A_1167 : vector<16xi1>, vector<16xf32>
    %select_n3A_1174 = arith.select %gt3A_1172, %exp3A_1130, %select_n3A_1168 : vector<16xi1>, vector<16xf32>
    %jit3A_1175 = arith.constant 6 : i32
    %broadcast_in_dim3A_1176 = vector.broadcast %jit3A_1175 : i32 to vector<16xi32>
    %select_n3A_1177 = arith.select %gt3A_1172, %broadcast_in_dim3A_1176, %select_n3A_1171 : vector<16xi1>, vector<16xi32>
    %gt3A_1178 = arith.cmpf ogt, %get3A_1109, %select_n3A_1173 : vector<16xf32>
    %select_n3A_1179 = arith.select %gt3A_1178, %get3A_1109, %select_n3A_1173 : vector<16xi1>, vector<16xf32>
    %select_n3A_1180 = arith.select %gt3A_1178, %exp3A_1132, %select_n3A_1174 : vector<16xi1>, vector<16xf32>
    %jit3A_1181 = arith.constant 7 : i32
    %broadcast_in_dim3A_1182 = vector.broadcast %jit3A_1181 : i32 to vector<16xi32>
    %select_n3A_1183 = arith.select %gt3A_1178, %broadcast_in_dim3A_1182, %select_n3A_1177 : vector<16xi1>, vector<16xi32>
    %broadcast_in_dim3A_1184 = arith.constant 0xFF800000 : f32
    %broadcast_in_dim3A_1185 = vector.broadcast %broadcast_in_dim3A_1184 : f32 to vector<16xf32>
    %broadcast_in_dim3A_1186 = arith.constant 0.000000e+00 : f32
    %broadcast_in_dim3A_1187 = vector.broadcast %broadcast_in_dim3A_1186 : f32 to vector<16xf32>
    %broadcast_in_dim3A_1188 = arith.constant 8 : i32
    %broadcast_in_dim3A_1189 = vector.broadcast %broadcast_in_dim3A_1188 : i32 to vector<16xi32>
    %gt3A_1190 = arith.cmpf ogt, %get3A_1074, %broadcast_in_dim3A_1185 : vector<16xf32>
    %ne3A_1191 = arith.constant 0 : i32
    %ne3A_1192 = vector.broadcast %ne3A_1191 : i32 to vector<16xi32>
    %ne3A_1193 = arith.cmpi ne, %select_n3A_1183, %ne3A_1192 : vector<16xi32>
    %and3A_1194 = arith.andi %gt3A_1190, %ne3A_1193 : vector<16xi1>
    %select_n3A_1195 = arith.select %and3A_1194, %get3A_1074, %broadcast_in_dim3A_1185 : vector<16xi1>, vector<16xf32>
    %select_n3A_1196 = arith.select %and3A_1194, %exp3A_1118, %broadcast_in_dim3A_1187 : vector<16xi1>, vector<16xf32>
    %jit3A_1197 = arith.constant 0 : i32
    %broadcast_in_dim3A_1198 = vector.broadcast %jit3A_1197 : i32 to vector<16xi32>
    %select_n3A_1199 = arith.select %and3A_1194, %broadcast_in_dim3A_1198, %broadcast_in_dim3A_1189 : vector<16xi1>, vector<16xi32>
    %gt3A_1200 = arith.cmpf ogt, %get3A_1079, %select_n3A_1195 : vector<16xf32>
    %ne3A_1201 = arith.constant 1 : i32
    %ne3A_1202 = vector.broadcast %ne3A_1201 : i32 to vector<16xi32>
    %ne3A_1203 = arith.cmpi ne, %select_n3A_1183, %ne3A_1202 : vector<16xi32>
    %and3A_1204 = arith.andi %gt3A_1200, %ne3A_1203 : vector<16xi1>
    %select_n3A_1205 = arith.select %and3A_1204, %get3A_1079, %select_n3A_1195 : vector<16xi1>, vector<16xf32>
    %select_n3A_1206 = arith.select %and3A_1204, %exp3A_1120, %select_n3A_1196 : vector<16xi1>, vector<16xf32>
    %jit3A_1207 = arith.constant 1 : i32
    %broadcast_in_dim3A_1208 = vector.broadcast %jit3A_1207 : i32 to vector<16xi32>
    %select_n3A_1209 = arith.select %and3A_1204, %broadcast_in_dim3A_1208, %select_n3A_1199 : vector<16xi1>, vector<16xi32>
    %gt3A_1210 = arith.cmpf ogt, %get3A_1084, %select_n3A_1205 : vector<16xf32>
    %ne3A_1211 = arith.constant 2 : i32
    %ne3A_1212 = vector.broadcast %ne3A_1211 : i32 to vector<16xi32>
    %ne3A_1213 = arith.cmpi ne, %select_n3A_1183, %ne3A_1212 : vector<16xi32>
    %and3A_1214 = arith.andi %gt3A_1210, %ne3A_1213 : vector<16xi1>
    %select_n3A_1215 = arith.select %and3A_1214, %get3A_1084, %select_n3A_1205 : vector<16xi1>, vector<16xf32>
    %select_n3A_1216 = arith.select %and3A_1214, %exp3A_1122, %select_n3A_1206 : vector<16xi1>, vector<16xf32>
    %jit3A_1217 = arith.constant 2 : i32
    %broadcast_in_dim3A_1218 = vector.broadcast %jit3A_1217 : i32 to vector<16xi32>
    %select_n3A_1219 = arith.select %and3A_1214, %broadcast_in_dim3A_1218, %select_n3A_1209 : vector<16xi1>, vector<16xi32>
    %gt3A_1220 = arith.cmpf ogt, %get3A_1089, %select_n3A_1215 : vector<16xf32>
    %ne3A_1221 = arith.constant 3 : i32
    %ne3A_1222 = vector.broadcast %ne3A_1221 : i32 to vector<16xi32>
    %ne3A_1223 = arith.cmpi ne, %select_n3A_1183, %ne3A_1222 : vector<16xi32>
    %and3A_1224 = arith.andi %gt3A_1220, %ne3A_1223 : vector<16xi1>
    %select_n3A_1225 = arith.select %and3A_1224, %get3A_1089, %select_n3A_1215 : vector<16xi1>, vector<16xf32>
    %select_n3A_1226 = arith.select %and3A_1224, %exp3A_1124, %select_n3A_1216 : vector<16xi1>, vector<16xf32>
    %jit3A_1227 = arith.constant 3 : i32
    %broadcast_in_dim3A_1228 = vector.broadcast %jit3A_1227 : i32 to vector<16xi32>
    %select_n3A_1229 = arith.select %and3A_1224, %broadcast_in_dim3A_1228, %select_n3A_1219 : vector<16xi1>, vector<16xi32>
    %gt3A_1230 = arith.cmpf ogt, %get3A_1094, %select_n3A_1225 : vector<16xf32>
    %ne3A_1231 = arith.constant 4 : i32
    %ne3A_1232 = vector.broadcast %ne3A_1231 : i32 to vector<16xi32>
    %ne3A_1233 = arith.cmpi ne, %select_n3A_1183, %ne3A_1232 : vector<16xi32>
    %and3A_1234 = arith.andi %gt3A_1230, %ne3A_1233 : vector<16xi1>
    %select_n3A_1235 = arith.select %and3A_1234, %get3A_1094, %select_n3A_1225 : vector<16xi1>, vector<16xf32>
    %select_n3A_1236 = arith.select %and3A_1234, %exp3A_1126, %select_n3A_1226 : vector<16xi1>, vector<16xf32>
    %jit3A_1237 = arith.constant 4 : i32
    %broadcast_in_dim3A_1238 = vector.broadcast %jit3A_1237 : i32 to vector<16xi32>
    %select_n3A_1239 = arith.select %and3A_1234, %broadcast_in_dim3A_1238, %select_n3A_1229 : vector<16xi1>, vector<16xi32>
    %gt3A_1240 = arith.cmpf ogt, %get3A_1099, %select_n3A_1235 : vector<16xf32>
    %ne3A_1241 = arith.constant 5 : i32
    %ne3A_1242 = vector.broadcast %ne3A_1241 : i32 to vector<16xi32>
    %ne3A_1243 = arith.cmpi ne, %select_n3A_1183, %ne3A_1242 : vector<16xi32>
    %and3A_1244 = arith.andi %gt3A_1240, %ne3A_1243 : vector<16xi1>
    %select_n3A_1245 = arith.select %and3A_1244, %get3A_1099, %select_n3A_1235 : vector<16xi1>, vector<16xf32>
    %select_n3A_1246 = arith.select %and3A_1244, %exp3A_1128, %select_n3A_1236 : vector<16xi1>, vector<16xf32>
    %jit3A_1247 = arith.constant 5 : i32
    %broadcast_in_dim3A_1248 = vector.broadcast %jit3A_1247 : i32 to vector<16xi32>
    %select_n3A_1249 = arith.select %and3A_1244, %broadcast_in_dim3A_1248, %select_n3A_1239 : vector<16xi1>, vector<16xi32>
    %gt3A_1250 = arith.cmpf ogt, %get3A_1104, %select_n3A_1245 : vector<16xf32>
    %ne3A_1251 = arith.constant 6 : i32
    %ne3A_1252 = vector.broadcast %ne3A_1251 : i32 to vector<16xi32>
    %ne3A_1253 = arith.cmpi ne, %select_n3A_1183, %ne3A_1252 : vector<16xi32>
    %and3A_1254 = arith.andi %gt3A_1250, %ne3A_1253 : vector<16xi1>
    %select_n3A_1255 = arith.select %and3A_1254, %get3A_1104, %select_n3A_1245 : vector<16xi1>, vector<16xf32>
    %select_n3A_1256 = arith.select %and3A_1254, %exp3A_1130, %select_n3A_1246 : vector<16xi1>, vector<16xf32>
    %jit3A_1257 = arith.constant 6 : i32
    %broadcast_in_dim3A_1258 = vector.broadcast %jit3A_1257 : i32 to vector<16xi32>
    %select_n3A_1259 = arith.select %and3A_1254, %broadcast_in_dim3A_1258, %select_n3A_1249 : vector<16xi1>, vector<16xi32>
    %gt3A_1260 = arith.cmpf ogt, %get3A_1109, %select_n3A_1255 : vector<16xf32>
    %ne3A_1261 = arith.constant 7 : i32
    %ne3A_1262 = vector.broadcast %ne3A_1261 : i32 to vector<16xi32>
    %ne3A_1263 = arith.cmpi ne, %select_n3A_1183, %ne3A_1262 : vector<16xi32>
    %and3A_1264 = arith.andi %gt3A_1260, %ne3A_1263 : vector<16xi1>
    %select_n3A_1265 = arith.select %and3A_1264, %get3A_1109, %select_n3A_1255 : vector<16xi1>, vector<16xf32>
    %select_n3A_1266 = arith.select %and3A_1264, %exp3A_1132, %select_n3A_1256 : vector<16xi1>, vector<16xf32>
    %jit3A_1267 = arith.constant 7 : i32
    %broadcast_in_dim3A_1268 = vector.broadcast %jit3A_1267 : i32 to vector<16xi32>
    %select_n3A_1269 = arith.select %and3A_1264, %broadcast_in_dim3A_1268, %select_n3A_1259 : vector<16xi1>, vector<16xi32>
    %div3A_1270 = arith.divf %select_n3A_1180, %add3A_1139 : vector<16xf32>
    %div3A_1271 = arith.divf %select_n3A_1266, %add3A_1139 : vector<16xf32>
    %add3A_1272 = arith.addf %div3A_1270, %div3A_1271 : vector<16xf32>
    %add3A_1273 = arith.constant 9.99999971E-10 : f32
    %add3A_1274 = vector.broadcast %add3A_1273 : f32 to vector<16xf32>
    %add3A_1275 = arith.addf %add3A_1272, %add3A_1274 : vector<16xf32>
    %div3A_1276 = arith.divf %div3A_1270, %add3A_1275 : vector<16xf32>
    %div3A_1277 = arith.divf %div3A_1271, %add3A_1275 : vector<16xf32>
    %eq3A_1278 = arith.constant 0 : i32
    %eq3A_1279 = vector.broadcast %eq3A_1278 : i32 to vector<16xi32>
    %eq3A_1280 = arith.cmpi eq, %select_n3A_1183, %eq3A_1279 : vector<16xi32>
    %jit3A_1281 = arith.constant 0.000000e+00 : f32
    %broadcast_in_dim3A_1282 = vector.broadcast %jit3A_1281 : f32 to vector<16xf32>
    %select_n3A_1283 = arith.select %eq3A_1280, %div3A_1276, %broadcast_in_dim3A_1282 : vector<16xi1>, vector<16xf32>
    %eq3A_1284 = arith.constant 0 : i32
    %eq3A_1285 = vector.broadcast %eq3A_1284 : i32 to vector<16xi32>
    %eq3A_1286 = arith.cmpi eq, %select_n3A_1269, %eq3A_1285 : vector<16xi32>
    %jit3A_1287 = arith.constant 0.000000e+00 : f32
    %broadcast_in_dim3A_1288 = vector.broadcast %jit3A_1287 : f32 to vector<16xf32>
    %select_n3A_1289 = arith.select %eq3A_1286, %div3A_1277, %broadcast_in_dim3A_1288 : vector<16xi1>, vector<16xf32>
    %add3A_1290 = arith.addf %select_n3A_1283, %select_n3A_1289 : vector<16xf32>
    %swap3A_1291 = arith.constant 0 : i32
    %swap3A_1292 = arith.index_cast %swap3A_1291 : i32 to index
    %swap3A_1293 = arith.constant 48 : index
    %swap3A_1294 = tpu.vector_load %arg5[%swap3A_1292, %swap3A_1293] {strides = array<i32>} : memref<8x128xf32, #tpu.memory_space<vmem>>, vector<1x16xf32>,
    %swap3A_1295 = vector.shape_cast %swap3A_1294 : vector<1x16xf32> to vector<16xf32>
    %swap3A_1296 = vector.shape_cast %add3A_1290 : vector<16xf32> to vector<1x16xf32>
    tpu.vector_store %arg5[%swap3A_1292, %swap3A_1293], %swap3A_1296 {strides = array<i32>} : memref<8x128xf32, #tpu.memory_space<vmem>>, vector<1x16xf32>,
    %eq3A_1297 = arith.constant 1 : i32
    %eq3A_1298 = vector.broadcast %eq3A_1297 : i32 to vector<16xi32>
    %eq3A_1299 = arith.cmpi eq, %select_n3A_1183, %eq3A_1298 : vector<16xi32>
    %jit3A_1300 = arith.constant 0.000000e+00 : f32
    %broadcast_in_dim3A_1301 = vector.broadcast %jit3A_1300 : f32 to vector<16xf32>
    %select_n3A_1302 = arith.select %eq3A_1299, %div3A_1276, %broadcast_in_dim3A_1301 : vector<16xi1>, vector<16xf32>
    %eq3A_1303 = arith.constant 1 : i32
    %eq3A_1304 = vector.broadcast %eq3A_1303 : i32 to vector<16xi32>
    %eq3A_1305 = arith.cmpi eq, %select_n3A_1269, %eq3A_1304 : vector<16xi32>
    %jit3A_1306 = arith.constant 0.000000e+00 : f32
    %broadcast_in_dim3A_1307 = vector.broadcast %jit3A_1306 : f32 to vector<16xf32>
    %select_n3A_1308 = arith.select %eq3A_1305, %div3A_1277, %broadcast_in_dim3A_1307 : vector<16xi1>, vector<16xf32>
    %add3A_1309 = arith.addf %select_n3A_1302, %select_n3A_1308 : vector<16xf32>
    %swap3A_1310 = arith.constant 1 : i32
    %swap3A_1311 = arith.index_cast %swap3A_1310 : i32 to index
    %swap3A_1312 = arith.constant 48 : index
    %swap3A_1313 = tpu.vector_load %arg5[%swap3A_1311, %swap3A_1312] {strides = array<i32>} : memref<8x128xf32, #tpu.memory_space<vmem>>, vector<1x16xf32>,
    %swap3A_1314 = vector.shape_cast %swap3A_1313 : vector<1x16xf32> to vector<16xf32>
    %swap3A_1315 = vector.shape_cast %add3A_1309 : vector<16xf32> to vector<1x16xf32>
    tpu.vector_store %arg5[%swap3A_1311, %swap3A_1312], %swap3A_1315 {strides = array<i32>} : memref<8x128xf32, #tpu.memory_space<vmem>>, vector<1x16xf32>,
    %eq3A_1316 = arith.constant 2 : i32
    %eq3A_1317 = vector.broadcast %eq3A_1316 : i32 to vector<16xi32>
    %eq3A_1318 = arith.cmpi eq, %select_n3A_1183, %eq3A_1317 : vector<16xi32>
    %jit3A_1319 = arith.constant 0.000000e+00 : f32
    %broadcast_in_dim3A_1320 = vector.broadcast %jit3A_1319 : f32 to vector<16xf32>
    %select_n3A_1321 = arith.select %eq3A_1318, %div3A_1276, %broadcast_in_dim3A_1320 : vector<16xi1>, vector<16xf32>
    %eq3A_1322 = arith.constant 2 : i32
    %eq3A_1323 = vector.broadcast %eq3A_1322 : i32 to vector<16xi32>
    %eq3A_1324 = arith.cmpi eq, %select_n3A_1269, %eq3A_1323 : vector<16xi32>
    %jit3A_1325 = arith.constant 0.000000e+00 : f32
    %broadcast_in_dim3A_1326 = vector.broadcast %jit3A_1325 : f32 to vector<16xf32>
    %select_n3A_1327 = arith.select %eq3A_1324, %div3A_1277, %broadcast_in_dim3A_1326 : vector<16xi1>, vector<16xf32>
    %add3A_1328 = arith.addf %select_n3A_1321, %select_n3A_1327 : vector<16xf32>
    %swap3A_1329 = arith.constant 2 : i32
    %swap3A_1330 = arith.index_cast %swap3A_1329 : i32 to index
    %swap3A_1331 = arith.constant 48 : index
    %swap3A_1332 = tpu.vector_load %arg5[%swap3A_1330, %swap3A_1331] {strides = array<i32>} : memref<8x128xf32, #tpu.memory_space<vmem>>, vector<1x16xf32>,
    %swap3A_1333 = vector.shape_cast %swap3A_1332 : vector<1x16xf32> to vector<16xf32>
    %swap3A_1334 = vector.shape_cast %add3A_1328 : vector<16xf32> to vector<1x16xf32>
    tpu.vector_store %arg5[%swap3A_1330, %swap3A_1331], %swap3A_1334 {strides = array<i32>} : memref<8x128xf32, #tpu.memory_space<vmem>>, vector<1x16xf32>,
    %eq3A_1335 = arith.constant 3 : i32
    %eq3A_1336 = vector.broadcast %eq3A_1335 : i32 to vector<16xi32>
    %eq3A_1337 = arith.cmpi eq, %select_n3A_1183, %eq3A_1336 : vector<16xi32>
    %jit3A_1338 = arith.constant 0.000000e+00 : f32
    %broadcast_in_dim3A_1339 = vector.broadcast %jit3A_1338 : f32 to vector<16xf32>
    %select_n3A_1340 = arith.select %eq3A_1337, %div3A_1276, %broadcast_in_dim3A_1339 : vector<16xi1>, vector<16xf32>
    %eq3A_1341 = arith.constant 3 : i32
    %eq3A_1342 = vector.broadcast %eq3A_1341 : i32 to vector<16xi32>
    %eq3A_1343 = arith.cmpi eq, %select_n3A_1269, %eq3A_1342 : vector<16xi32>
    %jit3A_1344 = arith.constant 0.000000e+00 : f32
    %broadcast_in_dim3A_1345 = vector.broadcast %jit3A_1344 : f32 to vector<16xf32>
    %select_n3A_1346 = arith.select %eq3A_1343, %div3A_1277, %broadcast_in_dim3A_1345 : vector<16xi1>, vector<16xf32>
    %add3A_1347 = arith.addf %select_n3A_1340, %select_n3A_1346 : vector<16xf32>
    %swap3A_1348 = arith.constant 3 : i32
    %swap3A_1349 = arith.index_cast %swap3A_1348 : i32 to index
    %swap3A_1350 = arith.constant 48 : index
    %swap3A_1351 = tpu.vector_load %arg5[%swap3A_1349, %swap3A_1350] {strides = array<i32>} : memref<8x128xf32, #tpu.memory_space<vmem>>, vector<1x16xf32>,
    %swap3A_1352 = vector.shape_cast %swap3A_1351 : vector<1x16xf32> to vector<16xf32>
    %swap3A_1353 = vector.shape_cast %add3A_1347 : vector<16xf32> to vector<1x16xf32>
    tpu.vector_store %arg5[%swap3A_1349, %swap3A_1350], %swap3A_1353 {strides = array<i32>} : memref<8x128xf32, #tpu.memory_space<vmem>>, vector<1x16xf32>,
    %eq3A_1354 = arith.constant 4 : i32
    %eq3A_1355 = vector.broadcast %eq3A_1354 : i32 to vector<16xi32>
    %eq3A_1356 = arith.cmpi eq, %select_n3A_1183, %eq3A_1355 : vector<16xi32>
    %jit3A_1357 = arith.constant 0.000000e+00 : f32
    %broadcast_in_dim3A_1358 = vector.broadcast %jit3A_1357 : f32 to vector<16xf32>
    %select_n3A_1359 = arith.select %eq3A_1356, %div3A_1276, %broadcast_in_dim3A_1358 : vector<16xi1>, vector<16xf32>
    %eq3A_1360 = arith.constant 4 : i32
    %eq3A_1361 = vector.broadcast %eq3A_1360 : i32 to vector<16xi32>
    %eq3A_1362 = arith.cmpi eq, %select_n3A_1269, %eq3A_1361 : vector<16xi32>
    %jit3A_1363 = arith.constant 0.000000e+00 : f32
    %broadcast_in_dim3A_1364 = vector.broadcast %jit3A_1363 : f32 to vector<16xf32>
    %select_n3A_1365 = arith.select %eq3A_1362, %div3A_1277, %broadcast_in_dim3A_1364 : vector<16xi1>, vector<16xf32>
    %add3A_1366 = arith.addf %select_n3A_1359, %select_n3A_1365 : vector<16xf32>
    %swap3A_1367 = arith.constant 4 : i32
    %swap3A_1368 = arith.index_cast %swap3A_1367 : i32 to index
    %swap3A_1369 = arith.constant 48 : index
    %swap3A_1370 = tpu.vector_load %arg5[%swap3A_1368, %swap3A_1369] {strides = array<i32>} : memref<8x128xf32, #tpu.memory_space<vmem>>, vector<1x16xf32>,
    %swap3A_1371 = vector.shape_cast %swap3A_1370 : vector<1x16xf32> to vector<16xf32>
    %swap3A_1372 = vector.shape_cast %add3A_1366 : vector<16xf32> to vector<1x16xf32>
    tpu.vector_store %arg5[%swap3A_1368, %swap3A_1369], %swap3A_1372 {strides = array<i32>} : memref<8x128xf32, #tpu.memory_space<vmem>>, vector<1x16xf32>,
    %eq3A_1373 = arith.constant 5 : i32
    %eq3A_1374 = vector.broadcast %eq3A_1373 : i32 to vector<16xi32>
    %eq3A_1375 = arith.cmpi eq, %select_n3A_1183, %eq3A_1374 : vector<16xi32>
    %jit3A_1376 = arith.constant 0.000000e+00 : f32
    %broadcast_in_dim3A_1377 = vector.broadcast %jit3A_1376 : f32 to vector<16xf32>
    %select_n3A_1378 = arith.select %eq3A_1375, %div3A_1276, %broadcast_in_dim3A_1377 : vector<16xi1>, vector<16xf32>
    %eq3A_1379 = arith.constant 5 : i32
    %eq3A_1380 = vector.broadcast %eq3A_1379 : i32 to vector<16xi32>
    %eq3A_1381 = arith.cmpi eq, %select_n3A_1269, %eq3A_1380 : vector<16xi32>
    %jit3A_1382 = arith.constant 0.000000e+00 : f32
    %broadcast_in_dim3A_1383 = vector.broadcast %jit3A_1382 : f32 to vector<16xf32>
    %select_n3A_1384 = arith.select %eq3A_1381, %div3A_1277, %broadcast_in_dim3A_1383 : vector<16xi1>, vector<16xf32>
    %add3A_1385 = arith.addf %select_n3A_1378, %select_n3A_1384 : vector<16xf32>
    %swap3A_1386 = arith.constant 5 : i32
    %swap3A_1387 = arith.index_cast %swap3A_1386 : i32 to index
    %swap3A_1388 = arith.constant 48 : index
    %swap3A_1389 = tpu.vector_load %arg5[%swap3A_1387, %swap3A_1388] {strides = array<i32>} : memref<8x128xf32, #tpu.memory_space<vmem>>, vector<1x16xf32>,
    %swap3A_1390 = vector.shape_cast %swap3A_1389 : vector<1x16xf32> to vector<16xf32>
    %swap3A_1391 = vector.shape_cast %add3A_1385 : vector<16xf32> to vector<1x16xf32>
    tpu.vector_store %arg5[%swap3A_1387, %swap3A_1388], %swap3A_1391 {strides = array<i32>} : memref<8x128xf32, #tpu.memory_space<vmem>>, vector<1x16xf32>,
    %eq3A_1392 = arith.constant 6 : i32
    %eq3A_1393 = vector.broadcast %eq3A_1392 : i32 to vector<16xi32>
    %eq3A_1394 = arith.cmpi eq, %select_n3A_1183, %eq3A_1393 : vector<16xi32>
    %jit3A_1395 = arith.constant 0.000000e+00 : f32
    %broadcast_in_dim3A_1396 = vector.broadcast %jit3A_1395 : f32 to vector<16xf32>
    %select_n3A_1397 = arith.select %eq3A_1394, %div3A_1276, %broadcast_in_dim3A_1396 : vector<16xi1>, vector<16xf32>
    %eq3A_1398 = arith.constant 6 : i32
    %eq3A_1399 = vector.broadcast %eq3A_1398 : i32 to vector<16xi32>
    %eq3A_1400 = arith.cmpi eq, %select_n3A_1269, %eq3A_1399 : vector<16xi32>
    %jit3A_1401 = arith.constant 0.000000e+00 : f32
    %broadcast_in_dim3A_1402 = vector.broadcast %jit3A_1401 : f32 to vector<16xf32>
    %select_n3A_1403 = arith.select %eq3A_1400, %div3A_1277, %broadcast_in_dim3A_1402 : vector<16xi1>, vector<16xf32>
    %add3A_1404 = arith.addf %select_n3A_1397, %select_n3A_1403 : vector<16xf32>
    %swap3A_1405 = arith.constant 6 : i32
    %swap3A_1406 = arith.index_cast %swap3A_1405 : i32 to index
    %swap3A_1407 = arith.constant 48 : index
    %swap3A_1408 = tpu.vector_load %arg5[%swap3A_1406, %swap3A_1407] {strides = array<i32>} : memref<8x128xf32, #tpu.memory_space<vmem>>, vector<1x16xf32>,
    %swap3A_1409 = vector.shape_cast %swap3A_1408 : vector<1x16xf32> to vector<16xf32>
    %swap3A_1410 = vector.shape_cast %add3A_1404 : vector<16xf32> to vector<1x16xf32>
    tpu.vector_store %arg5[%swap3A_1406, %swap3A_1407], %swap3A_1410 {strides = array<i32>} : memref<8x128xf32, #tpu.memory_space<vmem>>, vector<1x16xf32>,
    %eq3A_1411 = arith.constant 7 : i32
    %eq3A_1412 = vector.broadcast %eq3A_1411 : i32 to vector<16xi32>
    %eq3A_1413 = arith.cmpi eq, %select_n3A_1183, %eq3A_1412 : vector<16xi32>
    %jit3A_1414 = arith.constant 0.000000e+00 : f32
    %broadcast_in_dim3A_1415 = vector.broadcast %jit3A_1414 : f32 to vector<16xf32>
    %select_n3A_1416 = arith.select %eq3A_1413, %div3A_1276, %broadcast_in_dim3A_1415 : vector<16xi1>, vector<16xf32>
    %eq3A_1417 = arith.constant 7 : i32
    %eq3A_1418 = vector.broadcast %eq3A_1417 : i32 to vector<16xi32>
    %eq3A_1419 = arith.cmpi eq, %select_n3A_1269, %eq3A_1418 : vector<16xi32>
    %jit3A_1420 = arith.constant 0.000000e+00 : f32
    %broadcast_in_dim3A_1421 = vector.broadcast %jit3A_1420 : f32 to vector<16xf32>
    %select_n3A_1422 = arith.select %eq3A_1419, %div3A_1277, %broadcast_in_dim3A_1421 : vector<16xi1>, vector<16xf32>
    %add3A_1423 = arith.addf %select_n3A_1416, %select_n3A_1422 : vector<16xf32>
    %swap3A_1424 = arith.constant 7 : i32
    %swap3A_1425 = arith.index_cast %swap3A_1424 : i32 to index
    %swap3A_1426 = arith.constant 48 : index
    %swap3A_1427 = tpu.vector_load %arg5[%swap3A_1425, %swap3A_1426] {strides = array<i32>} : memref<8x128xf32, #tpu.memory_space<vmem>>, vector<1x16xf32>,
    %swap3A_1428 = vector.shape_cast %swap3A_1427 : vector<1x16xf32> to vector<16xf32>
    %swap3A_1429 = vector.shape_cast %add3A_1423 : vector<16xf32> to vector<1x16xf32>
    tpu.vector_store %arg5[%swap3A_1425, %swap3A_1426], %swap3A_1429 {strides = array<i32>} : memref<8x128xf32, #tpu.memory_space<vmem>>, vector<1x16xf32>,
    %get3A_1430 = arith.constant 0 : i32
    %get3A_1431 = arith.index_cast %get3A_1430 : i32 to index
    %get3A_1432 = arith.constant 64 : index
    %get3A_1433 = tpu.vector_load %arg4[%get3A_1431, %get3A_1432] {strides = array<i32>} : memref<8x128xf32, #tpu.memory_space<vmem>>, vector<1x16xf32>,
    %get3A_1434 = vector.shape_cast %get3A_1433 : vector<1x16xf32> to vector<16xf32>
    %get3A_1435 = arith.constant 1 : i32
    %get3A_1436 = arith.index_cast %get3A_1435 : i32 to index
    %get3A_1437 = arith.constant 64 : index
    %get3A_1438 = tpu.vector_load %arg4[%get3A_1436, %get3A_1437] {strides = array<i32>} : memref<8x128xf32, #tpu.memory_space<vmem>>, vector<1x16xf32>,
    %get3A_1439 = vector.shape_cast %get3A_1438 : vector<1x16xf32> to vector<16xf32>
    %get3A_1440 = arith.constant 2 : i32
    %get3A_1441 = arith.index_cast %get3A_1440 : i32 to index
    %get3A_1442 = arith.constant 64 : index
    %get3A_1443 = tpu.vector_load %arg4[%get3A_1441, %get3A_1442] {strides = array<i32>} : memref<8x128xf32, #tpu.memory_space<vmem>>, vector<1x16xf32>,
    %get3A_1444 = vector.shape_cast %get3A_1443 : vector<1x16xf32> to vector<16xf32>
    %get3A_1445 = arith.constant 3 : i32
    %get3A_1446 = arith.index_cast %get3A_1445 : i32 to index
    %get3A_1447 = arith.constant 64 : index
    %get3A_1448 = tpu.vector_load %arg4[%get3A_1446, %get3A_1447] {strides = array<i32>} : memref<8x128xf32, #tpu.memory_space<vmem>>, vector<1x16xf32>,
    %get3A_1449 = vector.shape_cast %get3A_1448 : vector<1x16xf32> to vector<16xf32>
    %get3A_1450 = arith.constant 4 : i32
    %get3A_1451 = arith.index_cast %get3A_1450 : i32 to index
    %get3A_1452 = arith.constant 64 : index
    %get3A_1453 = tpu.vector_load %arg4[%get3A_1451, %get3A_1452] {strides = array<i32>} : memref<8x128xf32, #tpu.memory_space<vmem>>, vector<1x16xf32>,
    %get3A_1454 = vector.shape_cast %get3A_1453 : vector<1x16xf32> to vector<16xf32>
    %get3A_1455 = arith.constant 5 : i32
    %get3A_1456 = arith.index_cast %get3A_1455 : i32 to index
    %get3A_1457 = arith.constant 64 : index
    %get3A_1458 = tpu.vector_load %arg4[%get3A_1456, %get3A_1457] {strides = array<i32>} : memref<8x128xf32, #tpu.memory_space<vmem>>, vector<1x16xf32>,
    %get3A_1459 = vector.shape_cast %get3A_1458 : vector<1x16xf32> to vector<16xf32>
    %get3A_1460 = arith.constant 6 : i32
    %get3A_1461 = arith.index_cast %get3A_1460 : i32 to index
    %get3A_1462 = arith.constant 64 : index
    %get3A_1463 = tpu.vector_load %arg4[%get3A_1461, %get3A_1462] {strides = array<i32>} : memref<8x128xf32, #tpu.memory_space<vmem>>, vector<1x16xf32>,
    %get3A_1464 = vector.shape_cast %get3A_1463 : vector<1x16xf32> to vector<16xf32>
    %get3A_1465 = arith.constant 7 : i32
    %get3A_1466 = arith.index_cast %get3A_1465 : i32 to index
    %get3A_1467 = arith.constant 64 : index
    %get3A_1468 = tpu.vector_load %arg4[%get3A_1466, %get3A_1467] {strides = array<i32>} : memref<8x128xf32, #tpu.memory_space<vmem>>, vector<1x16xf32>,
    %get3A_1469 = vector.shape_cast %get3A_1468 : vector<1x16xf32> to vector<16xf32>
    %max3A_1470 = arith.maximumf %get3A_1434, %get3A_1439 : vector<16xf32>
    %max3A_1471 = arith.maximumf %max3A_1470, %get3A_1444 : vector<16xf32>
    %max3A_1472 = arith.maximumf %max3A_1471, %get3A_1449 : vector<16xf32>
    %max3A_1473 = arith.maximumf %max3A_1472, %get3A_1454 : vector<16xf32>
    %max3A_1474 = arith.maximumf %max3A_1473, %get3A_1459 : vector<16xf32>
    %max3A_1475 = arith.maximumf %max3A_1474, %get3A_1464 : vector<16xf32>
    %max3A_1476 = arith.maximumf %max3A_1475, %get3A_1469 : vector<16xf32>
    %sub3A_1477 = arith.subf %get3A_1434, %max3A_1476 : vector<16xf32>
    %exp3A_1478 = math.exp %sub3A_1477 : vector<16xf32>
    %sub3A_1479 = arith.subf %get3A_1439, %max3A_1476 : vector<16xf32>
    %exp3A_1480 = math.exp %sub3A_1479 : vector<16xf32>
    %sub3A_1481 = arith.subf %get3A_1444, %max3A_1476 : vector<16xf32>
    %exp3A_1482 = math.exp %sub3A_1481 : vector<16xf32>
    %sub3A_1483 = arith.subf %get3A_1449, %max3A_1476 : vector<16xf32>
    %exp3A_1484 = math.exp %sub3A_1483 : vector<16xf32>
    %sub3A_1485 = arith.subf %get3A_1454, %max3A_1476 : vector<16xf32>
    %exp3A_1486 = math.exp %sub3A_1485 : vector<16xf32>
    %sub3A_1487 = arith.subf %get3A_1459, %max3A_1476 : vector<16xf32>
    %exp3A_1488 = math.exp %sub3A_1487 : vector<16xf32>
    %sub3A_1489 = arith.subf %get3A_1464, %max3A_1476 : vector<16xf32>
    %exp3A_1490 = math.exp %sub3A_1489 : vector<16xf32>
    %sub3A_1491 = arith.subf %get3A_1469, %max3A_1476 : vector<16xf32>
    %exp3A_1492 = math.exp %sub3A_1491 : vector<16xf32>
    %add3A_1493 = arith.addf %exp3A_1478, %exp3A_1480 : vector<16xf32>
    %add3A_1494 = arith.addf %add3A_1493, %exp3A_1482 : vector<16xf32>
    %add3A_1495 = arith.addf %add3A_1494, %exp3A_1484 : vector<16xf32>
    %add3A_1496 = arith.addf %add3A_1495, %exp3A_1486 : vector<16xf32>
    %add3A_1497 = arith.addf %add3A_1496, %exp3A_1488 : vector<16xf32>
    %add3A_1498 = arith.addf %add3A_1497, %exp3A_1490 : vector<16xf32>
    %add3A_1499 = arith.addf %add3A_1498, %exp3A_1492 : vector<16xf32>
    %broadcast_in_dim3A_1500 = arith.constant 0 : i32
    %broadcast_in_dim3A_1501 = vector.broadcast %broadcast_in_dim3A_1500 : i32 to vector<16xi32>
    %gt3A_1502 = arith.cmpf ogt, %get3A_1439, %get3A_1434 : vector<16xf32>
    %select_n3A_1503 = arith.select %gt3A_1502, %get3A_1439, %get3A_1434 : vector<16xi1>, vector<16xf32>
    %select_n3A_1504 = arith.select %gt3A_1502, %exp3A_1480, %exp3A_1478 : vector<16xi1>, vector<16xf32>
    %jit3A_1505 = arith.constant 1 : i32
    %broadcast_in_dim3A_1506 = vector.broadcast %jit3A_1505 : i32 to vector<16xi32>
    %select_n3A_1507 = arith.select %gt3A_1502, %broadcast_in_dim3A_1506, %broadcast_in_dim3A_1501 : vector<16xi1>, vector<16xi32>
    %gt3A_1508 = arith.cmpf ogt, %get3A_1444, %select_n3A_1503 : vector<16xf32>
    %select_n3A_1509 = arith.select %gt3A_1508, %get3A_1444, %select_n3A_1503 : vector<16xi1>, vector<16xf32>
    %select_n3A_1510 = arith.select %gt3A_1508, %exp3A_1482, %select_n3A_1504 : vector<16xi1>, vector<16xf32>
    %jit3A_1511 = arith.constant 2 : i32
    %broadcast_in_dim3A_1512 = vector.broadcast %jit3A_1511 : i32 to vector<16xi32>
    %select_n3A_1513 = arith.select %gt3A_1508, %broadcast_in_dim3A_1512, %select_n3A_1507 : vector<16xi1>, vector<16xi32>
    %gt3A_1514 = arith.cmpf ogt, %get3A_1449, %select_n3A_1509 : vector<16xf32>
    %select_n3A_1515 = arith.select %gt3A_1514, %get3A_1449, %select_n3A_1509 : vector<16xi1>, vector<16xf32>
    %select_n3A_1516 = arith.select %gt3A_1514, %exp3A_1484, %select_n3A_1510 : vector<16xi1>, vector<16xf32>
    %jit3A_1517 = arith.constant 3 : i32
    %broadcast_in_dim3A_1518 = vector.broadcast %jit3A_1517 : i32 to vector<16xi32>
    %select_n3A_1519 = arith.select %gt3A_1514, %broadcast_in_dim3A_1518, %select_n3A_1513 : vector<16xi1>, vector<16xi32>
    %gt3A_1520 = arith.cmpf ogt, %get3A_1454, %select_n3A_1515 : vector<16xf32>
    %select_n3A_1521 = arith.select %gt3A_1520, %get3A_1454, %select_n3A_1515 : vector<16xi1>, vector<16xf32>
    %select_n3A_1522 = arith.select %gt3A_1520, %exp3A_1486, %select_n3A_1516 : vector<16xi1>, vector<16xf32>
    %jit3A_1523 = arith.constant 4 : i32
    %broadcast_in_dim3A_1524 = vector.broadcast %jit3A_1523 : i32 to vector<16xi32>
    %select_n3A_1525 = arith.select %gt3A_1520, %broadcast_in_dim3A_1524, %select_n3A_1519 : vector<16xi1>, vector<16xi32>
    %gt3A_1526 = arith.cmpf ogt, %get3A_1459, %select_n3A_1521 : vector<16xf32>
    %select_n3A_1527 = arith.select %gt3A_1526, %get3A_1459, %select_n3A_1521 : vector<16xi1>, vector<16xf32>
    %select_n3A_1528 = arith.select %gt3A_1526, %exp3A_1488, %select_n3A_1522 : vector<16xi1>, vector<16xf32>
    %jit3A_1529 = arith.constant 5 : i32
    %broadcast_in_dim3A_1530 = vector.broadcast %jit3A_1529 : i32 to vector<16xi32>
    %select_n3A_1531 = arith.select %gt3A_1526, %broadcast_in_dim3A_1530, %select_n3A_1525 : vector<16xi1>, vector<16xi32>
    %gt3A_1532 = arith.cmpf ogt, %get3A_1464, %select_n3A_1527 : vector<16xf32>
    %select_n3A_1533 = arith.select %gt3A_1532, %get3A_1464, %select_n3A_1527 : vector<16xi1>, vector<16xf32>
    %select_n3A_1534 = arith.select %gt3A_1532, %exp3A_1490, %select_n3A_1528 : vector<16xi1>, vector<16xf32>
    %jit3A_1535 = arith.constant 6 : i32
    %broadcast_in_dim3A_1536 = vector.broadcast %jit3A_1535 : i32 to vector<16xi32>
    %select_n3A_1537 = arith.select %gt3A_1532, %broadcast_in_dim3A_1536, %select_n3A_1531 : vector<16xi1>, vector<16xi32>
    %gt3A_1538 = arith.cmpf ogt, %get3A_1469, %select_n3A_1533 : vector<16xf32>
    %select_n3A_1539 = arith.select %gt3A_1538, %get3A_1469, %select_n3A_1533 : vector<16xi1>, vector<16xf32>
    %select_n3A_1540 = arith.select %gt3A_1538, %exp3A_1492, %select_n3A_1534 : vector<16xi1>, vector<16xf32>
    %jit3A_1541 = arith.constant 7 : i32
    %broadcast_in_dim3A_1542 = vector.broadcast %jit3A_1541 : i32 to vector<16xi32>
    %select_n3A_1543 = arith.select %gt3A_1538, %broadcast_in_dim3A_1542, %select_n3A_1537 : vector<16xi1>, vector<16xi32>
    %broadcast_in_dim3A_1544 = arith.constant 0xFF800000 : f32
    %broadcast_in_dim3A_1545 = vector.broadcast %broadcast_in_dim3A_1544 : f32 to vector<16xf32>
    %broadcast_in_dim3A_1546 = arith.constant 0.000000e+00 : f32
    %broadcast_in_dim3A_1547 = vector.broadcast %broadcast_in_dim3A_1546 : f32 to vector<16xf32>
    %broadcast_in_dim3A_1548 = arith.constant 8 : i32
    %broadcast_in_dim3A_1549 = vector.broadcast %broadcast_in_dim3A_1548 : i32 to vector<16xi32>
    %gt3A_1550 = arith.cmpf ogt, %get3A_1434, %broadcast_in_dim3A_1545 : vector<16xf32>
    %ne3A_1551 = arith.constant 0 : i32
    %ne3A_1552 = vector.broadcast %ne3A_1551 : i32 to vector<16xi32>
    %ne3A_1553 = arith.cmpi ne, %select_n3A_1543, %ne3A_1552 : vector<16xi32>
    %and3A_1554 = arith.andi %gt3A_1550, %ne3A_1553 : vector<16xi1>
    %select_n3A_1555 = arith.select %and3A_1554, %get3A_1434, %broadcast_in_dim3A_1545 : vector<16xi1>, vector<16xf32>
    %select_n3A_1556 = arith.select %and3A_1554, %exp3A_1478, %broadcast_in_dim3A_1547 : vector<16xi1>, vector<16xf32>
    %jit3A_1557 = arith.constant 0 : i32
    %broadcast_in_dim3A_1558 = vector.broadcast %jit3A_1557 : i32 to vector<16xi32>
    %select_n3A_1559 = arith.select %and3A_1554, %broadcast_in_dim3A_1558, %broadcast_in_dim3A_1549 : vector<16xi1>, vector<16xi32>
    %gt3A_1560 = arith.cmpf ogt, %get3A_1439, %select_n3A_1555 : vector<16xf32>
    %ne3A_1561 = arith.constant 1 : i32
    %ne3A_1562 = vector.broadcast %ne3A_1561 : i32 to vector<16xi32>
    %ne3A_1563 = arith.cmpi ne, %select_n3A_1543, %ne3A_1562 : vector<16xi32>
    %and3A_1564 = arith.andi %gt3A_1560, %ne3A_1563 : vector<16xi1>
    %select_n3A_1565 = arith.select %and3A_1564, %get3A_1439, %select_n3A_1555 : vector<16xi1>, vector<16xf32>
    %select_n3A_1566 = arith.select %and3A_1564, %exp3A_1480, %select_n3A_1556 : vector<16xi1>, vector<16xf32>
    %jit3A_1567 = arith.constant 1 : i32
    %broadcast_in_dim3A_1568 = vector.broadcast %jit3A_1567 : i32 to vector<16xi32>
    %select_n3A_1569 = arith.select %and3A_1564, %broadcast_in_dim3A_1568, %select_n3A_1559 : vector<16xi1>, vector<16xi32>
    %gt3A_1570 = arith.cmpf ogt, %get3A_1444, %select_n3A_1565 : vector<16xf32>
    %ne3A_1571 = arith.constant 2 : i32
    %ne3A_1572 = vector.broadcast %ne3A_1571 : i32 to vector<16xi32>
    %ne3A_1573 = arith.cmpi ne, %select_n3A_1543, %ne3A_1572 : vector<16xi32>
    %and3A_1574 = arith.andi %gt3A_1570, %ne3A_1573 : vector<16xi1>
    %select_n3A_1575 = arith.select %and3A_1574, %get3A_1444, %select_n3A_1565 : vector<16xi1>, vector<16xf32>
    %select_n3A_1576 = arith.select %and3A_1574, %exp3A_1482, %select_n3A_1566 : vector<16xi1>, vector<16xf32>
    %jit3A_1577 = arith.constant 2 : i32
    %broadcast_in_dim3A_1578 = vector.broadcast %jit3A_1577 : i32 to vector<16xi32>
    %select_n3A_1579 = arith.select %and3A_1574, %broadcast_in_dim3A_1578, %select_n3A_1569 : vector<16xi1>, vector<16xi32>
    %gt3A_1580 = arith.cmpf ogt, %get3A_1449, %select_n3A_1575 : vector<16xf32>
    %ne3A_1581 = arith.constant 3 : i32
    %ne3A_1582 = vector.broadcast %ne3A_1581 : i32 to vector<16xi32>
    %ne3A_1583 = arith.cmpi ne, %select_n3A_1543, %ne3A_1582 : vector<16xi32>
    %and3A_1584 = arith.andi %gt3A_1580, %ne3A_1583 : vector<16xi1>
    %select_n3A_1585 = arith.select %and3A_1584, %get3A_1449, %select_n3A_1575 : vector<16xi1>, vector<16xf32>
    %select_n3A_1586 = arith.select %and3A_1584, %exp3A_1484, %select_n3A_1576 : vector<16xi1>, vector<16xf32>
    %jit3A_1587 = arith.constant 3 : i32
    %broadcast_in_dim3A_1588 = vector.broadcast %jit3A_1587 : i32 to vector<16xi32>
    %select_n3A_1589 = arith.select %and3A_1584, %broadcast_in_dim3A_1588, %select_n3A_1579 : vector<16xi1>, vector<16xi32>
    %gt3A_1590 = arith.cmpf ogt, %get3A_1454, %select_n3A_1585 : vector<16xf32>
    %ne3A_1591 = arith.constant 4 : i32
    %ne3A_1592 = vector.broadcast %ne3A_1591 : i32 to vector<16xi32>
    %ne3A_1593 = arith.cmpi ne, %select_n3A_1543, %ne3A_1592 : vector<16xi32>
    %and3A_1594 = arith.andi %gt3A_1590, %ne3A_1593 : vector<16xi1>
    %select_n3A_1595 = arith.select %and3A_1594, %get3A_1454, %select_n3A_1585 : vector<16xi1>, vector<16xf32>
    %select_n3A_1596 = arith.select %and3A_1594, %exp3A_1486, %select_n3A_1586 : vector<16xi1>, vector<16xf32>
    %jit3A_1597 = arith.constant 4 : i32
    %broadcast_in_dim3A_1598 = vector.broadcast %jit3A_1597 : i32 to vector<16xi32>
    %select_n3A_1599 = arith.select %and3A_1594, %broadcast_in_dim3A_1598, %select_n3A_1589 : vector<16xi1>, vector<16xi32>
    %gt3A_1600 = arith.cmpf ogt, %get3A_1459, %select_n3A_1595 : vector<16xf32>
    %ne3A_1601 = arith.constant 5 : i32
    %ne3A_1602 = vector.broadcast %ne3A_1601 : i32 to vector<16xi32>
    %ne3A_1603 = arith.cmpi ne, %select_n3A_1543, %ne3A_1602 : vector<16xi32>
    %and3A_1604 = arith.andi %gt3A_1600, %ne3A_1603 : vector<16xi1>
    %select_n3A_1605 = arith.select %and3A_1604, %get3A_1459, %select_n3A_1595 : vector<16xi1>, vector<16xf32>
    %select_n3A_1606 = arith.select %and3A_1604, %exp3A_1488, %select_n3A_1596 : vector<16xi1>, vector<16xf32>
    %jit3A_1607 = arith.constant 5 : i32
    %broadcast_in_dim3A_1608 = vector.broadcast %jit3A_1607 : i32 to vector<16xi32>
    %select_n3A_1609 = arith.select %and3A_1604, %broadcast_in_dim3A_1608, %select_n3A_1599 : vector<16xi1>, vector<16xi32>
    %gt3A_1610 = arith.cmpf ogt, %get3A_1464, %select_n3A_1605 : vector<16xf32>
    %ne3A_1611 = arith.constant 6 : i32
    %ne3A_1612 = vector.broadcast %ne3A_1611 : i32 to vector<16xi32>
    %ne3A_1613 = arith.cmpi ne, %select_n3A_1543, %ne3A_1612 : vector<16xi32>
    %and3A_1614 = arith.andi %gt3A_1610, %ne3A_1613 : vector<16xi1>
    %select_n3A_1615 = arith.select %and3A_1614, %get3A_1464, %select_n3A_1605 : vector<16xi1>, vector<16xf32>
    %select_n3A_1616 = arith.select %and3A_1614, %exp3A_1490, %select_n3A_1606 : vector<16xi1>, vector<16xf32>
    %jit3A_1617 = arith.constant 6 : i32
    %broadcast_in_dim3A_1618 = vector.broadcast %jit3A_1617 : i32 to vector<16xi32>
    %select_n3A_1619 = arith.select %and3A_1614, %broadcast_in_dim3A_1618, %select_n3A_1609 : vector<16xi1>, vector<16xi32>
    %gt3A_1620 = arith.cmpf ogt, %get3A_1469, %select_n3A_1615 : vector<16xf32>
    %ne3A_1621 = arith.constant 7 : i32
    %ne3A_1622 = vector.broadcast %ne3A_1621 : i32 to vector<16xi32>
    %ne3A_1623 = arith.cmpi ne, %select_n3A_1543, %ne3A_1622 : vector<16xi32>
    %and3A_1624 = arith.andi %gt3A_1620, %ne3A_1623 : vector<16xi1>
    %select_n3A_1625 = arith.select %and3A_1624, %get3A_1469, %select_n3A_1615 : vector<16xi1>, vector<16xf32>
    %select_n3A_1626 = arith.select %and3A_1624, %exp3A_1492, %select_n3A_1616 : vector<16xi1>, vector<16xf32>
    %jit3A_1627 = arith.constant 7 : i32
    %broadcast_in_dim3A_1628 = vector.broadcast %jit3A_1627 : i32 to vector<16xi32>
    %select_n3A_1629 = arith.select %and3A_1624, %broadcast_in_dim3A_1628, %select_n3A_1619 : vector<16xi1>, vector<16xi32>
    %div3A_1630 = arith.divf %select_n3A_1540, %add3A_1499 : vector<16xf32>
    %div3A_1631 = arith.divf %select_n3A_1626, %add3A_1499 : vector<16xf32>
    %add3A_1632 = arith.addf %div3A_1630, %div3A_1631 : vector<16xf32>
    %add3A_1633 = arith.constant 9.99999971E-10 : f32
    %add3A_1634 = vector.broadcast %add3A_1633 : f32 to vector<16xf32>
    %add3A_1635 = arith.addf %add3A_1632, %add3A_1634 : vector<16xf32>
    %div3A_1636 = arith.divf %div3A_1630, %add3A_1635 : vector<16xf32>
    %div3A_1637 = arith.divf %div3A_1631, %add3A_1635 : vector<16xf32>
    %eq3A_1638 = arith.constant 0 : i32
    %eq3A_1639 = vector.broadcast %eq3A_1638 : i32 to vector<16xi32>
    %eq3A_1640 = arith.cmpi eq, %select_n3A_1543, %eq3A_1639 : vector<16xi32>
    %jit3A_1641 = arith.constant 0.000000e+00 : f32
    %broadcast_in_dim3A_1642 = vector.broadcast %jit3A_1641 : f32 to vector<16xf32>
    %select_n3A_1643 = arith.select %eq3A_1640, %div3A_1636, %broadcast_in_dim3A_1642 : vector<16xi1>, vector<16xf32>
    %eq3A_1644 = arith.constant 0 : i32
    %eq3A_1645 = vector.broadcast %eq3A_1644 : i32 to vector<16xi32>
    %eq3A_1646 = arith.cmpi eq, %select_n3A_1629, %eq3A_1645 : vector<16xi32>
    %jit3A_1647 = arith.constant 0.000000e+00 : f32
    %broadcast_in_dim3A_1648 = vector.broadcast %jit3A_1647 : f32 to vector<16xf32>
    %select_n3A_1649 = arith.select %eq3A_1646, %div3A_1637, %broadcast_in_dim3A_1648 : vector<16xi1>, vector<16xf32>
    %add3A_1650 = arith.addf %select_n3A_1643, %select_n3A_1649 : vector<16xf32>
    %swap3A_1651 = arith.constant 0 : i32
    %swap3A_1652 = arith.index_cast %swap3A_1651 : i32 to index
    %swap3A_1653 = arith.constant 64 : index
    %swap3A_1654 = tpu.vector_load %arg5[%swap3A_1652, %swap3A_1653] {strides = array<i32>} : memref<8x128xf32, #tpu.memory_space<vmem>>, vector<1x16xf32>,
    %swap3A_1655 = vector.shape_cast %swap3A_1654 : vector<1x16xf32> to vector<16xf32>
    %swap3A_1656 = vector.shape_cast %add3A_1650 : vector<16xf32> to vector<1x16xf32>
    tpu.vector_store %arg5[%swap3A_1652, %swap3A_1653], %swap3A_1656 {strides = array<i32>} : memref<8x128xf32, #tpu.memory_space<vmem>>, vector<1x16xf32>,
    %eq3A_1657 = arith.constant 1 : i32
    %eq3A_1658 = vector.broadcast %eq3A_1657 : i32 to vector<16xi32>
    %eq3A_1659 = arith.cmpi eq, %select_n3A_1543, %eq3A_1658 : vector<16xi32>
    %jit3A_1660 = arith.constant 0.000000e+00 : f32
    %broadcast_in_dim3A_1661 = vector.broadcast %jit3A_1660 : f32 to vector<16xf32>
    %select_n3A_1662 = arith.select %eq3A_1659, %div3A_1636, %broadcast_in_dim3A_1661 : vector<16xi1>, vector<16xf32>
    %eq3A_1663 = arith.constant 1 : i32
    %eq3A_1664 = vector.broadcast %eq3A_1663 : i32 to vector<16xi32>
    %eq3A_1665 = arith.cmpi eq, %select_n3A_1629, %eq3A_1664 : vector<16xi32>
    %jit3A_1666 = arith.constant 0.000000e+00 : f32
    %broadcast_in_dim3A_1667 = vector.broadcast %jit3A_1666 : f32 to vector<16xf32>
    %select_n3A_1668 = arith.select %eq3A_1665, %div3A_1637, %broadcast_in_dim3A_1667 : vector<16xi1>, vector<16xf32>
    %add3A_1669 = arith.addf %select_n3A_1662, %select_n3A_1668 : vector<16xf32>
    %swap3A_1670 = arith.constant 1 : i32
    %swap3A_1671 = arith.index_cast %swap3A_1670 : i32 to index
    %swap3A_1672 = arith.constant 64 : index
    %swap3A_1673 = tpu.vector_load %arg5[%swap3A_1671, %swap3A_1672] {strides = array<i32>} : memref<8x128xf32, #tpu.memory_space<vmem>>, vector<1x16xf32>,
    %swap3A_1674 = vector.shape_cast %swap3A_1673 : vector<1x16xf32> to vector<16xf32>
    %swap3A_1675 = vector.shape_cast %add3A_1669 : vector<16xf32> to vector<1x16xf32>
    tpu.vector_store %arg5[%swap3A_1671, %swap3A_1672], %swap3A_1675 {strides = array<i32>} : memref<8x128xf32, #tpu.memory_space<vmem>>, vector<1x16xf32>,
    %eq3A_1676 = arith.constant 2 : i32
    %eq3A_1677 = vector.broadcast %eq3A_1676 : i32 to vector<16xi32>
    %eq3A_1678 = arith.cmpi eq, %select_n3A_1543, %eq3A_1677 : vector<16xi32>
    %jit3A_1679 = arith.constant 0.000000e+00 : f32
    %broadcast_in_dim3A_1680 = vector.broadcast %jit3A_1679 : f32 to vector<16xf32>
    %select_n3A_1681 = arith.select %eq3A_1678, %div3A_1636, %broadcast_in_dim3A_1680 : vector<16xi1>, vector<16xf32>
    %eq3A_1682 = arith.constant 2 : i32
    %eq3A_1683 = vector.broadcast %eq3A_1682 : i32 to vector<16xi32>
    %eq3A_1684 = arith.cmpi eq, %select_n3A_1629, %eq3A_1683 : vector<16xi32>
    %jit3A_1685 = arith.constant 0.000000e+00 : f32
    %broadcast_in_dim3A_1686 = vector.broadcast %jit3A_1685 : f32 to vector<16xf32>
    %select_n3A_1687 = arith.select %eq3A_1684, %div3A_1637, %broadcast_in_dim3A_1686 : vector<16xi1>, vector<16xf32>
    %add3A_1688 = arith.addf %select_n3A_1681, %select_n3A_1687 : vector<16xf32>
    %swap3A_1689 = arith.constant 2 : i32
    %swap3A_1690 = arith.index_cast %swap3A_1689 : i32 to index
    %swap3A_1691 = arith.constant 64 : index
    %swap3A_1692 = tpu.vector_load %arg5[%swap3A_1690, %swap3A_1691] {strides = array<i32>} : memref<8x128xf32, #tpu.memory_space<vmem>>, vector<1x16xf32>,
    %swap3A_1693 = vector.shape_cast %swap3A_1692 : vector<1x16xf32> to vector<16xf32>
    %swap3A_1694 = vector.shape_cast %add3A_1688 : vector<16xf32> to vector<1x16xf32>
    tpu.vector_store %arg5[%swap3A_1690, %swap3A_1691], %swap3A_1694 {strides = array<i32>} : memref<8x128xf32, #tpu.memory_space<vmem>>, vector<1x16xf32>,
    %eq3A_1695 = arith.constant 3 : i32
    %eq3A_1696 = vector.broadcast %eq3A_1695 : i32 to vector<16xi32>
    %eq3A_1697 = arith.cmpi eq, %select_n3A_1543, %eq3A_1696 : vector<16xi32>
    %jit3A_1698 = arith.constant 0.000000e+00 : f32
    %broadcast_in_dim3A_1699 = vector.broadcast %jit3A_1698 : f32 to vector<16xf32>
    %select_n3A_1700 = arith.select %eq3A_1697, %div3A_1636, %broadcast_in_dim3A_1699 : vector<16xi1>, vector<16xf32>
    %eq3A_1701 = arith.constant 3 : i32
    %eq3A_1702 = vector.broadcast %eq3A_1701 : i32 to vector<16xi32>
    %eq3A_1703 = arith.cmpi eq, %select_n3A_1629, %eq3A_1702 : vector<16xi32>
    %jit3A_1704 = arith.constant 0.000000e+00 : f32
    %broadcast_in_dim3A_1705 = vector.broadcast %jit3A_1704 : f32 to vector<16xf32>
    %select_n3A_1706 = arith.select %eq3A_1703, %div3A_1637, %broadcast_in_dim3A_1705 : vector<16xi1>, vector<16xf32>
    %add3A_1707 = arith.addf %select_n3A_1700, %select_n3A_1706 : vector<16xf32>
    %swap3A_1708 = arith.constant 3 : i32
    %swap3A_1709 = arith.index_cast %swap3A_1708 : i32 to index
    %swap3A_1710 = arith.constant 64 : index
    %swap3A_1711 = tpu.vector_load %arg5[%swap3A_1709, %swap3A_1710] {strides = array<i32>} : memref<8x128xf32, #tpu.memory_space<vmem>>, vector<1x16xf32>,
    %swap3A_1712 = vector.shape_cast %swap3A_1711 : vector<1x16xf32> to vector<16xf32>
    %swap3A_1713 = vector.shape_cast %add3A_1707 : vector<16xf32> to vector<1x16xf32>
    tpu.vector_store %arg5[%swap3A_1709, %swap3A_1710], %swap3A_1713 {strides = array<i32>} : memref<8x128xf32, #tpu.memory_space<vmem>>, vector<1x16xf32>,
    %eq3A_1714 = arith.constant 4 : i32
    %eq3A_1715 = vector.broadcast %eq3A_1714 : i32 to vector<16xi32>
    %eq3A_1716 = arith.cmpi eq, %select_n3A_1543, %eq3A_1715 : vector<16xi32>
    %jit3A_1717 = arith.constant 0.000000e+00 : f32
    %broadcast_in_dim3A_1718 = vector.broadcast %jit3A_1717 : f32 to vector<16xf32>
    %select_n3A_1719 = arith.select %eq3A_1716, %div3A_1636, %broadcast_in_dim3A_1718 : vector<16xi1>, vector<16xf32>
    %eq3A_1720 = arith.constant 4 : i32
    %eq3A_1721 = vector.broadcast %eq3A_1720 : i32 to vector<16xi32>
    %eq3A_1722 = arith.cmpi eq, %select_n3A_1629, %eq3A_1721 : vector<16xi32>
    %jit3A_1723 = arith.constant 0.000000e+00 : f32
    %broadcast_in_dim3A_1724 = vector.broadcast %jit3A_1723 : f32 to vector<16xf32>
    %select_n3A_1725 = arith.select %eq3A_1722, %div3A_1637, %broadcast_in_dim3A_1724 : vector<16xi1>, vector<16xf32>
    %add3A_1726 = arith.addf %select_n3A_1719, %select_n3A_1725 : vector<16xf32>
    %swap3A_1727 = arith.constant 4 : i32
    %swap3A_1728 = arith.index_cast %swap3A_1727 : i32 to index
    %swap3A_1729 = arith.constant 64 : index
    %swap3A_1730 = tpu.vector_load %arg5[%swap3A_1728, %swap3A_1729] {strides = array<i32>} : memref<8x128xf32, #tpu.memory_space<vmem>>, vector<1x16xf32>,
    %swap3A_1731 = vector.shape_cast %swap3A_1730 : vector<1x16xf32> to vector<16xf32>
    %swap3A_1732 = vector.shape_cast %add3A_1726 : vector<16xf32> to vector<1x16xf32>
    tpu.vector_store %arg5[%swap3A_1728, %swap3A_1729], %swap3A_1732 {strides = array<i32>} : memref<8x128xf32, #tpu.memory_space<vmem>>, vector<1x16xf32>,
    %eq3A_1733 = arith.constant 5 : i32
    %eq3A_1734 = vector.broadcast %eq3A_1733 : i32 to vector<16xi32>
    %eq3A_1735 = arith.cmpi eq, %select_n3A_1543, %eq3A_1734 : vector<16xi32>
    %jit3A_1736 = arith.constant 0.000000e+00 : f32
    %broadcast_in_dim3A_1737 = vector.broadcast %jit3A_1736 : f32 to vector<16xf32>
    %select_n3A_1738 = arith.select %eq3A_1735, %div3A_1636, %broadcast_in_dim3A_1737 : vector<16xi1>, vector<16xf32>
    %eq3A_1739 = arith.constant 5 : i32
    %eq3A_1740 = vector.broadcast %eq3A_1739 : i32 to vector<16xi32>
    %eq3A_1741 = arith.cmpi eq, %select_n3A_1629, %eq3A_1740 : vector<16xi32>
    %jit3A_1742 = arith.constant 0.000000e+00 : f32
    %broadcast_in_dim3A_1743 = vector.broadcast %jit3A_1742 : f32 to vector<16xf32>
    %select_n3A_1744 = arith.select %eq3A_1741, %div3A_1637, %broadcast_in_dim3A_1743 : vector<16xi1>, vector<16xf32>
    %add3A_1745 = arith.addf %select_n3A_1738, %select_n3A_1744 : vector<16xf32>
    %swap3A_1746 = arith.constant 5 : i32
    %swap3A_1747 = arith.index_cast %swap3A_1746 : i32 to index
    %swap3A_1748 = arith.constant 64 : index
    %swap3A_1749 = tpu.vector_load %arg5[%swap3A_1747, %swap3A_1748] {strides = array<i32>} : memref<8x128xf32, #tpu.memory_space<vmem>>, vector<1x16xf32>,
    %swap3A_1750 = vector.shape_cast %swap3A_1749 : vector<1x16xf32> to vector<16xf32>
    %swap3A_1751 = vector.shape_cast %add3A_1745 : vector<16xf32> to vector<1x16xf32>
    tpu.vector_store %arg5[%swap3A_1747, %swap3A_1748], %swap3A_1751 {strides = array<i32>} : memref<8x128xf32, #tpu.memory_space<vmem>>, vector<1x16xf32>,
    %eq3A_1752 = arith.constant 6 : i32
    %eq3A_1753 = vector.broadcast %eq3A_1752 : i32 to vector<16xi32>
    %eq3A_1754 = arith.cmpi eq, %select_n3A_1543, %eq3A_1753 : vector<16xi32>
    %jit3A_1755 = arith.constant 0.000000e+00 : f32
    %broadcast_in_dim3A_1756 = vector.broadcast %jit3A_1755 : f32 to vector<16xf32>
    %select_n3A_1757 = arith.select %eq3A_1754, %div3A_1636, %broadcast_in_dim3A_1756 : vector<16xi1>, vector<16xf32>
    %eq3A_1758 = arith.constant 6 : i32
    %eq3A_1759 = vector.broadcast %eq3A_1758 : i32 to vector<16xi32>
    %eq3A_1760 = arith.cmpi eq, %select_n3A_1629, %eq3A_1759 : vector<16xi32>
    %jit3A_1761 = arith.constant 0.000000e+00 : f32
    %broadcast_in_dim3A_1762 = vector.broadcast %jit3A_1761 : f32 to vector<16xf32>
    %select_n3A_1763 = arith.select %eq3A_1760, %div3A_1637, %broadcast_in_dim3A_1762 : vector<16xi1>, vector<16xf32>
    %add3A_1764 = arith.addf %select_n3A_1757, %select_n3A_1763 : vector<16xf32>
    %swap3A_1765 = arith.constant 6 : i32
    %swap3A_1766 = arith.index_cast %swap3A_1765 : i32 to index
    %swap3A_1767 = arith.constant 64 : index
    %swap3A_1768 = tpu.vector_load %arg5[%swap3A_1766, %swap3A_1767] {strides = array<i32>} : memref<8x128xf32, #tpu.memory_space<vmem>>, vector<1x16xf32>,
    %swap3A_1769 = vector.shape_cast %swap3A_1768 : vector<1x16xf32> to vector<16xf32>
    %swap3A_1770 = vector.shape_cast %add3A_1764 : vector<16xf32> to vector<1x16xf32>
    tpu.vector_store %arg5[%swap3A_1766, %swap3A_1767], %swap3A_1770 {strides = array<i32>} : memref<8x128xf32, #tpu.memory_space<vmem>>, vector<1x16xf32>,
    %eq3A_1771 = arith.constant 7 : i32
    %eq3A_1772 = vector.broadcast %eq3A_1771 : i32 to vector<16xi32>
    %eq3A_1773 = arith.cmpi eq, %select_n3A_1543, %eq3A_1772 : vector<16xi32>
    %jit3A_1774 = arith.constant 0.000000e+00 : f32
    %broadcast_in_dim3A_1775 = vector.broadcast %jit3A_1774 : f32 to vector<16xf32>
    %select_n3A_1776 = arith.select %eq3A_1773, %div3A_1636, %broadcast_in_dim3A_1775 : vector<16xi1>, vector<16xf32>
    %eq3A_1777 = arith.constant 7 : i32
    %eq3A_1778 = vector.broadcast %eq3A_1777 : i32 to vector<16xi32>
    %eq3A_1779 = arith.cmpi eq, %select_n3A_1629, %eq3A_1778 : vector<16xi32>
    %jit3A_1780 = arith.constant 0.000000e+00 : f32
    %broadcast_in_dim3A_1781 = vector.broadcast %jit3A_1780 : f32 to vector<16xf32>
    %select_n3A_1782 = arith.select %eq3A_1779, %div3A_1637, %broadcast_in_dim3A_1781 : vector<16xi1>, vector<16xf32>
    %add3A_1783 = arith.addf %select_n3A_1776, %select_n3A_1782 : vector<16xf32>
    %swap3A_1784 = arith.constant 7 : i32
    %swap3A_1785 = arith.index_cast %swap3A_1784 : i32 to index
    %swap3A_1786 = arith.constant 64 : index
    %swap3A_1787 = tpu.vector_load %arg5[%swap3A_1785, %swap3A_1786] {strides = array<i32>} : memref<8x128xf32, #tpu.memory_space<vmem>>, vector<1x16xf32>,
    %swap3A_1788 = vector.shape_cast %swap3A_1787 : vector<1x16xf32> to vector<16xf32>
    %swap3A_1789 = vector.shape_cast %add3A_1783 : vector<16xf32> to vector<1x16xf32>
    tpu.vector_store %arg5[%swap3A_1785, %swap3A_1786], %swap3A_1789 {strides = array<i32>} : memref<8x128xf32, #tpu.memory_space<vmem>>, vector<1x16xf32>,
    %get3A_1790 = arith.constant 0 : i32
    %get3A_1791 = arith.index_cast %get3A_1790 : i32 to index
    %get3A_1792 = arith.constant 80 : index
    %get3A_1793 = tpu.vector_load %arg4[%get3A_1791, %get3A_1792] {strides = array<i32>} : memref<8x128xf32, #tpu.memory_space<vmem>>, vector<1x16xf32>,
    %get3A_1794 = vector.shape_cast %get3A_1793 : vector<1x16xf32> to vector<16xf32>
    %get3A_1795 = arith.constant 1 : i32
    %get3A_1796 = arith.index_cast %get3A_1795 : i32 to index
    %get3A_1797 = arith.constant 80 : index
    %get3A_1798 = tpu.vector_load %arg4[%get3A_1796, %get3A_1797] {strides = array<i32>} : memref<8x128xf32, #tpu.memory_space<vmem>>, vector<1x16xf32>,
    %get3A_1799 = vector.shape_cast %get3A_1798 : vector<1x16xf32> to vector<16xf32>
    %get3A_1800 = arith.constant 2 : i32
    %get3A_1801 = arith.index_cast %get3A_1800 : i32 to index
    %get3A_1802 = arith.constant 80 : index
    %get3A_1803 = tpu.vector_load %arg4[%get3A_1801, %get3A_1802] {strides = array<i32>} : memref<8x128xf32, #tpu.memory_space<vmem>>, vector<1x16xf32>,
    %get3A_1804 = vector.shape_cast %get3A_1803 : vector<1x16xf32> to vector<16xf32>
    %get3A_1805 = arith.constant 3 : i32
    %get3A_1806 = arith.index_cast %get3A_1805 : i32 to index
    %get3A_1807 = arith.constant 80 : index
    %get3A_1808 = tpu.vector_load %arg4[%get3A_1806, %get3A_1807] {strides = array<i32>} : memref<8x128xf32, #tpu.memory_space<vmem>>, vector<1x16xf32>,
    %get3A_1809 = vector.shape_cast %get3A_1808 : vector<1x16xf32> to vector<16xf32>
    %get3A_1810 = arith.constant 4 : i32
    %get3A_1811 = arith.index_cast %get3A_1810 : i32 to index
    %get3A_1812 = arith.constant 80 : index
    %get3A_1813 = tpu.vector_load %arg4[%get3A_1811, %get3A_1812] {strides = array<i32>} : memref<8x128xf32, #tpu.memory_space<vmem>>, vector<1x16xf32>,
    %get3A_1814 = vector.shape_cast %get3A_1813 : vector<1x16xf32> to vector<16xf32>
    %get3A_1815 = arith.constant 5 : i32
    %get3A_1816 = arith.index_cast %get3A_1815 : i32 to index
    %get3A_1817 = arith.constant 80 : index
    %get3A_1818 = tpu.vector_load %arg4[%get3A_1816, %get3A_1817] {strides = array<i32>} : memref<8x128xf32, #tpu.memory_space<vmem>>, vector<1x16xf32>,
    %get3A_1819 = vector.shape_cast %get3A_1818 : vector<1x16xf32> to vector<16xf32>
    %get3A_1820 = arith.constant 6 : i32
    %get3A_1821 = arith.index_cast %get3A_1820 : i32 to index
    %get3A_1822 = arith.constant 80 : index
    %get3A_1823 = tpu.vector_load %arg4[%get3A_1821, %get3A_1822] {strides = array<i32>} : memref<8x128xf32, #tpu.memory_space<vmem>>, vector<1x16xf32>,
    %get3A_1824 = vector.shape_cast %get3A_1823 : vector<1x16xf32> to vector<16xf32>
    %get3A_1825 = arith.constant 7 : i32
    %get3A_1826 = arith.index_cast %get3A_1825 : i32 to index
    %get3A_1827 = arith.constant 80 : index
    %get3A_1828 = tpu.vector_load %arg4[%get3A_1826, %get3A_1827] {strides = array<i32>} : memref<8x128xf32, #tpu.memory_space<vmem>>, vector<1x16xf32>,
    %get3A_1829 = vector.shape_cast %get3A_1828 : vector<1x16xf32> to vector<16xf32>
    %max3A_1830 = arith.maximumf %get3A_1794, %get3A_1799 : vector<16xf32>
    %max3A_1831 = arith.maximumf %max3A_1830, %get3A_1804 : vector<16xf32>
    %max3A_1832 = arith.maximumf %max3A_1831, %get3A_1809 : vector<16xf32>
    %max3A_1833 = arith.maximumf %max3A_1832, %get3A_1814 : vector<16xf32>
    %max3A_1834 = arith.maximumf %max3A_1833, %get3A_1819 : vector<16xf32>
    %max3A_1835 = arith.maximumf %max3A_1834, %get3A_1824 : vector<16xf32>
    %max3A_1836 = arith.maximumf %max3A_1835, %get3A_1829 : vector<16xf32>
    %sub3A_1837 = arith.subf %get3A_1794, %max3A_1836 : vector<16xf32>
    %exp3A_1838 = math.exp %sub3A_1837 : vector<16xf32>
    %sub3A_1839 = arith.subf %get3A_1799, %max3A_1836 : vector<16xf32>
    %exp3A_1840 = math.exp %sub3A_1839 : vector<16xf32>
    %sub3A_1841 = arith.subf %get3A_1804, %max3A_1836 : vector<16xf32>
    %exp3A_1842 = math.exp %sub3A_1841 : vector<16xf32>
    %sub3A_1843 = arith.subf %get3A_1809, %max3A_1836 : vector<16xf32>
    %exp3A_1844 = math.exp %sub3A_1843 : vector<16xf32>
    %sub3A_1845 = arith.subf %get3A_1814, %max3A_1836 : vector<16xf32>
    %exp3A_1846 = math.exp %sub3A_1845 : vector<16xf32>
    %sub3A_1847 = arith.subf %get3A_1819, %max3A_1836 : vector<16xf32>
    %exp3A_1848 = math.exp %sub3A_1847 : vector<16xf32>
    %sub3A_1849 = arith.subf %get3A_1824, %max3A_1836 : vector<16xf32>
    %exp3A_1850 = math.exp %sub3A_1849 : vector<16xf32>
    %sub3A_1851 = arith.subf %get3A_1829, %max3A_1836 : vector<16xf32>
    %exp3A_1852 = math.exp %sub3A_1851 : vector<16xf32>
    %add3A_1853 = arith.addf %exp3A_1838, %exp3A_1840 : vector<16xf32>
    %add3A_1854 = arith.addf %add3A_1853, %exp3A_1842 : vector<16xf32>
    %add3A_1855 = arith.addf %add3A_1854, %exp3A_1844 : vector<16xf32>
    %add3A_1856 = arith.addf %add3A_1855, %exp3A_1846 : vector<16xf32>
    %add3A_1857 = arith.addf %add3A_1856, %exp3A_1848 : vector<16xf32>
    %add3A_1858 = arith.addf %add3A_1857, %exp3A_1850 : vector<16xf32>
    %add3A_1859 = arith.addf %add3A_1858, %exp3A_1852 : vector<16xf32>
    %broadcast_in_dim3A_1860 = arith.constant 0 : i32
    %broadcast_in_dim3A_1861 = vector.broadcast %broadcast_in_dim3A_1860 : i32 to vector<16xi32>
    %gt3A_1862 = arith.cmpf ogt, %get3A_1799, %get3A_1794 : vector<16xf32>
    %select_n3A_1863 = arith.select %gt3A_1862, %get3A_1799, %get3A_1794 : vector<16xi1>, vector<16xf32>
    %select_n3A_1864 = arith.select %gt3A_1862, %exp3A_1840, %exp3A_1838 : vector<16xi1>, vector<16xf32>
    %jit3A_1865 = arith.constant 1 : i32
    %broadcast_in_dim3A_1866 = vector.broadcast %jit3A_1865 : i32 to vector<16xi32>
    %select_n3A_1867 = arith.select %gt3A_1862, %broadcast_in_dim3A_1866, %broadcast_in_dim3A_1861 : vector<16xi1>, vector<16xi32>
    %gt3A_1868 = arith.cmpf ogt, %get3A_1804, %select_n3A_1863 : vector<16xf32>
    %select_n3A_1869 = arith.select %gt3A_1868, %get3A_1804, %select_n3A_1863 : vector<16xi1>, vector<16xf32>
    %select_n3A_1870 = arith.select %gt3A_1868, %exp3A_1842, %select_n3A_1864 : vector<16xi1>, vector<16xf32>
    %jit3A_1871 = arith.constant 2 : i32
    %broadcast_in_dim3A_1872 = vector.broadcast %jit3A_1871 : i32 to vector<16xi32>
    %select_n3A_1873 = arith.select %gt3A_1868, %broadcast_in_dim3A_1872, %select_n3A_1867 : vector<16xi1>, vector<16xi32>
    %gt3A_1874 = arith.cmpf ogt, %get3A_1809, %select_n3A_1869 : vector<16xf32>
    %select_n3A_1875 = arith.select %gt3A_1874, %get3A_1809, %select_n3A_1869 : vector<16xi1>, vector<16xf32>
    %select_n3A_1876 = arith.select %gt3A_1874, %exp3A_1844, %select_n3A_1870 : vector<16xi1>, vector<16xf32>
    %jit3A_1877 = arith.constant 3 : i32
    %broadcast_in_dim3A_1878 = vector.broadcast %jit3A_1877 : i32 to vector<16xi32>
    %select_n3A_1879 = arith.select %gt3A_1874, %broadcast_in_dim3A_1878, %select_n3A_1873 : vector<16xi1>, vector<16xi32>
    %gt3A_1880 = arith.cmpf ogt, %get3A_1814, %select_n3A_1875 : vector<16xf32>
    %select_n3A_1881 = arith.select %gt3A_1880, %get3A_1814, %select_n3A_1875 : vector<16xi1>, vector<16xf32>
    %select_n3A_1882 = arith.select %gt3A_1880, %exp3A_1846, %select_n3A_1876 : vector<16xi1>, vector<16xf32>
    %jit3A_1883 = arith.constant 4 : i32
    %broadcast_in_dim3A_1884 = vector.broadcast %jit3A_1883 : i32 to vector<16xi32>
    %select_n3A_1885 = arith.select %gt3A_1880, %broadcast_in_dim3A_1884, %select_n3A_1879 : vector<16xi1>, vector<16xi32>
    %gt3A_1886 = arith.cmpf ogt, %get3A_1819, %select_n3A_1881 : vector<16xf32>
    %select_n3A_1887 = arith.select %gt3A_1886, %get3A_1819, %select_n3A_1881 : vector<16xi1>, vector<16xf32>
    %select_n3A_1888 = arith.select %gt3A_1886, %exp3A_1848, %select_n3A_1882 : vector<16xi1>, vector<16xf32>
    %jit3A_1889 = arith.constant 5 : i32
    %broadcast_in_dim3A_1890 = vector.broadcast %jit3A_1889 : i32 to vector<16xi32>
    %select_n3A_1891 = arith.select %gt3A_1886, %broadcast_in_dim3A_1890, %select_n3A_1885 : vector<16xi1>, vector<16xi32>
    %gt3A_1892 = arith.cmpf ogt, %get3A_1824, %select_n3A_1887 : vector<16xf32>
    %select_n3A_1893 = arith.select %gt3A_1892, %get3A_1824, %select_n3A_1887 : vector<16xi1>, vector<16xf32>
    %select_n3A_1894 = arith.select %gt3A_1892, %exp3A_1850, %select_n3A_1888 : vector<16xi1>, vector<16xf32>
    %jit3A_1895 = arith.constant 6 : i32
    %broadcast_in_dim3A_1896 = vector.broadcast %jit3A_1895 : i32 to vector<16xi32>
    %select_n3A_1897 = arith.select %gt3A_1892, %broadcast_in_dim3A_1896, %select_n3A_1891 : vector<16xi1>, vector<16xi32>
    %gt3A_1898 = arith.cmpf ogt, %get3A_1829, %select_n3A_1893 : vector<16xf32>
    %select_n3A_1899 = arith.select %gt3A_1898, %get3A_1829, %select_n3A_1893 : vector<16xi1>, vector<16xf32>
    %select_n3A_1900 = arith.select %gt3A_1898, %exp3A_1852, %select_n3A_1894 : vector<16xi1>, vector<16xf32>
    %jit3A_1901 = arith.constant 7 : i32
    %broadcast_in_dim3A_1902 = vector.broadcast %jit3A_1901 : i32 to vector<16xi32>
    %select_n3A_1903 = arith.select %gt3A_1898, %broadcast_in_dim3A_1902, %select_n3A_1897 : vector<16xi1>, vector<16xi32>
    %broadcast_in_dim3A_1904 = arith.constant 0xFF800000 : f32
    %broadcast_in_dim3A_1905 = vector.broadcast %broadcast_in_dim3A_1904 : f32 to vector<16xf32>
    %broadcast_in_dim3A_1906 = arith.constant 0.000000e+00 : f32
    %broadcast_in_dim3A_1907 = vector.broadcast %broadcast_in_dim3A_1906 : f32 to vector<16xf32>
    %broadcast_in_dim3A_1908 = arith.constant 8 : i32
    %broadcast_in_dim3A_1909 = vector.broadcast %broadcast_in_dim3A_1908 : i32 to vector<16xi32>
    %gt3A_1910 = arith.cmpf ogt, %get3A_1794, %broadcast_in_dim3A_1905 : vector<16xf32>
    %ne3A_1911 = arith.constant 0 : i32
    %ne3A_1912 = vector.broadcast %ne3A_1911 : i32 to vector<16xi32>
    %ne3A_1913 = arith.cmpi ne, %select_n3A_1903, %ne3A_1912 : vector<16xi32>
    %and3A_1914 = arith.andi %gt3A_1910, %ne3A_1913 : vector<16xi1>
    %select_n3A_1915 = arith.select %and3A_1914, %get3A_1794, %broadcast_in_dim3A_1905 : vector<16xi1>, vector<16xf32>
    %select_n3A_1916 = arith.select %and3A_1914, %exp3A_1838, %broadcast_in_dim3A_1907 : vector<16xi1>, vector<16xf32>
    %jit3A_1917 = arith.constant 0 : i32
    %broadcast_in_dim3A_1918 = vector.broadcast %jit3A_1917 : i32 to vector<16xi32>
    %select_n3A_1919 = arith.select %and3A_1914, %broadcast_in_dim3A_1918, %broadcast_in_dim3A_1909 : vector<16xi1>, vector<16xi32>
    %gt3A_1920 = arith.cmpf ogt, %get3A_1799, %select_n3A_1915 : vector<16xf32>
    %ne3A_1921 = arith.constant 1 : i32
    %ne3A_1922 = vector.broadcast %ne3A_1921 : i32 to vector<16xi32>
    %ne3A_1923 = arith.cmpi ne, %select_n3A_1903, %ne3A_1922 : vector<16xi32>
    %and3A_1924 = arith.andi %gt3A_1920, %ne3A_1923 : vector<16xi1>
    %select_n3A_1925 = arith.select %and3A_1924, %get3A_1799, %select_n3A_1915 : vector<16xi1>, vector<16xf32>
    %select_n3A_1926 = arith.select %and3A_1924, %exp3A_1840, %select_n3A_1916 : vector<16xi1>, vector<16xf32>
    %jit3A_1927 = arith.constant 1 : i32
    %broadcast_in_dim3A_1928 = vector.broadcast %jit3A_1927 : i32 to vector<16xi32>
    %select_n3A_1929 = arith.select %and3A_1924, %broadcast_in_dim3A_1928, %select_n3A_1919 : vector<16xi1>, vector<16xi32>
    %gt3A_1930 = arith.cmpf ogt, %get3A_1804, %select_n3A_1925 : vector<16xf32>
    %ne3A_1931 = arith.constant 2 : i32
    %ne3A_1932 = vector.broadcast %ne3A_1931 : i32 to vector<16xi32>
    %ne3A_1933 = arith.cmpi ne, %select_n3A_1903, %ne3A_1932 : vector<16xi32>
    %and3A_1934 = arith.andi %gt3A_1930, %ne3A_1933 : vector<16xi1>
    %select_n3A_1935 = arith.select %and3A_1934, %get3A_1804, %select_n3A_1925 : vector<16xi1>, vector<16xf32>
    %select_n3A_1936 = arith.select %and3A_1934, %exp3A_1842, %select_n3A_1926 : vector<16xi1>, vector<16xf32>
    %jit3A_1937 = arith.constant 2 : i32
    %broadcast_in_dim3A_1938 = vector.broadcast %jit3A_1937 : i32 to vector<16xi32>
    %select_n3A_1939 = arith.select %and3A_1934, %broadcast_in_dim3A_1938, %select_n3A_1929 : vector<16xi1>, vector<16xi32>
    %gt3A_1940 = arith.cmpf ogt, %get3A_1809, %select_n3A_1935 : vector<16xf32>
    %ne3A_1941 = arith.constant 3 : i32
    %ne3A_1942 = vector.broadcast %ne3A_1941 : i32 to vector<16xi32>
    %ne3A_1943 = arith.cmpi ne, %select_n3A_1903, %ne3A_1942 : vector<16xi32>
    %and3A_1944 = arith.andi %gt3A_1940, %ne3A_1943 : vector<16xi1>
    %select_n3A_1945 = arith.select %and3A_1944, %get3A_1809, %select_n3A_1935 : vector<16xi1>, vector<16xf32>
    %select_n3A_1946 = arith.select %and3A_1944, %exp3A_1844, %select_n3A_1936 : vector<16xi1>, vector<16xf32>
    %jit3A_1947 = arith.constant 3 : i32
    %broadcast_in_dim3A_1948 = vector.broadcast %jit3A_1947 : i32 to vector<16xi32>
    %select_n3A_1949 = arith.select %and3A_1944, %broadcast_in_dim3A_1948, %select_n3A_1939 : vector<16xi1>, vector<16xi32>
    %gt3A_1950 = arith.cmpf ogt, %get3A_1814, %select_n3A_1945 : vector<16xf32>
    %ne3A_1951 = arith.constant 4 : i32
    %ne3A_1952 = vector.broadcast %ne3A_1951 : i32 to vector<16xi32>
    %ne3A_1953 = arith.cmpi ne, %select_n3A_1903, %ne3A_1952 : vector<16xi32>
    %and3A_1954 = arith.andi %gt3A_1950, %ne3A_1953 : vector<16xi1>
    %select_n3A_1955 = arith.select %and3A_1954, %get3A_1814, %select_n3A_1945 : vector<16xi1>, vector<16xf32>
    %select_n3A_1956 = arith.select %and3A_1954, %exp3A_1846, %select_n3A_1946 : vector<16xi1>, vector<16xf32>
    %jit3A_1957 = arith.constant 4 : i32
    %broadcast_in_dim3A_1958 = vector.broadcast %jit3A_1957 : i32 to vector<16xi32>
    %select_n3A_1959 = arith.select %and3A_1954, %broadcast_in_dim3A_1958, %select_n3A_1949 : vector<16xi1>, vector<16xi32>
    %gt3A_1960 = arith.cmpf ogt, %get3A_1819, %select_n3A_1955 : vector<16xf32>
    %ne3A_1961 = arith.constant 5 : i32
    %ne3A_1962 = vector.broadcast %ne3A_1961 : i32 to vector<16xi32>
    %ne3A_1963 = arith.cmpi ne, %select_n3A_1903, %ne3A_1962 : vector<16xi32>
    %and3A_1964 = arith.andi %gt3A_1960, %ne3A_1963 : vector<16xi1>
    %select_n3A_1965 = arith.select %and3A_1964, %get3A_1819, %select_n3A_1955 : vector<16xi1>, vector<16xf32>
    %select_n3A_1966 = arith.select %and3A_1964, %exp3A_1848, %select_n3A_1956 : vector<16xi1>, vector<16xf32>
    %jit3A_1967 = arith.constant 5 : i32
    %broadcast_in_dim3A_1968 = vector.broadcast %jit3A_1967 : i32 to vector<16xi32>
    %select_n3A_1969 = arith.select %and3A_1964, %broadcast_in_dim3A_1968, %select_n3A_1959 : vector<16xi1>, vector<16xi32>
    %gt3A_1970 = arith.cmpf ogt, %get3A_1824, %select_n3A_1965 : vector<16xf32>
    %ne3A_1971 = arith.constant 6 : i32
    %ne3A_1972 = vector.broadcast %ne3A_1971 : i32 to vector<16xi32>
    %ne3A_1973 = arith.cmpi ne, %select_n3A_1903, %ne3A_1972 : vector<16xi32>
    %and3A_1974 = arith.andi %gt3A_1970, %ne3A_1973 : vector<16xi1>
    %select_n3A_1975 = arith.select %and3A_1974, %get3A_1824, %select_n3A_1965 : vector<16xi1>, vector<16xf32>
    %select_n3A_1976 = arith.select %and3A_1974, %exp3A_1850, %select_n3A_1966 : vector<16xi1>, vector<16xf32>
    %jit3A_1977 = arith.constant 6 : i32
    %broadcast_in_dim3A_1978 = vector.broadcast %jit3A_1977 : i32 to vector<16xi32>
    %select_n3A_1979 = arith.select %and3A_1974, %broadcast_in_dim3A_1978, %select_n3A_1969 : vector<16xi1>, vector<16xi32>
    %gt3A_1980 = arith.cmpf ogt, %get3A_1829, %select_n3A_1975 : vector<16xf32>
    %ne3A_1981 = arith.constant 7 : i32
    %ne3A_1982 = vector.broadcast %ne3A_1981 : i32 to vector<16xi32>
    %ne3A_1983 = arith.cmpi ne, %select_n3A_1903, %ne3A_1982 : vector<16xi32>
    %and3A_1984 = arith.andi %gt3A_1980, %ne3A_1983 : vector<16xi1>
    %select_n3A_1985 = arith.select %and3A_1984, %get3A_1829, %select_n3A_1975 : vector<16xi1>, vector<16xf32>
    %select_n3A_1986 = arith.select %and3A_1984, %exp3A_1852, %select_n3A_1976 : vector<16xi1>, vector<16xf32>
    %jit3A_1987 = arith.constant 7 : i32
    %broadcast_in_dim3A_1988 = vector.broadcast %jit3A_1987 : i32 to vector<16xi32>
    %select_n3A_1989 = arith.select %and3A_1984, %broadcast_in_dim3A_1988, %select_n3A_1979 : vector<16xi1>, vector<16xi32>
    %div3A_1990 = arith.divf %select_n3A_1900, %add3A_1859 : vector<16xf32>
    %div3A_1991 = arith.divf %select_n3A_1986, %add3A_1859 : vector<16xf32>
    %add3A_1992 = arith.addf %div3A_1990, %div3A_1991 : vector<16xf32>
    %add3A_1993 = arith.constant 9.99999971E-10 : f32
    %add3A_1994 = vector.broadcast %add3A_1993 : f32 to vector<16xf32>
    %add3A_1995 = arith.addf %add3A_1992, %add3A_1994 : vector<16xf32>
    %div3A_1996 = arith.divf %div3A_1990, %add3A_1995 : vector<16xf32>
    %div3A_1997 = arith.divf %div3A_1991, %add3A_1995 : vector<16xf32>
    %eq3A_1998 = arith.constant 0 : i32
    %eq3A_1999 = vector.broadcast %eq3A_1998 : i32 to vector<16xi32>
    %eq3A_2000 = arith.cmpi eq, %select_n3A_1903, %eq3A_1999 : vector<16xi32>
    %jit3A_2001 = arith.constant 0.000000e+00 : f32
    %broadcast_in_dim3A_2002 = vector.broadcast %jit3A_2001 : f32 to vector<16xf32>
    %select_n3A_2003 = arith.select %eq3A_2000, %div3A_1996, %broadcast_in_dim3A_2002 : vector<16xi1>, vector<16xf32>
    %eq3A_2004 = arith.constant 0 : i32
    %eq3A_2005 = vector.broadcast %eq3A_2004 : i32 to vector<16xi32>
    %eq3A_2006 = arith.cmpi eq, %select_n3A_1989, %eq3A_2005 : vector<16xi32>
    %jit3A_2007 = arith.constant 0.000000e+00 : f32
    %broadcast_in_dim3A_2008 = vector.broadcast %jit3A_2007 : f32 to vector<16xf32>
    %select_n3A_2009 = arith.select %eq3A_2006, %div3A_1997, %broadcast_in_dim3A_2008 : vector<16xi1>, vector<16xf32>
    %add3A_2010 = arith.addf %select_n3A_2003, %select_n3A_2009 : vector<16xf32>
    %swap3A_2011 = arith.constant 0 : i32
    %swap3A_2012 = arith.index_cast %swap3A_2011 : i32 to index
    %swap3A_2013 = arith.constant 80 : index
    %swap3A_2014 = tpu.vector_load %arg5[%swap3A_2012, %swap3A_2013] {strides = array<i32>} : memref<8x128xf32, #tpu.memory_space<vmem>>, vector<1x16xf32>,
    %swap3A_2015 = vector.shape_cast %swap3A_2014 : vector<1x16xf32> to vector<16xf32>
    %swap3A_2016 = vector.shape_cast %add3A_2010 : vector<16xf32> to vector<1x16xf32>
    tpu.vector_store %arg5[%swap3A_2012, %swap3A_2013], %swap3A_2016 {strides = array<i32>} : memref<8x128xf32, #tpu.memory_space<vmem>>, vector<1x16xf32>,
    %eq3A_2017 = arith.constant 1 : i32
    %eq3A_2018 = vector.broadcast %eq3A_2017 : i32 to vector<16xi32>
    %eq3A_2019 = arith.cmpi eq, %select_n3A_1903, %eq3A_2018 : vector<16xi32>
    %jit3A_2020 = arith.constant 0.000000e+00 : f32
    %broadcast_in_dim3A_2021 = vector.broadcast %jit3A_2020 : f32 to vector<16xf32>
    %select_n3A_2022 = arith.select %eq3A_2019, %div3A_1996, %broadcast_in_dim3A_2021 : vector<16xi1>, vector<16xf32>
    %eq3A_2023 = arith.constant 1 : i32
    %eq3A_2024 = vector.broadcast %eq3A_2023 : i32 to vector<16xi32>
    %eq3A_2025 = arith.cmpi eq, %select_n3A_1989, %eq3A_2024 : vector<16xi32>
    %jit3A_2026 = arith.constant 0.000000e+00 : f32
    %broadcast_in_dim3A_2027 = vector.broadcast %jit3A_2026 : f32 to vector<16xf32>
    %select_n3A_2028 = arith.select %eq3A_2025, %div3A_1997, %broadcast_in_dim3A_2027 : vector<16xi1>, vector<16xf32>
    %add3A_2029 = arith.addf %select_n3A_2022, %select_n3A_2028 : vector<16xf32>
    %swap3A_2030 = arith.constant 1 : i32
    %swap3A_2031 = arith.index_cast %swap3A_2030 : i32 to index
    %swap3A_2032 = arith.constant 80 : index
    %swap3A_2033 = tpu.vector_load %arg5[%swap3A_2031, %swap3A_2032] {strides = array<i32>} : memref<8x128xf32, #tpu.memory_space<vmem>>, vector<1x16xf32>,
    %swap3A_2034 = vector.shape_cast %swap3A_2033 : vector<1x16xf32> to vector<16xf32>
    %swap3A_2035 = vector.shape_cast %add3A_2029 : vector<16xf32> to vector<1x16xf32>
    tpu.vector_store %arg5[%swap3A_2031, %swap3A_2032], %swap3A_2035 {strides = array<i32>} : memref<8x128xf32, #tpu.memory_space<vmem>>, vector<1x16xf32>,
    %eq3A_2036 = arith.constant 2 : i32
    %eq3A_2037 = vector.broadcast %eq3A_2036 : i32 to vector<16xi32>
    %eq3A_2038 = arith.cmpi eq, %select_n3A_1903, %eq3A_2037 : vector<16xi32>
    %jit3A_2039 = arith.constant 0.000000e+00 : f32
    %broadcast_in_dim3A_2040 = vector.broadcast %jit3A_2039 : f32 to vector<16xf32>
    %select_n3A_2041 = arith.select %eq3A_2038, %div3A_1996, %broadcast_in_dim3A_2040 : vector<16xi1>, vector<16xf32>
    %eq3A_2042 = arith.constant 2 : i32
    %eq3A_2043 = vector.broadcast %eq3A_2042 : i32 to vector<16xi32>
    %eq3A_2044 = arith.cmpi eq, %select_n3A_1989, %eq3A_2043 : vector<16xi32>
    %jit3A_2045 = arith.constant 0.000000e+00 : f32
    %broadcast_in_dim3A_2046 = vector.broadcast %jit3A_2045 : f32 to vector<16xf32>
    %select_n3A_2047 = arith.select %eq3A_2044, %div3A_1997, %broadcast_in_dim3A_2046 : vector<16xi1>, vector<16xf32>
    %add3A_2048 = arith.addf %select_n3A_2041, %select_n3A_2047 : vector<16xf32>
    %swap3A_2049 = arith.constant 2 : i32
    %swap3A_2050 = arith.index_cast %swap3A_2049 : i32 to index
    %swap3A_2051 = arith.constant 80 : index
    %swap3A_2052 = tpu.vector_load %arg5[%swap3A_2050, %swap3A_2051] {strides = array<i32>} : memref<8x128xf32, #tpu.memory_space<vmem>>, vector<1x16xf32>,
    %swap3A_2053 = vector.shape_cast %swap3A_2052 : vector<1x16xf32> to vector<16xf32>
    %swap3A_2054 = vector.shape_cast %add3A_2048 : vector<16xf32> to vector<1x16xf32>
    tpu.vector_store %arg5[%swap3A_2050, %swap3A_2051], %swap3A_2054 {strides = array<i32>} : memref<8x128xf32, #tpu.memory_space<vmem>>, vector<1x16xf32>,
    %eq3A_2055 = arith.constant 3 : i32
    %eq3A_2056 = vector.broadcast %eq3A_2055 : i32 to vector<16xi32>
    %eq3A_2057 = arith.cmpi eq, %select_n3A_1903, %eq3A_2056 : vector<16xi32>
    %jit3A_2058 = arith.constant 0.000000e+00 : f32
    %broadcast_in_dim3A_2059 = vector.broadcast %jit3A_2058 : f32 to vector<16xf32>
    %select_n3A_2060 = arith.select %eq3A_2057, %div3A_1996, %broadcast_in_dim3A_2059 : vector<16xi1>, vector<16xf32>
    %eq3A_2061 = arith.constant 3 : i32
    %eq3A_2062 = vector.broadcast %eq3A_2061 : i32 to vector<16xi32>
    %eq3A_2063 = arith.cmpi eq, %select_n3A_1989, %eq3A_2062 : vector<16xi32>
    %jit3A_2064 = arith.constant 0.000000e+00 : f32
    %broadcast_in_dim3A_2065 = vector.broadcast %jit3A_2064 : f32 to vector<16xf32>
    %select_n3A_2066 = arith.select %eq3A_2063, %div3A_1997, %broadcast_in_dim3A_2065 : vector<16xi1>, vector<16xf32>
    %add3A_2067 = arith.addf %select_n3A_2060, %select_n3A_2066 : vector<16xf32>
    %swap3A_2068 = arith.constant 3 : i32
    %swap3A_2069 = arith.index_cast %swap3A_2068 : i32 to index
    %swap3A_2070 = arith.constant 80 : index
    %swap3A_2071 = tpu.vector_load %arg5[%swap3A_2069, %swap3A_2070] {strides = array<i32>} : memref<8x128xf32, #tpu.memory_space<vmem>>, vector<1x16xf32>,
    %swap3A_2072 = vector.shape_cast %swap3A_2071 : vector<1x16xf32> to vector<16xf32>
    %swap3A_2073 = vector.shape_cast %add3A_2067 : vector<16xf32> to vector<1x16xf32>
    tpu.vector_store %arg5[%swap3A_2069, %swap3A_2070], %swap3A_2073 {strides = array<i32>} : memref<8x128xf32, #tpu.memory_space<vmem>>, vector<1x16xf32>,
    %eq3A_2074 = arith.constant 4 : i32
    %eq3A_2075 = vector.broadcast %eq3A_2074 : i32 to vector<16xi32>
    %eq3A_2076 = arith.cmpi eq, %select_n3A_1903, %eq3A_2075 : vector<16xi32>
    %jit3A_2077 = arith.constant 0.000000e+00 : f32
    %broadcast_in_dim3A_2078 = vector.broadcast %jit3A_2077 : f32 to vector<16xf32>
    %select_n3A_2079 = arith.select %eq3A_2076, %div3A_1996, %broadcast_in_dim3A_2078 : vector<16xi1>, vector<16xf32>
    %eq3A_2080 = arith.constant 4 : i32
    %eq3A_2081 = vector.broadcast %eq3A_2080 : i32 to vector<16xi32>
    %eq3A_2082 = arith.cmpi eq, %select_n3A_1989, %eq3A_2081 : vector<16xi32>
    %jit3A_2083 = arith.constant 0.000000e+00 : f32
    %broadcast_in_dim3A_2084 = vector.broadcast %jit3A_2083 : f32 to vector<16xf32>
    %select_n3A_2085 = arith.select %eq3A_2082, %div3A_1997, %broadcast_in_dim3A_2084 : vector<16xi1>, vector<16xf32>
    %add3A_2086 = arith.addf %select_n3A_2079, %select_n3A_2085 : vector<16xf32>
    %swap3A_2087 = arith.constant 4 : i32
    %swap3A_2088 = arith.index_cast %swap3A_2087 : i32 to index
    %swap3A_2089 = arith.constant 80 : index
    %swap3A_2090 = tpu.vector_load %arg5[%swap3A_2088, %swap3A_2089] {strides = array<i32>} : memref<8x128xf32, #tpu.memory_space<vmem>>, vector<1x16xf32>,
    %swap3A_2091 = vector.shape_cast %swap3A_2090 : vector<1x16xf32> to vector<16xf32>
    %swap3A_2092 = vector.shape_cast %add3A_2086 : vector<16xf32> to vector<1x16xf32>
    tpu.vector_store %arg5[%swap3A_2088, %swap3A_2089], %swap3A_2092 {strides = array<i32>} : memref<8x128xf32, #tpu.memory_space<vmem>>, vector<1x16xf32>,
    %eq3A_2093 = arith.constant 5 : i32
    %eq3A_2094 = vector.broadcast %eq3A_2093 : i32 to vector<16xi32>
    %eq3A_2095 = arith.cmpi eq, %select_n3A_1903, %eq3A_2094 : vector<16xi32>
    %jit3A_2096 = arith.constant 0.000000e+00 : f32
    %broadcast_in_dim3A_2097 = vector.broadcast %jit3A_2096 : f32 to vector<16xf32>
    %select_n3A_2098 = arith.select %eq3A_2095, %div3A_1996, %broadcast_in_dim3A_2097 : vector<16xi1>, vector<16xf32>
    %eq3A_2099 = arith.constant 5 : i32
    %eq3A_2100 = vector.broadcast %eq3A_2099 : i32 to vector<16xi32>
    %eq3A_2101 = arith.cmpi eq, %select_n3A_1989, %eq3A_2100 : vector<16xi32>
    %jit3A_2102 = arith.constant 0.000000e+00 : f32
    %broadcast_in_dim3A_2103 = vector.broadcast %jit3A_2102 : f32 to vector<16xf32>
    %select_n3A_2104 = arith.select %eq3A_2101, %div3A_1997, %broadcast_in_dim3A_2103 : vector<16xi1>, vector<16xf32>
    %add3A_2105 = arith.addf %select_n3A_2098, %select_n3A_2104 : vector<16xf32>
    %swap3A_2106 = arith.constant 5 : i32
    %swap3A_2107 = arith.index_cast %swap3A_2106 : i32 to index
    %swap3A_2108 = arith.constant 80 : index
    %swap3A_2109 = tpu.vector_load %arg5[%swap3A_2107, %swap3A_2108] {strides = array<i32>} : memref<8x128xf32, #tpu.memory_space<vmem>>, vector<1x16xf32>,
    %swap3A_2110 = vector.shape_cast %swap3A_2109 : vector<1x16xf32> to vector<16xf32>
    %swap3A_2111 = vector.shape_cast %add3A_2105 : vector<16xf32> to vector<1x16xf32>
    tpu.vector_store %arg5[%swap3A_2107, %swap3A_2108], %swap3A_2111 {strides = array<i32>} : memref<8x128xf32, #tpu.memory_space<vmem>>, vector<1x16xf32>,
    %eq3A_2112 = arith.constant 6 : i32
    %eq3A_2113 = vector.broadcast %eq3A_2112 : i32 to vector<16xi32>
    %eq3A_2114 = arith.cmpi eq, %select_n3A_1903, %eq3A_2113 : vector<16xi32>
    %jit3A_2115 = arith.constant 0.000000e+00 : f32
    %broadcast_in_dim3A_2116 = vector.broadcast %jit3A_2115 : f32 to vector<16xf32>
    %select_n3A_2117 = arith.select %eq3A_2114, %div3A_1996, %broadcast_in_dim3A_2116 : vector<16xi1>, vector<16xf32>
    %eq3A_2118 = arith.constant 6 : i32
    %eq3A_2119 = vector.broadcast %eq3A_2118 : i32 to vector<16xi32>
    %eq3A_2120 = arith.cmpi eq, %select_n3A_1989, %eq3A_2119 : vector<16xi32>
    %jit3A_2121 = arith.constant 0.000000e+00 : f32
    %broadcast_in_dim3A_2122 = vector.broadcast %jit3A_2121 : f32 to vector<16xf32>
    %select_n3A_2123 = arith.select %eq3A_2120, %div3A_1997, %broadcast_in_dim3A_2122 : vector<16xi1>, vector<16xf32>
    %add3A_2124 = arith.addf %select_n3A_2117, %select_n3A_2123 : vector<16xf32>
    %swap3A_2125 = arith.constant 6 : i32
    %swap3A_2126 = arith.index_cast %swap3A_2125 : i32 to index
    %swap3A_2127 = arith.constant 80 : index
    %swap3A_2128 = tpu.vector_load %arg5[%swap3A_2126, %swap3A_2127] {strides = array<i32>} : memref<8x128xf32, #tpu.memory_space<vmem>>, vector<1x16xf32>,
    %swap3A_2129 = vector.shape_cast %swap3A_2128 : vector<1x16xf32> to vector<16xf32>
    %swap3A_2130 = vector.shape_cast %add3A_2124 : vector<16xf32> to vector<1x16xf32>
    tpu.vector_store %arg5[%swap3A_2126, %swap3A_2127], %swap3A_2130 {strides = array<i32>} : memref<8x128xf32, #tpu.memory_space<vmem>>, vector<1x16xf32>,
    %eq3A_2131 = arith.constant 7 : i32
    %eq3A_2132 = vector.broadcast %eq3A_2131 : i32 to vector<16xi32>
    %eq3A_2133 = arith.cmpi eq, %select_n3A_1903, %eq3A_2132 : vector<16xi32>
    %jit3A_2134 = arith.constant 0.000000e+00 : f32
    %broadcast_in_dim3A_2135 = vector.broadcast %jit3A_2134 : f32 to vector<16xf32>
    %select_n3A_2136 = arith.select %eq3A_2133, %div3A_1996, %broadcast_in_dim3A_2135 : vector<16xi1>, vector<16xf32>
    %eq3A_2137 = arith.constant 7 : i32
    %eq3A_2138 = vector.broadcast %eq3A_2137 : i32 to vector<16xi32>
    %eq3A_2139 = arith.cmpi eq, %select_n3A_1989, %eq3A_2138 : vector<16xi32>
    %jit3A_2140 = arith.constant 0.000000e+00 : f32
    %broadcast_in_dim3A_2141 = vector.broadcast %jit3A_2140 : f32 to vector<16xf32>
    %select_n3A_2142 = arith.select %eq3A_2139, %div3A_1997, %broadcast_in_dim3A_2141 : vector<16xi1>, vector<16xf32>
    %add3A_2143 = arith.addf %select_n3A_2136, %select_n3A_2142 : vector<16xf32>
    %swap3A_2144 = arith.constant 7 : i32
    %swap3A_2145 = arith.index_cast %swap3A_2144 : i32 to index
    %swap3A_2146 = arith.constant 80 : index
    %swap3A_2147 = tpu.vector_load %arg5[%swap3A_2145, %swap3A_2146] {strides = array<i32>} : memref<8x128xf32, #tpu.memory_space<vmem>>, vector<1x16xf32>,
    %swap3A_2148 = vector.shape_cast %swap3A_2147 : vector<1x16xf32> to vector<16xf32>
    %swap3A_2149 = vector.shape_cast %add3A_2143 : vector<16xf32> to vector<1x16xf32>
    tpu.vector_store %arg5[%swap3A_2145, %swap3A_2146], %swap3A_2149 {strides = array<i32>} : memref<8x128xf32, #tpu.memory_space<vmem>>, vector<1x16xf32>,
    %get3A_2150 = arith.constant 0 : i32
    %get3A_2151 = arith.index_cast %get3A_2150 : i32 to index
    %get3A_2152 = arith.constant 96 : index
    %get3A_2153 = tpu.vector_load %arg4[%get3A_2151, %get3A_2152] {strides = array<i32>} : memref<8x128xf32, #tpu.memory_space<vmem>>, vector<1x16xf32>,
    %get3A_2154 = vector.shape_cast %get3A_2153 : vector<1x16xf32> to vector<16xf32>
    %get3A_2155 = arith.constant 1 : i32
    %get3A_2156 = arith.index_cast %get3A_2155 : i32 to index
    %get3A_2157 = arith.constant 96 : index
    %get3A_2158 = tpu.vector_load %arg4[%get3A_2156, %get3A_2157] {strides = array<i32>} : memref<8x128xf32, #tpu.memory_space<vmem>>, vector<1x16xf32>,
    %get3A_2159 = vector.shape_cast %get3A_2158 : vector<1x16xf32> to vector<16xf32>
    %get3A_2160 = arith.constant 2 : i32
    %get3A_2161 = arith.index_cast %get3A_2160 : i32 to index
    %get3A_2162 = arith.constant 96 : index
    %get3A_2163 = tpu.vector_load %arg4[%get3A_2161, %get3A_2162] {strides = array<i32>} : memref<8x128xf32, #tpu.memory_space<vmem>>, vector<1x16xf32>,
    %get3A_2164 = vector.shape_cast %get3A_2163 : vector<1x16xf32> to vector<16xf32>
    %get3A_2165 = arith.constant 3 : i32
    %get3A_2166 = arith.index_cast %get3A_2165 : i32 to index
    %get3A_2167 = arith.constant 96 : index
    %get3A_2168 = tpu.vector_load %arg4[%get3A_2166, %get3A_2167] {strides = array<i32>} : memref<8x128xf32, #tpu.memory_space<vmem>>, vector<1x16xf32>,
    %get3A_2169 = vector.shape_cast %get3A_2168 : vector<1x16xf32> to vector<16xf32>
    %get3A_2170 = arith.constant 4 : i32
    %get3A_2171 = arith.index_cast %get3A_2170 : i32 to index
    %get3A_2172 = arith.constant 96 : index
    %get3A_2173 = tpu.vector_load %arg4[%get3A_2171, %get3A_2172] {strides = array<i32>} : memref<8x128xf32, #tpu.memory_space<vmem>>, vector<1x16xf32>,
    %get3A_2174 = vector.shape_cast %get3A_2173 : vector<1x16xf32> to vector<16xf32>
    %get3A_2175 = arith.constant 5 : i32
    %get3A_2176 = arith.index_cast %get3A_2175 : i32 to index
    %get3A_2177 = arith.constant 96 : index
    %get3A_2178 = tpu.vector_load %arg4[%get3A_2176, %get3A_2177] {strides = array<i32>} : memref<8x128xf32, #tpu.memory_space<vmem>>, vector<1x16xf32>,
    %get3A_2179 = vector.shape_cast %get3A_2178 : vector<1x16xf32> to vector<16xf32>
    %get3A_2180 = arith.constant 6 : i32
    %get3A_2181 = arith.index_cast %get3A_2180 : i32 to index
    %get3A_2182 = arith.constant 96 : index
    %get3A_2183 = tpu.vector_load %arg4[%get3A_2181, %get3A_2182] {strides = array<i32>} : memref<8x128xf32, #tpu.memory_space<vmem>>, vector<1x16xf32>,
    %get3A_2184 = vector.shape_cast %get3A_2183 : vector<1x16xf32> to vector<16xf32>
    %get3A_2185 = arith.constant 7 : i32
    %get3A_2186 = arith.index_cast %get3A_2185 : i32 to index
    %get3A_2187 = arith.constant 96 : index
    %get3A_2188 = tpu.vector_load %arg4[%get3A_2186, %get3A_2187] {strides = array<i32>} : memref<8x128xf32, #tpu.memory_space<vmem>>, vector<1x16xf32>,
    %get3A_2189 = vector.shape_cast %get3A_2188 : vector<1x16xf32> to vector<16xf32>
    %max3A_2190 = arith.maximumf %get3A_2154, %get3A_2159 : vector<16xf32>
    %max3A_2191 = arith.maximumf %max3A_2190, %get3A_2164 : vector<16xf32>
    %max3A_2192 = arith.maximumf %max3A_2191, %get3A_2169 : vector<16xf32>
    %max3A_2193 = arith.maximumf %max3A_2192, %get3A_2174 : vector<16xf32>
    %max3A_2194 = arith.maximumf %max3A_2193, %get3A_2179 : vector<16xf32>
    %max3A_2195 = arith.maximumf %max3A_2194, %get3A_2184 : vector<16xf32>
    %max3A_2196 = arith.maximumf %max3A_2195, %get3A_2189 : vector<16xf32>
    %sub3A_2197 = arith.subf %get3A_2154, %max3A_2196 : vector<16xf32>
    %exp3A_2198 = math.exp %sub3A_2197 : vector<16xf32>
    %sub3A_2199 = arith.subf %get3A_2159, %max3A_2196 : vector<16xf32>
    %exp3A_2200 = math.exp %sub3A_2199 : vector<16xf32>
    %sub3A_2201 = arith.subf %get3A_2164, %max3A_2196 : vector<16xf32>
    %exp3A_2202 = math.exp %sub3A_2201 : vector<16xf32>
    %sub3A_2203 = arith.subf %get3A_2169, %max3A_2196 : vector<16xf32>
    %exp3A_2204 = math.exp %sub3A_2203 : vector<16xf32>
    %sub3A_2205 = arith.subf %get3A_2174, %max3A_2196 : vector<16xf32>
    %exp3A_2206 = math.exp %sub3A_2205 : vector<16xf32>
    %sub3A_2207 = arith.subf %get3A_2179, %max3A_2196 : vector<16xf32>
    %exp3A_2208 = math.exp %sub3A_2207 : vector<16xf32>
    %sub3A_2209 = arith.subf %get3A_2184, %max3A_2196 : vector<16xf32>
    %exp3A_2210 = math.exp %sub3A_2209 : vector<16xf32>
    %sub3A_2211 = arith.subf %get3A_2189, %max3A_2196 : vector<16xf32>
    %exp3A_2212 = math.exp %sub3A_2211 : vector<16xf32>
    %add3A_2213 = arith.addf %exp3A_2198, %exp3A_2200 : vector<16xf32>
    %add3A_2214 = arith.addf %add3A_2213, %exp3A_2202 : vector<16xf32>
    %add3A_2215 = arith.addf %add3A_2214, %exp3A_2204 : vector<16xf32>
    %add3A_2216 = arith.addf %add3A_2215, %exp3A_2206 : vector<16xf32>
    %add3A_2217 = arith.addf %add3A_2216, %exp3A_2208 : vector<16xf32>
    %add3A_2218 = arith.addf %add3A_2217, %exp3A_2210 : vector<16xf32>
    %add3A_2219 = arith.addf %add3A_2218, %exp3A_2212 : vector<16xf32>
    %broadcast_in_dim3A_2220 = arith.constant 0 : i32
    %broadcast_in_dim3A_2221 = vector.broadcast %broadcast_in_dim3A_2220 : i32 to vector<16xi32>
    %gt3A_2222 = arith.cmpf ogt, %get3A_2159, %get3A_2154 : vector<16xf32>
    %select_n3A_2223 = arith.select %gt3A_2222, %get3A_2159, %get3A_2154 : vector<16xi1>, vector<16xf32>
    %select_n3A_2224 = arith.select %gt3A_2222, %exp3A_2200, %exp3A_2198 : vector<16xi1>, vector<16xf32>
    %jit3A_2225 = arith.constant 1 : i32
    %broadcast_in_dim3A_2226 = vector.broadcast %jit3A_2225 : i32 to vector<16xi32>
    %select_n3A_2227 = arith.select %gt3A_2222, %broadcast_in_dim3A_2226, %broadcast_in_dim3A_2221 : vector<16xi1>, vector<16xi32>
    %gt3A_2228 = arith.cmpf ogt, %get3A_2164, %select_n3A_2223 : vector<16xf32>
    %select_n3A_2229 = arith.select %gt3A_2228, %get3A_2164, %select_n3A_2223 : vector<16xi1>, vector<16xf32>
    %select_n3A_2230 = arith.select %gt3A_2228, %exp3A_2202, %select_n3A_2224 : vector<16xi1>, vector<16xf32>
    %jit3A_2231 = arith.constant 2 : i32
    %broadcast_in_dim3A_2232 = vector.broadcast %jit3A_2231 : i32 to vector<16xi32>
    %select_n3A_2233 = arith.select %gt3A_2228, %broadcast_in_dim3A_2232, %select_n3A_2227 : vector<16xi1>, vector<16xi32>
    %gt3A_2234 = arith.cmpf ogt, %get3A_2169, %select_n3A_2229 : vector<16xf32>
    %select_n3A_2235 = arith.select %gt3A_2234, %get3A_2169, %select_n3A_2229 : vector<16xi1>, vector<16xf32>
    %select_n3A_2236 = arith.select %gt3A_2234, %exp3A_2204, %select_n3A_2230 : vector<16xi1>, vector<16xf32>
    %jit3A_2237 = arith.constant 3 : i32
    %broadcast_in_dim3A_2238 = vector.broadcast %jit3A_2237 : i32 to vector<16xi32>
    %select_n3A_2239 = arith.select %gt3A_2234, %broadcast_in_dim3A_2238, %select_n3A_2233 : vector<16xi1>, vector<16xi32>
    %gt3A_2240 = arith.cmpf ogt, %get3A_2174, %select_n3A_2235 : vector<16xf32>
    %select_n3A_2241 = arith.select %gt3A_2240, %get3A_2174, %select_n3A_2235 : vector<16xi1>, vector<16xf32>
    %select_n3A_2242 = arith.select %gt3A_2240, %exp3A_2206, %select_n3A_2236 : vector<16xi1>, vector<16xf32>
    %jit3A_2243 = arith.constant 4 : i32
    %broadcast_in_dim3A_2244 = vector.broadcast %jit3A_2243 : i32 to vector<16xi32>
    %select_n3A_2245 = arith.select %gt3A_2240, %broadcast_in_dim3A_2244, %select_n3A_2239 : vector<16xi1>, vector<16xi32>
    %gt3A_2246 = arith.cmpf ogt, %get3A_2179, %select_n3A_2241 : vector<16xf32>
    %select_n3A_2247 = arith.select %gt3A_2246, %get3A_2179, %select_n3A_2241 : vector<16xi1>, vector<16xf32>
    %select_n3A_2248 = arith.select %gt3A_2246, %exp3A_2208, %select_n3A_2242 : vector<16xi1>, vector<16xf32>
    %jit3A_2249 = arith.constant 5 : i32
    %broadcast_in_dim3A_2250 = vector.broadcast %jit3A_2249 : i32 to vector<16xi32>
    %select_n3A_2251 = arith.select %gt3A_2246, %broadcast_in_dim3A_2250, %select_n3A_2245 : vector<16xi1>, vector<16xi32>
    %gt3A_2252 = arith.cmpf ogt, %get3A_2184, %select_n3A_2247 : vector<16xf32>
    %select_n3A_2253 = arith.select %gt3A_2252, %get3A_2184, %select_n3A_2247 : vector<16xi1>, vector<16xf32>
    %select_n3A_2254 = arith.select %gt3A_2252, %exp3A_2210, %select_n3A_2248 : vector<16xi1>, vector<16xf32>
    %jit3A_2255 = arith.constant 6 : i32
    %broadcast_in_dim3A_2256 = vector.broadcast %jit3A_2255 : i32 to vector<16xi32>
    %select_n3A_2257 = arith.select %gt3A_2252, %broadcast_in_dim3A_2256, %select_n3A_2251 : vector<16xi1>, vector<16xi32>
    %gt3A_2258 = arith.cmpf ogt, %get3A_2189, %select_n3A_2253 : vector<16xf32>
    %select_n3A_2259 = arith.select %gt3A_2258, %get3A_2189, %select_n3A_2253 : vector<16xi1>, vector<16xf32>
    %select_n3A_2260 = arith.select %gt3A_2258, %exp3A_2212, %select_n3A_2254 : vector<16xi1>, vector<16xf32>
    %jit3A_2261 = arith.constant 7 : i32
    %broadcast_in_dim3A_2262 = vector.broadcast %jit3A_2261 : i32 to vector<16xi32>
    %select_n3A_2263 = arith.select %gt3A_2258, %broadcast_in_dim3A_2262, %select_n3A_2257 : vector<16xi1>, vector<16xi32>
    %broadcast_in_dim3A_2264 = arith.constant 0xFF800000 : f32
    %broadcast_in_dim3A_2265 = vector.broadcast %broadcast_in_dim3A_2264 : f32 to vector<16xf32>
    %broadcast_in_dim3A_2266 = arith.constant 0.000000e+00 : f32
    %broadcast_in_dim3A_2267 = vector.broadcast %broadcast_in_dim3A_2266 : f32 to vector<16xf32>
    %broadcast_in_dim3A_2268 = arith.constant 8 : i32
    %broadcast_in_dim3A_2269 = vector.broadcast %broadcast_in_dim3A_2268 : i32 to vector<16xi32>
    %gt3A_2270 = arith.cmpf ogt, %get3A_2154, %broadcast_in_dim3A_2265 : vector<16xf32>
    %ne3A_2271 = arith.constant 0 : i32
    %ne3A_2272 = vector.broadcast %ne3A_2271 : i32 to vector<16xi32>
    %ne3A_2273 = arith.cmpi ne, %select_n3A_2263, %ne3A_2272 : vector<16xi32>
    %and3A_2274 = arith.andi %gt3A_2270, %ne3A_2273 : vector<16xi1>
    %select_n3A_2275 = arith.select %and3A_2274, %get3A_2154, %broadcast_in_dim3A_2265 : vector<16xi1>, vector<16xf32>
    %select_n3A_2276 = arith.select %and3A_2274, %exp3A_2198, %broadcast_in_dim3A_2267 : vector<16xi1>, vector<16xf32>
    %jit3A_2277 = arith.constant 0 : i32
    %broadcast_in_dim3A_2278 = vector.broadcast %jit3A_2277 : i32 to vector<16xi32>
    %select_n3A_2279 = arith.select %and3A_2274, %broadcast_in_dim3A_2278, %broadcast_in_dim3A_2269 : vector<16xi1>, vector<16xi32>
    %gt3A_2280 = arith.cmpf ogt, %get3A_2159, %select_n3A_2275 : vector<16xf32>
    %ne3A_2281 = arith.constant 1 : i32
    %ne3A_2282 = vector.broadcast %ne3A_2281 : i32 to vector<16xi32>
    %ne3A_2283 = arith.cmpi ne, %select_n3A_2263, %ne3A_2282 : vector<16xi32>
    %and3A_2284 = arith.andi %gt3A_2280, %ne3A_2283 : vector<16xi1>
    %select_n3A_2285 = arith.select %and3A_2284, %get3A_2159, %select_n3A_2275 : vector<16xi1>, vector<16xf32>
    %select_n3A_2286 = arith.select %and3A_2284, %exp3A_2200, %select_n3A_2276 : vector<16xi1>, vector<16xf32>
    %jit3A_2287 = arith.constant 1 : i32
    %broadcast_in_dim3A_2288 = vector.broadcast %jit3A_2287 : i32 to vector<16xi32>
    %select_n3A_2289 = arith.select %and3A_2284, %broadcast_in_dim3A_2288, %select_n3A_2279 : vector<16xi1>, vector<16xi32>
    %gt3A_2290 = arith.cmpf ogt, %get3A_2164, %select_n3A_2285 : vector<16xf32>
    %ne3A_2291 = arith.constant 2 : i32
    %ne3A_2292 = vector.broadcast %ne3A_2291 : i32 to vector<16xi32>
    %ne3A_2293 = arith.cmpi ne, %select_n3A_2263, %ne3A_2292 : vector<16xi32>
    %and3A_2294 = arith.andi %gt3A_2290, %ne3A_2293 : vector<16xi1>
    %select_n3A_2295 = arith.select %and3A_2294, %get3A_2164, %select_n3A_2285 : vector<16xi1>, vector<16xf32>
    %select_n3A_2296 = arith.select %and3A_2294, %exp3A_2202, %select_n3A_2286 : vector<16xi1>, vector<16xf32>
    %jit3A_2297 = arith.constant 2 : i32
    %broadcast_in_dim3A_2298 = vector.broadcast %jit3A_2297 : i32 to vector<16xi32>
    %select_n3A_2299 = arith.select %and3A_2294, %broadcast_in_dim3A_2298, %select_n3A_2289 : vector<16xi1>, vector<16xi32>
    %gt3A_2300 = arith.cmpf ogt, %get3A_2169, %select_n3A_2295 : vector<16xf32>
    %ne3A_2301 = arith.constant 3 : i32
    %ne3A_2302 = vector.broadcast %ne3A_2301 : i32 to vector<16xi32>
    %ne3A_2303 = arith.cmpi ne, %select_n3A_2263, %ne3A_2302 : vector<16xi32>
    %and3A_2304 = arith.andi %gt3A_2300, %ne3A_2303 : vector<16xi1>
    %select_n3A_2305 = arith.select %and3A_2304, %get3A_2169, %select_n3A_2295 : vector<16xi1>, vector<16xf32>
    %select_n3A_2306 = arith.select %and3A_2304, %exp3A_2204, %select_n3A_2296 : vector<16xi1>, vector<16xf32>
    %jit3A_2307 = arith.constant 3 : i32
    %broadcast_in_dim3A_2308 = vector.broadcast %jit3A_2307 : i32 to vector<16xi32>
    %select_n3A_2309 = arith.select %and3A_2304, %broadcast_in_dim3A_2308, %select_n3A_2299 : vector<16xi1>, vector<16xi32>
    %gt3A_2310 = arith.cmpf ogt, %get3A_2174, %select_n3A_2305 : vector<16xf32>
    %ne3A_2311 = arith.constant 4 : i32
    %ne3A_2312 = vector.broadcast %ne3A_2311 : i32 to vector<16xi32>
    %ne3A_2313 = arith.cmpi ne, %select_n3A_2263, %ne3A_2312 : vector<16xi32>
    %and3A_2314 = arith.andi %gt3A_2310, %ne3A_2313 : vector<16xi1>
    %select_n3A_2315 = arith.select %and3A_2314, %get3A_2174, %select_n3A_2305 : vector<16xi1>, vector<16xf32>
    %select_n3A_2316 = arith.select %and3A_2314, %exp3A_2206, %select_n3A_2306 : vector<16xi1>, vector<16xf32>
    %jit3A_2317 = arith.constant 4 : i32
    %broadcast_in_dim3A_2318 = vector.broadcast %jit3A_2317 : i32 to vector<16xi32>
    %select_n3A_2319 = arith.select %and3A_2314, %broadcast_in_dim3A_2318, %select_n3A_2309 : vector<16xi1>, vector<16xi32>
    %gt3A_2320 = arith.cmpf ogt, %get3A_2179, %select_n3A_2315 : vector<16xf32>
    %ne3A_2321 = arith.constant 5 : i32
    %ne3A_2322 = vector.broadcast %ne3A_2321 : i32 to vector<16xi32>
    %ne3A_2323 = arith.cmpi ne, %select_n3A_2263, %ne3A_2322 : vector<16xi32>
    %and3A_2324 = arith.andi %gt3A_2320, %ne3A_2323 : vector<16xi1>
    %select_n3A_2325 = arith.select %and3A_2324, %get3A_2179, %select_n3A_2315 : vector<16xi1>, vector<16xf32>
    %select_n3A_2326 = arith.select %and3A_2324, %exp3A_2208, %select_n3A_2316 : vector<16xi1>, vector<16xf32>
    %jit3A_2327 = arith.constant 5 : i32
    %broadcast_in_dim3A_2328 = vector.broadcast %jit3A_2327 : i32 to vector<16xi32>
    %select_n3A_2329 = arith.select %and3A_2324, %broadcast_in_dim3A_2328, %select_n3A_2319 : vector<16xi1>, vector<16xi32>
    %gt3A_2330 = arith.cmpf ogt, %get3A_2184, %select_n3A_2325 : vector<16xf32>
    %ne3A_2331 = arith.constant 6 : i32
    %ne3A_2332 = vector.broadcast %ne3A_2331 : i32 to vector<16xi32>
    %ne3A_2333 = arith.cmpi ne, %select_n3A_2263, %ne3A_2332 : vector<16xi32>
    %and3A_2334 = arith.andi %gt3A_2330, %ne3A_2333 : vector<16xi1>
    %select_n3A_2335 = arith.select %and3A_2334, %get3A_2184, %select_n3A_2325 : vector<16xi1>, vector<16xf32>
    %select_n3A_2336 = arith.select %and3A_2334, %exp3A_2210, %select_n3A_2326 : vector<16xi1>, vector<16xf32>
    %jit3A_2337 = arith.constant 6 : i32
    %broadcast_in_dim3A_2338 = vector.broadcast %jit3A_2337 : i32 to vector<16xi32>
    %select_n3A_2339 = arith.select %and3A_2334, %broadcast_in_dim3A_2338, %select_n3A_2329 : vector<16xi1>, vector<16xi32>
    %gt3A_2340 = arith.cmpf ogt, %get3A_2189, %select_n3A_2335 : vector<16xf32>
    %ne3A_2341 = arith.constant 7 : i32
    %ne3A_2342 = vector.broadcast %ne3A_2341 : i32 to vector<16xi32>
    %ne3A_2343 = arith.cmpi ne, %select_n3A_2263, %ne3A_2342 : vector<16xi32>
    %and3A_2344 = arith.andi %gt3A_2340, %ne3A_2343 : vector<16xi1>
    %select_n3A_2345 = arith.select %and3A_2344, %get3A_2189, %select_n3A_2335 : vector<16xi1>, vector<16xf32>
    %select_n3A_2346 = arith.select %and3A_2344, %exp3A_2212, %select_n3A_2336 : vector<16xi1>, vector<16xf32>
    %jit3A_2347 = arith.constant 7 : i32
    %broadcast_in_dim3A_2348 = vector.broadcast %jit3A_2347 : i32 to vector<16xi32>
    %select_n3A_2349 = arith.select %and3A_2344, %broadcast_in_dim3A_2348, %select_n3A_2339 : vector<16xi1>, vector<16xi32>
    %div3A_2350 = arith.divf %select_n3A_2260, %add3A_2219 : vector<16xf32>
    %div3A_2351 = arith.divf %select_n3A_2346, %add3A_2219 : vector<16xf32>
    %add3A_2352 = arith.addf %div3A_2350, %div3A_2351 : vector<16xf32>
    %add3A_2353 = arith.constant 9.99999971E-10 : f32
    %add3A_2354 = vector.broadcast %add3A_2353 : f32 to vector<16xf32>
    %add3A_2355 = arith.addf %add3A_2352, %add3A_2354 : vector<16xf32>
    %div3A_2356 = arith.divf %div3A_2350, %add3A_2355 : vector<16xf32>
    %div3A_2357 = arith.divf %div3A_2351, %add3A_2355 : vector<16xf32>
    %eq3A_2358 = arith.constant 0 : i32
    %eq3A_2359 = vector.broadcast %eq3A_2358 : i32 to vector<16xi32>
    %eq3A_2360 = arith.cmpi eq, %select_n3A_2263, %eq3A_2359 : vector<16xi32>
    %jit3A_2361 = arith.constant 0.000000e+00 : f32
    %broadcast_in_dim3A_2362 = vector.broadcast %jit3A_2361 : f32 to vector<16xf32>
    %select_n3A_2363 = arith.select %eq3A_2360, %div3A_2356, %broadcast_in_dim3A_2362 : vector<16xi1>, vector<16xf32>
    %eq3A_2364 = arith.constant 0 : i32
    %eq3A_2365 = vector.broadcast %eq3A_2364 : i32 to vector<16xi32>
    %eq3A_2366 = arith.cmpi eq, %select_n3A_2349, %eq3A_2365 : vector<16xi32>
    %jit3A_2367 = arith.constant 0.000000e+00 : f32
    %broadcast_in_dim3A_2368 = vector.broadcast %jit3A_2367 : f32 to vector<16xf32>
    %select_n3A_2369 = arith.select %eq3A_2366, %div3A_2357, %broadcast_in_dim3A_2368 : vector<16xi1>, vector<16xf32>
    %add3A_2370 = arith.addf %select_n3A_2363, %select_n3A_2369 : vector<16xf32>
    %swap3A_2371 = arith.constant 0 : i32
    %swap3A_2372 = arith.index_cast %swap3A_2371 : i32 to index
    %swap3A_2373 = arith.constant 96 : index
    %swap3A_2374 = tpu.vector_load %arg5[%swap3A_2372, %swap3A_2373] {strides = array<i32>} : memref<8x128xf32, #tpu.memory_space<vmem>>, vector<1x16xf32>,
    %swap3A_2375 = vector.shape_cast %swap3A_2374 : vector<1x16xf32> to vector<16xf32>
    %swap3A_2376 = vector.shape_cast %add3A_2370 : vector<16xf32> to vector<1x16xf32>
    tpu.vector_store %arg5[%swap3A_2372, %swap3A_2373], %swap3A_2376 {strides = array<i32>} : memref<8x128xf32, #tpu.memory_space<vmem>>, vector<1x16xf32>,
    %eq3A_2377 = arith.constant 1 : i32
    %eq3A_2378 = vector.broadcast %eq3A_2377 : i32 to vector<16xi32>
    %eq3A_2379 = arith.cmpi eq, %select_n3A_2263, %eq3A_2378 : vector<16xi32>
    %jit3A_2380 = arith.constant 0.000000e+00 : f32
    %broadcast_in_dim3A_2381 = vector.broadcast %jit3A_2380 : f32 to vector<16xf32>
    %select_n3A_2382 = arith.select %eq3A_2379, %div3A_2356, %broadcast_in_dim3A_2381 : vector<16xi1>, vector<16xf32>
    %eq3A_2383 = arith.constant 1 : i32
    %eq3A_2384 = vector.broadcast %eq3A_2383 : i32 to vector<16xi32>
    %eq3A_2385 = arith.cmpi eq, %select_n3A_2349, %eq3A_2384 : vector<16xi32>
    %jit3A_2386 = arith.constant 0.000000e+00 : f32
    %broadcast_in_dim3A_2387 = vector.broadcast %jit3A_2386 : f32 to vector<16xf32>
    %select_n3A_2388 = arith.select %eq3A_2385, %div3A_2357, %broadcast_in_dim3A_2387 : vector<16xi1>, vector<16xf32>
    %add3A_2389 = arith.addf %select_n3A_2382, %select_n3A_2388 : vector<16xf32>
    %swap3A_2390 = arith.constant 1 : i32
    %swap3A_2391 = arith.index_cast %swap3A_2390 : i32 to index
    %swap3A_2392 = arith.constant 96 : index
    %swap3A_2393 = tpu.vector_load %arg5[%swap3A_2391, %swap3A_2392] {strides = array<i32>} : memref<8x128xf32, #tpu.memory_space<vmem>>, vector<1x16xf32>,
    %swap3A_2394 = vector.shape_cast %swap3A_2393 : vector<1x16xf32> to vector<16xf32>
    %swap3A_2395 = vector.shape_cast %add3A_2389 : vector<16xf32> to vector<1x16xf32>
    tpu.vector_store %arg5[%swap3A_2391, %swap3A_2392], %swap3A_2395 {strides = array<i32>} : memref<8x128xf32, #tpu.memory_space<vmem>>, vector<1x16xf32>,
    %eq3A_2396 = arith.constant 2 : i32
    %eq3A_2397 = vector.broadcast %eq3A_2396 : i32 to vector<16xi32>
    %eq3A_2398 = arith.cmpi eq, %select_n3A_2263, %eq3A_2397 : vector<16xi32>
    %jit3A_2399 = arith.constant 0.000000e+00 : f32
    %broadcast_in_dim3A_2400 = vector.broadcast %jit3A_2399 : f32 to vector<16xf32>
    %select_n3A_2401 = arith.select %eq3A_2398, %div3A_2356, %broadcast_in_dim3A_2400 : vector<16xi1>, vector<16xf32>
    %eq3A_2402 = arith.constant 2 : i32
    %eq3A_2403 = vector.broadcast %eq3A_2402 : i32 to vector<16xi32>
    %eq3A_2404 = arith.cmpi eq, %select_n3A_2349, %eq3A_2403 : vector<16xi32>
    %jit3A_2405 = arith.constant 0.000000e+00 : f32
    %broadcast_in_dim3A_2406 = vector.broadcast %jit3A_2405 : f32 to vector<16xf32>
    %select_n3A_2407 = arith.select %eq3A_2404, %div3A_2357, %broadcast_in_dim3A_2406 : vector<16xi1>, vector<16xf32>
    %add3A_2408 = arith.addf %select_n3A_2401, %select_n3A_2407 : vector<16xf32>
    %swap3A_2409 = arith.constant 2 : i32
    %swap3A_2410 = arith.index_cast %swap3A_2409 : i32 to index
    %swap3A_2411 = arith.constant 96 : index
    %swap3A_2412 = tpu.vector_load %arg5[%swap3A_2410, %swap3A_2411] {strides = array<i32>} : memref<8x128xf32, #tpu.memory_space<vmem>>, vector<1x16xf32>,
    %swap3A_2413 = vector.shape_cast %swap3A_2412 : vector<1x16xf32> to vector<16xf32>
    %swap3A_2414 = vector.shape_cast %add3A_2408 : vector<16xf32> to vector<1x16xf32>
    tpu.vector_store %arg5[%swap3A_2410, %swap3A_2411], %swap3A_2414 {strides = array<i32>} : memref<8x128xf32, #tpu.memory_space<vmem>>, vector<1x16xf32>,
    %eq3A_2415 = arith.constant 3 : i32
    %eq3A_2416 = vector.broadcast %eq3A_2415 : i32 to vector<16xi32>
    %eq3A_2417 = arith.cmpi eq, %select_n3A_2263, %eq3A_2416 : vector<16xi32>
    %jit3A_2418 = arith.constant 0.000000e+00 : f32
    %broadcast_in_dim3A_2419 = vector.broadcast %jit3A_2418 : f32 to vector<16xf32>
    %select_n3A_2420 = arith.select %eq3A_2417, %div3A_2356, %broadcast_in_dim3A_2419 : vector<16xi1>, vector<16xf32>
    %eq3A_2421 = arith.constant 3 : i32
    %eq3A_2422 = vector.broadcast %eq3A_2421 : i32 to vector<16xi32>
    %eq3A_2423 = arith.cmpi eq, %select_n3A_2349, %eq3A_2422 : vector<16xi32>
    %jit3A_2424 = arith.constant 0.000000e+00 : f32
    %broadcast_in_dim3A_2425 = vector.broadcast %jit3A_2424 : f32 to vector<16xf32>
    %select_n3A_2426 = arith.select %eq3A_2423, %div3A_2357, %broadcast_in_dim3A_2425 : vector<16xi1>, vector<16xf32>
    %add3A_2427 = arith.addf %select_n3A_2420, %select_n3A_2426 : vector<16xf32>
    %swap3A_2428 = arith.constant 3 : i32
    %swap3A_2429 = arith.index_cast %swap3A_2428 : i32 to index
    %swap3A_2430 = arith.constant 96 : index
    %swap3A_2431 = tpu.vector_load %arg5[%swap3A_2429, %swap3A_2430] {strides = array<i32>} : memref<8x128xf32, #tpu.memory_space<vmem>>, vector<1x16xf32>,
    %swap3A_2432 = vector.shape_cast %swap3A_2431 : vector<1x16xf32> to vector<16xf32>
    %swap3A_2433 = vector.shape_cast %add3A_2427 : vector<16xf32> to vector<1x16xf32>
    tpu.vector_store %arg5[%swap3A_2429, %swap3A_2430], %swap3A_2433 {strides = array<i32>} : memref<8x128xf32, #tpu.memory_space<vmem>>, vector<1x16xf32>,
    %eq3A_2434 = arith.constant 4 : i32
    %eq3A_2435 = vector.broadcast %eq3A_2434 : i32 to vector<16xi32>
    %eq3A_2436 = arith.cmpi eq, %select_n3A_2263, %eq3A_2435 : vector<16xi32>
    %jit3A_2437 = arith.constant 0.000000e+00 : f32
    %broadcast_in_dim3A_2438 = vector.broadcast %jit3A_2437 : f32 to vector<16xf32>
    %select_n3A_2439 = arith.select %eq3A_2436, %div3A_2356, %broadcast_in_dim3A_2438 : vector<16xi1>, vector<16xf32>
    %eq3A_2440 = arith.constant 4 : i32
    %eq3A_2441 = vector.broadcast %eq3A_2440 : i32 to vector<16xi32>
    %eq3A_2442 = arith.cmpi eq, %select_n3A_2349, %eq3A_2441 : vector<16xi32>
    %jit3A_2443 = arith.constant 0.000000e+00 : f32
    %broadcast_in_dim3A_2444 = vector.broadcast %jit3A_2443 : f32 to vector<16xf32>
    %select_n3A_2445 = arith.select %eq3A_2442, %div3A_2357, %broadcast_in_dim3A_2444 : vector<16xi1>, vector<16xf32>
    %add3A_2446 = arith.addf %select_n3A_2439, %select_n3A_2445 : vector<16xf32>
    %swap3A_2447 = arith.constant 4 : i32
    %swap3A_2448 = arith.index_cast %swap3A_2447 : i32 to index
    %swap3A_2449 = arith.constant 96 : index
    %swap3A_2450 = tpu.vector_load %arg5[%swap3A_2448, %swap3A_2449] {strides = array<i32>} : memref<8x128xf32, #tpu.memory_space<vmem>>, vector<1x16xf32>,
    %swap3A_2451 = vector.shape_cast %swap3A_2450 : vector<1x16xf32> to vector<16xf32>
    %swap3A_2452 = vector.shape_cast %add3A_2446 : vector<16xf32> to vector<1x16xf32>
    tpu.vector_store %arg5[%swap3A_2448, %swap3A_2449], %swap3A_2452 {strides = array<i32>} : memref<8x128xf32, #tpu.memory_space<vmem>>, vector<1x16xf32>,
    %eq3A_2453 = arith.constant 5 : i32
    %eq3A_2454 = vector.broadcast %eq3A_2453 : i32 to vector<16xi32>
    %eq3A_2455 = arith.cmpi eq, %select_n3A_2263, %eq3A_2454 : vector<16xi32>
    %jit3A_2456 = arith.constant 0.000000e+00 : f32
    %broadcast_in_dim3A_2457 = vector.broadcast %jit3A_2456 : f32 to vector<16xf32>
    %select_n3A_2458 = arith.select %eq3A_2455, %div3A_2356, %broadcast_in_dim3A_2457 : vector<16xi1>, vector<16xf32>
    %eq3A_2459 = arith.constant 5 : i32
    %eq3A_2460 = vector.broadcast %eq3A_2459 : i32 to vector<16xi32>
    %eq3A_2461 = arith.cmpi eq, %select_n3A_2349, %eq3A_2460 : vector<16xi32>
    %jit3A_2462 = arith.constant 0.000000e+00 : f32
    %broadcast_in_dim3A_2463 = vector.broadcast %jit3A_2462 : f32 to vector<16xf32>
    %select_n3A_2464 = arith.select %eq3A_2461, %div3A_2357, %broadcast_in_dim3A_2463 : vector<16xi1>, vector<16xf32>
    %add3A_2465 = arith.addf %select_n3A_2458, %select_n3A_2464 : vector<16xf32>
    %swap3A_2466 = arith.constant 5 : i32
    %swap3A_2467 = arith.index_cast %swap3A_2466 : i32 to index
    %swap3A_2468 = arith.constant 96 : index
    %swap3A_2469 = tpu.vector_load %arg5[%swap3A_2467, %swap3A_2468] {strides = array<i32>} : memref<8x128xf32, #tpu.memory_space<vmem>>, vector<1x16xf32>,
    %swap3A_2470 = vector.shape_cast %swap3A_2469 : vector<1x16xf32> to vector<16xf32>
    %swap3A_2471 = vector.shape_cast %add3A_2465 : vector<16xf32> to vector<1x16xf32>
    tpu.vector_store %arg5[%swap3A_2467, %swap3A_2468], %swap3A_2471 {strides = array<i32>} : memref<8x128xf32, #tpu.memory_space<vmem>>, vector<1x16xf32>,
    %eq3A_2472 = arith.constant 6 : i32
    %eq3A_2473 = vector.broadcast %eq3A_2472 : i32 to vector<16xi32>
    %eq3A_2474 = arith.cmpi eq, %select_n3A_2263, %eq3A_2473 : vector<16xi32>
    %jit3A_2475 = arith.constant 0.000000e+00 : f32
    %broadcast_in_dim3A_2476 = vector.broadcast %jit3A_2475 : f32 to vector<16xf32>
    %select_n3A_2477 = arith.select %eq3A_2474, %div3A_2356, %broadcast_in_dim3A_2476 : vector<16xi1>, vector<16xf32>
    %eq3A_2478 = arith.constant 6 : i32
    %eq3A_2479 = vector.broadcast %eq3A_2478 : i32 to vector<16xi32>
    %eq3A_2480 = arith.cmpi eq, %select_n3A_2349, %eq3A_2479 : vector<16xi32>
    %jit3A_2481 = arith.constant 0.000000e+00 : f32
    %broadcast_in_dim3A_2482 = vector.broadcast %jit3A_2481 : f32 to vector<16xf32>
    %select_n3A_2483 = arith.select %eq3A_2480, %div3A_2357, %broadcast_in_dim3A_2482 : vector<16xi1>, vector<16xf32>
    %add3A_2484 = arith.addf %select_n3A_2477, %select_n3A_2483 : vector<16xf32>
    %swap3A_2485 = arith.constant 6 : i32
    %swap3A_2486 = arith.index_cast %swap3A_2485 : i32 to index
    %swap3A_2487 = arith.constant 96 : index
    %swap3A_2488 = tpu.vector_load %arg5[%swap3A_2486, %swap3A_2487] {strides = array<i32>} : memref<8x128xf32, #tpu.memory_space<vmem>>, vector<1x16xf32>,
    %swap3A_2489 = vector.shape_cast %swap3A_2488 : vector<1x16xf32> to vector<16xf32>
    %swap3A_2490 = vector.shape_cast %add3A_2484 : vector<16xf32> to vector<1x16xf32>
    tpu.vector_store %arg5[%swap3A_2486, %swap3A_2487], %swap3A_2490 {strides = array<i32>} : memref<8x128xf32, #tpu.memory_space<vmem>>, vector<1x16xf32>,
    %eq3A_2491 = arith.constant 7 : i32
    %eq3A_2492 = vector.broadcast %eq3A_2491 : i32 to vector<16xi32>
    %eq3A_2493 = arith.cmpi eq, %select_n3A_2263, %eq3A_2492 : vector<16xi32>
    %jit3A_2494 = arith.constant 0.000000e+00 : f32
    %broadcast_in_dim3A_2495 = vector.broadcast %jit3A_2494 : f32 to vector<16xf32>
    %select_n3A_2496 = arith.select %eq3A_2493, %div3A_2356, %broadcast_in_dim3A_2495 : vector<16xi1>, vector<16xf32>
    %eq3A_2497 = arith.constant 7 : i32
    %eq3A_2498 = vector.broadcast %eq3A_2497 : i32 to vector<16xi32>
    %eq3A_2499 = arith.cmpi eq, %select_n3A_2349, %eq3A_2498 : vector<16xi32>
    %jit3A_2500 = arith.constant 0.000000e+00 : f32
    %broadcast_in_dim3A_2501 = vector.broadcast %jit3A_2500 : f32 to vector<16xf32>
    %select_n3A_2502 = arith.select %eq3A_2499, %div3A_2357, %broadcast_in_dim3A_2501 : vector<16xi1>, vector<16xf32>
    %add3A_2503 = arith.addf %select_n3A_2496, %select_n3A_2502 : vector<16xf32>
    %swap3A_2504 = arith.constant 7 : i32
    %swap3A_2505 = arith.index_cast %swap3A_2504 : i32 to index
    %swap3A_2506 = arith.constant 96 : index
    %swap3A_2507 = tpu.vector_load %arg5[%swap3A_2505, %swap3A_2506] {strides = array<i32>} : memref<8x128xf32, #tpu.memory_space<vmem>>, vector<1x16xf32>,
    %swap3A_2508 = vector.shape_cast %swap3A_2507 : vector<1x16xf32> to vector<16xf32>
    %swap3A_2509 = vector.shape_cast %add3A_2503 : vector<16xf32> to vector<1x16xf32>
    tpu.vector_store %arg5[%swap3A_2505, %swap3A_2506], %swap3A_2509 {strides = array<i32>} : memref<8x128xf32, #tpu.memory_space<vmem>>, vector<1x16xf32>,
    %get3A_2510 = arith.constant 0 : i32
    %get3A_2511 = arith.index_cast %get3A_2510 : i32 to index
    %get3A_2512 = arith.constant 112 : index
    %get3A_2513 = tpu.vector_load %arg4[%get3A_2511, %get3A_2512] {strides = array<i32>} : memref<8x128xf32, #tpu.memory_space<vmem>>, vector<1x16xf32>,
    %get3A_2514 = vector.shape_cast %get3A_2513 : vector<1x16xf32> to vector<16xf32>
    %get3A_2515 = arith.constant 1 : i32
    %get3A_2516 = arith.index_cast %get3A_2515 : i32 to index
    %get3A_2517 = arith.constant 112 : index
    %get3A_2518 = tpu.vector_load %arg4[%get3A_2516, %get3A_2517] {strides = array<i32>} : memref<8x128xf32, #tpu.memory_space<vmem>>, vector<1x16xf32>,
    %get3A_2519 = vector.shape_cast %get3A_2518 : vector<1x16xf32> to vector<16xf32>
    %get3A_2520 = arith.constant 2 : i32
    %get3A_2521 = arith.index_cast %get3A_2520 : i32 to index
    %get3A_2522 = arith.constant 112 : index
    %get3A_2523 = tpu.vector_load %arg4[%get3A_2521, %get3A_2522] {strides = array<i32>} : memref<8x128xf32, #tpu.memory_space<vmem>>, vector<1x16xf32>,
    %get3A_2524 = vector.shape_cast %get3A_2523 : vector<1x16xf32> to vector<16xf32>
    %get3A_2525 = arith.constant 3 : i32
    %get3A_2526 = arith.index_cast %get3A_2525 : i32 to index
    %get3A_2527 = arith.constant 112 : index
    %get3A_2528 = tpu.vector_load %arg4[%get3A_2526, %get3A_2527] {strides = array<i32>} : memref<8x128xf32, #tpu.memory_space<vmem>>, vector<1x16xf32>,
    %get3A_2529 = vector.shape_cast %get3A_2528 : vector<1x16xf32> to vector<16xf32>
    %get3A_2530 = arith.constant 4 : i32
    %get3A_2531 = arith.index_cast %get3A_2530 : i32 to index
    %get3A_2532 = arith.constant 112 : index
    %get3A_2533 = tpu.vector_load %arg4[%get3A_2531, %get3A_2532] {strides = array<i32>} : memref<8x128xf32, #tpu.memory_space<vmem>>, vector<1x16xf32>,
    %get3A_2534 = vector.shape_cast %get3A_2533 : vector<1x16xf32> to vector<16xf32>
    %get3A_2535 = arith.constant 5 : i32
    %get3A_2536 = arith.index_cast %get3A_2535 : i32 to index
    %get3A_2537 = arith.constant 112 : index
    %get3A_2538 = tpu.vector_load %arg4[%get3A_2536, %get3A_2537] {strides = array<i32>} : memref<8x128xf32, #tpu.memory_space<vmem>>, vector<1x16xf32>,
    %get3A_2539 = vector.shape_cast %get3A_2538 : vector<1x16xf32> to vector<16xf32>
    %get3A_2540 = arith.constant 6 : i32
    %get3A_2541 = arith.index_cast %get3A_2540 : i32 to index
    %get3A_2542 = arith.constant 112 : index
    %get3A_2543 = tpu.vector_load %arg4[%get3A_2541, %get3A_2542] {strides = array<i32>} : memref<8x128xf32, #tpu.memory_space<vmem>>, vector<1x16xf32>,
    %get3A_2544 = vector.shape_cast %get3A_2543 : vector<1x16xf32> to vector<16xf32>
    %get3A_2545 = arith.constant 7 : i32
    %get3A_2546 = arith.index_cast %get3A_2545 : i32 to index
    %get3A_2547 = arith.constant 112 : index
    %get3A_2548 = tpu.vector_load %arg4[%get3A_2546, %get3A_2547] {strides = array<i32>} : memref<8x128xf32, #tpu.memory_space<vmem>>, vector<1x16xf32>,
    %get3A_2549 = vector.shape_cast %get3A_2548 : vector<1x16xf32> to vector<16xf32>
    %max3A_2550 = arith.maximumf %get3A_2514, %get3A_2519 : vector<16xf32>
    %max3A_2551 = arith.maximumf %max3A_2550, %get3A_2524 : vector<16xf32>
    %max3A_2552 = arith.maximumf %max3A_2551, %get3A_2529 : vector<16xf32>
    %max3A_2553 = arith.maximumf %max3A_2552, %get3A_2534 : vector<16xf32>
    %max3A_2554 = arith.maximumf %max3A_2553, %get3A_2539 : vector<16xf32>
    %max3A_2555 = arith.maximumf %max3A_2554, %get3A_2544 : vector<16xf32>
    %max3A_2556 = arith.maximumf %max3A_2555, %get3A_2549 : vector<16xf32>
    %sub3A_2557 = arith.subf %get3A_2514, %max3A_2556 : vector<16xf32>
    %exp3A_2558 = math.exp %sub3A_2557 : vector<16xf32>
    %sub3A_2559 = arith.subf %get3A_2519, %max3A_2556 : vector<16xf32>
    %exp3A_2560 = math.exp %sub3A_2559 : vector<16xf32>
    %sub3A_2561 = arith.subf %get3A_2524, %max3A_2556 : vector<16xf32>
    %exp3A_2562 = math.exp %sub3A_2561 : vector<16xf32>
    %sub3A_2563 = arith.subf %get3A_2529, %max3A_2556 : vector<16xf32>
    %exp3A_2564 = math.exp %sub3A_2563 : vector<16xf32>
    %sub3A_2565 = arith.subf %get3A_2534, %max3A_2556 : vector<16xf32>
    %exp3A_2566 = math.exp %sub3A_2565 : vector<16xf32>
    %sub3A_2567 = arith.subf %get3A_2539, %max3A_2556 : vector<16xf32>
    %exp3A_2568 = math.exp %sub3A_2567 : vector<16xf32>
    %sub3A_2569 = arith.subf %get3A_2544, %max3A_2556 : vector<16xf32>
    %exp3A_2570 = math.exp %sub3A_2569 : vector<16xf32>
    %sub3A_2571 = arith.subf %get3A_2549, %max3A_2556 : vector<16xf32>
    %exp3A_2572 = math.exp %sub3A_2571 : vector<16xf32>
    %add3A_2573 = arith.addf %exp3A_2558, %exp3A_2560 : vector<16xf32>
    %add3A_2574 = arith.addf %add3A_2573, %exp3A_2562 : vector<16xf32>
    %add3A_2575 = arith.addf %add3A_2574, %exp3A_2564 : vector<16xf32>
    %add3A_2576 = arith.addf %add3A_2575, %exp3A_2566 : vector<16xf32>
    %add3A_2577 = arith.addf %add3A_2576, %exp3A_2568 : vector<16xf32>
    %add3A_2578 = arith.addf %add3A_2577, %exp3A_2570 : vector<16xf32>
    %add3A_2579 = arith.addf %add3A_2578, %exp3A_2572 : vector<16xf32>
    %broadcast_in_dim3A_2580 = arith.constant 0 : i32
    %broadcast_in_dim3A_2581 = vector.broadcast %broadcast_in_dim3A_2580 : i32 to vector<16xi32>
    %gt3A_2582 = arith.cmpf ogt, %get3A_2519, %get3A_2514 : vector<16xf32>
    %select_n3A_2583 = arith.select %gt3A_2582, %get3A_2519, %get3A_2514 : vector<16xi1>, vector<16xf32>
    %select_n3A_2584 = arith.select %gt3A_2582, %exp3A_2560, %exp3A_2558 : vector<16xi1>, vector<16xf32>
    %jit3A_2585 = arith.constant 1 : i32
    %broadcast_in_dim3A_2586 = vector.broadcast %jit3A_2585 : i32 to vector<16xi32>
    %select_n3A_2587 = arith.select %gt3A_2582, %broadcast_in_dim3A_2586, %broadcast_in_dim3A_2581 : vector<16xi1>, vector<16xi32>
    %gt3A_2588 = arith.cmpf ogt, %get3A_2524, %select_n3A_2583 : vector<16xf32>
    %select_n3A_2589 = arith.select %gt3A_2588, %get3A_2524, %select_n3A_2583 : vector<16xi1>, vector<16xf32>
    %select_n3A_2590 = arith.select %gt3A_2588, %exp3A_2562, %select_n3A_2584 : vector<16xi1>, vector<16xf32>
    %jit3A_2591 = arith.constant 2 : i32
    %broadcast_in_dim3A_2592 = vector.broadcast %jit3A_2591 : i32 to vector<16xi32>
    %select_n3A_2593 = arith.select %gt3A_2588, %broadcast_in_dim3A_2592, %select_n3A_2587 : vector<16xi1>, vector<16xi32>
    %gt3A_2594 = arith.cmpf ogt, %get3A_2529, %select_n3A_2589 : vector<16xf32>
    %select_n3A_2595 = arith.select %gt3A_2594, %get3A_2529, %select_n3A_2589 : vector<16xi1>, vector<16xf32>
    %select_n3A_2596 = arith.select %gt3A_2594, %exp3A_2564, %select_n3A_2590 : vector<16xi1>, vector<16xf32>
    %jit3A_2597 = arith.constant 3 : i32
    %broadcast_in_dim3A_2598 = vector.broadcast %jit3A_2597 : i32 to vector<16xi32>
    %select_n3A_2599 = arith.select %gt3A_2594, %broadcast_in_dim3A_2598, %select_n3A_2593 : vector<16xi1>, vector<16xi32>
    %gt3A_2600 = arith.cmpf ogt, %get3A_2534, %select_n3A_2595 : vector<16xf32>
    %select_n3A_2601 = arith.select %gt3A_2600, %get3A_2534, %select_n3A_2595 : vector<16xi1>, vector<16xf32>
    %select_n3A_2602 = arith.select %gt3A_2600, %exp3A_2566, %select_n3A_2596 : vector<16xi1>, vector<16xf32>
    %jit3A_2603 = arith.constant 4 : i32
    %broadcast_in_dim3A_2604 = vector.broadcast %jit3A_2603 : i32 to vector<16xi32>
    %select_n3A_2605 = arith.select %gt3A_2600, %broadcast_in_dim3A_2604, %select_n3A_2599 : vector<16xi1>, vector<16xi32>
    %gt3A_2606 = arith.cmpf ogt, %get3A_2539, %select_n3A_2601 : vector<16xf32>
    %select_n3A_2607 = arith.select %gt3A_2606, %get3A_2539, %select_n3A_2601 : vector<16xi1>, vector<16xf32>
    %select_n3A_2608 = arith.select %gt3A_2606, %exp3A_2568, %select_n3A_2602 : vector<16xi1>, vector<16xf32>
    %jit3A_2609 = arith.constant 5 : i32
    %broadcast_in_dim3A_2610 = vector.broadcast %jit3A_2609 : i32 to vector<16xi32>
    %select_n3A_2611 = arith.select %gt3A_2606, %broadcast_in_dim3A_2610, %select_n3A_2605 : vector<16xi1>, vector<16xi32>
    %gt3A_2612 = arith.cmpf ogt, %get3A_2544, %select_n3A_2607 : vector<16xf32>
    %select_n3A_2613 = arith.select %gt3A_2612, %get3A_2544, %select_n3A_2607 : vector<16xi1>, vector<16xf32>
    %select_n3A_2614 = arith.select %gt3A_2612, %exp3A_2570, %select_n3A_2608 : vector<16xi1>, vector<16xf32>
    %jit3A_2615 = arith.constant 6 : i32
    %broadcast_in_dim3A_2616 = vector.broadcast %jit3A_2615 : i32 to vector<16xi32>
    %select_n3A_2617 = arith.select %gt3A_2612, %broadcast_in_dim3A_2616, %select_n3A_2611 : vector<16xi1>, vector<16xi32>
    %gt3A_2618 = arith.cmpf ogt, %get3A_2549, %select_n3A_2613 : vector<16xf32>
    %select_n3A_2619 = arith.select %gt3A_2618, %get3A_2549, %select_n3A_2613 : vector<16xi1>, vector<16xf32>
    %select_n3A_2620 = arith.select %gt3A_2618, %exp3A_2572, %select_n3A_2614 : vector<16xi1>, vector<16xf32>
    %jit3A_2621 = arith.constant 7 : i32
    %broadcast_in_dim3A_2622 = vector.broadcast %jit3A_2621 : i32 to vector<16xi32>
    %select_n3A_2623 = arith.select %gt3A_2618, %broadcast_in_dim3A_2622, %select_n3A_2617 : vector<16xi1>, vector<16xi32>
    %broadcast_in_dim3A_2624 = arith.constant 0xFF800000 : f32
    %broadcast_in_dim3A_2625 = vector.broadcast %broadcast_in_dim3A_2624 : f32 to vector<16xf32>
    %broadcast_in_dim3A_2626 = arith.constant 0.000000e+00 : f32
    %broadcast_in_dim3A_2627 = vector.broadcast %broadcast_in_dim3A_2626 : f32 to vector<16xf32>
    %broadcast_in_dim3A_2628 = arith.constant 8 : i32
    %broadcast_in_dim3A_2629 = vector.broadcast %broadcast_in_dim3A_2628 : i32 to vector<16xi32>
    %gt3A_2630 = arith.cmpf ogt, %get3A_2514, %broadcast_in_dim3A_2625 : vector<16xf32>
    %ne3A_2631 = arith.constant 0 : i32
    %ne3A_2632 = vector.broadcast %ne3A_2631 : i32 to vector<16xi32>
    %ne3A_2633 = arith.cmpi ne, %select_n3A_2623, %ne3A_2632 : vector<16xi32>
    %and3A_2634 = arith.andi %gt3A_2630, %ne3A_2633 : vector<16xi1>
    %select_n3A_2635 = arith.select %and3A_2634, %get3A_2514, %broadcast_in_dim3A_2625 : vector<16xi1>, vector<16xf32>
    %select_n3A_2636 = arith.select %and3A_2634, %exp3A_2558, %broadcast_in_dim3A_2627 : vector<16xi1>, vector<16xf32>
    %jit3A_2637 = arith.constant 0 : i32
    %broadcast_in_dim3A_2638 = vector.broadcast %jit3A_2637 : i32 to vector<16xi32>
    %select_n3A_2639 = arith.select %and3A_2634, %broadcast_in_dim3A_2638, %broadcast_in_dim3A_2629 : vector<16xi1>, vector<16xi32>
    %gt3A_2640 = arith.cmpf ogt, %get3A_2519, %select_n3A_2635 : vector<16xf32>
    %ne3A_2641 = arith.constant 1 : i32
    %ne3A_2642 = vector.broadcast %ne3A_2641 : i32 to vector<16xi32>
    %ne3A_2643 = arith.cmpi ne, %select_n3A_2623, %ne3A_2642 : vector<16xi32>
    %and3A_2644 = arith.andi %gt3A_2640, %ne3A_2643 : vector<16xi1>
    %select_n3A_2645 = arith.select %and3A_2644, %get3A_2519, %select_n3A_2635 : vector<16xi1>, vector<16xf32>
    %select_n3A_2646 = arith.select %and3A_2644, %exp3A_2560, %select_n3A_2636 : vector<16xi1>, vector<16xf32>
    %jit3A_2647 = arith.constant 1 : i32
    %broadcast_in_dim3A_2648 = vector.broadcast %jit3A_2647 : i32 to vector<16xi32>
    %select_n3A_2649 = arith.select %and3A_2644, %broadcast_in_dim3A_2648, %select_n3A_2639 : vector<16xi1>, vector<16xi32>
    %gt3A_2650 = arith.cmpf ogt, %get3A_2524, %select_n3A_2645 : vector<16xf32>
    %ne3A_2651 = arith.constant 2 : i32
    %ne3A_2652 = vector.broadcast %ne3A_2651 : i32 to vector<16xi32>
    %ne3A_2653 = arith.cmpi ne, %select_n3A_2623, %ne3A_2652 : vector<16xi32>
    %and3A_2654 = arith.andi %gt3A_2650, %ne3A_2653 : vector<16xi1>
    %select_n3A_2655 = arith.select %and3A_2654, %get3A_2524, %select_n3A_2645 : vector<16xi1>, vector<16xf32>
    %select_n3A_2656 = arith.select %and3A_2654, %exp3A_2562, %select_n3A_2646 : vector<16xi1>, vector<16xf32>
    %jit3A_2657 = arith.constant 2 : i32
    %broadcast_in_dim3A_2658 = vector.broadcast %jit3A_2657 : i32 to vector<16xi32>
    %select_n3A_2659 = arith.select %and3A_2654, %broadcast_in_dim3A_2658, %select_n3A_2649 : vector<16xi1>, vector<16xi32>
    %gt3A_2660 = arith.cmpf ogt, %get3A_2529, %select_n3A_2655 : vector<16xf32>
    %ne3A_2661 = arith.constant 3 : i32
    %ne3A_2662 = vector.broadcast %ne3A_2661 : i32 to vector<16xi32>
    %ne3A_2663 = arith.cmpi ne, %select_n3A_2623, %ne3A_2662 : vector<16xi32>
    %and3A_2664 = arith.andi %gt3A_2660, %ne3A_2663 : vector<16xi1>
    %select_n3A_2665 = arith.select %and3A_2664, %get3A_2529, %select_n3A_2655 : vector<16xi1>, vector<16xf32>
    %select_n3A_2666 = arith.select %and3A_2664, %exp3A_2564, %select_n3A_2656 : vector<16xi1>, vector<16xf32>
    %jit3A_2667 = arith.constant 3 : i32
    %broadcast_in_dim3A_2668 = vector.broadcast %jit3A_2667 : i32 to vector<16xi32>
    %select_n3A_2669 = arith.select %and3A_2664, %broadcast_in_dim3A_2668, %select_n3A_2659 : vector<16xi1>, vector<16xi32>
    %gt3A_2670 = arith.cmpf ogt, %get3A_2534, %select_n3A_2665 : vector<16xf32>
    %ne3A_2671 = arith.constant 4 : i32
    %ne3A_2672 = vector.broadcast %ne3A_2671 : i32 to vector<16xi32>
    %ne3A_2673 = arith.cmpi ne, %select_n3A_2623, %ne3A_2672 : vector<16xi32>
    %and3A_2674 = arith.andi %gt3A_2670, %ne3A_2673 : vector<16xi1>
    %select_n3A_2675 = arith.select %and3A_2674, %get3A_2534, %select_n3A_2665 : vector<16xi1>, vector<16xf32>
    %select_n3A_2676 = arith.select %and3A_2674, %exp3A_2566, %select_n3A_2666 : vector<16xi1>, vector<16xf32>
    %jit3A_2677 = arith.constant 4 : i32
    %broadcast_in_dim3A_2678 = vector.broadcast %jit3A_2677 : i32 to vector<16xi32>
    %select_n3A_2679 = arith.select %and3A_2674, %broadcast_in_dim3A_2678, %select_n3A_2669 : vector<16xi1>, vector<16xi32>
    %gt3A_2680 = arith.cmpf ogt, %get3A_2539, %select_n3A_2675 : vector<16xf32>
    %ne3A_2681 = arith.constant 5 : i32
    %ne3A_2682 = vector.broadcast %ne3A_2681 : i32 to vector<16xi32>
    %ne3A_2683 = arith.cmpi ne, %select_n3A_2623, %ne3A_2682 : vector<16xi32>
    %and3A_2684 = arith.andi %gt3A_2680, %ne3A_2683 : vector<16xi1>
    %select_n3A_2685 = arith.select %and3A_2684, %get3A_2539, %select_n3A_2675 : vector<16xi1>, vector<16xf32>
    %select_n3A_2686 = arith.select %and3A_2684, %exp3A_2568, %select_n3A_2676 : vector<16xi1>, vector<16xf32>
    %jit3A_2687 = arith.constant 5 : i32
    %broadcast_in_dim3A_2688 = vector.broadcast %jit3A_2687 : i32 to vector<16xi32>
    %select_n3A_2689 = arith.select %and3A_2684, %broadcast_in_dim3A_2688, %select_n3A_2679 : vector<16xi1>, vector<16xi32>
    %gt3A_2690 = arith.cmpf ogt, %get3A_2544, %select_n3A_2685 : vector<16xf32>
    %ne3A_2691 = arith.constant 6 : i32
    %ne3A_2692 = vector.broadcast %ne3A_2691 : i32 to vector<16xi32>
    %ne3A_2693 = arith.cmpi ne, %select_n3A_2623, %ne3A_2692 : vector<16xi32>
    %and3A_2694 = arith.andi %gt3A_2690, %ne3A_2693 : vector<16xi1>
    %select_n3A_2695 = arith.select %and3A_2694, %get3A_2544, %select_n3A_2685 : vector<16xi1>, vector<16xf32>
    %select_n3A_2696 = arith.select %and3A_2694, %exp3A_2570, %select_n3A_2686 : vector<16xi1>, vector<16xf32>
    %jit3A_2697 = arith.constant 6 : i32
    %broadcast_in_dim3A_2698 = vector.broadcast %jit3A_2697 : i32 to vector<16xi32>
    %select_n3A_2699 = arith.select %and3A_2694, %broadcast_in_dim3A_2698, %select_n3A_2689 : vector<16xi1>, vector<16xi32>
    %gt3A_2700 = arith.cmpf ogt, %get3A_2549, %select_n3A_2695 : vector<16xf32>
    %ne3A_2701 = arith.constant 7 : i32
    %ne3A_2702 = vector.broadcast %ne3A_2701 : i32 to vector<16xi32>
    %ne3A_2703 = arith.cmpi ne, %select_n3A_2623, %ne3A_2702 : vector<16xi32>
    %and3A_2704 = arith.andi %gt3A_2700, %ne3A_2703 : vector<16xi1>
    %select_n3A_2705 = arith.select %and3A_2704, %get3A_2549, %select_n3A_2695 : vector<16xi1>, vector<16xf32>
    %select_n3A_2706 = arith.select %and3A_2704, %exp3A_2572, %select_n3A_2696 : vector<16xi1>, vector<16xf32>
    %jit3A_2707 = arith.constant 7 : i32
    %broadcast_in_dim3A_2708 = vector.broadcast %jit3A_2707 : i32 to vector<16xi32>
    %select_n3A_2709 = arith.select %and3A_2704, %broadcast_in_dim3A_2708, %select_n3A_2699 : vector<16xi1>, vector<16xi32>
    %div3A_2710 = arith.divf %select_n3A_2620, %add3A_2579 : vector<16xf32>
    %div3A_2711 = arith.divf %select_n3A_2706, %add3A_2579 : vector<16xf32>
    %add3A_2712 = arith.addf %div3A_2710, %div3A_2711 : vector<16xf32>
    %add3A_2713 = arith.constant 9.99999971E-10 : f32
    %add3A_2714 = vector.broadcast %add3A_2713 : f32 to vector<16xf32>
    %add3A_2715 = arith.addf %add3A_2712, %add3A_2714 : vector<16xf32>
    %div3A_2716 = arith.divf %div3A_2710, %add3A_2715 : vector<16xf32>
    %div3A_2717 = arith.divf %div3A_2711, %add3A_2715 : vector<16xf32>
    %eq3A_2718 = arith.constant 0 : i32
    %eq3A_2719 = vector.broadcast %eq3A_2718 : i32 to vector<16xi32>
    %eq3A_2720 = arith.cmpi eq, %select_n3A_2623, %eq3A_2719 : vector<16xi32>
    %jit3A_2721 = arith.constant 0.000000e+00 : f32
    %broadcast_in_dim3A_2722 = vector.broadcast %jit3A_2721 : f32 to vector<16xf32>
    %select_n3A_2723 = arith.select %eq3A_2720, %div3A_2716, %broadcast_in_dim3A_2722 : vector<16xi1>, vector<16xf32>
    %eq3A_2724 = arith.constant 0 : i32
    %eq3A_2725 = vector.broadcast %eq3A_2724 : i32 to vector<16xi32>
    %eq3A_2726 = arith.cmpi eq, %select_n3A_2709, %eq3A_2725 : vector<16xi32>
    %jit3A_2727 = arith.constant 0.000000e+00 : f32
    %broadcast_in_dim3A_2728 = vector.broadcast %jit3A_2727 : f32 to vector<16xf32>
    %select_n3A_2729 = arith.select %eq3A_2726, %div3A_2717, %broadcast_in_dim3A_2728 : vector<16xi1>, vector<16xf32>
    %add3A_2730 = arith.addf %select_n3A_2723, %select_n3A_2729 : vector<16xf32>
    %swap3A_2731 = arith.constant 0 : i32
    %swap3A_2732 = arith.index_cast %swap3A_2731 : i32 to index
    %swap3A_2733 = arith.constant 112 : index
    %swap3A_2734 = tpu.vector_load %arg5[%swap3A_2732, %swap3A_2733] {strides = array<i32>} : memref<8x128xf32, #tpu.memory_space<vmem>>, vector<1x16xf32>,
    %swap3A_2735 = vector.shape_cast %swap3A_2734 : vector<1x16xf32> to vector<16xf32>
    %swap3A_2736 = vector.shape_cast %add3A_2730 : vector<16xf32> to vector<1x16xf32>
    tpu.vector_store %arg5[%swap3A_2732, %swap3A_2733], %swap3A_2736 {strides = array<i32>} : memref<8x128xf32, #tpu.memory_space<vmem>>, vector<1x16xf32>,
    %eq3A_2737 = arith.constant 1 : i32
    %eq3A_2738 = vector.broadcast %eq3A_2737 : i32 to vector<16xi32>
    %eq3A_2739 = arith.cmpi eq, %select_n3A_2623, %eq3A_2738 : vector<16xi32>
    %jit3A_2740 = arith.constant 0.000000e+00 : f32
    %broadcast_in_dim3A_2741 = vector.broadcast %jit3A_2740 : f32 to vector<16xf32>
    %select_n3A_2742 = arith.select %eq3A_2739, %div3A_2716, %broadcast_in_dim3A_2741 : vector<16xi1>, vector<16xf32>
    %eq3A_2743 = arith.constant 1 : i32
    %eq3A_2744 = vector.broadcast %eq3A_2743 : i32 to vector<16xi32>
    %eq3A_2745 = arith.cmpi eq, %select_n3A_2709, %eq3A_2744 : vector<16xi32>
    %jit3A_2746 = arith.constant 0.000000e+00 : f32
    %broadcast_in_dim3A_2747 = vector.broadcast %jit3A_2746 : f32 to vector<16xf32>
    %select_n3A_2748 = arith.select %eq3A_2745, %div3A_2717, %broadcast_in_dim3A_2747 : vector<16xi1>, vector<16xf32>
    %add3A_2749 = arith.addf %select_n3A_2742, %select_n3A_2748 : vector<16xf32>
    %swap3A_2750 = arith.constant 1 : i32
    %swap3A_2751 = arith.index_cast %swap3A_2750 : i32 to index
    %swap3A_2752 = arith.constant 112 : index
    %swap3A_2753 = tpu.vector_load %arg5[%swap3A_2751, %swap3A_2752] {strides = array<i32>} : memref<8x128xf32, #tpu.memory_space<vmem>>, vector<1x16xf32>,
    %swap3A_2754 = vector.shape_cast %swap3A_2753 : vector<1x16xf32> to vector<16xf32>
    %swap3A_2755 = vector.shape_cast %add3A_2749 : vector<16xf32> to vector<1x16xf32>
    tpu.vector_store %arg5[%swap3A_2751, %swap3A_2752], %swap3A_2755 {strides = array<i32>} : memref<8x128xf32, #tpu.memory_space<vmem>>, vector<1x16xf32>,
    %eq3A_2756 = arith.constant 2 : i32
    %eq3A_2757 = vector.broadcast %eq3A_2756 : i32 to vector<16xi32>
    %eq3A_2758 = arith.cmpi eq, %select_n3A_2623, %eq3A_2757 : vector<16xi32>
    %jit3A_2759 = arith.constant 0.000000e+00 : f32
    %broadcast_in_dim3A_2760 = vector.broadcast %jit3A_2759 : f32 to vector<16xf32>
    %select_n3A_2761 = arith.select %eq3A_2758, %div3A_2716, %broadcast_in_dim3A_2760 : vector<16xi1>, vector<16xf32>
    %eq3A_2762 = arith.constant 2 : i32
    %eq3A_2763 = vector.broadcast %eq3A_2762 : i32 to vector<16xi32>
    %eq3A_2764 = arith.cmpi eq, %select_n3A_2709, %eq3A_2763 : vector<16xi32>
    %jit3A_2765 = arith.constant 0.000000e+00 : f32
    %broadcast_in_dim3A_2766 = vector.broadcast %jit3A_2765 : f32 to vector<16xf32>
    %select_n3A_2767 = arith.select %eq3A_2764, %div3A_2717, %broadcast_in_dim3A_2766 : vector<16xi1>, vector<16xf32>
    %add3A_2768 = arith.addf %select_n3A_2761, %select_n3A_2767 : vector<16xf32>
    %swap3A_2769 = arith.constant 2 : i32
    %swap3A_2770 = arith.index_cast %swap3A_2769 : i32 to index
    %swap3A_2771 = arith.constant 112 : index
    %swap3A_2772 = tpu.vector_load %arg5[%swap3A_2770, %swap3A_2771] {strides = array<i32>} : memref<8x128xf32, #tpu.memory_space<vmem>>, vector<1x16xf32>,
    %swap3A_2773 = vector.shape_cast %swap3A_2772 : vector<1x16xf32> to vector<16xf32>
    %swap3A_2774 = vector.shape_cast %add3A_2768 : vector<16xf32> to vector<1x16xf32>
    tpu.vector_store %arg5[%swap3A_2770, %swap3A_2771], %swap3A_2774 {strides = array<i32>} : memref<8x128xf32, #tpu.memory_space<vmem>>, vector<1x16xf32>,
    %eq3A_2775 = arith.constant 3 : i32
    %eq3A_2776 = vector.broadcast %eq3A_2775 : i32 to vector<16xi32>
    %eq3A_2777 = arith.cmpi eq, %select_n3A_2623, %eq3A_2776 : vector<16xi32>
    %jit3A_2778 = arith.constant 0.000000e+00 : f32
    %broadcast_in_dim3A_2779 = vector.broadcast %jit3A_2778 : f32 to vector<16xf32>
    %select_n3A_2780 = arith.select %eq3A_2777, %div3A_2716, %broadcast_in_dim3A_2779 : vector<16xi1>, vector<16xf32>
    %eq3A_2781 = arith.constant 3 : i32
    %eq3A_2782 = vector.broadcast %eq3A_2781 : i32 to vector<16xi32>
    %eq3A_2783 = arith.cmpi eq, %select_n3A_2709, %eq3A_2782 : vector<16xi32>
    %jit3A_2784 = arith.constant 0.000000e+00 : f32
    %broadcast_in_dim3A_2785 = vector.broadcast %jit3A_2784 : f32 to vector<16xf32>
    %select_n3A_2786 = arith.select %eq3A_2783, %div3A_2717, %broadcast_in_dim3A_2785 : vector<16xi1>, vector<16xf32>
    %add3A_2787 = arith.addf %select_n3A_2780, %select_n3A_2786 : vector<16xf32>
    %swap3A_2788 = arith.constant 3 : i32
    %swap3A_2789 = arith.index_cast %swap3A_2788 : i32 to index
    %swap3A_2790 = arith.constant 112 : index
    %swap3A_2791 = tpu.vector_load %arg5[%swap3A_2789, %swap3A_2790] {strides = array<i32>} : memref<8x128xf32, #tpu.memory_space<vmem>>, vector<1x16xf32>,
    %swap3A_2792 = vector.shape_cast %swap3A_2791 : vector<1x16xf32> to vector<16xf32>
    %swap3A_2793 = vector.shape_cast %add3A_2787 : vector<16xf32> to vector<1x16xf32>
    tpu.vector_store %arg5[%swap3A_2789, %swap3A_2790], %swap3A_2793 {strides = array<i32>} : memref<8x128xf32, #tpu.memory_space<vmem>>, vector<1x16xf32>,
    %eq3A_2794 = arith.constant 4 : i32
    %eq3A_2795 = vector.broadcast %eq3A_2794 : i32 to vector<16xi32>
    %eq3A_2796 = arith.cmpi eq, %select_n3A_2623, %eq3A_2795 : vector<16xi32>
    %jit3A_2797 = arith.constant 0.000000e+00 : f32
    %broadcast_in_dim3A_2798 = vector.broadcast %jit3A_2797 : f32 to vector<16xf32>
    %select_n3A_2799 = arith.select %eq3A_2796, %div3A_2716, %broadcast_in_dim3A_2798 : vector<16xi1>, vector<16xf32>
    %eq3A_2800 = arith.constant 4 : i32
    %eq3A_2801 = vector.broadcast %eq3A_2800 : i32 to vector<16xi32>
    %eq3A_2802 = arith.cmpi eq, %select_n3A_2709, %eq3A_2801 : vector<16xi32>
    %jit3A_2803 = arith.constant 0.000000e+00 : f32
    %broadcast_in_dim3A_2804 = vector.broadcast %jit3A_2803 : f32 to vector<16xf32>
    %select_n3A_2805 = arith.select %eq3A_2802, %div3A_2717, %broadcast_in_dim3A_2804 : vector<16xi1>, vector<16xf32>
    %add3A_2806 = arith.addf %select_n3A_2799, %select_n3A_2805 : vector<16xf32>
    %swap3A_2807 = arith.constant 4 : i32
    %swap3A_2808 = arith.index_cast %swap3A_2807 : i32 to index
    %swap3A_2809 = arith.constant 112 : index
    %swap3A_2810 = tpu.vector_load %arg5[%swap3A_2808, %swap3A_2809] {strides = array<i32>} : memref<8x128xf32, #tpu.memory_space<vmem>>, vector<1x16xf32>,
    %swap3A_2811 = vector.shape_cast %swap3A_2810 : vector<1x16xf32> to vector<16xf32>
    %swap3A_2812 = vector.shape_cast %add3A_2806 : vector<16xf32> to vector<1x16xf32>
    tpu.vector_store %arg5[%swap3A_2808, %swap3A_2809], %swap3A_2812 {strides = array<i32>} : memref<8x128xf32, #tpu.memory_space<vmem>>, vector<1x16xf32>,
    %eq3A_2813 = arith.constant 5 : i32
    %eq3A_2814 = vector.broadcast %eq3A_2813 : i32 to vector<16xi32>
    %eq3A_2815 = arith.cmpi eq, %select_n3A_2623, %eq3A_2814 : vector<16xi32>
    %jit3A_2816 = arith.constant 0.000000e+00 : f32
    %broadcast_in_dim3A_2817 = vector.broadcast %jit3A_2816 : f32 to vector<16xf32>
    %select_n3A_2818 = arith.select %eq3A_2815, %div3A_2716, %broadcast_in_dim3A_2817 : vector<16xi1>, vector<16xf32>
    %eq3A_2819 = arith.constant 5 : i32
    %eq3A_2820 = vector.broadcast %eq3A_2819 : i32 to vector<16xi32>
    %eq3A_2821 = arith.cmpi eq, %select_n3A_2709, %eq3A_2820 : vector<16xi32>
    %jit3A_2822 = arith.constant 0.000000e+00 : f32
    %broadcast_in_dim3A_2823 = vector.broadcast %jit3A_2822 : f32 to vector<16xf32>
    %select_n3A_2824 = arith.select %eq3A_2821, %div3A_2717, %broadcast_in_dim3A_2823 : vector<16xi1>, vector<16xf32>
    %add3A_2825 = arith.addf %select_n3A_2818, %select_n3A_2824 : vector<16xf32>
    %swap3A_2826 = arith.constant 5 : i32
    %swap3A_2827 = arith.index_cast %swap3A_2826 : i32 to index
    %swap3A_2828 = arith.constant 112 : index
    %swap3A_2829 = tpu.vector_load %arg5[%swap3A_2827, %swap3A_2828] {strides = array<i32>} : memref<8x128xf32, #tpu.memory_space<vmem>>, vector<1x16xf32>,
    %swap3A_2830 = vector.shape_cast %swap3A_2829 : vector<1x16xf32> to vector<16xf32>
    %swap3A_2831 = vector.shape_cast %add3A_2825 : vector<16xf32> to vector<1x16xf32>
    tpu.vector_store %arg5[%swap3A_2827, %swap3A_2828], %swap3A_2831 {strides = array<i32>} : memref<8x128xf32, #tpu.memory_space<vmem>>, vector<1x16xf32>,
    %eq3A_2832 = arith.constant 6 : i32
    %eq3A_2833 = vector.broadcast %eq3A_2832 : i32 to vector<16xi32>
    %eq3A_2834 = arith.cmpi eq, %select_n3A_2623, %eq3A_2833 : vector<16xi32>
    %jit3A_2835 = arith.constant 0.000000e+00 : f32
    %broadcast_in_dim3A_2836 = vector.broadcast %jit3A_2835 : f32 to vector<16xf32>
    %select_n3A_2837 = arith.select %eq3A_2834, %div3A_2716, %broadcast_in_dim3A_2836 : vector<16xi1>, vector<16xf32>
    %eq3A_2838 = arith.constant 6 : i32
    %eq3A_2839 = vector.broadcast %eq3A_2838 : i32 to vector<16xi32>
    %eq3A_2840 = arith.cmpi eq, %select_n3A_2709, %eq3A_2839 : vector<16xi32>
    %jit3A_2841 = arith.constant 0.000000e+00 : f32
    %broadcast_in_dim3A_2842 = vector.broadcast %jit3A_2841 : f32 to vector<16xf32>
    %select_n3A_2843 = arith.select %eq3A_2840, %div3A_2717, %broadcast_in_dim3A_2842 : vector<16xi1>, vector<16xf32>
    %add3A_2844 = arith.addf %select_n3A_2837, %select_n3A_2843 : vector<16xf32>
    %swap3A_2845 = arith.constant 6 : i32
    %swap3A_2846 = arith.index_cast %swap3A_2845 : i32 to index
    %swap3A_2847 = arith.constant 112 : index
    %swap3A_2848 = tpu.vector_load %arg5[%swap3A_2846, %swap3A_2847] {strides = array<i32>} : memref<8x128xf32, #tpu.memory_space<vmem>>, vector<1x16xf32>,
    %swap3A_2849 = vector.shape_cast %swap3A_2848 : vector<1x16xf32> to vector<16xf32>
    %swap3A_2850 = vector.shape_cast %add3A_2844 : vector<16xf32> to vector<1x16xf32>
    tpu.vector_store %arg5[%swap3A_2846, %swap3A_2847], %swap3A_2850 {strides = array<i32>} : memref<8x128xf32, #tpu.memory_space<vmem>>, vector<1x16xf32>,
    %eq3A_2851 = arith.constant 7 : i32
    %eq3A_2852 = vector.broadcast %eq3A_2851 : i32 to vector<16xi32>
    %eq3A_2853 = arith.cmpi eq, %select_n3A_2623, %eq3A_2852 : vector<16xi32>
    %jit3A_2854 = arith.constant 0.000000e+00 : f32
    %broadcast_in_dim3A_2855 = vector.broadcast %jit3A_2854 : f32 to vector<16xf32>
    %select_n3A_2856 = arith.select %eq3A_2853, %div3A_2716, %broadcast_in_dim3A_2855 : vector<16xi1>, vector<16xf32>
    %eq3A_2857 = arith.constant 7 : i32
    %eq3A_2858 = vector.broadcast %eq3A_2857 : i32 to vector<16xi32>
    %eq3A_2859 = arith.cmpi eq, %select_n3A_2709, %eq3A_2858 : vector<16xi32>
    %jit3A_2860 = arith.constant 0.000000e+00 : f32
    %broadcast_in_dim3A_2861 = vector.broadcast %jit3A_2860 : f32 to vector<16xf32>
    %select_n3A_2862 = arith.select %eq3A_2859, %div3A_2717, %broadcast_in_dim3A_2861 : vector<16xi1>, vector<16xf32>
    %add3A_2863 = arith.addf %select_n3A_2856, %select_n3A_2862 : vector<16xf32>
    %swap3A_2864 = arith.constant 7 : i32
    %swap3A_2865 = arith.index_cast %swap3A_2864 : i32 to index
    %swap3A_2866 = arith.constant 112 : index
    %swap3A_2867 = tpu.vector_load %arg5[%swap3A_2865, %swap3A_2866] {strides = array<i32>} : memref<8x128xf32, #tpu.memory_space<vmem>>, vector<1x16xf32>,
    %swap3A_2868 = vector.shape_cast %swap3A_2867 : vector<1x16xf32> to vector<16xf32>
    %swap3A_2869 = vector.shape_cast %add3A_2863 : vector<16xf32> to vector<1x16xf32>
    tpu.vector_store %arg5[%swap3A_2865, %swap3A_2866], %swap3A_2869 {strides = array<i32>} : memref<8x128xf32, #tpu.memory_space<vmem>>, vector<1x16xf32>,
    "tpu.region"() ({
      %run_scoped3A = tpu.sem_alloc : memref<!tpu.dma_semaphore, #tpu.memory_space<semaphore_mem>>
      %dma_start3A = arith.constant 0 : i32
      %dma_start3A_2870 = tpu.memref_slice %arg3[%dma_start3A, %mul3A_2] : memref<8x4096xf32, #tpu.memory_space<hbm>> -> memref<8x128xf32, #tpu.memory_space<hbm>>
      %dma_start3A_2871 = arith.constant 0 : i32
      %dma_start3A_2872 = tpu.memref_slice %arg3[%dma_start3A_2871, %mul3A_2] : memref<8x4096xf32, #tpu.memory_space<hbm>> -> memref<8x128xf32, #tpu.memory_space<hbm>>
      tpu.enqueue_dma source(%arg5 : memref<8x128xf32, #tpu.memory_space<vmem>>) target(%dma_start3A_2872 : memref<8x128xf32, #tpu.memory_space<hbm>>) target_semaphore(%run_scoped3A : memref<!tpu.dma_semaphore, #tpu.memory_space<semaphore_mem>>)
      %dma_wait3A = arith.constant 0 : i32
      %dma_wait3A_2873 = tpu.memref_slice %arg3[%dma_wait3A, %mul3A_2] : memref<8x4096xf32, #tpu.memory_space<hbm>> -> memref<8x128xf32, #tpu.memory_space<hbm>>
      %dma_wait3A_2874 = arith.constant 0 : i32
      %dma_wait3A_2875 = tpu.memref_slice %arg3[%dma_wait3A_2874, %mul3A_2] : memref<8x4096xf32, #tpu.memory_space<hbm>> -> memref<8x128xf32, #tpu.memory_space<hbm>>
      tpu.wait_dma2 semaphore(%run_scoped3A : memref<!tpu.dma_semaphore, #tpu.memory_space<semaphore_mem>>) src(%arg5 : memref<8x128xf32, #tpu.memory_space<vmem>>) dst(%dma_wait3A_2875 : memref<8x128xf32, #tpu.memory_space<hbm>>)
      tpu.yield
    }) : () -> ()
    return
  }
}

module attributes {stable_mosaic.version = 14 : i64} {
  func.func @_moe_kernel(%arg0: i32, %arg1: memref<512x1024xf32, #tpu.memory_space<vmem>>, %arg2: memref<1024x4096xf32, #tpu.memory_space<vmem>>, %arg3: memref<1x4096xf32, #tpu.memory_space<vmem>>, %arg4: memref<4096x1024xf32, #tpu.memory_space<vmem>>, %arg5: memref<1x1024xf32, #tpu.memory_space<vmem>>, %arg6: memref<8x512xf32, #tpu.memory_space<vmem>>, %arg7: memref<4096x512xf32, #tpu.memory_space<vmem>>, %arg8: memref<512x1024xf32, #tpu.memory_space<vmem>>, %arg9: memref<1x8xf32, #tpu.memory_space<vmem>>, %arg10: memref<512x1024xf32, #tpu.memory_space<vmem>>) attributes {dimension_semantics = [#tpu.dimension_semantics<arbitrary>], iteration_bounds = array<i64: 8>, scalar_prefetch = 0 : i64, scratch_operands = 0 : i64, tpu.core_type = #tpu.core_type<tc>, window_params = [{transform_indices = @transform_0, window_bounds = array<i64: 512, 1024>}, {pipeline_mode = #tpu.pipeline_mode<synchronous>, transform_indices = @transform_1, window_bounds = array<i64: 1024, 4096>}, {pipeline_mode = #tpu.pipeline_mode<synchronous>, transform_indices = @transform_2, window_bounds = array<i64: 1, 4096>}, {pipeline_mode = #tpu.pipeline_mode<synchronous>, transform_indices = @transform_3, window_bounds = array<i64: 4096, 1024>}, {pipeline_mode = #tpu.pipeline_mode<synchronous>, transform_indices = @transform_4, window_bounds = array<i64: 1, 1024>}, {transform_indices = @transform_5, window_bounds = array<i64: 8, 512>}, {pipeline_mode = #tpu.pipeline_mode<synchronous>, transform_indices = @transform_6, window_bounds = array<i64: 4096, 512>}, {pipeline_mode = #tpu.pipeline_mode<synchronous>, transform_indices = @transform_7, window_bounds = array<i64: 512, 1024>}, {pipeline_mode = #tpu.pipeline_mode<synchronous>, transform_indices = @transform_8, window_bounds = array<i64: 1, 8>}, {transform_indices = @transform_9, window_bounds = array<i64: 512, 1024>}]} {
    %get3A = arith.constant 0 : index
    %get3A_0 = arith.constant 0 : index
    %get3A_1 = vector.load %arg1[%get3A, %get3A_0] : memref<512x1024xf32, #tpu.memory_space<vmem>>, vector<512x1024xf32>
    %get3A_2 = arith.constant 0 : index
    %get3A_3 = arith.constant 0 : index
    %get3A_4 = vector.load %arg2[%get3A_2, %get3A_3] : memref<1024x4096xf32, #tpu.memory_space<vmem>>, vector<1024x4096xf32>
    %dot_general3A = arith.constant dense<0.000000e+00> : vector<512x4096xf32>
    %dot_general3A_5 = tpu.matmul %get3A_1, %get3A_4, %dot_general3A {dimension_numbers = #tpu.dot_dimension_numbers<[1], [0], [0], [1], [0, 0, 1, 1], [], []>, transpose_lhs_hint = false} : vector<512x1024xf32>, vector<1024x4096xf32>, vector<512x4096xf32> -> vector<512x4096xf32>
    %get3A_6 = arith.constant 0 : index
    %get3A_7 = arith.constant 0 : index
    %get3A_8 = vector.load %arg3[%get3A_6, %get3A_7] : memref<1x4096xf32, #tpu.memory_space<vmem>>, vector<1x4096xf32>
    %add3A = vector.broadcast %get3A_8 : vector<1x4096xf32> to vector<512x4096xf32>
    %add3A_9 = arith.addf %dot_general3A_5, %add3A : vector<512x4096xf32>
    %integer_pow3A = arith.mulf %add3A_9, %add3A_9 : vector<512x4096xf32>
    %integer_pow3A_10 = arith.mulf %add3A_9, %integer_pow3A : vector<512x4096xf32>
    %mul3A = arith.constant 4.471500e-02 : f32
    %mul3A_11 = vector.broadcast %mul3A : f32 to vector<512x4096xf32>
    %mul3A_12 = arith.mulf %mul3A_11, %integer_pow3A_10 : vector<512x4096xf32>
    %add3A_13 = arith.addf %add3A_9, %mul3A_12 : vector<512x4096xf32>
    %mul3A_14 = arith.constant 0.797884583 : f32
    %mul3A_15 = vector.broadcast %mul3A_14 : f32 to vector<512x4096xf32>
    %mul3A_16 = arith.mulf %mul3A_15, %add3A_13 : vector<512x4096xf32>
    %tanh3A = math.tanh %mul3A_16 : vector<512x4096xf32>
    %add3A_17 = arith.constant 1.000000e+00 : f32
    %add3A_18 = vector.broadcast %add3A_17 : f32 to vector<512x4096xf32>
    %add3A_19 = arith.addf %add3A_18, %tanh3A : vector<512x4096xf32>
    %mul3A_20 = arith.constant 5.000000e-01 : f32
    %mul3A_21 = vector.broadcast %mul3A_20 : f32 to vector<512x4096xf32>
    %mul3A_22 = arith.mulf %mul3A_21, %add3A_19 : vector<512x4096xf32>
    %mul3A_23 = arith.mulf %add3A_9, %mul3A_22 : vector<512x4096xf32>
    %get3A_24 = arith.constant 0 : index
    %get3A_25 = arith.constant 0 : index
    %get3A_26 = vector.load %arg4[%get3A_24, %get3A_25] : memref<4096x1024xf32, #tpu.memory_space<vmem>>, vector<4096x1024xf32>
    %dot_general3A_27 = arith.constant dense<0.000000e+00> : vector<512x1024xf32>
    %dot_general3A_28 = tpu.matmul %mul3A_23, %get3A_26, %dot_general3A_27 {dimension_numbers = #tpu.dot_dimension_numbers<[1], [0], [0], [1], [0, 0, 1, 1], [], []>, transpose_lhs_hint = false} : vector<512x4096xf32>, vector<4096x1024xf32>, vector<512x1024xf32> -> vector<512x1024xf32>
    %get3A_29 = arith.constant 0 : index
    %get3A_30 = arith.constant 0 : index
    %get3A_31 = vector.load %arg5[%get3A_29, %get3A_30] : memref<1x1024xf32, #tpu.memory_space<vmem>>, vector<1x1024xf32>
    %add3A_32 = vector.broadcast %get3A_31 : vector<1x1024xf32> to vector<512x1024xf32>
    %add3A_33 = arith.addf %dot_general3A_28, %add3A_32 : vector<512x1024xf32>
    %get3A_34 = arith.constant 0 : index
    %get3A_35 = arith.constant 0 : index
    %get3A_36 = vector.load %arg6[%get3A_34, %get3A_35] : memref<8x512xf32, #tpu.memory_space<vmem>>, vector<8x512xf32>
    %transpose3A = tpu.transpose %get3A_36, [1, 0] : vector<8x512xf32> -> vector<512x8xf32>
    %get3A_37 = arith.constant 0 : index
    %get3A_38 = arith.constant 0 : index
    %get3A_39 = vector.load %arg9[%get3A_37, %get3A_38] : memref<1x8xf32, #tpu.memory_space<vmem>>, vector<1x8xf32>
    %mul3A_40 = vector.broadcast %get3A_39 : vector<1x8xf32> to vector<512x8xf32>
    %mul3A_41 = arith.mulf %transpose3A, %mul3A_40 : vector<512x8xf32>
    %get3A_42 = arith.constant 0 : index
    %get3A_43 = arith.constant 0 : index
    %get3A_44 = vector.load %arg7[%get3A_42, %get3A_43] : memref<4096x512xf32, #tpu.memory_space<vmem>>, vector<4096x512xf32>
    %dot_general3A_45 = arith.constant dense<0.000000e+00> : vector<512x512xf32>
    %dot_general3A_46 = tpu.matmul %mul3A_23, %get3A_44, %dot_general3A_45 {dimension_numbers = #tpu.dot_dimension_numbers<[1], [0], [0], [1], [0, 0, 1, 1], [], []>, transpose_lhs_hint = false} : vector<512x4096xf32>, vector<4096x512xf32>, vector<512x512xf32> -> vector<512x512xf32>
    %iota3A = tpu.iota {dimensions = array<i32: 1>} : vector<512x512xi32>
    %jit3A = arith.constant 64 : i32
    %div3A = vector.broadcast %jit3A : i32 to vector<512x512xi32>
    %div3A_47 = arith.divsi %iota3A, %div3A : vector<512x512xi32>
    %sign3A = arith.constant 0 : i32
    %sign3A_48 = vector.broadcast %sign3A : i32 to vector<512x512xi32>
    %sign3A_49 = arith.cmpi sgt, %iota3A, %sign3A_48 : vector<512x512xi32>
    %sign3A_50 = arith.extui %sign3A_49 : vector<512x512xi1> to vector<512x512xi32>
    %sign3A_51 = arith.constant 0 : i32
    %sign3A_52 = vector.broadcast %sign3A_51 : i32 to vector<512x512xi32>
    %sign3A_53 = arith.cmpi slt, %iota3A, %sign3A_52 : vector<512x512xi32>
    %sign3A_54 = arith.extui %sign3A_53 : vector<512x512xi1> to vector<512x512xi32>
    %sign3A_55 = arith.subi %sign3A_50, %sign3A_54 : vector<512x512xi32>
    %sign3A_56 = arith.constant 0 : i32
    %sign3A_57 = arith.cmpi sgt, %jit3A, %sign3A_56 : i32
    %sign3A_58 = arith.extui %sign3A_57 : i1 to i32
    %sign3A_59 = arith.constant 0 : i32
    %sign3A_60 = arith.cmpi slt, %jit3A, %sign3A_59 : i32
    %sign3A_61 = arith.extui %sign3A_60 : i1 to i32
    %sign3A_62 = arith.subi %sign3A_58, %sign3A_61 : i32
    %ne3A = vector.broadcast %sign3A_62 : i32 to vector<512x512xi32>
    %ne3A_63 = arith.cmpi ne, %sign3A_55, %ne3A : vector<512x512xi32>
    %rem3A = vector.broadcast %jit3A : i32 to vector<512x512xi32>
    %rem3A_64 = arith.remsi %iota3A, %rem3A : vector<512x512xi32>
    %ne3A_65 = arith.constant 0 : i32
    %ne3A_66 = vector.broadcast %ne3A_65 : i32 to vector<512x512xi32>
    %ne3A_67 = arith.cmpi ne, %rem3A_64, %ne3A_66 : vector<512x512xi32>
    %and3A = arith.andi %ne3A_63, %ne3A_67 : vector<512x512xi1>
    %sub3A = arith.constant 1 : i32
    %sub3A_68 = vector.broadcast %sub3A : i32 to vector<512x512xi32>
    %sub3A_69 = arith.subi %div3A_47, %sub3A_68 : vector<512x512xi32>
    %select_n3A = arith.select %and3A, %sub3A_69, %div3A_47 : vector<512x512xi1>, vector<512x512xi32>
    %broadcast_in_dim3A = arith.constant 0.000000e+00 : f32
    %broadcast_in_dim3A_70 = vector.broadcast %broadcast_in_dim3A : f32 to vector<512x512xf32>
    %eq3A = arith.constant 0 : i32
    %eq3A_71 = vector.broadcast %eq3A : i32 to vector<512x512xi32>
    %eq3A_72 = arith.cmpi eq, %select_n3A, %eq3A_71 : vector<512x512xi32>
    %slice3A = vector.extract_strided_slice %mul3A_41 {offsets = [0, 0], sizes = [512, 1], strides = [1, 1]} : vector<512x8xf32> to vector<512x1xf32>
    %broadcast_in_dim3A_73 = vector.shape_cast %slice3A : vector<512x1xf32> to vector<512x1xf32>
    %broadcast_in_dim3A_74 = vector.broadcast %broadcast_in_dim3A_73 : vector<512x1xf32> to vector<512x512xf32>
    %select_n3A_75 = arith.select %eq3A_72, %broadcast_in_dim3A_74, %broadcast_in_dim3A_70 : vector<512x512xi1>, vector<512x512xf32>
    %eq3A_76 = arith.constant 1 : i32
    %eq3A_77 = vector.broadcast %eq3A_76 : i32 to vector<512x512xi32>
    %eq3A_78 = arith.cmpi eq, %select_n3A, %eq3A_77 : vector<512x512xi32>
    %slice3A_79 = vector.extract_strided_slice %mul3A_41 {offsets = [0, 1], sizes = [512, 1], strides = [1, 1]} : vector<512x8xf32> to vector<512x1xf32>
    %broadcast_in_dim3A_80 = vector.shape_cast %slice3A_79 : vector<512x1xf32> to vector<512x1xf32>
    %broadcast_in_dim3A_81 = vector.broadcast %broadcast_in_dim3A_80 : vector<512x1xf32> to vector<512x512xf32>
    %select_n3A_82 = arith.select %eq3A_78, %broadcast_in_dim3A_81, %select_n3A_75 : vector<512x512xi1>, vector<512x512xf32>
    %eq3A_83 = arith.constant 2 : i32
    %eq3A_84 = vector.broadcast %eq3A_83 : i32 to vector<512x512xi32>
    %eq3A_85 = arith.cmpi eq, %select_n3A, %eq3A_84 : vector<512x512xi32>
    %slice3A_86 = vector.extract_strided_slice %mul3A_41 {offsets = [0, 2], sizes = [512, 1], strides = [1, 1]} : vector<512x8xf32> to vector<512x1xf32>
    %broadcast_in_dim3A_87 = vector.shape_cast %slice3A_86 : vector<512x1xf32> to vector<512x1xf32>
    %broadcast_in_dim3A_88 = vector.broadcast %broadcast_in_dim3A_87 : vector<512x1xf32> to vector<512x512xf32>
    %select_n3A_89 = arith.select %eq3A_85, %broadcast_in_dim3A_88, %select_n3A_82 : vector<512x512xi1>, vector<512x512xf32>
    %eq3A_90 = arith.constant 3 : i32
    %eq3A_91 = vector.broadcast %eq3A_90 : i32 to vector<512x512xi32>
    %eq3A_92 = arith.cmpi eq, %select_n3A, %eq3A_91 : vector<512x512xi32>
    %slice3A_93 = vector.extract_strided_slice %mul3A_41 {offsets = [0, 3], sizes = [512, 1], strides = [1, 1]} : vector<512x8xf32> to vector<512x1xf32>
    %broadcast_in_dim3A_94 = vector.shape_cast %slice3A_93 : vector<512x1xf32> to vector<512x1xf32>
    %broadcast_in_dim3A_95 = vector.broadcast %broadcast_in_dim3A_94 : vector<512x1xf32> to vector<512x512xf32>
    %select_n3A_96 = arith.select %eq3A_92, %broadcast_in_dim3A_95, %select_n3A_89 : vector<512x512xi1>, vector<512x512xf32>
    %eq3A_97 = arith.constant 4 : i32
    %eq3A_98 = vector.broadcast %eq3A_97 : i32 to vector<512x512xi32>
    %eq3A_99 = arith.cmpi eq, %select_n3A, %eq3A_98 : vector<512x512xi32>
    %slice3A_100 = vector.extract_strided_slice %mul3A_41 {offsets = [0, 4], sizes = [512, 1], strides = [1, 1]} : vector<512x8xf32> to vector<512x1xf32>
    %broadcast_in_dim3A_101 = vector.shape_cast %slice3A_100 : vector<512x1xf32> to vector<512x1xf32>
    %broadcast_in_dim3A_102 = vector.broadcast %broadcast_in_dim3A_101 : vector<512x1xf32> to vector<512x512xf32>
    %select_n3A_103 = arith.select %eq3A_99, %broadcast_in_dim3A_102, %select_n3A_96 : vector<512x512xi1>, vector<512x512xf32>
    %eq3A_104 = arith.constant 5 : i32
    %eq3A_105 = vector.broadcast %eq3A_104 : i32 to vector<512x512xi32>
    %eq3A_106 = arith.cmpi eq, %select_n3A, %eq3A_105 : vector<512x512xi32>
    %slice3A_107 = vector.extract_strided_slice %mul3A_41 {offsets = [0, 5], sizes = [512, 1], strides = [1, 1]} : vector<512x8xf32> to vector<512x1xf32>
    %broadcast_in_dim3A_108 = vector.shape_cast %slice3A_107 : vector<512x1xf32> to vector<512x1xf32>
    %broadcast_in_dim3A_109 = vector.broadcast %broadcast_in_dim3A_108 : vector<512x1xf32> to vector<512x512xf32>
    %select_n3A_110 = arith.select %eq3A_106, %broadcast_in_dim3A_109, %select_n3A_103 : vector<512x512xi1>, vector<512x512xf32>
    %eq3A_111 = arith.constant 6 : i32
    %eq3A_112 = vector.broadcast %eq3A_111 : i32 to vector<512x512xi32>
    %eq3A_113 = arith.cmpi eq, %select_n3A, %eq3A_112 : vector<512x512xi32>
    %slice3A_114 = vector.extract_strided_slice %mul3A_41 {offsets = [0, 6], sizes = [512, 1], strides = [1, 1]} : vector<512x8xf32> to vector<512x1xf32>
    %broadcast_in_dim3A_115 = vector.shape_cast %slice3A_114 : vector<512x1xf32> to vector<512x1xf32>
    %broadcast_in_dim3A_116 = vector.broadcast %broadcast_in_dim3A_115 : vector<512x1xf32> to vector<512x512xf32>
    %select_n3A_117 = arith.select %eq3A_113, %broadcast_in_dim3A_116, %select_n3A_110 : vector<512x512xi1>, vector<512x512xf32>
    %eq3A_118 = arith.constant 7 : i32
    %eq3A_119 = vector.broadcast %eq3A_118 : i32 to vector<512x512xi32>
    %eq3A_120 = arith.cmpi eq, %select_n3A, %eq3A_119 : vector<512x512xi32>
    %slice3A_121 = vector.extract_strided_slice %mul3A_41 {offsets = [0, 7], sizes = [512, 1], strides = [1, 1]} : vector<512x8xf32> to vector<512x1xf32>
    %broadcast_in_dim3A_122 = vector.shape_cast %slice3A_121 : vector<512x1xf32> to vector<512x1xf32>
    %broadcast_in_dim3A_123 = vector.broadcast %broadcast_in_dim3A_122 : vector<512x1xf32> to vector<512x512xf32>
    %select_n3A_124 = arith.select %eq3A_120, %broadcast_in_dim3A_123, %select_n3A_117 : vector<512x512xi1>, vector<512x512xf32>
    %mul3A_125 = arith.mulf %dot_general3A_46, %select_n3A_124 : vector<512x512xf32>
    %get3A_126 = arith.constant 0 : index
    %get3A_127 = arith.constant 0 : index
    %get3A_128 = vector.load %arg8[%get3A_126, %get3A_127] : memref<512x1024xf32, #tpu.memory_space<vmem>>, vector<512x1024xf32>
    %dot_general3A_129 = arith.constant dense<0.000000e+00> : vector<512x1024xf32>
    %dot_general3A_130 = tpu.matmul %mul3A_125, %get3A_128, %dot_general3A_129 {dimension_numbers = #tpu.dot_dimension_numbers<[1], [0], [0], [1], [0, 0, 1, 1], [], []>, transpose_lhs_hint = false} : vector<512x512xf32>, vector<512x1024xf32>, vector<512x1024xf32> -> vector<512x1024xf32>
    %add3A_131 = arith.addf %add3A_33, %dot_general3A_130 : vector<512x1024xf32>
    %swap3A = arith.constant 0 : index
    %swap3A_132 = arith.constant 0 : index
    %swap3A_133 = vector.load %arg10[%swap3A, %swap3A_132] : memref<512x1024xf32, #tpu.memory_space<vmem>>, vector<512x1024xf32>
    tpu.vector_store %arg10[%swap3A, %swap3A_132], %add3A_131 {strides = array<i32>} : memref<512x1024xf32, #tpu.memory_space<vmem>>, vector<512x1024xf32>,
    return
  }
  func.func @transform_0(%arg0: i32) -> (i32, i32) {
    %c0_i32 = arith.constant 0 : i32
    %c0_i32_0 = arith.constant 0 : i32
    return %arg0, %c0_i32 : i32, i32
  }
  func.func @transform_1(%arg0: i32) -> (i32, i32) {
    %c0_i32 = arith.constant 0 : i32
    %c0_i32_0 = arith.constant 0 : i32
    %c0_i32_1 = arith.constant 0 : i32
    return %c0_i32, %c0_i32_0 : i32, i32
  }
  func.func @transform_2(%arg0: i32) -> (i32, i32) {
    %c0_i32 = arith.constant 0 : i32
    %c0_i32_0 = arith.constant 0 : i32
    %c0_i32_1 = arith.constant 0 : i32
    return %c0_i32, %c0_i32_0 : i32, i32
  }
  func.func @transform_3(%arg0: i32) -> (i32, i32) {
    %c0_i32 = arith.constant 0 : i32
    %c0_i32_0 = arith.constant 0 : i32
    %c0_i32_1 = arith.constant 0 : i32
    return %c0_i32, %c0_i32_0 : i32, i32
  }
  func.func @transform_4(%arg0: i32) -> (i32, i32) {
    %c0_i32 = arith.constant 0 : i32
    %c0_i32_0 = arith.constant 0 : i32
    %c0_i32_1 = arith.constant 0 : i32
    return %c0_i32, %c0_i32_0 : i32, i32
  }
  func.func @transform_5(%arg0: i32) -> (i32, i32) {
    %c0_i32 = arith.constant 0 : i32
    %c0_i32_0 = arith.constant 0 : i32
    return %c0_i32, %arg0 : i32, i32
  }
  func.func @transform_6(%arg0: i32) -> (i32, i32) {
    %c0_i32 = arith.constant 0 : i32
    %c0_i32_0 = arith.constant 0 : i32
    %c0_i32_1 = arith.constant 0 : i32
    return %c0_i32, %c0_i32_0 : i32, i32
  }
  func.func @transform_7(%arg0: i32) -> (i32, i32) {
    %c0_i32 = arith.constant 0 : i32
    %c0_i32_0 = arith.constant 0 : i32
    %c0_i32_1 = arith.constant 0 : i32
    return %c0_i32, %c0_i32_0 : i32, i32
  }
  func.func @transform_8(%arg0: i32) -> (i32, i32) {
    %c0_i32 = arith.constant 0 : i32
    %c0_i32_0 = arith.constant 0 : i32
    %c0_i32_1 = arith.constant 0 : i32
    return %c0_i32, %c0_i32_0 : i32, i32
  }
  func.func @transform_9(%arg0: i32) -> (i32, i32) {
    %c0_i32 = arith.constant 0 : i32
    %c0_i32_0 = arith.constant 0 : i32
    return %arg0, %c0_i32 : i32, i32
  }
}

module attributes {stable_mosaic.version = 14 : i64} {
  func.func @_logits_kernel(%arg0: i32, %arg1: memref<512x1024xf32, #tpu.memory_space<vmem>>, %arg2: memref<1024x8xf32, #tpu.memory_space<vmem>>, %arg3: memref<8x512xf32, #tpu.memory_space<vmem>>) attributes {dimension_semantics = [#tpu.dimension_semantics<arbitrary>], iteration_bounds = array<i64: 8>, scalar_prefetch = 0 : i64, scratch_operands = 0 : i64, tpu.core_type = #tpu.core_type<tc>, window_params = [{transform_indices = @transform_0, window_bounds = array<i64: 512, 1024>}, {pipeline_mode = #tpu.pipeline_mode<synchronous>, transform_indices = @transform_1, window_bounds = array<i64: 1024, 8>}, {transform_indices = @transform_2, window_bounds = array<i64: 8, 512>}]} {
    %get3A = arith.constant 0 : index
    %get3A_0 = arith.constant 0 : index
    %get3A_1 = vector.load %arg1[%get3A, %get3A_0] : memref<512x1024xf32, #tpu.memory_space<vmem>>, vector<512x1024xf32>
    %get3A_2 = arith.constant 0 : index
    %get3A_3 = arith.constant 0 : index
    %get3A_4 = vector.load %arg2[%get3A_2, %get3A_3] : memref<1024x8xf32, #tpu.memory_space<vmem>>, vector<1024x8xf32>
    %dot_general3A = arith.constant dense<0.000000e+00> : vector<512x8xf32>
    %dot_general3A_5 = tpu.matmul %get3A_1, %get3A_4, %dot_general3A {dimension_numbers = #tpu.dot_dimension_numbers<[1], [0], [0], [1], [0, 0, 1, 1], [], []>, transpose_lhs_hint = false} : vector<512x1024xf32>, vector<1024x8xf32>, vector<512x8xf32> -> vector<512x8xf32>
    %transpose3A = tpu.transpose %dot_general3A_5, [1, 0] : vector<512x8xf32> -> vector<8x512xf32>
    %swap3A = arith.constant 0 : index
    %swap3A_6 = arith.constant 0 : index
    %swap3A_7 = vector.load %arg3[%swap3A, %swap3A_6] : memref<8x512xf32, #tpu.memory_space<vmem>>, vector<8x512xf32>
    tpu.vector_store %arg3[%swap3A, %swap3A_6], %transpose3A {strides = array<i32>} : memref<8x512xf32, #tpu.memory_space<vmem>>, vector<8x512xf32>,
    return
  }
  func.func @transform_0(%arg0: i32) -> (i32, i32) {
    %c0_i32 = arith.constant 0 : i32
    %c0_i32_0 = arith.constant 0 : i32
    return %arg0, %c0_i32 : i32, i32
  }
  func.func @transform_1(%arg0: i32) -> (i32, i32) {
    %c0_i32 = arith.constant 0 : i32
    %c0_i32_0 = arith.constant 0 : i32
    %c0_i32_1 = arith.constant 0 : i32
    return %c0_i32, %c0_i32_0 : i32, i32
  }
  func.func @transform_2(%arg0: i32) -> (i32, i32) {
    %c0_i32 = arith.constant 0 : i32
    %c0_i32_0 = arith.constant 0 : i32
    return %c0_i32, %arg0 : i32, i32
  }
}

</mosaic_0001>

<sc_bundles>
// kernel: kernel.5.cloned.1.call-start
scs
__scs_entry_jumppad:
0x0: {  	(pc) =	sbr.rel $0x88, $3  }
0x1: {  	(tag) =	ssettag $0x0;
	lr =	simm.s32 $0x1  }
0x2: {  	[smem:$0x3F98] =	sst lr;
	_ =	strace $0xD0000000  }
0x3: {  	_ = 	snop  }
0x4: {  	_ = 	snop  }
0x5: {  	_ = 	snop  }
0x6: {  	_ = 	snop  }
0x7: {  	_ = 	snop  }
__scs_overlays_trampoline_lowered:
0x8: {  	[smem:$0x3FA7] =	sst s0  }
0x9: {  	[smem:$0x3FA8] =	sst s1  }
0xa: {  	[smem:$0x3FA9] =	sst s2  }
0xb: {  	[smem:$0x3FAA] =	sst s3  }
0xc: {  	[smem:$0x3FAB] =	sst s4  }
0xd: {  	[smem:$0x3FAC] =	sst s5  }
0xe: {  	[smem:$0x3FAD] =	sst s6  }
0xf: {  	[smem:$0x3FAE] =	sst s7  }
0x10: {  	[smem:$0x3FAF] =	sst s8  }
0x11: {  	[smem:$0x3FB0] =	sst s9;
	s0 =	simm.s32 @!p0 $0x0  }
0x12: {  	s1 =	sld [smem:$0x3F96];
	s0 =	simm.s32 @p0 $0x1  }
0x13: {  	[smem:$0x3FB1] =	sst s0;
	s0 =	simm.s32 @!p1 $0x0  }
0x14: {  	s2 =	sld [smem:$0x3F95];
	s0 =	simm.s32 @p1 $0x1  }
0x15: {  	[smem:$0x3FB2] =	sst s0;
	s0 =	simm.s32 @!p2 $0x0  }
0x16: {  	s3 =	sld [smem:$0x3FDB];
	s0 =	simm.s32 @p2 $0x1  }
0x17: {  	s4 =	simm.s32 $0x1BF5;
	[smem:$0x3FB4] =	sst s0  }
0x18: {  	s0 =	sld [smem:$0x3F97];
	_ =	swait.ge [sflag:s4], $0x0  }
0x19: {  	s7 =	sld [smem:$0x3F98]  }
0x1a: {  	s8 =	sadd.s32 $0xFFFFE003, lr  }
0x1b: {  	s9 =	sadd.s32 $0xFFFFFEF7, lr;
	s5 =	simm.s32 $0xFFFFFFFF;
	p2 =	slt.u32 s8, $0xFFFFF086  }
0x1c: {  	p1 =	slt.u32 s9, $0xF7A;
	s5 =	simm.s32 @!p2 $0x0  }
0x1d: {  	s5 =	simm.s32 @p1 $0x1;
	p0 =	seq.s32 s7, s2  }
0x1e: {  	s7 =	smul.u32 @!p0 $0xF7A, s2;
	p2 =	seq.s32 @!p0 s5, $0x0  }
0x1f: {  	s9 =	smul.u32 $0xF7A, s1;
	s8 =	simm.s32 @!p0 $0x1BF5;
	p2 =	por !p2, p0  }
0x20: {  	[sflag:s8] =	ssyncset.s32 @!p0 $0xFFFFF086;
	s6 =	sadd.s32 @!p0 s3, s7;
	s7 =	simm.s32 @!p0 $0x108  }
0x21: {  	s3 =	sadd.s32 s3, s9;
	s6 =	sadd.s32 @!p0 $0x88, s6;
	s7 =	simm.s32 @p2 $0x1082  }
0x22: {  	[simem:s7], [sflag:s8] =	dma.local @!p0 [hbm:s6], $0xF7A  }
0x23: {  	s9 =	sor.u32 $0xD0000000, s2;
	s6 =	simm.s32 $0x108;
	_ =	swait.ge @!p0 [sflag:s8], $0x0  }
0x24: {  	s3 =	sadd.s32 $0x88, s3;
	s6 =	simm.s32 @!p1 $0x1082;
	[sflag:s4] =	ssyncset.s32 $0xFFFFF086  }
0x25: {  	[simem:s6], [sflag:s4] =	dma.local [hbm:s3], $0xF7A  }
0x26: {  	[smem:$0x3F98] =	sst s1;
	(tag) =	ssettag s2;
	_ =	strace s9  }
0x27: {  	s1 =	sld [smem:$0x3FA8]  }
0x28: {  	s2 =	sld [smem:$0x3FA9]  }
0x29: {  	s4 =	sld [smem:$0x3FAB]  }
0x2a: {  	p0 =	seq.s32 s5, $0x0;
	s5 =	sld [smem:$0x3FAC]  }
0x2b: {  	s6 =	sld [smem:$0x3FAD]  }
0x2c: {  	s7 =	sld [smem:$0x3FAE]  }
0x2d: {  	s3 =	simm.s32 $0x108;
	s8 =	sld [smem:$0x3FAF]  }
0x2e: {  	s3 =	simm.s32 @!p0 $0x1082;
	s9 =	sld [smem:$0x3FB0]  }
0x2f: {  	lr =	sadd.s32 s0, s3;
	s0 =	sld [smem:$0x3FA7]  }
0x30: {  	s3 =	sld [smem:$0x3FAA]  }
0x31: {  	[smem:$0x3FB3] =	sst s10  }
0x32: {  	s10 =	sld [smem:$0x3FB1];
	_ =	sdelay $0x3  }
0x33: {  	p0 =	seq.s32 s10, $0x1;
	s10 =	sld [smem:$0x3FB3];
	_ =	sdelay $0x3  }
0x34: {  	[smem:$0x3FB3] =	sst s10  }
0x35: {  	s10 =	sld [smem:$0x3FB2];
	_ =	sdelay $0x3  }
0x36: {  	p1 =	seq.s32 s10, $0x1;
	s10 =	sld [smem:$0x3FB3];
	_ =	sdelay $0x3  }
0x37: {  	[smem:$0x3FB3] =	sst s10  }
0x38: {  	s10 =	sld [smem:$0x3FB4]  }
0x39: {  	_ = 	snop;
	(pc) =	sbr.ind lr, $3  }
0x3a: {  	_ = 	snop  }
0x3b: {  	_ = 	snop  }
0x3c: {  	p2 =	seq.s32 s10, $0x1;
	s10 =	sld [smem:$0x3FB3]  }
0x3d: {  	_ =	shalt  }
0x3e: {  	_ =	shalt  }
0x3f: {  	_ =	shalt  }
0x40: {  	_ =	shalt  }
0x41: {  	_ =	shalt  }
0x42: {  	_ =	shalt  }
0x43: {  	_ =	shalt  }
0x44: {  	_ =	shalt  }
0x45: {  	_ =	shalt  }
0x46: {  	_ =	shalt  }
0x47: {  	_ =	shalt  }
0x48: {  	_ =	shalt  }
0x49: {  	_ =	shalt  }
0x4a: {  	_ =	shalt  }
0x4b: {  	_ =	shalt  }
0x4c: {  	_ =	shalt  }
0x4d: {  	_ =	shalt  }
0x4e: {  	_ =	shalt  }
0x4f: {  	_ =	shalt  }
0x50: {  	_ =	shalt  }
0x51: {  	_ =	shalt  }
0x52: {  	_ =	shalt  }
0x53: {  	_ =	shalt  }
0x54: {  	_ =	shalt  }
0x55: {  	_ =	shalt  }
0x56: {  	_ =	shalt  }
0x57: {  	_ =	shalt  }
0x58: {  	_ =	shalt  }
0x59: {  	_ =	shalt  }
0x5a: {  	_ =	shalt  }
0x5b: {  	_ =	shalt  }
0x5c: {  	_ =	shalt  }
0x5d: {  	_ =	shalt  }
0x5e: {  	_ =	shalt  }
0x5f: {  	_ =	shalt  }
0x60: {  	_ =	shalt  }
0x61: {  	_ =	shalt  }
0x62: {  	_ =	shalt  }
0x63: {  	_ =	shalt  }
0x64: {  	_ =	shalt  }
0x65: {  	_ =	shalt  }
0x66: {  	_ =	shalt  }
0x67: {  	_ =	shalt  }
0x68: {  	_ =	shalt  }
0x69: {  	_ =	shalt  }
0x6a: {  	_ =	shalt  }
0x6b: {  	_ =	shalt  }
0x6c: {  	_ =	shalt  }
0x6d: {  	_ =	shalt  }
0x6e: {  	_ =	shalt  }
0x6f: {  	_ =	shalt  }
0x70: {  	_ =	shalt  }
0x71: {  	_ =	shalt  }
0x72: {  	_ =	shalt  }
0x73: {  	_ =	shalt  }
0x74: {  	_ =	shalt  }
0x75: {  	_ =	shalt  }
0x76: {  	_ =	shalt  }
0x77: {  	_ =	shalt  }
0x78: {  	_ =	shalt  }
0x79: {  	_ =	shalt  }
0x7a: {  	_ =	shalt  }
0x7b: {  	_ =	shalt  }
0x7c: {  	_ =	shalt  }
0x7d: {  	_ =	shalt  }
0x7e: {  	_ =	shalt  }
0x7f: {  	_ =	shalt  }
0x80: {  	_ =	shalt  }
0x81: {  	_ =	shalt  }
0x82: {  	_ =	shalt  }
0x83: {  	_ =	shalt  }
0x84: {  	_ =	shalt  }
0x85: {  	_ =	shalt  }
0x86: {  	_ =	shalt  }
0x87: {  	_ =	shalt  }
.Lfunc_end0:
.L_simem_size_0:
called_computation_lowered:
.L_overlay_start_0:
0x88: {  	s2 =	sld [smem:$0x3FD9]  }
0x89: {  	s3 =	sld [smem:$0x3FFE];
	_ =	sdelay $0x1  }
0x8a: {  	s1 =	srdreg.scid  }
0x8b: {  	s0 =	sand.u32 $0x1, s1  }
0x8c: {  	s17 =	sshll.u32 s0, $0xA;
	s2 =	sadd.s32 s3, s2  }
0x8d: {  	s2 =	sadd.s32 s2, s17  }
0x8e: {  	[smem:$0x3FBF] =	sst s2  }
0x8f: {  	_ = 	snop  }
0x90: {  	s2 =	sld [smem:$0x3FD0];
	(tm) =	ssettm $0x1  }
0x91: {  	s18 =	sld [smem:$0x3FFB];
	_ =	sdelay $0x3  }
0x92: {  	_ =	strace s18  }
0x93: {  	s3 =	sld [smem:$0x3FFC];
	_ =	sdelay $0x3  }
0x94: {  	_ =	strace s3  }
0x95: {  	s3 =	sld [smem:$0x3FFD];
	_ =	sdelay $0x3  }
0x96: {  	_ =	strace s3  }
0x97: {  	_ =	strace $0x8FFFFFFF  }
0x98: {  	s19 =	sld [smem:$0x3FDB];
	_ =	sdelay $0x1  }
0x99: {  	s4 =	simm.s32 $_scs_section_size  }
0x9a: {  	s5 =	simm.s32 $_size__tile_overlayer_lowered;
	s6 =	simm.s32 $_tile_overlayer_lowered  }
0x9b: {  	s22 =	simm.s32 $0x1BFF;
	s21 =	sshll.u32 s6, $0x1;
	s3 =	sadd.s32 s4, s19  }
0x9c: {  	s7 =	simm.s32 $0x0;
	s20 =	sshll.u32 s5, $0x1;
	s5 =	sadd.s32 s21, s3  }
0x9d: {  	[timem:s7], [sflag:s22] =	dma.local [hbm:s5], s20  }
0x9e: {  	_ =	swait.ge [sflag:s22], s20  }
0x9f: {  	s4 =	ssub.s32 $0x0, s20;
	[sflag:s22] =	ssyncset.done $0x0  }
0xa0: {  	[sflag:s22] =	ssyncadd.s32 s4;
	_ =	sdelay $0x1  }
0xa1: {  	s23 =	simm.s32 $0x1B8B  }
0xa2: {  	_ =	swait.ge [sflag:s23], $0x1  }
0xa3: {  	[sflag:s23] =	ssyncset.done $0x0  }
0xa4: {  	s25 =	simm.s32 $0x1B8E;
	s24 =	sld [smem:$0x3FFE];
	[sflag:s23] =	ssyncadd.s32 $0xFFFFFFFF  }
0xa5: {  	s26 =	simm.s32 $execute0_lowered;
	[smem:$0x3FD2] =	sst s25  }
0xa6: {  	s5 =	sshll.u32 s26, $0x1;
	_ =	strace $0x80000046;
	[dreg:$0x1] =	wrdreg $0xFFFFFFFF  }
0xa7: {  	s28 =	simm.s32 $_size_execute0_lowered;
	s3 =	sadd.s32 s3, s5;
	[dreg:$0x0] =	wrdreg $0x0  }
0xa8: {  	s5 =	sshll.u32 s28, $0x1;
	[dreg:$0x2] =	wrdreg s3  }
0xa9: {  	[dreg:$0x3] =	wrdreg s5  }
0xaa: {  	[dreg:$0x4] =	wrdreg $0xC0  }
0xab: {  	_ =	task [dreg:s7], $0x5FFFF  }
0xac: {  	[dreg:$0x1] =	wrdreg $0xFFFFFFFF  }
0xad: {  	[dreg:$0x0] =	wrdreg $0x60  }
0xae: {  	[dreg:$0x2] =	wrdreg s2  }
0xaf: {  	[dreg:$0x3] =	wrdreg s24  }
0xb0: {  	[dreg:$0x4] =	wrdreg $0x9  }
0xb1: {  	_ =	task.clear_ibuf [dreg:s7], $0x5FFFF;
	_ =	strace $0x90000046  }
0xb2: {  	s29 =	simm.s32 $0x9;
	_ =	strace $0x80000048  }
0xb3: {  	_ =	swait.ge [sflag:s29], $0x1  }
0xb4: {  	[sflag:s29] =	ssyncadd.s32 $0xFFFFFFFF  }
0xb5: {  	_ =	strace $0x90000048  }
0xb6: {  	_ =	sfence  }
0xb7: {  	s30 =	sld [smem:$0x0];
	_ =	sdelay $0x2  }
0xb8: {  	s31 =	sshll.u32 s1, $0xD;
	s1 =	sshrl.u32 s1, $0x2  }
0xb9: {  	s3 =	sand.u32 $0x4000, s31;
	s1 =	sadd.s32 s1, s30  }
0xba: {  	s0 =	sor.u32 s3, s0;
	s1 =	sshll.u32 s1, $0x11  }
0xbb: {  	s0 =	sor.u32 s1, s0  }
0xbc: {  	s0 =	sadd.s32 $0x8F2B, s0  }
0xbd: {  	[sflag:s0] =	ssyncadd.remote.s32 $0x1  }
0xbe: {  	_ =	sfence.sel $0xFFFF  }
0xbf: {  	[dreg:$0x0] =	wrdreg $0xFFFFFFFF;
	(pc) =	sbr.abs _section_cstart, $3  }
0xc0: {  	[dreg:$0x1] =	wrdreg $0xFFFFFFFF  }
0xc1: {  	_ =	task.clear_ibuf [dreg:s7], $0x2FFFF;
	_ =	strace $0x9FFFFFFF  }
0xc2: {  	(tm) =	ssettm $0x7FFFFFFF  }
0xc3: {  	_ =	shalt  }
tec
execute0_lowered:
.L_overlay_start_1:
0x0: {  	(tag) =	ssettag $0x1  }
0x1: {  	s3 =	rddreg [dreg:$0x0]  }
0x2: {  	s4 =	rddreg [dreg:$0x1];
	s2 =	srdreg.scid  }
0x3: {  	s0 =	rddreg [dreg:$0x2];
	s1 =	stileid.u32;
	s5 =	sand.u32 $0x1, s2  }
0x4: {  	s2 =	simm.s32 $0x0;
	s6 =	sshll.u32 s1, $0x8;
	s7 =	sshll.u32 s5, $0x7  }
0x5: {  	[smem:$0x7FF] =	sst s2;
	s5 =	ssub.s32 $0x2, s5;
	s6 =	sor.u32 s7, s6  }
0x6: {  	_ =	strace $0x80000047;
	s31 =	sshrl.u32 s5, $0x1;
	s7 =	simm.s32 $0x400  }
0x7: {  	s4 =	sadd.s32 s6, s4;
	s5 =	ssub.s32 s5, s31;
	s3 =	sadd.s32 s3, s6  }
0x8: {  	s6 =	simm.s32 $0x1;
	s4 =	sadd.s32 $0xA00, s4;
	s5 =	smax.u32 s5, $0x1  }
.LBB2_1:
0x9: {  	[tilespmem:s2], [sflag:$0x1] =	stream.linear.gather [hbm4b:s3+s2], $0x400, $0x38;
	[tilespmem:$0x800] =	vst v63  }
0xa: {  	_ =	swait.ge [sflag:s6], $0x400  }
0xb: {  	[sflag:s6] =	ssyncset.done $0x0  }
0xc: {  	[sflag:s6] =	ssyncadd.s32 $0xFFFFFC00  }
0xd: {  	v1 =	vld [tilespmem:$0x0]  }
0xe: {  	v2 =	vld [tilespmem:$0x80]  }
0xf: {  	v3 =	vld [tilespmem:$0x100]  }
0x10: {  	v4 =	vld [tilespmem:$0x180]  }
0x11: {  	v5 =	vld [tilespmem:$0x200]  }
0x12: {  	v6 =	vld [tilespmem:$0x280]  }
0x13: {  	v7 =	vld [tilespmem:$0x300];
	v0 =	vmax.f32 v1, v2  }
0x14: {  	v8 =	vld [tilespmem:$0x380];
	v0 =	vmax.f32 v0, v3  }
0x15: {  	v0 =	vmax.f32 v0, v4  }
0x16: {  	v0 =	vmax.f32 v0, v5  }
0x17: {  	v0 =	vmax.f32 v0, v6  }
0x18: {  	vm0 =	vgt.f32 v2, v1;
	v0 =	vmax.f32 v0, v7  }
0x19: {  	v26 =	vimm.s32 $0x0;
	v11 =	vsel vm0, v2, v1;
	v0 =	vmax.f32 v0, v8  }
0x1a: {  	vm6 =	vlt.f32 v1, $-Inf;
	vm2 =	vgt.f32 v3, v11;
	v9 =	vsub.f32 v1, v0  }
0x1b: {  	vm7 =	vgt.f32 v1, $-Inf;
	v11 =	vsel vm2, v3, v11;
	v10 =	vsub.f32 v2, v0  }
0x1c: {  	v60 =	vsel vm0, $0x1, v26;
	vm3 =	vgt.f32 v4, v11;
	v9 =	vmul.f32 $1.442695020e+00, v9  }
0x1d: {  	v11 =	vsel vm3, v4, v11;
	v56 =	vsub.f32 v3, v0;
	v10 =	vmul.f32 $1.442695020e+00, v10  }
0x1e: {  	vm4 =	vgt.f32 v5, v11;
	v12 =	vsub.f32 v4, v0;
	(erf) = vpow2.f32 v9  }
0x1f: {  	v13 =	vsub.f32 v5, v0;
	v9 =	vmul.f32 $1.442695020e+00, v56;
	(erf) = vpow2.f32 v10  }
0x20: {  	v59 =	vsub.f32 v6, v0;
	v11 =	vsel vm4, v5, v11;
	v61 =	vsub.f32 v7, v0  }
0x21: {  	vm5 =	vgt.f32 v6, v11;
	v57 =	vmul.f32 $1.442695020e+00, v12;
	(erf) = vpow2.f32 v9  }
0x22: {  	v58 =	vmul.f32 $1.442695020e+00, v13;
	v11 =	vsel vm5, v6, v11;
	v9 =	vsel vm2, $0x2, v60  }
0x23: {  	vm8 =	vgt.f32 v7, v11;
	(erf) = vpow2.f32 v57;
	v9 =	vsel vm3, $0x3, v9  }
0x24: {  	v62 =	vsel vm8, v7, v11;
	v10 =	vmul.f32 $1.442695020e+00, v59;
	v9 =	vsel vm4, $0x4, v9  }
0x25: {  	vm1 =	vgt.f32 v8, v62;
	(erf) = vpow2.f32 v58;
	v9 =	vsel vm5, $0x5, v9  }
0x26: {  	v16 =	vsub.f32 v8, v0;
	vm1 =	vmneg vm1;
	v17 =	vsel vm8, $0x6, v9  }
0x27: {  	v63 =	vmul.f32 $1.442695020e+00, v61;
	(erf) = vpow2.f32 v10;
	v0 =	vnsel vm1, $0x7, v17;
	v18 =	vpop (erf)  }
0x28: {  	vm6 =	vmor vm7, vm6;
	v10 =	vmul.f32 $1.442695020e+00, v16;
	vm10 =	vne.s32 v0, $0x0;
	v19 =	vpop (erf)  }
0x29: {  	vm9 =	vmand vm6, vm10;
	(erf) = vpow2.f32 v63;
	v20 =	vadd.f32 v19, v18  }
0x2a: {  	v36 =	vld [tilespmem:$0x10];
	vm12 =	vne.s32 v0, $0x1;
	v1 =	vnsel vm9, $0xFF800000, v1;
	v21 =	vpop (erf)  }
0x2b: {  	v37 =	vld [tilespmem:$0x90];
	(erf) = vpow2.f32 v10;
	vm11 =	vgt.f32 v2, v1;
	v22 =	vadd.f32 v20, v21  }
0x2c: {  	v23 =	vpop (erf);
	vm10 =	vmand vm12, vm11  }
0x2d: {  	v31 =	vimm.s32 $0x0;
	v1 =	vsel vm10, v2, v1;
	v10 =	vadd.f32 v22, v23  }
0x2e: {  	v32 =	vimm.s32 $0x0;
	vm14 =	vne.s32 v0, $0x2;
	v24 =	vpop (erf);
	vm13 =	vgt.f32 v3, v1  }
0x2f: {  	v34 =	vimm.s32 $0x0;
	v38 =	vld [tilespmem:$0x110];
	vm11 =	vmand vm14, vm13;
	v10 =	vadd.f32 v10, v24  }
0x30: {  	v40 =	vimm.s32 $0x8;
	v43 =	vmax.f32 v36, v37;
	v14 =	vpop (erf);
	v1 =	vsel vm11, v3, v1  }
0x31: {  	v39 =	vld [tilespmem:$0x190];
	vm12 =	vne.s32 v0, $0x3;
	vm15 =	vgt.f32 v4, v1;
	v25 =	vadd.f32 v10, v14  }
0x32: {  	vm6 =	vmand vm8, vm1;
	v30 =	vnsel vm9, $0x0, v18;
	vm12 =	vmand vm12, vm15;
	v27 =	vpop (erf)  }
0x33: {  	v41 =	vld [tilespmem:$0x210];
	v29 =	vsel vm0, v19, v18;
	v1 =	vsel vm12, v4, v1;
	v3 =	vadd.f32 v25, v27  }
0x34: {  	v42 =	vld [tilespmem:$0x290];
	vm14 =	vne.s32 v0, $0x4;
	v4 =	vmax.f32 v43, v38;
	v28 =	vpop (erf);
	vm13 =	vgt.f32 v5, v1  }
0x35: {  	v43 =	vimm.s32 $0x0;
	vm13 =	vmand vm14, vm13;
	v3 =	vadd.f32 v3, v28  }
0x36: {  	v4 =	vmax.f32 v4, v39;
	vm14 =	vne.s32 v0, $0x5;
	v1 =	vsel vm13, v5, v1  }
0x37: {  	v5 =	vsel vm10, v19, v30;
	vm15 =	vgt.f32 v6, v1;
	(erf) = vrcp.f32 v3  }
0x38: {  	v4 =	vmax.f32 v4, v41;
	v5 =	vsel vm11, v21, v5;
	vm14 =	vmand vm14, vm15  }
0x39: {  	v44 =	vmax.f32 v4, v42;
	v5 =	vsel vm12, v23, v5;
	v1 =	vsel vm14, v6, v1  }
0x3a: {  	v3 =	vsel vm2, v21, v29;
	v6 =	vsel vm1, $0xFFFFFFFF, v31;
	vm15 =	vgt.f32 v7, v1  }
0x3b: {  	v2 =	vsel vm13, v24, v5;
	v5 =	vld [tilespmem:$0x310];
	[tilespmem:$0x1F9A0] =	vst v6;
	v6 =	vsel vm6, $0xFFFFFFFF, v32;
	vm0 =	vmneg vm15  }
0x3c: {  	v3 =	vsel vm3, v23, v3;
	v2 =	vsel vm14, v14, v2;
	[tilespmem:$0x1F980] =	vst v6;
	v6 =	vld [tilespmem:$0x390];
	vm6 =	vmor vm6, vm0  }
0x3d: {  	v3 =	vsel vm4, v24, v3;
	vm15 =	veq.s32 v0, $0x1;
	v1 =	vsel vm6, v1, v7  }
0x3e: {  	v3 =	vsel vm5, v14, v3;
	vm5 =	vgt.f32 v37, v36;
	vm7 =	vgt.f32 v8, v1  }
0x3f: {  	v33 =	vsel vm8, v27, v3;
	v2 =	vsel vm6, v2, v27;
	vm0 =	vmand vm1, vm7  }
0x40: {  	v1 =	vsel vm1, v33, v28;
	v13 =	vmax.f32 v44, v5;
	v2 =	vsel vm0, v28, v2;
	v35 =	vpop (erf)  }
0x41: {  	v46 =	vmax.f32 v13, v6;
	v1 =	vmul.f32 v35, v1;
	v2 =	vmul.f32 v2, v35  }
0x42: {  	v27 =	vimm.s32 $0x8;
	v3 =	vsel vm0, $0xFFFFFFFF, v34;
	v13 =	vsub.f32 v36, v46  }
0x43: {  	v15 =	vsel vm5, v37, v36;
	[tilespmem:$0x1F990] =	vst v3;
	v47 =	vsub.f32 v37, v46;
	v3 =	vadd.f32 v2, v1  }
0x44: {  	v52 =	vsel vm5, $0x1, v26;
	v48 =	vsub.f32 v38, v46;
	v16 =	vsub.f32 v39, v46  }
0x45: {  	v44 =	vimm.s32 $0x0;
	v17 =	vsub.f32 v41, v46;
	v3 =	vadd.f32 $9.999999710e-10, v3  }
0x46: {  	vm7 =	vlt.f32 v36, $-Inf;
	v51 =	vsub.f32 v42, v46;
	v53 =	vsub.f32 v5, v46  }
0x47: {  	v56 =	vsub.f32 v6, v46;
	(erf) = vrcp.f32 v3;
	v3 =	vsel vm9, $0x0, v40  }
0x48: {  	v13 =	vmul.f32 $1.442695020e+00, v13;
	v14 =	vmul.f32 $1.442695020e+00, v47;
	v3 =	vsel vm10, $0x1, v3  }
0x49: {  	v49 =	vmul.f32 $1.442695020e+00, v16;
	v50 =	vmul.f32 $1.442695020e+00, v17;
	v3 =	vsel vm11, $0x2, v3  }
0x4a: {  	v55 =	vmul.f32 $1.442695020e+00, v53;
	(erf) = vpow2.f32 v13;
	v3 =	vsel vm12, $0x3, v3  }
0x4b: {  	v13 =	vmul.f32 $1.442695020e+00, v48;
	v48 =	vimm.s32 $0x0;
	v3 =	vsel vm13, $0x4, v3  }
0x4c: {  	(erf) = vpow2.f32 v14;
	v14 =	vmul.f32 $1.442695020e+00, v51;
	v3 =	vsel vm14, $0x5, v3  }
0x4d: {  	vm12 =	vgt.f32 v36, $-Inf;
	vm13 =	veq.s32 v0, $0x0;
	v3 =	vnsel vm6, $0x6, v3  }
0x4e: {  	vm9 =	vmor vm12, vm7;
	v4 =	vsel vm0, $0x7, v3;
	vm0 =	vgt.f32 v38, v15  }
0x4f: {  	vm14 =	veq.s32 v4, $0x0;
	vm8 =	veq.s32 v4, $0x1;
	v15 =	vsel vm0, v38, v15  }
0x50: {  	vm11 =	veq.s32 v4, $0x4;
	v45 =	vpop (erf);
	vm4 =	vgt.f32 v39, v15;
	(erf) = vpow2.f32 v13  }
0x51: {  	v13 =	vsel vm0, $0x2, v52;
	v3 =	vmul.f32 v45, v1;
	v15 =	vsel vm4, v39, v15  }
0x52: {  	v1 =	vmul.f32 v45, v2;
	(erf) = vpow2.f32 v49;
	vm2 =	vgt.f32 v41, v15  }
0x53: {  	v13 =	vsel vm4, $0x3, v13;
	v45 =	vimm.s32 $0x0;
	v15 =	vsel vm2, v41, v15  }
0x54: {  	(erf) = vpow2.f32 v50;
	v30 =	vnsel vm15, $0x0, v3;
	vm15 =	vgt.f32 v42, v15  }
0x55: {  	v58 =	vpop (erf);
	v28 =	vnsel vm13, $0x0, v3;
	v29 =	vnsel vm14, $0x0, v1;
	v15 =	vsel vm15, v42, v15  }
0x56: {  	v59 =	vpop (erf);
	(erf) = vpow2.f32 v14;
	v13 =	vsel vm2, $0x4, v13;
	vm14 =	vgt.f32 v5, v15  }
0x57: {  	v14 =	vmul.f32 $1.442695020e+00, v56;
	v60 =	vadd.f32 v59, v58;
	v54 =	vsel vm14, v5, v15  }
0x58: {  	v31 =	vnsel vm8, $0x0, v1;
	v13 =	vsel vm15, $0x5, v13;
	vm3 =	vgt.f32 v6, v54  }
0x59: {  	v20 =	vnsel vm11, $0x0, v1;
	v57 =	vsel vm14, $0x6, v13;
	vm1 =	vmneg vm3  }
0x5a: {  	(erf) = vpow2.f32 v55;
	vm3 =	veq.s32 v0, $0x2;
	v61 =	vpop (erf);
	v2 =	vnsel vm1, $0x7, v57  }
0x5b: {  	(erf) = vpow2.f32 v14;
	v62 =	vadd.f32 v60, v61;
	vm13 =	vne.s32 v2, $0x0  }
0x5c: {  	v32 =	vnsel vm3, $0x0, v3;
	vm3 =	veq.s32 v4, $0x2;
	vm12 =	vmand vm9, vm13  }
0x5d: {  	v63 =	vpop (erf);
	v23 =	vnsel vm3, $0x0, v1;
	vm3 =	veq.s32 v0, $0x3;
	v8 =	vnsel vm12, $0xFF800000, v36  }
0x5e: {  	vm13 =	vne.s32 v2, $0x1;
	v14 =	vadd.f32 v62, v63;
	vm7 =	vgt.f32 v37, v8  }
0x5f: {  	v24 =	vpop (erf);
	vm11 =	vne.s32 v2, $0x5;
	v18 =	vnsel vm3, $0x0, v3;
	vm13 =	vmand vm13, vm7  }
0x60: {  	vm9 =	veq.s32 v4, $0x3;
	v14 =	vadd.f32 v14, v24;
	v8 =	vsel vm13, v37, v8  }
0x61: {  	v25 =	vpop (erf);
	vm3 =	vne.s32 v2, $0x3;
	vm7 =	vne.s32 v2, $0x2;
	vm8 =	vgt.f32 v38, v8  }
0x62: {  	v34 =	vnsel vm9, $0x0, v1;
	v33 =	vadd.f32 v14, v25;
	vm7 =	vmand vm7, vm8  }
0x63: {  	v35 =	vpop (erf);
	v40 =	vnsel vm12, $0x0, v58;
	vm9 =	vmand vm14, vm1;
	v8 =	vsel vm7, v38, v8  }
0x64: {  	v57 =	vsel vm12, $0x0, v27;
	v10 =	vadd.f32 v33, v35;
	vm10 =	vgt.f32 v39, v8  }
0x65: {  	v37 =	vsel vm5, v59, v58;
	v36 =	vpop (erf);
	vm3 =	vmand vm3, vm10;
	vm10 =	veq.s32 v0, $0x4  }
0x66: {  	v53 =	vld [tilespmem:$0x1F980];
	v10 =	vadd.f32 v10, v36;
	v19 =	vnsel vm10, $0x0, v3;
	v8 =	vsel vm3, v39, v8  }
0x67: {  	vm10 =	vne.s32 v2, $0x4;
	[tilespmem:$0x1FC50] =	vst v19;
	vm5 =	vgt.f32 v41, v8;
	v19 =	vsel vm0, v61, v37  }
0x68: {  	(erf) = vrcp.f32 v10;
	v10 =	vld [tilespmem:$0x20];
	vm10 =	vmand vm10, vm5;
	v38 =	vsel vm4, v63, v19  }
0x69: {  	vm0 =	veq.s32 v0, $0x5;
	v19 =	vld [tilespmem:$0xA0];
	v8 =	vsel vm10, v41, v8;
	v39 =	vsel vm2, v24, v38  }
0x6a: {  	[tilespmem:$0x1FC60] =	vst v20;
	v20 =	vld [tilespmem:$0x120];
	v51 =	vnsel vm0, $0x0, v3;
	vm5 =	vgt.f32 v42, v8;
	v0 =	vsel vm15, v25, v39  }
0x6b: {  	v54 =	vld [tilespmem:$0x1F990];
	vm11 =	vmand vm11, vm5;
	v0 =	vsel vm14, v35, v0;
	vm5 =	vnez.u8 v53  }
0x6c: {  	v53 =	vimm.s32 $0x0;
	v41 =	vsel vm11, v42, v8;
	v42 =	vsel vm13, v59, v40  }
0x6d: {  	v8 =	vsel vm1, $0xFFFFFFFF, v43;
	v0 =	vsel vm1, v0, v36;
	vm8 =	vgt.f32 v5, v41  }
0x6e: {  	v12 =	vld [tilespmem:$0x1A0];
	v7 =	vsel vm7, v61, v42;
	[tilespmem:$0x1F9F0] =	vst v8;
	v8 =	vsel vm9, $0xFFFFFFFF, v44;
	v46 =	vmax.f32 v10, v19  }
0x6f: {  	vm2 =	vmneg vm8;
	v15 =	vsel vm3, v63, v7;
	v47 =	vmax.f32 v46, v20  }
0x70: {  	vm4 =	vmor vm9, vm2;
	v9 =	vsel vm10, v24, v15;
	vm9 =	vnez.u8 v54  }
0x71: {  	v49 =	vpop (erf);
	v7 =	vsel vm4, $0xFFFFFFFF, v45;
	v13 =	vsel vm4, v41, v5;
	v9 =	vsel vm11, v25, v9  }
0x72: {  	[tilespmem:$0x1F9B0] =	vst v8;
	v8 =	vld [tilespmem:$0x220];
	v14 =	vmul.f32 v49, v0;
	vm6 =	vmor vm9, vm6;
	vm15 =	vgt.f32 v6, v13  }
0x73: {  	v9 =	vsel vm4, v9, v35;
	v13 =	vmax.f32 v47, v12;
	vm4 =	veq.s32 v4, $0x5  }
0x74: {  	[tilespmem:$0x1F9C0] =	vst v7;
	v7 =	vld [tilespmem:$0x2A0];
	v56 =	vsel vm6, $0x0, v1;
	v47 =	vimm.s32 $0x0;
	vm15 =	vmand vm1, vm15  }
0x75: {  	v4 =	vnsel vm4, $0x0, v1;
	vm4 =	vlt.f32 v10, $-Inf;
	vm1 =	vgt.f32 v10, $-Inf  }
0x76: {  	v5 =	vld [tilespmem:$0x320];
	[tilespmem:$0x1FCA0] =	vst v56;
	v1 =	vnsel vm9, $0x0, v1;
	v56 =	vimm.s32 $0x0;
	v9 =	vsel vm15, v36, v9  }
0x77: {  	v6 =	vld [tilespmem:$0x3A0];
	v11 =	vsel vm15, $0xFFFFFFFF, v48;
	v13 =	vmax.f32 v13, v8;
	vm4 =	vmor vm1, vm4  }
0x78: {  	[tilespmem:$0x1F9D0] =	vst v11;
	v11 =	vmul.f32 v9, v49;
	v9 =	vnsel vm5, $0x0, v3;
	vm5 =	vgt.f32 v19, v10  }
0x79: {  	v59 =	vsel vm5, v19, v10;
	v22 =	vsel vm5, $0x1, v26;
	v50 =	vmax.f32 v13, v7  }
0x7a: {  	v52 =	vadd.f32 v11, v14;
	v13 =	vsel vm13, $0x1, v57;
	vm12 =	vgt.f32 v20, v59  }
0x7b: {  	v0 =	vmax.f32 v50, v5;
	v15 =	vsel vm12, v20, v59;
	v13 =	vsel vm7, $0x2, v13  }
0x7c: {  	[tilespmem:$0x1FC80] =	vst v4;
	v50 =	vimm.s32 $0x0;
	v0 =	vmax.f32 v0, v6;
	v4 =	vadd.f32 $9.999999710e-10, v52  }
0x7d: {  	v59 =	vimm.s32 $0x0;
	v55 =	vsub.f32 v10, v0;
	v58 =	vsub.f32 v19, v0  }
0x7e: {  	vm2 =	vgt.f32 v12, v15;
	v60 =	vsub.f32 v20, v0;
	v61 =	vsub.f32 v12, v0  }
0x7f: {  	v44 =	vsel vm3, $0x3, v13;
	v62 =	vsub.f32 v8, v0;
	v21 =	vsub.f32 v7, v0  }
0x80: {  	[tilespmem:$0x1FC20] =	vst v23;
	v15 =	vsel vm2, v12, v15;
	v23 =	vsub.f32 v5, v0;
	v35 =	vsub.f32 v6, v0  }
0x81: {  	[tilespmem:$0x1FC90] =	vst v9;
	(erf) = vrcp.f32 v4;
	vm0 =	vgt.f32 v8, v15;
	v9 =	vmul.f32 $1.442695020e+00, v55  }
0x82: {  	v4 =	vmul.f32 $1.442695020e+00, v58;
	v63 =	vmul.f32 $1.442695020e+00, v61;
	v15 =	vsel vm0, v8, v15  }
0x83: {  	vm14 =	vgt.f32 v7, v15;
	(erf) = vpow2.f32 v9;
	v9 =	vmul.f32 $1.442695020e+00, v60  }
0x84: {  	[tilespmem:$0x1FC30] =	vst v18;
	v18 =	vmul.f32 $1.442695020e+00, v62;
	v15 =	vsel vm14, v7, v15;
	(erf) = vpow2.f32 v4  }
0x85: {  	v4 =	vmul.f32 $1.442695020e+00, v21;
	(erf) = vpow2.f32 v9;
	v9 =	vsel vm12, $0x2, v22  }
0x86: {  	vm13 =	vgt.f32 v5, v15;
	(erf) = vpow2.f32 v63;
	v9 =	vsel vm2, $0x3, v9  }
0x87: {  	v43 =	vld [tilespmem:$0x1F9A0];
	v25 =	vsel vm13, v5, v15;
	(erf) = vpow2.f32 v18;
	v24 =	vsel vm0, $0x4, v9  }
0x88: {  	vm8 =	vgt.f32 v6, v25;
	(erf) = vpow2.f32 v4;
	v4 =	vsel vm14, $0x5, v24  }
0x89: {  	v33 =	vmul.f32 $1.442695020e+00, v23;
	vm8 =	vmneg vm8;
	v36 =	vsel vm13, $0x6, v4  }
0x8a: {  	v49 =	vld [tilespmem:$0x1F9C0];
	v62 =	vimm.s32 $0x0;
	v23 =	vimm.s32 $0x0;
	v0 =	vnsel vm8, $0x7, v36  }
0x8b: {  	[tilespmem:$0x1FC40] =	vst v34;
	v60 =	vimm.s32 $0x0;
	v9 =	vmul.f32 $1.442695020e+00, v35;
	v34 =	vpop (erf);
	vm1 =	vne.s32 v0, $0x0  }
0x8c: {  	vm7 =	vne.s32 v0, $0x1;
	v37 =	vpop (erf);
	vm6 =	vmand vm4, vm1;
	vm1 =	vnez.u8 v43  }
0x8d: {  	v38 =	vpop (erf);
	(erf) = vpow2.f32 v33;
	v41 =	vnsel vm6, $0xFF800000, v10;
	v3 =	vsel vm1, $0x0, v3  }
0x8e: {  	v4 =	vnsel vm6, $0x0, v37;
	v39 =	vadd.f32 v38, v37;
	v40 =	vpop (erf);
	(erf) = vpow2.f32 v9  }
0x8f: {  	vm4 =	vgt.f32 v19, v41;
	[tilespmem:$0x1FCB0] =	vst v3;
	v3 =	vsel vm10, $0x4, v44;
	vm10 =	vnez.u8 v49  }
0x90: {  	v52 =	vsel vm5, v38, v37;
	vm4 =	vmand vm7, vm4;
	v3 =	vsel vm11, $0x5, v3  }
0x91: {  	vm11 =	vne.s32 v0, $0x2;
	v42 =	vadd.f32 v39, v40;
	v46 =	vsel vm4, v19, v41  }
0x92: {  	v9 =	vsel vm4, $0xFFFFFFFF, v47;
	v3 =	vnsel vm10, $0x6, v3;
	v4 =	vsel vm4, v38, v4  }
0x93: {  	vm4 =	veq.s32 v2, $0x2;
	[tilespmem:$0x1F9E0] =	vst v9;
	vm1 =	vgt.f32 v20, v46;
	v9 =	vsel vm15, $0x7, v3  }
0x94: {  	v45 =	vpop (erf);
	vm15 =	vne.s32 v0, $0x3;
	v3 =	vmul.f32 v34, v11;
	v11 =	vsel vm12, v40, v52  }
0x95: {  	vm12 =	veq.s32 v2, $0x0;
	v10 =	vadd.f32 v42, v45;
	vm7 =	vmand vm11, vm1  }
0x96: {  	v48 =	vpop (erf);
	v11 =	vsel vm2, v45, v11;
	vm2 =	veq.s32 v2, $0x1;
	v15 =	vsel vm7, v20, v46  }
0x97: {  	[tilespmem:$0x1FCC0] =	vst v1;
	v1 =	vsel vm7, $0xFFFFFFFF, v50;
	v57 =	vsel vm0, v48, v11;
	v4 =	vsel vm7, v40, v4  }
0x98: {  	v21 =	vpop (erf);
	vm7 =	veq.s32 v9, $0x3;
	v10 =	vadd.f32 v10, v48;
	vm11 =	vgt.f32 v12, v15  }
0x99: {  	[tilespmem:$0x1FA00] =	vst v1;
	v1 =	vmul.f32 v34, v14;
	v58 =	vsel vm14, v21, v57;
	vm14 =	veq.s32 v9, $0x1  }
0x9a: {  	v47 =	vnsel vm7, $0x0, v3;
	vm10 =	vmand vm15, vm11;
	vm11 =	vne.s32 v0, $0x4  }
0x9b: {  	v16 =	vld [tilespmem:$0x30];
	v38 =	vnsel vm14, $0x0, v3;
	v10 =	vadd.f32 v10, v21;
	v12 =	vsel vm10, v12, v15  }
0x9c: {  	v20 =	vld [tilespmem:$0xB0];
	v15 =	vsel vm10, $0xFFFFFFFF, v53;
	v55 =	vnsel vm12, $0x0, v1;
	vm12 =	vmand vm13, vm8  }
0x9d: {  	v4 =	vsel vm10, v45, v4;
	v36 =	vnsel vm2, $0x0, v1;
	v40 =	vnsel vm4, $0x0, v1  }
0x9e: {  	[tilespmem:$0x1FC70] =	vst v51;
	v51 =	vpop (erf);
	vm10 =	veq.s32 v2, $0x4;
	vm4 =	veq.s32 v9, $0x4;
	vm9 =	vgt.f32 v8, v12  }
0x9f: {  	v61 =	vsel vm13, v51, v58;
	v50 =	vnsel vm10, $0x0, v1;
	v57 =	vnsel vm4, $0x0, v3  }
0xa0: {  	[tilespmem:$0x1FCF0] =	vst v36;
	v36 =	vimm.s32 $0x0;
	v10 =	vadd.f32 v10, v51;
	vm1 =	vmand vm11, vm9  }
0xa1: {  	v54 =	vpop (erf);
	vm9 =	vne.s32 v0, $0x5;
	v63 =	vmax.f32 v16, v20;
	v8 =	vsel vm1, v8, v12  }
0xa2: {  	v24 =	vsel vm8, v61, v54;
	v10 =	vadd.f32 v10, v54;
	vm15 =	vgt.f32 v7, v8  }
0xa3: {  	v61 =	vimm.s32 $0x0;
	vm5 =	vmmov vm1;
	vm15 =	vmand vm9, vm15  }
0xa4: {  	v12 =	vsel vm1, $0xFFFFFFFF, v56;
	(erf) = vrcp.f32 v10;
	v7 =	vsel vm15, v7, v8  }
0xa5: {  	vm1 =	veq.s32 v9, $0x0;
	[tilespmem:$0x1FA20] =	vst v12;
	v12 =	vld [tilespmem:$0x130];
	v10 =	vsel vm8, $0xFFFFFFFF, v59;
	vm11 =	vgt.f32 v5, v7  }
0xa6: {  	v11 =	vld [tilespmem:$0x1B0];
	v13 =	vsel vm5, v48, v4;
	[tilespmem:$0x1FA60] =	vst v10;
	v10 =	vsel vm12, $0xFFFFFFFF, v60;
	vm0 =	vmneg vm11  }
0xa7: {  	v35 =	vnsel vm1, $0x0, v3;
	vm5 =	veq.s32 v9, $0x2;
	[tilespmem:$0x1FA30] =	vst v10;
	v10 =	vld [tilespmem:$0x230];
	vm3 =	vmor vm12, vm0  }
0xa8: {  	vm1 =	veq.s32 v2, $0x5;
	vm9 =	vmmov vm6;
	v8 =	vld [tilespmem:$0x2B0];
	v4 =	vsel vm3, $0xFFFFFFFF, v62  }
0xa9: {  	vm6 =	veq.s32 v2, $0x3;
	v42 =	vnsel vm5, $0x0, v3;
	v2 =	vnsel vm1, $0x0, v1;
	[tilespmem:$0x1FA50] =	vst v4;
	v4 =	vld [tilespmem:$0x330]  }
0xaa: {  	v13 =	vsel vm15, v21, v13;
	v21 =	vmax.f32 v63, v12;
	v5 =	vsel vm3, v7, v5;
	v7 =	vld [tilespmem:$0x3B0]  }
0xab: {  	vm11 =	vgt.f32 v20, v16;
	vm13 =	vgt.f32 v6, v5;
	v5 =	vmax.f32 v21, v11  }
0xac: {  	v22 =	vsel vm3, v13, v51;
	vm0 =	vmand vm8, vm13;
	v33 =	vmax.f32 v5, v10  }
0xad: {  	v13 =	vsel vm0, $0xFFFFFFFF, v23;
	v14 =	vsel vm0, v54, v22;
	v34 =	vmax.f32 v33, v8;
	v25 =	vpop (erf)  }
0xae: {  	[tilespmem:$0x1FA40] =	vst v13;
	v6 =	vmul.f32 v25, v24;
	v5 =	vmul.f32 v14, v25;
	v13 =	vmax.f32 v34, v4  }
0xaf: {  	v43 =	vnsel vm6, $0x0, v1;
	v48 =	vsel vm11, v20, v16;
	v13 =	vmax.f32 v13, v7  }
0xb0: {  	vm12 =	vlt.f32 v16, $-Inf;
	v37 =	vadd.f32 v5, v6;
	v39 =	vsub.f32 v16, v13  }
0xb1: {  	v53 =	vsel vm11, $0x1, v26;
	v41 =	vsub.f32 v20, v13;
	v45 =	vsub.f32 v12, v13  }
0xb2: {  	vm14 =	vgt.f32 v12, v48;
	v46 =	vsub.f32 v11, v13;
	v49 =	vsub.f32 v10, v13  }
0xb3: {  	vm13 =	vgt.f32 v16, $-Inf;
	v52 =	vsub.f32 v8, v13;
	v14 =	vadd.f32 $9.999999710e-10, v37  }
0xb4: {  	vm5 =	vmor vm13, vm12;
	v54 =	vsub.f32 v4, v13;
	v13 =	vsub.f32 v7, v13  }
0xb5: {  	[tilespmem:$0x1FA10] =	vst v15;
	v15 =	vmul.f32 $1.442695020e+00, v39;
	(erf) = vrcp.f32 v14;
	v14 =	vsel vm14, v12, v48  }
0xb6: {  	v44 =	vmul.f32 $1.442695020e+00, v41;
	v17 =	vmul.f32 $1.442695020e+00, v46;
	vm8 =	vgt.f32 v11, v14  }
0xb7: {  	v51 =	vmul.f32 $1.442695020e+00, v49;
	(erf) = vpow2.f32 v15;
	v14 =	vsel vm8, v11, v14  }
0xb8: {  	v15 =	vmul.f32 $1.442695020e+00, v45;
	(erf) = vpow2.f32 v44;
	vm7 =	vgt.f32 v10, v14  }
0xb9: {  	v18 =	vmul.f32 $1.442695020e+00, v54;
	v13 =	vmul.f32 $1.442695020e+00, v13;
	v14 =	vsel vm7, v10, v14  }
0xba: {  	v37 =	vsel vm9, $0x0, v27;
	(erf) = vpow2.f32 v15;
	vm6 =	vgt.f32 v8, v14  }
0xbb: {  	(erf) = vpow2.f32 v17;
	v17 =	vsel vm14, $0x2, v53;
	v14 =	vsel vm6, v8, v14  }
0xbc: {  	v49 =	vimm.s32 $0x0;
	v45 =	vld [tilespmem:$0x1F9F0];
	v17 =	vsel vm8, $0x3, v17;
	vm3 =	vgt.f32 v4, v14  }
0xbd: {  	v44 =	vimm.s32 $0x0;
	v17 =	vsel vm7, $0x4, v17;
	v14 =	vsel vm3, v4, v14  }
0xbe: {  	v15 =	vmul.f32 $1.442695020e+00, v52;
	v17 =	vsel vm6, $0x5, v17;
	vm2 =	vgt.f32 v7, v14  }
0xbf: {  	[tilespmem:$0x1FCD0] =	vst v55;
	(erf) = vpow2.f32 v51;
	v55 =	vsel vm3, $0x6, v17;
	v19 =	vpop (erf);
	vm12 =	vmneg vm2  }
0xc0: {  	v33 =	vld [tilespmem:$0x1F9B0];
	v53 =	vimm.s32 $0x0;
	v14 =	vpop (erf);
	(erf) = vpow2.f32 v15;
	v59 =	vnsel vm12, $0x7, v55  }
0xc1: {  	v22 =	vld [tilespmem:$0x40];
	vm2 =	vnez.u8 v45;
	v17 =	vpop (erf);
	(erf) = vpow2.f32 v18;
	vm10 =	vne.s32 v59, $0x0  }
0xc2: {  	v39 =	vld [tilespmem:$0x1F9C0];
	vm13 =	vne.s32 v59, $0x1;
	vm1 =	vne.s32 v59, $0x3;
	v56 =	vadd.f32 v17, v14  }
0xc3: {  	v24 =	vld [tilespmem:$0xC0];
	vm4 =	vmand vm5, vm10;
	v18 =	vpop (erf);
	(erf) = vpow2.f32 v13;
	vm5 =	veq.s32 v9, $0x5  }
0xc4: {  	[tilespmem:$0x1FD10] =	vst v40;
	v52 =	vsel vm11, v17, v14;
	v60 =	vnsel vm4, $0xFF800000, v16;
	v16 =	vsel vm4, $0xFFFFFFFF, v61  }
0xc5: {  	[tilespmem:$0x1FD60] =	vst v57;
	v62 =	vnsel vm5, $0x0, v3;
	vm5 =	vnez.u8 v33;
	v57 =	vnsel vm4, $0x0, v14  }
0xc6: {  	v40 =	vld [tilespmem:$0x1F9D0];
	[tilespmem:$0x1FD20] =	vst v42;
	v61 =	vimm.s32 $0x0;
	v58 =	vadd.f32 v56, v18;
	vm10 =	vgt.f32 v20, v60  }
0xc7: {  	v42 =	vld [tilespmem:$0x1F9E0];
	[tilespmem:$0x1FA70] =	vst v16;
	v9 =	vnsel vm5, $0x0, v1;
	vm5 =	vnez.u8 v39;
	v1 =	vsel vm2, $0x0, v1  }
0xc8: {  	v63 =	vpop (erf);
	[tilespmem:$0x1FD80] =	vst v62;
	v62 =	vmax.f32 v22, v24;
	v16 =	vimm.s32 $0x0;
	vm10 =	vmand vm13, vm10  }
0xc9: {  	[tilespmem:$0x1FCE0] =	vst v35;
	v21 =	vld [tilespmem:$0x1FA40];
	vm13 =	vne.s32 v59, $0x2;
	v34 =	vadd.f32 v58, v63;
	v35 =	vsel vm10, v20, v60  }
0xca: {  	[tilespmem:$0x1FD00] =	vst v38;
	v46 =	vld [tilespmem:$0x1FA00];
	v15 =	vsel vm10, $0xFFFFFFFF, v36;
	v58 =	vimm.s32 $0x0;
	vm9 =	vgt.f32 v12, v35  }
0xcb: {  	[tilespmem:$0x1FD50] =	vst v50;
	v48 =	vld [tilespmem:$0x1FA10];
	v38 =	vpop (erf);
	v60 =	vimm.s32 $0x0;
	vm13 =	vmand vm13, vm9;
	vm9 =	vnez.u8 v40  }
0xcc: {  	v50 =	vld [tilespmem:$0x1FA20];
	[tilespmem:$0x1FD90] =	vst v9;
	v9 =	vadd.f32 v34, v38;
	vm0 =	vmor vm9, vm5;
	vm5 =	vnez.u8 v42  }
0xcd: {  	[tilespmem:$0x1FD30] =	vst v43;
	v43 =	vpop (erf);
	v12 =	vsel vm13, v12, v35;
	v13 =	vsel vm13, $0xFFFFFFFF, v44;
	v41 =	vsel vm0, $0x0, v3  }
0xce: {  	[tilespmem:$0x1FA80] =	vst v15;
	v15 =	vsel vm5, $0x1, v37;
	v9 =	vadd.f32 v9, v43;
	vm0 =	vgt.f32 v11, v12  }
0xcf: {  	[tilespmem:$0x1FD40] =	vst v47;
	vm5 =	vnez.u8 v46;
	v3 =	vnsel vm9, $0x0, v3;
	vm9 =	vnez.u8 v21  }
0xd0: {  	v55 =	vld [tilespmem:$0x1FA50];
	[tilespmem:$0x1FDB0] =	vst v1;
	v47 =	vpop (erf);
	v1 =	vsel vm5, $0x2, v15;
	vm2 =	vmand vm1, vm0;
	vm5 =	vnez.u8 v48  }
0xd1: {  	v1 =	vsel vm5, $0x3, v1;
	v9 =	vadd.f32 v9, v47;
	vm5 =	vnez.u8 v50  }
0xd2: {  	v11 =	vsel vm2, v11, v12;
	v12 =	vsel vm2, $0xFFFFFFFF, v49;
	v1 =	vsel vm5, $0x4, v1  }
0xd3: {  	v51 =	vpop (erf);
	[tilespmem:$0x1FAA0] =	vst v12;
	vm0 =	vgt.f32 v10, v11;
	vm5 =	vne.s32 v59, $0x4;
	v12 =	vsel vm14, v18, v52  }
0xd4: {  	vm14 =	vne.s32 v59, $0x5;
	vm11 =	vmand vm5, vm0;
	v9 =	vadd.f32 v9, v51  }
0xd5: {  	v1 =	vsel vm15, $0x5, v1;
	v54 =	vsel vm8, v63, v12;
	vm15 =	vnez.u8 v55  }
0xd6: {  	v10 =	vsel vm11, v10, v11;
	v11 =	vsel vm11, $0xFFFFFFFF, v53;
	v23 =	vnsel vm15, $0x6, v1  }
0xd7: {  	v14 =	vld [tilespmem:$0x140];
	v56 =	vsel vm7, v38, v54;
	vm7 =	vmand vm3, vm12;
	vm0 =	vgt.f32 v8, v10  }
0xd8: {  	(erf) = vrcp.f32 v9;
	v1 =	vsel vm6, v43, v56;
	v9 =	vsel vm10, v17, v57  }
0xd9: {  	[tilespmem:$0x1FDC0] =	vst v3;
	v3 =	vsel vm9, $0x7, v23;
	vm10 =	veq.s32 v0, $0x0;
	vm9 =	veq.s32 v0, $0x1  }
0xda: {  	vm15 =	vmand vm14, vm0;
	v9 =	vsel vm13, v18, v9;
	v1 =	vsel vm3, v47, v1  }
0xdb: {  	vm14 =	vgt.f32 v24, v22;
	v8 =	vsel vm15, v8, v10;
	v10 =	vsel vm12, $0xFFFFFFFF, v58  }
0xdc: {  	[tilespmem:$0x1FD70] =	vst v2;
	v2 =	vsel vm2, v63, v9;
	v63 =	vmax.f32 v62, v14;
	v1 =	vsel vm12, v1, v51  }
0xdd: {  	[tilespmem:$0x1FA90] =	vst v13;
	v42 =	vsel vm14, v24, v22;
	v49 =	vsel vm14, $0x1, v26;
	vm2 =	vgt.f32 v22, $-Inf  }
0xde: {  	v13 =	vld [tilespmem:$0x1C0];
	vm6 =	vgt.f32 v4, v8;
	[tilespmem:$0x1FAE0] =	vst v10;
	v10 =	vsel vm7, $0xFFFFFFFF, v60;
	v2 =	vsel vm11, v38, v2  }
0xdf: {  	v12 =	vld [tilespmem:$0x240];
	vm11 =	veq.s32 v3, $0x0;
	v60 =	vimm.s32 $0x0;
	vm0 =	vmneg vm6  }
0xe0: {  	[tilespmem:$0x1FAB0] =	vst v11;
	v11 =	vld [tilespmem:$0x2C0];
	v2 =	vsel vm15, v43, v2;
	vm1 =	vmor vm7, vm0;
	vm7 =	vgt.f32 v14, v42  }
0xe1: {  	v9 =	vsel vm1, $0xFFFFFFFF, v61;
	v4 =	vsel vm1, v8, v4;
	v2 =	vsel vm1, v2, v47  }
0xe2: {  	v8 =	vmul.f32 v19, v5;
	v45 =	vsel vm7, v14, v42;
	vm8 =	vgt.f32 v7, v4  }
0xe3: {  	[tilespmem:$0x1FAD0] =	vst v10;
	v10 =	vld [tilespmem:$0x340];
	v42 =	vimm.s32 $0x0;
	v4 =	vmax.f32 v63, v13;
	vm0 =	vmand vm12, vm8  }
0xe4: {  	[tilespmem:$0x1FB50] =	vst v9;
	v9 =	vld [tilespmem:$0x3C0];
	v18 =	vmax.f32 v4, v12;
	v44 =	vnsel vm11, $0x0, v8;
	vm12 =	vlt.f32 v22, $-Inf  }
0xe5: {  	v7 =	vsel vm0, $0xFFFFFFFF, v16;
	v2 =	vsel vm0, v51, v2;
	v20 =	vmax.f32 v18, v11  }
0xe6: {  	v17 =	vpop (erf);
	vm3 =	vmor vm2, vm12;
	vm12 =	veq.s32 v3, $0x1;
	vm0 =	veq.s32 v0, $0x5  }
0xe7: {  	[tilespmem:$0x1FDE0] =	vst v44;
	v44 =	vimm.s32 $0x0;
	v4 =	vmul.f32 v17, v1;
	v1 =	vmul.f32 v2, v17  }
0xe8: {  	[tilespmem:$0x1FAC0] =	vst v7;
	v2 =	vmax.f32 v20, v10;
	v7 =	vmul.f32 v19, v6;
	v57 =	vnsel vm12, $0x0, v8  }
0xe9: {  	vm12 =	veq.s32 v3, $0x2;
	v25 =	vadd.f32 v1, v4;
	v33 =	vmax.f32 v2, v9  }
0xea: {  	v34 =	vnsel vm10, $0x0, v7;
	vm10 =	vgt.f32 v13, v45;
	v2 =	vsub.f32 v22, v33  }
0xeb: {  	v48 =	vnsel vm9, $0x0, v7;
	v36 =	vsub.f32 v24, v33;
	v35 =	vadd.f32 $9.999999710e-10, v25  }
0xec: {  	v37 =	vsub.f32 v14, v33;
	v39 =	vsub.f32 v13, v33;
	v2 =	vmul.f32 $1.442695020e+00, v2  }
0xed: {  	v43 =	vsub.f32 v12, v33;
	v38 =	vmul.f32 $1.442695020e+00, v36;
	(erf) = vrcp.f32 v35  }
0xee: {  	v46 =	vsub.f32 v11, v33;
	v47 =	vsub.f32 v10, v33;
	(erf) = vpow2.f32 v2  }
0xef: {  	v5 =	vsel vm10, v13, v45;
	v40 =	vmul.f32 $1.442695020e+00, v37;
	(erf) = vpow2.f32 v38  }
0xf0: {  	[tilespmem:$0x1FDA0] =	vst v41;
	v15 =	vsub.f32 v9, v33;
	v33 =	vnsel vm12, $0x0, v8;
	v41 =	vmul.f32 $1.442695020e+00, v39  }
0xf1: {  	vm8 =	vgt.f32 v12, v5;
	v2 =	vmul.f32 $1.442695020e+00, v43;
	(erf) = vpow2.f32 v40  }
0xf2: {  	[tilespmem:$0x1FDD0] =	vst v34;
	v34 =	vimm.s32 $0x0;
	v5 =	vsel vm8, v12, v5;
	(erf) = vpow2.f32 v41  }
0xf3: {  	[tilespmem:$0x1FDF0] =	vst v48;
	v48 =	vimm.s32 $0x0;
	vm6 =	vgt.f32 v11, v5;
	(erf) = vpow2.f32 v2  }
0xf4: {  	v6 =	vmul.f32 $1.442695020e+00, v46;
	v16 =	vmul.f32 $1.442695020e+00, v47;
	v5 =	vsel vm6, v11, v5  }
0xf5: {  	v15 =	vmul.f32 $1.442695020e+00, v15;
	v46 =	vimm.s32 $0x0;
	vm4 =	vgt.f32 v10, v5  }
0xf6: {  	v5 =	vsel vm4, v10, v5;
	v2 =	vpop (erf);
	(erf) = vpow2.f32 v6;
	v6 =	vsel vm7, $0x2, v49  }
0xf7: {  	v38 =	vimm.s32 $0x0;
	vm11 =	vgt.f32 v9, v5;
	v50 =	vpop (erf);
	v6 =	vsel vm10, $0x3, v6  }
0xf8: {  	vm13 =	vmneg vm11;
	vm11 =	veq.s32 v3, $0x3;
	v51 =	vpop (erf);
	v6 =	vsel vm8, $0x4, v6  }
0xf9: {  	v37 =	vnsel vm11, $0x0, v8;
	v52 =	vadd.f32 v51, v50;
	v6 =	vsel vm6, $0x5, v6  }
0xfa: {  	v49 =	vimm.s32 $0x0;
	(erf) = vpow2.f32 v16;
	v53 =	vpop (erf);
	v6 =	vsel vm4, $0x6, v6  }
0xfb: {  	v17 =	vld [tilespmem:$0x1FA60];
	v43 =	vsel vm14, v51, v50;
	v55 =	vpop (erf);
	v54 =	vadd.f32 v52, v53;
	v61 =	vnsel vm13, $0x7, v6  }
0xfc: {  	v56 =	vpop (erf);
	(erf) = vpow2.f32 v15;
	vm5 =	vne.s32 v61, $0x0;
	vm12 =	vne.s32 v61, $0x3  }
0xfd: {  	v5 =	vadd.f32 v54, v55;
	vm9 =	vmand vm3, vm5;
	vm3 =	veq.s32 v0, $0x2  }
0xfe: {  	vm5 =	vne.s32 v61, $0x1;
	v54 =	vimm.s32 $0x0;
	v58 =	vnsel vm9, $0xFF800000, v22  }
0xff: {  	v16 =	vsel vm9, $0xFFFFFFFF, v60;
	v62 =	vnsel vm3, $0x0, v7;
	vm3 =	veq.s32 v0, $0x3  }
0x100: {  	v47 =	vnsel vm9, $0x0, v50;
	v50 =	vimm.s32 $0x0;
	vm9 =	vnez.u8 v17  }
0x101: {  	v5 =	vadd.f32 v5, v56;
	vm2 =	vgt.f32 v24, v58;
	v35 =	vnsel vm3, $0x0, v7  }
0x102: {  	vm3 =	veq.s32 v0, $0x4;
	v0 =	vnsel vm0, $0x0, v7;
	vm5 =	vmand vm5, vm2  }
0x103: {  	[tilespmem:$0x1FE00] =	vst v57;
	v57 =	vld [tilespmem:$0x1FA30];
	vm0 =	veq.s32 v3, $0x5;
	vm2 =	vne.s32 v61, $0x2;
	v15 =	vsel vm5, v24, v58  }
0x104: {  	v60 =	vld [tilespmem:$0x1FA50];
	v63 =	vpop (erf);
	v39 =	vnsel vm3, $0x0, v7;
	[tilespmem:$0x1FE70] =	vst v0;
	v0 =	vsel vm7, v53, v43;
	vm1 =	vgt.f32 v14, v15  }
0x105: {  	vm7 =	vne.s32 v61, $0x5;
	v5 =	vadd.f32 v5, v63;
	vm2 =	vmand vm2, vm1  }
0x106: {  	[tilespmem:$0x1FAF0] =	vst v16;
	v36 =	vpop (erf);
	v16 =	vsel vm5, $0xFFFFFFFF, v34;
	v0 =	vsel vm10, v55, v0;
	v14 =	vsel vm2, v14, v15  }
0x107: {  	v0 =	vsel vm8, v56, v0;
	v5 =	vadd.f32 v5, v36;
	vm11 =	vgt.f32 v13, v14  }
0x108: {  	v0 =	vsel vm6, v63, v0;
	vm6 =	vnez.u8 v57;
	vm11 =	vmand vm12, vm11  }
0x109: {  	vm8 =	vnez.u8 v60;
	vm12 =	veq.s32 v3, $0x4;
	v13 =	vsel vm11, v13, v14  }
0x10a: {  	v58 =	vld [tilespmem:$0x1FA40];
	v41 =	vnsel vm12, $0x0, v8;
	vm12 =	vne.s32 v61, $0x4;
	vm3 =	vgt.f32 v12, v13  }
0x10b: {  	v15 =	vsel vm2, $0xFFFFFFFF, v38;
	v40 =	vpop (erf);
	v0 =	vsel vm4, v36, v0;
	vm12 =	vmand vm12, vm3  }
0x10c: {  	v25 =	vld [tilespmem:$0xD0];
	v5 =	vadd.f32 v5, v40;
	v0 =	vsel vm13, v0, v40;
	v12 =	vsel vm12, v12, v13  }
0x10d: {  	v24 =	vld [tilespmem:$0x50];
	v3 =	vnsel vm0, $0x0, v8;
	v14 =	vsel vm11, $0xFFFFFFFF, v42;
	vm14 =	vgt.f32 v11, v12  }
0x10e: {  	v20 =	vld [tilespmem:$0x1FA70];
	[tilespmem:$0x1FE20] =	vst v33;
	(erf) = vrcp.f32 v5;
	v13 =	vsel vm12, $0xFFFFFFFF, v44;
	vm3 =	vmand vm7, vm14  }
0x10f: {  	[tilespmem:$0x1FE40] =	vst v37;
	v37 =	vld [tilespmem:$0x1FAB0];
	vm14 =	vmand vm4, vm13;
	vm7 =	vnez.u8 v58;
	v45 =	vsel vm3, v11, v12  }
0x110: {  	v22 =	vld [tilespmem:$0x1FA80];
	[tilespmem:$0x1FB00] =	vst v16;
	v5 =	vsel vm3, $0xFFFFFFFF, v46;
	v11 =	vsel vm13, $0xFFFFFFFF, v48;
	v18 =	vnsel vm7, $0x0, v8  }
0x111: {  	v16 =	vld [tilespmem:$0x150];
	v12 =	vmul.f32 v2, v4;
	v2 =	vmul.f32 v2, v1;
	[tilespmem:$0x1FB40] =	vst v5;
	v5 =	vsel vm5, v51, v47  }
0x112: {  	v33 =	vld [tilespmem:$0x1FA90];
	vm10 =	vgt.f32 v10, v45;
	[tilespmem:$0x1FBD0] =	vst v11;
	v11 =	vsel vm14, $0xFFFFFFFF, v49;
	v51 =	vmax.f32 v24, v25  }
0x113: {  	[tilespmem:$0x1FB10] =	vst v15;
	v15 =	vld [tilespmem:$0x1D0];
	v5 =	vsel vm2, v53, v5;
	vm0 =	vmneg vm10;
	vm10 =	vnez.u8 v20  }
0x114: {  	[tilespmem:$0x1FE30] =	vst v35;
	vm2 =	vlt.f32 v24, $-Inf;
	v5 =	vsel vm11, v55, v5;
	vm1 =	vmor vm14, vm0  }
0x115: {  	v35 =	vld [tilespmem:$0x1FAA0];
	[tilespmem:$0x1FBB0] =	vst v11;
	vm11 =	vnez.u8 v22;
	vm14 =	vnez.u8 v37;
	v11 =	vsel vm1, $0xFFFFFFFF, v50  }
0x116: {  	[tilespmem:$0x1FE80] =	vst v3;
	v5 =	vsel vm12, v56, v5;
	v3 =	vsel vm1, v45, v10;
	v10 =	vmax.f32 v51, v16  }
0x117: {  	[tilespmem:$0x1FB20] =	vst v14;
	v14 =	vld [tilespmem:$0x250];
	v56 =	vpop (erf);
	vm12 =	vnez.u8 v33;
	v52 =	vsel vm3, v63, v5;
	vm5 =	vgt.f32 v9, v3  }
0x118: {  	v55 =	vmax.f32 v10, v15;
	v0 =	vmul.f32 v56, v0;
	v10 =	vnsel vm6, $0x0, v7  }
0x119: {  	[tilespmem:$0x1FB60] =	vst v11;
	v11 =	vld [tilespmem:$0x2D0];
	v7 =	vsel vm9, $0x0, v7;
	v53 =	vsel vm1, v52, v36;
	vm0 =	vmand vm13, vm5  }
0x11a: {  	vm13 =	vnez.u8 v35;
	vm5 =	vgt.f32 v25, v24;
	v9 =	vsel vm0, $0xFFFFFFFF, v54  }
0x11b: {  	v6 =	vld [tilespmem:$0x350];
	[tilespmem:$0x1FE50] =	vst v39;
	v3 =	vsel vm0, v40, v53;
	vm0 =	vmor vm7, vm8;
	v39 =	vsel vm5, v25, v24  }
0x11c: {  	v5 =	vld [tilespmem:$0x3D0];
	v46 =	vsel vm5, $0x1, v26;
	vm7 =	veq.s32 v59, $0x2;
	[tilespmem:$0x1FBA0] =	vst v9;
	v9 =	vmax.f32 v55, v14  }
0x11d: {  	[tilespmem:$0x1FE10] =	vst v62;
	v3 =	vmul.f32 v3, v56;
	v62 =	vsel vm0, $0x0, v8;
	v8 =	vsel vm10, $0x0, v27  }
0x11e: {  	vm0 =	veq.s32 v59, $0x1;
	v8 =	vsel vm11, $0x1, v8;
	v9 =	vmax.f32 v9, v11  }
0x11f: {  	v63 =	vadd.f32 v3, v0;
	v8 =	vsel vm12, $0x2, v8;
	vm12 =	vgt.f32 v16, v39  }
0x120: {  	v9 =	vmax.f32 v9, v6;
	v8 =	vsel vm13, $0x3, v8;
	v47 =	vsel vm12, $0x2, v46  }
0x121: {  	[tilespmem:$0x1FE90] =	vst v10;
	vm13 =	vgt.f32 v24, $-Inf;
	v9 =	vmax.f32 v9, v5;
	v10 =	vadd.f32 $9.999999710e-10, v63  }
0x122: {  	v8 =	vsel vm14, $0x4, v8;
	vm4 =	vmor vm13, vm2;
	v19 =	vsub.f32 v24, v9  }
0x123: {  	v57 =	vld [tilespmem:$0x1FB50];
	v21 =	vsub.f32 v25, v9;
	v23 =	vsub.f32 v16, v9;
	v38 =	vsel vm15, $0x5, v8  }
0x124: {  	[tilespmem:$0x1FE60] =	vst v41;
	v40 =	vsub.f32 v15, v9;
	v8 =	vsel vm12, v16, v39;
	v41 =	vsub.f32 v14, v9  }
0x125: {  	vm15 =	veq.s32 v59, $0x0;
	v43 =	vsub.f32 v11, v9;
	v44 =	vsub.f32 v6, v9  }
0x126: {  	v52 =	vsub.f32 v5, v9;
	(erf) = vrcp.f32 v10;
	v42 =	vnsel vm15, $0x0, v12  }
0x127: {  	[tilespmem:$0x1FEB0] =	vst v7;
	vm11 =	vgt.f32 v15, v8;
	v7 =	vmul.f32 $1.442695020e+00, v19;
	v34 =	vmul.f32 $1.442695020e+00, v21  }
0x128: {  	vm15 =	vnez.u8 v57;
	v36 =	vmul.f32 $1.442695020e+00, v23;
	v4 =	vmul.f32 $1.442695020e+00, v40  }
0x129: {  	v57 =	vimm.s32 $0x0;
	v10 =	vmul.f32 $1.442695020e+00, v41;
	(erf) = vpow2.f32 v7  }
0x12a: {  	v8 =	vsel vm11, v15, v8;
	v45 =	vmul.f32 $1.442695020e+00, v43;
	(erf) = vpow2.f32 v34  }
0x12b: {  	v49 =	vsel vm11, $0x3, v47;
	v55 =	vmul.f32 $1.442695020e+00, v52;
	(erf) = vpow2.f32 v36  }
0x12c: {  	v21 =	vimm.s32 $0x0;
	vm9 =	vgt.f32 v14, v8;
	(erf) = vpow2.f32 v4  }
0x12d: {  	v23 =	vnsel vm0, $0x0, v12;
	v40 =	vimm.s32 $0x0;
	v8 =	vsel vm9, v14, v8  }
0x12e: {  	v47 =	vimm.s32 $0x0;
	v7 =	vnsel vm15, $0x6, v38;
	vm10 =	vgt.f32 v11, v8  }
0x12f: {  	v34 =	vnsel vm7, $0x0, v12;
	v8 =	vsel vm10, v11, v8;
	v36 =	vimm.s32 $0x0  }
0x130: {  	v4 =	vmul.f32 $1.442695020e+00, v44;
	vm6 =	vgt.f32 v6, v8;
	(erf) = vpow2.f32 v10  }
0x131: {  	[tilespmem:$0x1FB30] =	vst v13;
	v44 =	vimm.s32 $0x0;
	v8 =	vsel vm6, v6, v8;
	v13 =	vpop (erf);
	(erf) = vpow2.f32 v45  }
0x132: {  	vm1 =	vgt.f32 v5, v8;
	v48 =	vpop (erf);
	(erf) = vpow2.f32 v4;
	v4 =	vsel vm9, $0x4, v49  }
0x133: {  	v58 =	vld [tilespmem:$0x1FAC0];
	vm8 =	vmneg vm1;
	v0 =	vmul.f32 v13, v0;
	v50 =	vpop (erf);
	v4 =	vsel vm10, $0x5, v4  }
0x134: {  	v49 =	vimm.s32 $0x0;
	v51 =	vadd.f32 v50, v48;
	v53 =	vpop (erf);
	v4 =	vsel vm6, $0x6, v4  }
0x135: {  	v43 =	vsel vm5, v50, v48;
	v9 =	vnsel vm8, $0x7, v4;
	v56 =	vpop (erf);
	(erf) = vpow2.f32 v55  }
0x136: {  	v46 =	vsel vm12, v53, v43;
	v54 =	vadd.f32 v51, v53;
	vm14 =	vne.s32 v9, $0x0  }
0x137: {  	vm2 =	vne.s32 v9, $0x1;
	vm13 =	vne.s32 v9, $0x2;
	v51 =	vimm.s32 $0x0  }
0x138: {  	vm3 =	vmand vm4, vm14;
	vm14 =	vnez.u8 v58;
	v58 =	vimm.s32 $0x0  }
0x139: {  	v8 =	vadd.f32 v54, v56;
	v7 =	vsel vm14, $0x7, v7;
	v63 =	vnsel vm3, $0xFF800000, v24  }
0x13a: {  	v60 =	vpop (erf);
	v19 =	vsel vm3, $0xFFFFFFFF, v21;
	v48 =	vnsel vm3, $0x0, v48;
	vm4 =	veq.s32 v7, $0x0  }
0x13b: {  	[tilespmem:$0x1FEA0] =	vst v62;
	vm1 =	vgt.f32 v25, v63;
	vm0 =	veq.s32 v7, $0x2;
	v62 =	vadd.f32 v8, v60  }
0x13c: {  	v22 =	vnsel vm4, $0x0, v2;
	vm2 =	vmand vm2, vm1;
	vm4 =	veq.s32 v7, $0x1  }
0x13d: {  	vm1 =	vne.s32 v9, $0x3;
	v37 =	vnsel vm0, $0x0, v2;
	vm0 =	veq.s32 v7, $0x3  }
0x13e: {  	v8 =	vsel vm2, v25, v63;
	v25 =	vimm.s32 $0x0;
	v33 =	vnsel vm4, $0x0, v2  }
0x13f: {  	vm4 =	veq.s32 v59, $0x3;
	v41 =	vnsel vm0, $0x0, v2;
	vm0 =	veq.s32 v7, $0x4  }
0x140: {  	v24 =	vpop (erf);
	v10 =	vsel vm2, v50, v48;
	v21 =	vsel vm2, $0xFFFFFFFF, v25;
	vm15 =	vgt.f32 v16, v8  }
0x141: {  	v4 =	vadd.f32 v62, v24;
	v38 =	vnsel vm4, $0x0, v12;
	v25 =	vld [tilespmem:$0x1FAE0];
	vm13 =	vmand vm13, vm15  }
0x142: {  	[tilespmem:$0x1FF00] =	vst v22;
	v35 =	vpop (erf);
	v22 =	vld [tilespmem:$0x60];
	vm4 =	veq.s32 v59, $0x4;
	v45 =	vnsel vm0, $0x0, v2;
	v8 =	vsel vm13, v16, v8  }
0x143: {  	vm15 =	vne.s32 v9, $0x4;
	v4 =	vadd.f32 v4, v35;
	vm7 =	vgt.f32 v15, v8  }
0x144: {  	[tilespmem:$0x1FEF0] =	vst v42;
	v42 =	vnsel vm4, $0x0, v12;
	v16 =	vsel vm13, $0xFFFFFFFF, v36;
	v39 =	vpop (erf);
	vm1 =	vmand vm1, vm7  }
0x145: {  	v10 =	vsel vm13, v53, v10;
	v4 =	vadd.f32 v4, v39;
	v8 =	vsel vm1, v15, v8  }
0x146: {  	v15 =	vsel vm1, $0xFFFFFFFF, v40;
	v50 =	vsel vm1, v56, v10;
	vm13 =	vnez.u8 v25  }
0x147: {  	v43 =	vld [tilespmem:$0x1FB30];
	vm1 =	vlt.f32 v22, $-Inf;
	vm7 =	vgt.f32 v14, v8;
	(erf) = vrcp.f32 v4  }
0x148: {  	v48 =	vld [tilespmem:$0x1FBA0];
	v4 =	vsel vm11, v56, v46;
	vm11 =	veq.s32 v7, $0x5;
	vm7 =	vmand vm15, vm7  }
0x149: {  	[tilespmem:$0x1FB70] =	vst v19;
	vm15 =	vne.s32 v9, $0x5;
	v4 =	vsel vm9, v60, v4;
	v19 =	vnsel vm11, $0x0, v2  }
0x14a: {  	[tilespmem:$0x1FF60] =	vst v41;
	v41 =	vld [tilespmem:$0x1FB20];
	vm11 =	veq.s32 v61, $0x0;
	v8 =	vsel vm7, v14, v8;
	v14 =	vsel vm7, $0xFFFFFFFF, v44  }
0x14b: {  	v20 =	vld [tilespmem:$0x1FAD0];
	v4 =	vsel vm10, v24, v4;
	v1 =	vsel vm7, v60, v50;
	vm10 =	veq.s32 v59, $0x5  }
0x14c: {  	[tilespmem:$0x1FEC0] =	vst v18;
	v36 =	vld [tilespmem:$0x1FB00];
	vm7 =	vnez.u8 v43;
	vm4 =	vgt.f32 v11, v8;
	v52 =	vsel vm6, v35, v4  }
0x14d: {  	[tilespmem:$0x1FBE0] =	vst v14;
	v14 =	vld [tilespmem:$0xE0];
	v4 =	vsel vm8, $0xFFFFFFFF, v57;
	v18 =	vnsel vm10, $0x0, v12;
	vm10 =	vnez.u8 v48  }
0x14e: {  	[tilespmem:$0x1FF20] =	vst v33;
	v33 =	vld [tilespmem:$0x1FAF0];
	vm4 =	vmand vm15, vm4;
	vm15 =	vmand vm6, vm8;
	v62 =	vsel vm8, v52, v39  }
0x14f: {  	[tilespmem:$0x1FBC0] =	vst v15;
	v15 =	vld [tilespmem:$0x160];
	vm6 =	vnez.u8 v41;
	v8 =	vsel vm4, v11, v8;
	v11 =	vsel vm4, $0xFFFFFFFF, v47  }
0x150: {  	v46 =	vld [tilespmem:$0x1FB50];
	v17 =	vsel vm15, $0xFFFFFFFF, v49;
	v54 =	vsel vm4, v24, v1;
	vm12 =	vgt.f32 v6, v8  }
0x151: {  	vm4 =	vnez.u8 v36;
	v47 =	vld [tilespmem:$0x1FB60];
	vm0 =	vmneg vm12;
	vm12 =	vnez.u8 v20  }
0x152: {  	[tilespmem:$0x1FBF0] =	vst v11;
	v11 =	vld [tilespmem:$0x1E0];
	vm5 =	vmor vm15, vm0;
	v55 =	vmax.f32 v22, v14;
	v7 =	vnsel vm12, $0x0, v12  }
0x153: {  	[tilespmem:$0x1FF80] =	vst v45;
	v45 =	vld [tilespmem:$0x1FB40];
	vm15 =	vnez.u8 v33;
	vm12 =	veq.s32 v61, $0x1;
	v10 =	vsel vm5, $0xFFFFFFFF, v51  }
0x154: {  	[tilespmem:$0x1FF30] =	vst v34;
	v53 =	vsel vm5, v8, v6;
	v56 =	vsel vm5, v54, v35;
	v60 =	vmax.f32 v55, v15;
	v8 =	vpop (erf)  }
0x155: {  	v34 =	vsel vm15, $0x0, v27;
	[tilespmem:$0x1FED0] =	vst v10;
	v10 =	vld [tilespmem:$0x260];
	vm9 =	vgt.f32 v5, v53;
	v24 =	vmul.f32 v8, v62  }
0x156: {  	v6 =	vld [tilespmem:$0x2E0];
	vm15 =	vnez.u8 v47;
	v62 =	vnsel vm11, $0x0, v0;
	vm0 =	vmand vm8, vm9  }
0x157: {  	[tilespmem:$0x1FC10] =	vst v4;
	v1 =	vld [tilespmem:$0x360];
	v63 =	vmax.f32 v60, v11;
	vm9 =	vnez.u8 v46;
	v4 =	vsel vm0, $0xFFFFFFFF, v58  }
0x158: {  	vm8 =	vnez.u8 v45;
	v5 =	vsel vm0, v39, v56;
	vm0 =	vmor vm14, vm9;
	[tilespmem:$0x1FEE0] =	vst v4;
	v4 =	vld [tilespmem:$0x3E0]  }
0x159: {  	[tilespmem:$0x1FF40] =	vst v37;
	v39 =	vld [tilespmem:$0x1FB10];
	vm9 =	vgt.f32 v22, $-Inf;
	v37 =	vmul.f32 v5, v8;
	v8 =	vsel vm13, $0x0, v12  }
0x15a: {  	[tilespmem:$0x1FC00] =	vst v17;
	v12 =	vsel vm4, $0x1, v34;
	vm13 =	vgt.f32 v14, v22;
	v17 =	vmax.f32 v63, v10  }
0x15b: {  	[tilespmem:$0x1FFC0] =	vst v8;
	v8 =	vmul.f32 v13, v3;
	v50 =	vsel vm13, v14, v22;
	v5 =	vmax.f32 v17, v6  }
0x15c: {  	[tilespmem:$0x1FF10] =	vst v23;
	v56 =	vsel vm13, $0x1, v26;
	v23 =	vadd.f32 v37, v24;
	v5 =	vmax.f32 v5, v1  }
0x15d: {  	[tilespmem:$0x1FB80] =	vst v21;
	v63 =	vsel vm0, $0x0, v2;
	v2 =	vnsel vm14, $0x0, v2;
	v21 =	vmax.f32 v5, v4  }
0x15e: {  	vm5 =	vnez.u8 v39;
	v5 =	vadd.f32 $9.999999710e-10, v23;
	v35 =	vsub.f32 v22, v21  }
0x15f: {  	[tilespmem:$0x1FF50] =	vst v38;
	v12 =	vsel vm5, $0x2, v12;
	v38 =	vsub.f32 v14, v21;
	v40 =	vsub.f32 v15, v21  }
0x160: {  	vm5 =	vmor vm9, vm1;
	v49 =	vsub.f32 v11, v21;
	v51 =	vsub.f32 v10, v21  }
0x161: {  	v12 =	vsel vm6, $0x3, v12;
	v52 =	vsub.f32 v6, v21;
	v54 =	vsub.f32 v1, v21  }
0x162: {  	[tilespmem:$0x1FFB0] =	vst v7;
	v7 =	vsub.f32 v4, v21;
	vm6 =	veq.s32 v61, $0x3;
	(erf) = vrcp.f32 v5  }
0x163: {  	[tilespmem:$0x1FF70] =	vst v42;
	v12 =	vsel vm7, $0x4, v12;
	v17 =	vmul.f32 $1.442695020e+00, v35;
	v42 =	vmul.f32 $1.442695020e+00, v38  }
0x164: {  	v44 =	vmul.f32 $1.442695020e+00, v40;
	v12 =	vsel vm8, $0x5, v12;
	v13 =	vmul.f32 $1.442695020e+00, v51  }
0x165: {  	[tilespmem:$0x1FFD0] =	vst v2;
	v55 =	vmul.f32 $1.442695020e+00, v52;
	v7 =	vmul.f32 $1.442695020e+00, v7;
	v2 =	vnsel vm15, $0x6, v12  }
0x166: {  	vm8 =	veq.s32 v61, $0x4;
	(erf) = vpow2.f32 v17;
	v3 =	vsel vm10, $0x7, v2  }
0x167: {  	vm10 =	vgt.f32 v15, v50;
	v2 =	vmul.f32 $1.442695020e+00, v49;
	v49 =	vnsel vm8, $0x0, v0  }
0x168: {  	(erf) = vpow2.f32 v42;
	vm14 =	veq.s32 v3, $0x0;
	v12 =	vsel vm10, v15, v50  }
0x169: {  	v57 =	vsel vm10, $0x2, v56;
	v42 =	vimm.s32 $0x0;
	vm7 =	vgt.f32 v11, v12  }
0x16a: {  	(erf) = vpow2.f32 v44;
	v60 =	vnsel vm14, $0x0, v8;
	v53 =	vsel vm7, v11, v12  }
0x16b: {  	v44 =	vimm.s32 $0x0;
	(erf) = vpow2.f32 v2;
	vm11 =	vgt.f32 v10, v53  }
0x16c: {  	v12 =	vmul.f32 $1.442695020e+00, v54;
	(erf) = vpow2.f32 v13;
	v2 =	vsel vm11, v10, v53  }
0x16d: {  	v58 =	vsel vm7, $0x3, v57;
	v36 =	vpop (erf);
	(erf) = vpow2.f32 v55;
	vm3 =	vgt.f32 v6, v2  }
0x16e: {  	v55 =	vnsel vm6, $0x0, v0;
	vm6 =	veq.s32 v3, $0x3;
	v2 =	vsel vm3, v6, v2  }
0x16f: {  	v46 =	vnsel vm6, $0x0, v8;
	vm6 =	veq.s32 v61, $0x5;
	vm2 =	vgt.f32 v1, v2  }
0x170: {  	v17 =	vpop (erf);
	(erf) = vpow2.f32 v12;
	v12 =	vsel vm11, $0x4, v58;
	v2 =	vsel vm2, v1, v2  }
0x171: {  	v13 =	vpop (erf);
	v12 =	vsel vm3, $0x5, v12;
	vm0 =	vgt.f32 v4, v2;
	v2 =	vimm.s32 $0x8  }
0x172: {  	v59 =	vadd.f32 v13, v17;
	v12 =	vsel vm2, $0x6, v12;
	vm4 =	vmneg vm0  }
0x173: {  	[tilespmem:$0x1FB90] =	vst v16;
	v20 =	vpop (erf);
	(erf) = vpow2.f32 v7;
	vm0 =	veq.s32 v61, $0x2;
	v16 =	vnsel vm4, $0x7, v12  }
0x174: {  	v61 =	vnsel vm6, $0x0, v0;
	v40 =	vsel vm13, v13, v17;
	vm14 =	vne.s32 v16, $0x0  }
0x175: {  	[tilespmem:$0x1FF90] =	vst v18;
	v58 =	vnsel vm0, $0x0, v0;
	v18 =	vadd.f32 v59, v20;
	vm14 =	vmand vm5, vm14  }
0x176: {  	v59 =	vnsel vm12, $0x0, v0;
	vm12 =	vne.s32 v16, $0x1;
	v12 =	vpop (erf);
	v5 =	vnsel vm14, $0xFF800000, v22  }
0x177: {  	vm5 =	veq.s32 v3, $0x1;
	v18 =	vadd.f32 v18, v12;
	vm1 =	vgt.f32 v14, v5  }
0x178: {  	v7 =	vpop (erf);
	v57 =	vnsel vm5, $0x0, v8;
	vm5 =	veq.s32 v3, $0x2;
	vm9 =	vmand vm12, vm1  }
0x179: {  	v41 =	vnsel vm14, $0x0, v17;
	v18 =	vadd.f32 v18, v7;
	v14 =	vsel vm9, v14, v5  }
0x17a: {  	v21 =	vpop (erf);
	v54 =	vnsel vm5, $0x0, v8;
	vm1 =	vne.s32 v16, $0x2;
	vm0 =	vgt.f32 v15, v14  }
0x17b: {  	v5 =	vsel vm4, $0xFFFFFFFF, v42;
	v18 =	vadd.f32 v18, v21;
	vm5 =	vmand vm1, vm0  }
0x17c: {  	v35 =	vld [tilespmem:$0x1FB70];
	v25 =	vpop (erf);
	v42 =	vsel vm14, $0x0, v2;
	vm0 =	vne.s32 v16, $0x3;
	v14 =	vsel vm5, v15, v14  }
0x17d: {  	vm1 =	veq.s32 v3, $0x4;
	v27 =	vadd.f32 v18, v25;
	vm12 =	vgt.f32 v11, v14  }
0x17e: {  	v39 =	vld [tilespmem:$0x1FB80];
	v42 =	vsel vm9, $0x1, v42;
	v33 =	vpop (erf);
	v43 =	vnsel vm1, $0x0, v8;
	vm12 =	vmand vm0, vm12  }
0x17f: {  	v42 =	vsel vm5, $0x2, v42;
	v34 =	vadd.f32 v27, v33;
	v11 =	vsel vm12, v11, v14  }
0x180: {  	vm0 =	vne.s32 v16, $0x4;
	v42 =	vsel vm12, $0x3, v42;
	vm8 =	vgt.f32 v10, v11  }
0x181: {  	v50 =	vld [tilespmem:$0x1FB90];
	(erf) = vrcp.f32 v34;
	vm6 =	vmand vm0, vm8;
	vm8 =	vnez.u8 v35  }
0x182: {  	v53 =	vld [tilespmem:$0x1FBB0];
	vm0 =	veq.s32 v3, $0x5;
	v38 =	vsel vm8, $0x0, v2;
	v10 =	vsel vm6, v10, v11  }
0x183: {  	vm8 =	vne.s32 v16, $0x5;
	v56 =	vnsel vm0, $0x0, v8;
	vm0 =	vnez.u8 v39  }
0x184: {  	v11 =	vsel vm10, v20, v40;
	vm10 =	vmmov vm4;
	vm4 =	vmand vm2, vm4  }
0x185: {  	[tilespmem:$0x1FFF0] =	vst v5;
	vm1 =	vgt.f32 v6, v10;
	v3 =	vsel vm0, $0x1, v38;
	v5 =	vsel vm4, $0xFFFFFFFF, v44  }
0x186: {  	v52 =	vld [tilespmem:$0x1FBA0];
	v11 =	vsel vm7, v12, v11;
	vm7 =	vnez.u8 v50;
	vm8 =	vmand vm8, vm1  }
0x187: {  	v11 =	vsel vm11, v7, v11;
	v3 =	vsel vm7, $0x2, v3;
	vm11 =	vnez.u8 v53  }
0x188: {  	v6 =	vsel vm8, v6, v10;
	v10 =	vsel vm9, v13, v41;
	v45 =	vsel vm3, v21, v11  }
0x189: {  	v39 =	vnsel vm11, $0x0, v0;
	v11 =	vld [tilespmem:$0x1FBF0];
	vm13 =	vgt.f32 v1, v6;
	v10 =	vsel vm5, v20, v10  }
0x18a: {  	[tilespmem:$0x1FFE0] =	vst v5;
	v5 =	vld [tilespmem:$0x1FBC0];
	v47 =	vsel vm2, v25, v45;
	vm0 =	vmneg vm13;
	v10 =	vsel vm12, v12, v10  }
0x18b: {  	vm2 =	vnez.u8 v52;
	vm4 =	vmor vm4, vm0;
	v7 =	vsel vm6, v7, v10  }
0x18c: {  	v18 =	vld [tilespmem:$0x1FC10];
	v40 =	vnsel vm2, $0x0, v8;
	v1 =	vsel vm4, v6, v1;
	v7 =	vsel vm8, v21, v7  }
0x18d: {  	v12 =	vmul.f32 v36, v24;
	v6 =	vld [tilespmem:$0x1FBD0];
	vm13 =	vgt.f32 v4, v1;
	v48 =	vsel vm4, v7, v25  }
0x18e: {  	v1 =	vsel vm10, v47, v33;
	v7 =	vld [tilespmem:$0x1FBE0];
	vm11 =	vnez.u8 v11;
	vm13 =	vmand vm10, vm13  }
0x18f: {  	v51 =	vpop (erf);
	vm10 =	vmor vm2, vm15;
	vm15 =	vnez.u8 v5;
	v4 =	vsel vm13, v33, v48  }
0x190: {  	v33 =	vmul.f32 v51, v1;
	v1 =	vsel vm15, $0x3, v3;
	vm15 =	veq.s32 v9, $0x0  }
0x191: {  	v5 =	vld [tilespmem:$0xF0];
	v38 =	vsel vm10, $0x0, v8;
	v44 =	vnsel vm15, $0x0, v12;
	vm15 =	veq.s32 v9, $0x4  }
0x192: {  	v34 =	vmul.f32 v4, v51;
	v4 =	vld [tilespmem:$0x70];
	vm7 =	vnez.u8 v6;
	v53 =	vnsel vm15, $0x0, v12  }
0x193: {  	v15 =	vld [tilespmem:$0x1FC00];
	vm15 =	vnez.u8 v18;
	v41 =	vsel vm7, $0x0, v0;
	vm10 =	vnez.u8 v7  }
0x194: {  	v10 =	vadd.f32 v34, v33;
	v7 =	vld [tilespmem:$0x170];
	vm7 =	veq.s32 v9, $0x1;
	v45 =	vsel vm15, $0x0, v12  }
0x195: {  	v1 =	vsel vm10, $0x4, v1;
	vm10 =	veq.s32 v9, $0x2;
	v50 =	vnsel vm7, $0x0, v12  }
0x196: {  	v8 =	vld [tilespmem:$0x1F0];
	v35 =	vsel vm11, $0x5, v1;
	v13 =	vadd.f32 $9.999999710e-10, v10;
	vm11 =	veq.s32 v9, $0x3  }
0x197: {  	v24 =	vld [tilespmem:$0x2F0];
	v47 =	vnsel vm10, $0x0, v12;
	vm10 =	veq.s32 v9, $0x5;
	vm7 =	vgt.f32 v5, v4  }
0x198: {  	v10 =	vld [tilespmem:$0x270];
	v51 =	vnsel vm11, $0x0, v12;
	v52 =	vnsel vm10, $0x0, v12;
	v14 =	vsel vm7, v5, v4  }
0x199: {  	v11 =	vld [tilespmem:$0x370];
	vm11 =	vnez.u8 v15;
	v17 =	vmax.f32 v4, v5;
	vm2 =	vgt.f32 v7, v14  }
0x19a: {  	v15 =	vadd.f32 v31, v30;
	v30 =	vld [tilespmem:$0x1FC20];
	(erf) = vrcp.f32 v13;
	v6 =	vsel vm2, v7, v14  }
0x19b: {  	v48 =	vnsel vm11, $0x0, v12;
	v9 =	vmax.f32 v17, v7;
	v14 =	vld [tilespmem:$0x3F0];
	vm11 =	vgt.f32 v8, v6  }
0x19c: {  	[tilespmem:$0x1FFA0] =	vst v19;
	v20 =	vsel vm7, $0x1, v26;
	v9 =	vmax.f32 v9, v8;
	v19 =	vsel vm11, v8, v6  }
0x19d: {  	v13 =	vadd.f32 v29, v28;
	v9 =	vmax.f32 v9, v10;
	vm1 =	vgt.f32 v10, v19  }
0x19e: {  	v1 =	vsel vm2, $0x2, v20;
	v9 =	vmax.f32 v9, v24;
	v0 =	vsel vm1, v10, v19  }
0x19f: {  	v1 =	vsel vm11, $0x3, v1;
	v9 =	vmax.f32 v9, v11;
	vm14 =	vgt.f32 v24, v0  }
0x1a0: {  	v18 =	vadd.f32 v30, v32;
	v9 =	vmax.f32 v9, v14;
	v0 =	vsel vm14, v24, v0  }
0x1a1: {  	v28 =	vld [tilespmem:$0x1FCA0];
	v22 =	vsel vm1, $0x4, v1;
	v21 =	vsub.f32 v4, v9;
	vm10 =	vgt.f32 v11, v0  }
0x1a2: {  	v32 =	vld [tilespmem:$0x1FC30];
	v23 =	vsub.f32 v5, v9;
	v27 =	vsub.f32 v7, v9;
	v0 =	vsel vm10, v11, v0  }
0x1a3: {  	v30 =	vld [tilespmem:$0x1FCB0];
	v2 =	vmul.f32 $1.442695020e+00, v21;
	vm5 =	vgt.f32 v14, v0;
	v0 =	vsel vm14, $0x5, v22  }
0x1a4: {  	vm9 =	vlt.f32 v4, $-Inf;
	v25 =	vmul.f32 $1.442695020e+00, v23;
	v23 =	vld [tilespmem:$0x1FC60];
	v26 =	vsel vm10, $0x6, v0  }
0x1a5: {  	vm15 =	vmneg vm5;
	(erf) = vpow2.f32 v2;
	v0 =	vmul.f32 $1.442695020e+00, v27;
	v27 =	vld [tilespmem:$0x1FC90]  }
0x1a6: {  	vm12 =	vgt.f32 v4, $-Inf;
	v6 =	vnsel vm15, $0x7, v26;
	(erf) = vpow2.f32 v25;
	v25 =	vld [tilespmem:$0x1FC70]  }
0x1a7: {  	vm0 =	vmor vm12, vm9;
	v26 =	vld [tilespmem:$0x1FC80];
	vm9 =	vne.s32 v6, $0x0  }
0x1a8: {  	v22 =	vld [tilespmem:$0x1FC50];
	vm0 =	vmand vm0, vm9  }
0x1a9: {  	v31 =	vnsel vm0, $0xFF800000, v4;
	v4 =	vld [tilespmem:$0x1FC40]  }
0x1aa: {  	v20 =	vadd.f32 v28, v27;
	v27 =	vld [tilespmem:$0x1FD10]  }
0x1ab: {  	v12 =	vsub.f32 v8, v9;
	v28 =	vld [tilespmem:$0x1FD20]  }
0x1ac: {  	vm9 =	vne.s32 v6, $0x1;
	vm12 =	vgt.f32 v5, v31;
	v21 =	vadd.f32 v26, v25;
	v25 =	vld [tilespmem:$0x1FCF0]  }
0x1ad: {  	v29 =	vsub.f32 v10, v9;
	vm3 =	vmand vm9, vm12;
	v26 =	vld [tilespmem:$0x1FD00]  }
0x1ae: {  	v1 =	vmul.f32 $1.442695020e+00, v12;
	v5 =	vsel vm3, v5, v31;
	v31 =	vld [tilespmem:$0x1FCC0]  }
0x1af: {  	(erf) = vpow2.f32 v0;
	v0 =	vmul.f32 $1.442695020e+00, v29  }
0x1b0: {  	v29 =	vld [tilespmem:$0x1FD30];
	v17 =	vadd.f32 v4, v32;
	v32 =	vpop (erf);
	(erf) = vpow2.f32 v1  }
0x1b1: {  	v4 =	vpop (erf);
	(erf) = vpow2.f32 v0;
	v0 =	vld [tilespmem:$0x1FD90]  }
0x1b2: {  	v25 =	vadd.f32 v26, v25;
	v26 =	vadd.f32 v28, v27;
	v27 =	vld [tilespmem:$0x1FDA0]  }
0x1b3: {  	v19 =	vadd.f32 v23, v22;
	v22 =	vadd.f32 v31, v30;
	v30 =	vld [tilespmem:$0x1FD40]  }
0x1b4: {  	v3 =	vld [tilespmem:$0x1FD70]  }
0x1b5: {  	v12 =	vld [tilespmem:$0x1FCD0]  }
0x1b6: {  	v31 =	vld [tilespmem:$0x1FD50]  }
0x1b7: {  	v27 =	vadd.f32 v27, v0;
	v0 =	vld [tilespmem:$0x1FDB0]  }
0x1b8: {  	v28 =	vadd.f32 v30, v29;
	v29 =	vld [tilespmem:$0x1FDC0]  }
0x1b9: {  	v30 =	vld [tilespmem:$0x1FD60]  }
0x1ba: {  	v23 =	vld [tilespmem:$0x1FCE0]  }
0x1bb: {  	[tilespmem:$0x480] =	vst v15;
	v15 =	vld [tilespmem:$0x1FE20];
	vm9 =	vne.s32 v6, $0x2;
	vm12 =	vgt.f32 v7, v5  }
0x1bc: {  	v42 =	vsel vm6, $0x4, v42;
	[tilespmem:$0x400] =	vst v13;
	v13 =	vld [tilespmem:$0x1FDE0];
	vm6 =	vmand vm9, vm12;
	v1 =	vsub.f32 v24, v9  }
0x1bd: {  	v5 =	vsel vm6, v7, v5;
	v29 =	vadd.f32 v29, v0;
	v0 =	vld [tilespmem:$0x1FDD0]  }
0x1be: {  	v7 =	vsub.f32 v11, v9;
	v1 =	vmul.f32 $1.442695020e+00, v1;
	v30 =	vadd.f32 v30, v31;
	v31 =	vld [tilespmem:$0x1FD80]  }
0x1bf: {  	[tilespmem:$0x500] =	vst v18;
	v18 =	vld [tilespmem:$0x1FE30];
	v23 =	vadd.f32 v23, v12  }
0x1c0: {  	[tilespmem:$0x600] =	vst v19;
	v19 =	vld [tilespmem:$0x1FE40];
	v9 =	vsub.f32 v14, v9;
	v12 =	vpop (erf);
	(erf) = vpow2.f32 v1;
	v1 =	vmul.f32 $1.442695020e+00, v7  }
0x1c1: {  	[tilespmem:$0x580] =	vst v17;
	v17 =	vld [tilespmem:$0x1FE60]  }
0x1c2: {  	v9 =	vmul.f32 $1.442695020e+00, v9;
	v7 =	vadd.f32 v13, v0;
	v0 =	vld [tilespmem:$0x1FDF0]  }
0x1c3: {  	v31 =	vadd.f32 v31, v3;
	v3 =	vpop (erf);
	v13 =	vld [tilespmem:$0x1FE00];
	(erf) = vpow2.f32 v1  }
0x1c4: {  	vm9 =	vne.s32 v6, $0x3;
	vm12 =	vgt.f32 v8, v5;
	v1 =	vpop (erf);
	(erf) = vpow2.f32 v9;
	v9 =	vld [tilespmem:$0x1FE50]  }
0x1c5: {  	[tilespmem:$0x700] =	vst v20;
	v20 =	vld [tilespmem:$0x1FEC0];
	vm9 =	vmand vm9, vm12  }
0x1c6: {  	v5 =	vsel vm9, v8, v5;
	v8 =	vadd.f32 v19, v18;
	v19 =	vld [tilespmem:$0x1FEB0]  }
0x1c7: {  	[tilespmem:$0x680] =	vst v21;
	v21 =	vld [tilespmem:$0x1FE80]  }
0x1c8: {  	v13 =	vadd.f32 v13, v0;
	v0 =	vld [tilespmem:$0x1FE10]  }
0x1c9: {  	v9 =	vadd.f32 v17, v9;
	v17 =	vld [tilespmem:$0x1FE70]  }
0x1ca: {  	[tilespmem:$0x410] =	vst v23;
	v23 =	vsel vm8, $0x5, v42;
	v2 =	vsel vm7, v12, v4  }
0x1cb: {  	vm12 =	vne.s32 v6, $0x4;
	[tilespmem:$0x780] =	vst v22;
	v22 =	vld [tilespmem:$0x1FEA0];
	v19 =	vadd.f32 v20, v19;
	v2 =	vsel vm2, v3, v2  }
0x1cc: {  	v20 =	vmul.f32 v36, v37;
	v36 =	vld [tilespmem:$0x1FED0];
	v2 =	vsel vm11, v1, v2;
	vm11 =	vgt.f32 v10, v5  }
0x1cd: {  	v37 =	vld [tilespmem:$0x1FEE0];
	vm11 =	vmand vm12, vm11;
	v15 =	vadd.f32 v15, v0;
	v0 =	vadd.f32 v12, v4  }
0x1ce: {  	vm7 =	vne.s32 v6, $0x5;
	v5 =	vsel vm11, v10, v5;
	v17 =	vadd.f32 v21, v17;
	v21 =	vld [tilespmem:$0x1FE90]  }
0x1cf: {  	v10 =	vpop (erf);
	vm5 =	vgt.f32 v24, v5;
	v4 =	vnsel vm0, $0x0, v4;
	v0 =	vadd.f32 v0, v3  }
0x1d0: {  	v2 =	vsel vm1, v10, v2;
	vm12 =	vmand vm7, vm5;
	v4 =	vsel vm3, v12, v4  }
0x1d1: {  	vm5 =	vnez.u8 v36;
	v3 =	vsel vm6, v3, v4;
	v0 =	vadd.f32 v0, v1  }
0x1d2: {  	vm7 =	vnez.u8 v37;
	v5 =	vsel vm12, v24, v5;
	v1 =	vsel vm9, v1, v3  }
0x1d3: {  	[tilespmem:$0x510] =	vst v26;
	v18 =	vadd.f32 v22, v21;
	v0 =	vadd.f32 v0, v10;
	v21 =	vnsel vm5, $0x6, v35;
	v22 =	vpop (erf)  }
0x1d4: {  	v42 =	vld [tilespmem:$0x1FEF0];
	[tilespmem:$0x710] =	vst v27;
	v1 =	vsel vm11, v10, v1;
	v21 =	vsel vm7, $0x7, v21;
	v2 =	vsel vm14, v22, v2  }
0x1d5: {  	[tilespmem:$0x610] =	vst v30;
	v36 =	vld [tilespmem:$0x1FF40];
	v0 =	vadd.f32 v0, v22;
	vm1 =	veq.s32 v21, $0x0;
	vm8 =	veq.s32 v21, $0x1  }
0x1d6: {  	[tilespmem:$0x790] =	vst v29;
	v35 =	vld [tilespmem:$0x1FF30];
	v24 =	vpop (erf);
	vm14 =	veq.s32 v21, $0x2;
	v26 =	vnsel vm8, $0x0, v20;
	vm8 =	veq.s32 v21, $0x3  }
0x1d7: {  	[tilespmem:$0x690] =	vst v31;
	v31 =	vld [tilespmem:$0x1FF20];
	v30 =	vnsel vm14, $0x0, v20;
	vm14 =	veq.s32 v21, $0x4;
	v0 =	vadd.f32 v0, v24  }
0x1d8: {  	[tilespmem:$0x4A0] =	vst v13;
	v13 =	vld [tilespmem:$0x1FF00];
	v27 =	vnsel vm8, $0x0, v20;
	vm8 =	vgt.f32 v11, v5;
	v29 =	vnsel vm14, $0x0, v20  }
0x1d9: {  	[tilespmem:$0x490] =	vst v25;
	vm14 =	veq.s32 v21, $0x5;
	v21 =	vld [tilespmem:$0x1FF10];
	vm2 =	vmneg vm8;
	vm8 =	vmand vm10, vm15  }
0x1da: {  	[tilespmem:$0x590] =	vst v28;
	v37 =	vld [tilespmem:$0x1FF50];
	v10 =	vmul.f32 v32, v34;
	v28 =	vpop (erf);
	v2 =	vsel vm10, v24, v2;
	vm10 =	vmor vm8, vm2  }
0x1db: {  	[tilespmem:$0x5A0] =	vst v8;
	v0 =	vadd.f32 v0, v28;
	v5 =	vsel vm10, v5, v11;
	v11 =	vadd.f32 v36, v35;
	v35 =	vld [tilespmem:$0x1FF90]  }
0x1dc: {  	[tilespmem:$0x7A0] =	vst v19;
	vm5 =	vmor vm7, vm5;
	v1 =	vsel vm12, v22, v1;
	v2 =	vsel vm15, v2, v28;
	v36 =	vld [tilespmem:$0x1FFA0]  }
0x1dd: {  	[tilespmem:$0x420] =	vst v7;
	v30 =	vadd.f32 v30, v47;
	(erf) = vrcp.f32 v0;
	v0 =	vadd.f32 v13, v42;
	v42 =	vld [tilespmem:$0x1FF60]  }
0x1de: {  	[tilespmem:$0x620] =	vst v9;
	v7 =	vnsel vm14, $0x0, v20;
	vm14 =	vgt.f32 v14, v5;
	v5 =	vadd.f32 v31, v21;
	v21 =	vld [tilespmem:$0x1FF70]  }
0x1df: {  	[tilespmem:$0x520] =	vst v15;
	v7 =	vadd.f32 v7, v52;
	v1 =	vsel vm10, v1, v24;
	v31 =	vld [tilespmem:$0x1FF80];
	vm14 =	vmand vm15, vm14  }
0x1e0: {  	[tilespmem:$0x530] =	vst v11;
	v11 =	vnsel vm7, $0x0, v20;
	v1 =	vsel vm14, v28, v1;
	v28 =	vadd.f32 v26, v50  }
0x1e1: {  	[tilespmem:$0x430] =	vst v0;
	v0 =	vmul.f32 v32, v33;
	v32 =	vadd.f32 v27, v51;
	v11 =	vadd.f32 v11, v45  }
0x1e2: {  	[tilespmem:$0x4B0] =	vst v5;
	v5 =	vsel vm5, $0x0, v20;
	v9 =	vadd.f32 v36, v35;
	v36 =	vadd.f32 v56, v61  }
0x1e3: {  	[tilespmem:$0x6A0] =	vst v17;
	v25 =	vnsel vm1, $0x0, v20;
	v5 =	vadd.f32 v5, v48;
	v8 =	vadd.f32 v42, v37;
	v37 =	vld [tilespmem:$0x1FFB0]  }
0x1e4: {  	[tilespmem:$0x720] =	vst v18;
	vm7 =	veq.s32 v16, $0x0;
	v13 =	vadd.f32 v31, v21;
	v21 =	vadd.f32 v60, v62  }
0x1e5: {  	[tilespmem:$0x550] =	vst v30;
	v35 =	vnsel vm4, $0x6, v23;
	v60 =	vadd.f32 v57, v59;
	v62 =	vadd.f32 v54, v58  }
0x1e6: {  	v24 =	vld [tilespmem:$0x1FFE0];
	v31 =	vadd.f32 v43, v49;
	[tilespmem:$0x6B0] =	vst v9;
	v9 =	vnsel vm7, $0x0, v0;
	vm7 =	veq.s32 v16, $0x1  }
0x1e7: {  	v42 =	vld [tilespmem:$0x1FFC0];
	v43 =	vadd.f32 v38, v39;
	v38 =	vnsel vm13, $0x0, v10;
	[tilespmem:$0x5B0] =	vst v8;
	v8 =	vsel vm13, $0x7, v35  }
0x1e8: {  	[tilespmem:$0x6D0] =	vst v7;
	v19 =	vnsel vm7, $0x0, v0;
	vm7 =	veq.s32 v16, $0x2;
	v14 =	vadd.f32 v63, v37;
	v63 =	vld [tilespmem:$0x1FFD0]  }
0x1e9: {  	[tilespmem:$0x4D0] =	vst v28;
	vm5 =	veq.s32 v8, $0x0;
	v49 =	vnsel vm7, $0x0, v0;
	vm7 =	veq.s32 v16, $0x3;
	v34 =	vpop (erf)  }
0x1ea: {  	[tilespmem:$0x5D0] =	vst v32;
	v57 =	vnsel vm7, $0x0, v0;
	vm7 =	veq.s32 v16, $0x4;
	v2 =	vmul.f32 v34, v2  }
0x1eb: {  	[tilespmem:$0x7D0] =	vst v11;
	v1 =	vmul.f32 v1, v34;
	v59 =	vnsel vm7, $0x0, v0;
	vm7 =	veq.s32 v16, $0x5  }
0x1ec: {  	[tilespmem:$0x6C0] =	vst v36;
	v37 =	vnsel vm5, $0x0, v10;
	vm5 =	veq.s32 v8, $0x1;
	v61 =	vnsel vm7, $0x0, v0  }
0x1ed: {  	[tilespmem:$0x750] =	vst v5;
	vm7 =	vnez.u8 v24;
	v12 =	vadd.f32 v63, v42;
	v42 =	vadd.f32 v1, v2  }
0x1ee: {  	[tilespmem:$0x630] =	vst v13;
	v34 =	vadd.f32 v29, v53;
	v9 =	vadd.f32 v37, v9;
	v18 =	vnsel vm7, $0x0, v0  }
0x1ef: {  	[tilespmem:$0x440] =	vst v21;
	vm7 =	veq.s32 v6, $0x0;
	v63 =	vadd.f32 v46, v55;
	v54 =	vadd.f32 $9.999999710e-10, v42  }
0x1f0: {  	[tilespmem:$0x4C0] =	vst v60;
	v46 =	vnsel vm5, $0x0, v10;
	vm5 =	veq.s32 v8, $0x2;
	v55 =	vadd.f32 v40, v41  }
0x1f1: {  	[tilespmem:$0x540] =	vst v62;
	v56 =	vnsel vm5, $0x0, v10;
	vm5 =	veq.s32 v8, $0x3;
	(erf) = vrcp.f32 v54  }
0x1f2: {  	[tilespmem:$0x640] =	vst v31;
	v39 =	vadd.f32 v46, v19;
	v58 =	vnsel vm5, $0x0, v10;
	vm5 =	veq.s32 v8, $0x4  }
0x1f3: {  	v33 =	vld [tilespmem:$0x1FFF0];
	[tilespmem:$0x5C0] =	vst v63;
	v63 =	vadd.f32 v25, v44;
	v25 =	vimm.s32 $0x8;
	v41 =	vadd.f32 v56, v49  }
0x1f4: {  	[tilespmem:$0x740] =	vst v43;
	v60 =	vnsel vm5, $0x0, v10;
	vm5 =	veq.s32 v8, $0x5;
	v23 =	vsel vm0, $0x0, v25  }
0x1f5: {  	[tilespmem:$0x730] =	vst v14;
	v3 =	vadd.f32 v58, v57;
	v62 =	vnsel vm5, $0x0, v10;
	v23 =	vsel vm3, $0x1, v23  }
0x1f6: {  	[tilespmem:$0x650] =	vst v34;
	vm5 =	vmor vm13, vm4;
	v4 =	vadd.f32 v60, v59;
	v23 =	vsel vm6, $0x2, v23  }
0x1f7: {  	[tilespmem:$0x460] =	vst v9;
	vm13 =	veq.s32 v6, $0x2;
	v31 =	vsel vm5, $0x0, v10;
	v23 =	vsel vm9, $0x3, v23  }
0x1f8: {  	[tilespmem:$0x7B0] =	vst v12;
	vm6 =	vnez.u8 v33;
	v45 =	vadd.f32 v62, v61;
	v23 =	vsel vm11, $0x4, v23  }
0x1f9: {  	[tilespmem:$0x7C0] =	vst v55;
	vm5 =	veq.s32 v6, $0x3;
	v0 =	vsel vm6, $0x0, v0;
	v35 =	vsel vm12, $0x5, v23  }
0x1fa: {  	[tilespmem:$0x4E0] =	vst v39;
	v47 =	vadd.f32 v31, v18;
	vm11 =	veq.s32 v6, $0x1;
	v37 =	vnsel vm10, $0x6, v35;
	v36 =	vpop (erf)  }
0x1fb: {  	[tilespmem:$0x450] =	vst v63;
	v0 =	vadd.f32 v38, v0;
	v7 =	vsel vm14, $0x7, v37;
	v2 =	vmul.f32 v36, v2  }
0x1fc: {  	[tilespmem:$0x560] =	vst v41;
	vm9 =	veq.s32 v7, $0x0;
	vm12 =	veq.s32 v7, $0x1;
	v1 =	vmul.f32 v36, v1  }
0x1fd: {  	[tilespmem:$0x5E0] =	vst v3;
	vm4 =	veq.s32 v7, $0x2;
	vm6 =	veq.s32 v7, $0x3;
	v40 =	vnsel vm7, $0x0, v2  }
0x1fe: {  	[tilespmem:$0x660] =	vst v4;
	v42 =	vnsel vm9, $0x0, v1;
	v43 =	vnsel vm11, $0x0, v2;
	v44 =	vnsel vm12, $0x0, v1  }
0x1ff: {  	[tilespmem:$0x6E0] =	vst v45;
	v46 =	vnsel vm13, $0x0, v2;
	v48 =	vnsel vm4, $0x0, v1;
	v49 =	vnsel vm5, $0x0, v2  }
0x200: {  	[tilespmem:$0x760] =	vst v47;
	v51 =	vnsel vm6, $0x0, v1;
	vm7 =	veq.s32 v6, $0x4;
	v50 =	vadd.f32 v42, v40  }
0x201: {  	[tilespmem:$0x7E0] =	vst v0;
	vm9 =	veq.s32 v7, $0x4;
	vm11 =	veq.s32 v6, $0x5;
	v52 =	vadd.f32 v44, v43  }
0x202: {  	vm12 =	veq.s32 v7, $0x5;
	vm13 =	vmor vm14, vm10;
	v54 =	vadd.f32 v48, v46;
	[tilespmem:$0x470] =	vst v50  }
0x203: {  	v53 =	vnsel vm7, $0x0, v2;
	v55 =	vnsel vm9, $0x0, v1;
	v56 =	vadd.f32 v51, v49;
	[tilespmem:$0x4F0] =	vst v52  }
0x204: {  	v57 =	vnsel vm11, $0x0, v2;
	v59 =	vnsel vm12, $0x0, v1;
	v58 =	vadd.f32 v55, v53;
	[tilespmem:$0x570] =	vst v54  }
0x205: {  	v61 =	vnsel vm8, $0x0, v2;
	v62 =	vsel vm13, $0x0, v1;
	v60 =	vadd.f32 v59, v57;
	[tilespmem:$0x5F0] =	vst v56  }
0x206: {  	v2 =	vsel vm15, $0x0, v2;
	v1 =	vnsel vm14, $0x0, v1;
	v3 =	vadd.f32 v62, v61;
	[tilespmem:$0x670] =	vst v58  }
0x207: {  	v63 =	vadd.f32 v1, v2;
	[tilespmem:$0x6F0] =	vst v60  }
0x208: {  	p0 =	sne.s32 s5, $0x1;
	[tilespmem:$0x770] =	vst v3  }
.Ltmp0:
0x209: {  	[tilespmem:$0x7F0] =	vst v63;
	(pc) =	sbr.rel @p0 .LBB2_1-.Ltmp0, $4  }
0x20a: {  	[hbm4b:s4+s2] =	stream.linear.scatter [tilespmem:s7], [sflag:$0x1], $0x400, $0x38;
	[tilespmem:$0x800] =	vst v63  }
0x20b: {  	_ =	swait.ge [sflag:s6], $0x400  }
0x20c: {  	[sflag:s6] =	ssyncset.done $0x0  }
0x20d: {  	s5 =	sadd.s32 $0xFFFFFFFF, s5;
	[sflag:s6] =	ssyncadd.s32 $0xFFFFFC00  }
0x20e: {  	_ =	sfence.sel $0x180000  }
0x20f: {  	[bflag:$0x0] =	sbarrier.arrive $0xFFFF  }
0x210: {  	p0 =	sne.s32 s1, $0x0;
	_ =	strace $0x90000047  }
0x211: {  	s0 =	sadd.s32 @!p0 $0x100000, s0;
	[bflag:$0x2] =	sbarrier.arrive $0xFFFF  }
0x212: {  	[sflag:s0] =	ssyncadd.tile.s32 @!p0 $0x1;
	_ =	shalt  }
.Lfunc_end2:
_tile_overlayer_lowered:
.L_overlay_start_2:
0x213: {  	(tag) =	ssettag $0x2  }
0x214: {  	s0 =	rddreg [dreg:$0x0];
	s2 =	stileid.u32  }
0x215: {  	s1 =	rddreg [dreg:$0x1];
	p0 =	sne.s32 s2, $0x0  }
0x216: {  	s3 =	rddreg [dreg:$0x2];
	[bflag:$0x3] =	sbarrier.arrive $0xFFFF;
	s2 =	simm.s32 @!p0 $0x1C01  }
0x217: {  	[timem:s3], [sflag:s2] =	dma.local @!p0 [hbm:s0], s1  }
0x218: {  	s0 =	simm.s32 @!p0 $0x1  }
0x219: {  	_ =	swait.ge @!p0 [sflag:s0], s1  }
0x21a: {  	s1 =	ssub.s32 @!p0 $0x0, s1;
	[sflag:s0] =	ssyncset.done @!p0 $0x0  }
0x21b: {  	[sflag:s0] =	ssyncadd.s32 @!p0 s1  }
0x21c: {  	[bflag:$0x3] =	sbarrier.arrive $0xFFFF  }
0x21d: {  	_ =	shalt  }

</sc_bundles>
